<compile_context>
chip_gen: v7x
topology: tpu7x:2x2x1
jax: 0.10.2.dev20260603
libtpu: 0.0.44.dev20260713+nightly
codegen_flags: <defaults>
</compile_context>

<pallas_src>
import functools

import jax
import jax.numpy as jnp
from jax import lax
from jax.experimental import pallas as pl
from jax.experimental.pallas import tpu as pltpu
from jax.experimental.pallas import tpu_sc as plsc

_NC = 2
_NS = 16
_NW = _NC * _NS

_IB = 128
_PW = 128
_L = 16
_NBUF = 5


@functools.lru_cache(maxsize=None)
def _build(hist, batch, vocab, d):
  mesh = plsc.VectorSubcoreMesh(
      core_axis_name="c", subcore_axis_name="s",
      num_cores=_NC, num_subcores=_NS)

  @functools.partial(
      pl.kernel,
      out_type=jax.ShapeDtypeStruct((hist, d, batch), jnp.float32),
      mesh=mesh,
      scratch_types=[
          pltpu.VMEM((hist, _IB), jnp.int32),
          pltpu.VMEM((_NBUF, _IB, _PW), jnp.float32),
          pltpu.VMEM((2, d, _IB), jnp.float32),
          pltpu.SemaphoreType.DMA,
          pltpu.SemaphoreType.DMA,
      ],
      compiler_params=pltpu.CompilerParams(needs_layout_passes=False),
  )
  def lookup(idx_hbm, table_hbm, out_hbm, idx_v, rows_v, outt_v, gsem, osem):
    wid = lax.axis_index("s") * _NC + lax.axis_index("c")
    b0 = wid * _IB

    pltpu.sync_copy(idx_hbm.at[:, pl.ds(b0, _IB)], idx_v)

    def fire(h, j):
      pltpu.make_async_copy(
          table_hbm.at[idx_v.at[h]], rows_v.at[j], gsem).start()

    def store_desc(h, j):
      return pltpu.make_async_copy(
          outt_v.at[j % 2], out_hbm.at[h, :, pl.ds(b0, _IB)], osem)

    lanes = lax.iota(jnp.int32, _L)
    rot = [(lanes + dd) % _L for dd in range(_L)]

    for j in range(_NBUF - 1):
      fire(j, j)

    def body(h, carry):
      sr = lax.rem(h, _NBUF)
      so = lax.rem(h, 2)
      pltpu.make_async_copy(
          table_hbm.at[idx_v.at[h]], rows_v.at[sr], gsem).wait()

      @pl.when(h + _NBUF - 1 < hist)
      def _():
        fire(h + _NBUF - 1, lax.rem(h + _NBUF - 1, _NBUF))

      rows2 = rows_v.at[sr]
      outt2 = outt_v.at[so]

      @pl.when(h >= 2)
      def _():
        store_desc(h, so).wait()

      @plsc.parallel_loop(0, _IB, step=_L)
      def _(bb):
        bvec = jnp.full((_L,), bb, jnp.int32) + lanes
        for c0 in range(0, d, _L):
          for dd in range(_L):
            cvec = rot[dd] + c0
            v = plsc.load_gather(rows2, [bvec, cvec])
            plsc.store_scatter(outt2, [cvec, bvec], v)

      store_desc(h, so).start()
      return carry

    lax.fori_loop(0, hist, body, 0)
    store_desc(0, 0).wait()
    store_desc(0, 1).wait()

  return lookup


def kernel(inputs, embeddings):
  b, h = inputs.shape
  vocab, d = embeddings.shape
  idx_t = jnp.transpose(inputs.astype(jnp.int32))
  tpad = jnp.pad(embeddings, ((0, 0), (0, _PW - d)))
  out = _build(h, b, vocab, d)(idx_t, tpad)
  return jnp.transpose(out, (2, 0, 1))

# --- scband reference (transcript-rebuilt; emitter-appended) ---
"""Pipeline reference for scband-embedding-lookup-25795573579995 (READ-ONLY COPY).

The authoritative reference and input builder live on the scoring server;
editing this copy changes nothing except your own understanding.
"""

import jax, jax.numpy as jnp
import numpy as np

VOCAB = 1000000
EMBED = 64
BATCH = 4096
HIST = 200

def setup_inputs(seed: int = 0) -> dict:
    key = jax.random.key(seed)
    k_idx, k_emb = jax.random.split(key)
    inputs = jax.random.randint(k_idx, (BATCH, HIST), 0, VOCAB, dtype=jnp.int64 if jax.config.jax_enable_x64 else jnp.int32)
    embeddings = jax.random.truncated_normal(k_emb, -2.0, 2.0, (VOCAB, EMBED), dtype=jnp.float32) * 0.02
    return {"inputs": inputs, "embeddings": embeddings}

def reference(inputs, embeddings):
    input_shape = inputs.shape
    flat_input = jnp.reshape(inputs, (-1,))
    output = jnp.take(embeddings, flat_input, axis=0)
    output = jnp.reshape(output, input_shape + (embeddings.shape[1],))
    return output

if __name__ == "__main__":
    import jax
    _d = setup_inputs()
    print(jax.jit(kernel)(*tuple(_d.values())))

</pallas_src>

<mosaic_0001>
#map = affine_map<(d0, d1) -> (0, 0)>
#map1 = affine_map<(d0, d1) -> (0, 0, 0)>
module attributes {stable_mosaic.version = 14 : i64} {
  func.func @lookup(%arg0: i32, %arg1: i32, %arg2: memref<200x4096xi32, #tpu.memory_space<hbm>>, %arg3: memref<1000000x128xf32, #tpu.memory_space<hbm>>, %arg4: memref<200x64x4096xf32, #tpu.memory_space<hbm>>, %arg5: memref<200x128xi32, #tpu.memory_space<vmem>>, %arg6: memref<5x128x128xf32, #tpu.memory_space<vmem>>, %arg7: memref<2x64x128xf32, #tpu.memory_space<vmem>>, %arg8: memref<!tpu.dma_semaphore, #tpu.memory_space<semaphore_mem>>, %arg9: memref<!tpu.dma_semaphore, #tpu.memory_space<semaphore_mem>>) attributes {dimension_semantics = [#tpu.dimension_semantics<core_parallel>, #tpu.dimension_semantics<subcore_parallel>], iteration_bounds = array<i64: 2, 16>, scalar_prefetch = 0 : i64, scratch_operands = 5 : i64, tpu.core_type = #tpu.core_type<sc_vector_subcore>, window_params = [{transform_indices = #map}, {transform_indices = #map}, {transform_indices = #map1}]} {
    %mul3A = arith.constant 2 : i32
    %mul3A_0 = arith.muli %arg1, %mul3A : i32
    %add3A = arith.addi %mul3A_0, %arg0 : i32
    %mul3A_1 = arith.constant 128 : i32
    %mul3A_2 = arith.muli %add3A, %mul3A_1 : i32
    "tpu.region"() ({
      %run_scoped3A = tpu.sem_alloc : memref<!tpu.dma_semaphore, #tpu.memory_space<semaphore_mem>>
      %dma_start3A_479 = arith.constant 0 : i32
      %dma_start3A_480 = tpu.memref_slice %arg2[%dma_start3A_479, %mul3A_2] : memref<200x4096xi32, #tpu.memory_space<hbm>> -> memref<200x128xi32, #tpu.memory_space<hbm>>
      %dma_start3A_481 = arith.constant 0 : i32
      %dma_start3A_482 = tpu.memref_slice %arg2[%dma_start3A_481, %mul3A_2] : memref<200x4096xi32, #tpu.memory_space<hbm>> -> memref<200x128xi32, #tpu.memory_space<hbm>>
      tpu.enqueue_dma source(%dma_start3A_482 : memref<200x128xi32, #tpu.memory_space<hbm>>) target(%arg5 : memref<200x128xi32, #tpu.memory_space<vmem>>) target_semaphore(%run_scoped3A : memref<!tpu.dma_semaphore, #tpu.memory_space<semaphore_mem>>)
      %dma_wait3A_483 = arith.constant 0 : i32
      %dma_wait3A_484 = tpu.memref_slice %arg2[%dma_wait3A_483, %mul3A_2] : memref<200x4096xi32, #tpu.memory_space<hbm>> -> memref<200x128xi32, #tpu.memory_space<hbm>>
      %dma_wait3A_485 = arith.constant 0 : i32
      %dma_wait3A_486 = tpu.memref_slice %arg2[%dma_wait3A_485, %mul3A_2] : memref<200x4096xi32, #tpu.memory_space<hbm>> -> memref<200x128xi32, #tpu.memory_space<hbm>>
      tpu.wait_dma2 semaphore(%run_scoped3A : memref<!tpu.dma_semaphore, #tpu.memory_space<semaphore_mem>>) src(%dma_wait3A_486 : memref<200x128xi32, #tpu.memory_space<hbm>>) dst(%arg5 : memref<200x128xi32, #tpu.memory_space<vmem>>)
      tpu.yield
    }) : () -> ()
    %iota3A = tpu.iota {dimensions = array<i32: 0>} : vector<16xi32>
    %add3A_3 = arith.constant 0 : i32
    %add3A_4 = vector.broadcast %add3A_3 : i32 to vector<16xi32>
    %add3A_5 = arith.addi %iota3A, %add3A_4 : vector<16xi32>
    %jit3A = arith.constant 16 : i32
    %eq3A = arith.constant 0 : i32
    %eq3A_6 = arith.cmpi eq, %jit3A, %eq3A : i32
    %jit3A_7 = arith.constant 1 : i32
    %select_n3A = arith.select %eq3A_6, %jit3A_7, %jit3A : i32
    %rem3A = vector.broadcast %select_n3A : i32 to vector<16xi32>
    %rem3A_8 = arith.remsi %add3A_5, %rem3A : vector<16xi32>
    %ne3A = arith.constant 0 : i32
    %ne3A_9 = vector.broadcast %ne3A : i32 to vector<16xi32>
    %ne3A_10 = arith.cmpi ne, %rem3A_8, %ne3A_9 : vector<16xi32>
    %lt3A = arith.constant 0 : i32
    %lt3A_11 = vector.broadcast %lt3A : i32 to vector<16xi32>
    %lt3A_12 = arith.cmpi slt, %rem3A_8, %lt3A_11 : vector<16xi32>
    %lt3A_13 = arith.constant 0 : i32
    %lt3A_14 = arith.cmpi slt, %select_n3A, %lt3A_13 : i32
    %ne3A_15 = vector.broadcast %lt3A_14 : i1 to vector<16xi1>
    %ne3A_16 = vector.broadcast %ne3A_15 : vector<16xi1> to vector<16xi1>
    %ne3A_17 = arith.xori %lt3A_12, %ne3A_16 : vector<16xi1>
    %and3A = arith.andi %ne3A_17, %ne3A_10 : vector<16xi1>
    %add3A_18 = vector.broadcast %select_n3A : i32 to vector<16xi32>
    %add3A_19 = arith.addi %rem3A_8, %add3A_18 : vector<16xi32>
    %select_n3A_20 = arith.select %and3A, %add3A_19, %rem3A_8 : vector<16xi1>, vector<16xi32>
    %add3A_21 = arith.constant 1 : i32
    %add3A_22 = vector.broadcast %add3A_21 : i32 to vector<16xi32>
    %add3A_23 = arith.addi %iota3A, %add3A_22 : vector<16xi32>
    %jit3A_24 = arith.constant 16 : i32
    %eq3A_25 = arith.constant 0 : i32
    %eq3A_26 = arith.cmpi eq, %jit3A_24, %eq3A_25 : i32
    %jit3A_27 = arith.constant 1 : i32
    %select_n3A_28 = arith.select %eq3A_26, %jit3A_27, %jit3A_24 : i32
    %rem3A_29 = vector.broadcast %select_n3A_28 : i32 to vector<16xi32>
    %rem3A_30 = arith.remsi %add3A_23, %rem3A_29 : vector<16xi32>
    %ne3A_31 = arith.constant 0 : i32
    %ne3A_32 = vector.broadcast %ne3A_31 : i32 to vector<16xi32>
    %ne3A_33 = arith.cmpi ne, %rem3A_30, %ne3A_32 : vector<16xi32>
    %lt3A_34 = arith.constant 0 : i32
    %lt3A_35 = vector.broadcast %lt3A_34 : i32 to vector<16xi32>
    %lt3A_36 = arith.cmpi slt, %rem3A_30, %lt3A_35 : vector<16xi32>
    %lt3A_37 = arith.constant 0 : i32
    %lt3A_38 = arith.cmpi slt, %select_n3A_28, %lt3A_37 : i32
    %ne3A_39 = vector.broadcast %lt3A_38 : i1 to vector<16xi1>
    %ne3A_40 = vector.broadcast %ne3A_39 : vector<16xi1> to vector<16xi1>
    %ne3A_41 = arith.xori %lt3A_36, %ne3A_40 : vector<16xi1>
    %and3A_42 = arith.andi %ne3A_41, %ne3A_33 : vector<16xi1>
    %add3A_43 = vector.broadcast %select_n3A_28 : i32 to vector<16xi32>
    %add3A_44 = arith.addi %rem3A_30, %add3A_43 : vector<16xi32>
    %select_n3A_45 = arith.select %and3A_42, %add3A_44, %rem3A_30 : vector<16xi1>, vector<16xi32>
    %add3A_46 = arith.constant 2 : i32
    %add3A_47 = vector.broadcast %add3A_46 : i32 to vector<16xi32>
    %add3A_48 = arith.addi %iota3A, %add3A_47 : vector<16xi32>
    %jit3A_49 = arith.constant 16 : i32
    %eq3A_50 = arith.constant 0 : i32
    %eq3A_51 = arith.cmpi eq, %jit3A_49, %eq3A_50 : i32
    %jit3A_52 = arith.constant 1 : i32
    %select_n3A_53 = arith.select %eq3A_51, %jit3A_52, %jit3A_49 : i32
    %rem3A_54 = vector.broadcast %select_n3A_53 : i32 to vector<16xi32>
    %rem3A_55 = arith.remsi %add3A_48, %rem3A_54 : vector<16xi32>
    %ne3A_56 = arith.constant 0 : i32
    %ne3A_57 = vector.broadcast %ne3A_56 : i32 to vector<16xi32>
    %ne3A_58 = arith.cmpi ne, %rem3A_55, %ne3A_57 : vector<16xi32>
    %lt3A_59 = arith.constant 0 : i32
    %lt3A_60 = vector.broadcast %lt3A_59 : i32 to vector<16xi32>
    %lt3A_61 = arith.cmpi slt, %rem3A_55, %lt3A_60 : vector<16xi32>
    %lt3A_62 = arith.constant 0 : i32
    %lt3A_63 = arith.cmpi slt, %select_n3A_53, %lt3A_62 : i32
    %ne3A_64 = vector.broadcast %lt3A_63 : i1 to vector<16xi1>
    %ne3A_65 = vector.broadcast %ne3A_64 : vector<16xi1> to vector<16xi1>
    %ne3A_66 = arith.xori %lt3A_61, %ne3A_65 : vector<16xi1>
    %and3A_67 = arith.andi %ne3A_66, %ne3A_58 : vector<16xi1>
    %add3A_68 = vector.broadcast %select_n3A_53 : i32 to vector<16xi32>
    %add3A_69 = arith.addi %rem3A_55, %add3A_68 : vector<16xi32>
    %select_n3A_70 = arith.select %and3A_67, %add3A_69, %rem3A_55 : vector<16xi1>, vector<16xi32>
    %add3A_71 = arith.constant 3 : i32
    %add3A_72 = vector.broadcast %add3A_71 : i32 to vector<16xi32>
    %add3A_73 = arith.addi %iota3A, %add3A_72 : vector<16xi32>
    %jit3A_74 = arith.constant 16 : i32
    %eq3A_75 = arith.constant 0 : i32
    %eq3A_76 = arith.cmpi eq, %jit3A_74, %eq3A_75 : i32
    %jit3A_77 = arith.constant 1 : i32
    %select_n3A_78 = arith.select %eq3A_76, %jit3A_77, %jit3A_74 : i32
    %rem3A_79 = vector.broadcast %select_n3A_78 : i32 to vector<16xi32>
    %rem3A_80 = arith.remsi %add3A_73, %rem3A_79 : vector<16xi32>
    %ne3A_81 = arith.constant 0 : i32
    %ne3A_82 = vector.broadcast %ne3A_81 : i32 to vector<16xi32>
    %ne3A_83 = arith.cmpi ne, %rem3A_80, %ne3A_82 : vector<16xi32>
    %lt3A_84 = arith.constant 0 : i32
    %lt3A_85 = vector.broadcast %lt3A_84 : i32 to vector<16xi32>
    %lt3A_86 = arith.cmpi slt, %rem3A_80, %lt3A_85 : vector<16xi32>
    %lt3A_87 = arith.constant 0 : i32
    %lt3A_88 = arith.cmpi slt, %select_n3A_78, %lt3A_87 : i32
    %ne3A_89 = vector.broadcast %lt3A_88 : i1 to vector<16xi1>
    %ne3A_90 = vector.broadcast %ne3A_89 : vector<16xi1> to vector<16xi1>
    %ne3A_91 = arith.xori %lt3A_86, %ne3A_90 : vector<16xi1>
    %and3A_92 = arith.andi %ne3A_91, %ne3A_83 : vector<16xi1>
    %add3A_93 = vector.broadcast %select_n3A_78 : i32 to vector<16xi32>
    %add3A_94 = arith.addi %rem3A_80, %add3A_93 : vector<16xi32>
    %select_n3A_95 = arith.select %and3A_92, %add3A_94, %rem3A_80 : vector<16xi1>, vector<16xi32>
    %add3A_96 = arith.constant 4 : i32
    %add3A_97 = vector.broadcast %add3A_96 : i32 to vector<16xi32>
    %add3A_98 = arith.addi %iota3A, %add3A_97 : vector<16xi32>
    %jit3A_99 = arith.constant 16 : i32
    %eq3A_100 = arith.constant 0 : i32
    %eq3A_101 = arith.cmpi eq, %jit3A_99, %eq3A_100 : i32
    %jit3A_102 = arith.constant 1 : i32
    %select_n3A_103 = arith.select %eq3A_101, %jit3A_102, %jit3A_99 : i32
    %rem3A_104 = vector.broadcast %select_n3A_103 : i32 to vector<16xi32>
    %rem3A_105 = arith.remsi %add3A_98, %rem3A_104 : vector<16xi32>
    %ne3A_106 = arith.constant 0 : i32
    %ne3A_107 = vector.broadcast %ne3A_106 : i32 to vector<16xi32>
    %ne3A_108 = arith.cmpi ne, %rem3A_105, %ne3A_107 : vector<16xi32>
    %lt3A_109 = arith.constant 0 : i32
    %lt3A_110 = vector.broadcast %lt3A_109 : i32 to vector<16xi32>
    %lt3A_111 = arith.cmpi slt, %rem3A_105, %lt3A_110 : vector<16xi32>
    %lt3A_112 = arith.constant 0 : i32
    %lt3A_113 = arith.cmpi slt, %select_n3A_103, %lt3A_112 : i32
    %ne3A_114 = vector.broadcast %lt3A_113 : i1 to vector<16xi1>
    %ne3A_115 = vector.broadcast %ne3A_114 : vector<16xi1> to vector<16xi1>
    %ne3A_116 = arith.xori %lt3A_111, %ne3A_115 : vector<16xi1>
    %and3A_117 = arith.andi %ne3A_116, %ne3A_108 : vector<16xi1>
    %add3A_118 = vector.broadcast %select_n3A_103 : i32 to vector<16xi32>
    %add3A_119 = arith.addi %rem3A_105, %add3A_118 : vector<16xi32>
    %select_n3A_120 = arith.select %and3A_117, %add3A_119, %rem3A_105 : vector<16xi1>, vector<16xi32>
    %add3A_121 = arith.constant 5 : i32
    %add3A_122 = vector.broadcast %add3A_121 : i32 to vector<16xi32>
    %add3A_123 = arith.addi %iota3A, %add3A_122 : vector<16xi32>
    %jit3A_124 = arith.constant 16 : i32
    %eq3A_125 = arith.constant 0 : i32
    %eq3A_126 = arith.cmpi eq, %jit3A_124, %eq3A_125 : i32
    %jit3A_127 = arith.constant 1 : i32
    %select_n3A_128 = arith.select %eq3A_126, %jit3A_127, %jit3A_124 : i32
    %rem3A_129 = vector.broadcast %select_n3A_128 : i32 to vector<16xi32>
    %rem3A_130 = arith.remsi %add3A_123, %rem3A_129 : vector<16xi32>
    %ne3A_131 = arith.constant 0 : i32
    %ne3A_132 = vector.broadcast %ne3A_131 : i32 to vector<16xi32>
    %ne3A_133 = arith.cmpi ne, %rem3A_130, %ne3A_132 : vector<16xi32>
    %lt3A_134 = arith.constant 0 : i32
    %lt3A_135 = vector.broadcast %lt3A_134 : i32 to vector<16xi32>
    %lt3A_136 = arith.cmpi slt, %rem3A_130, %lt3A_135 : vector<16xi32>
    %lt3A_137 = arith.constant 0 : i32
    %lt3A_138 = arith.cmpi slt, %select_n3A_128, %lt3A_137 : i32
    %ne3A_139 = vector.broadcast %lt3A_138 : i1 to vector<16xi1>
    %ne3A_140 = vector.broadcast %ne3A_139 : vector<16xi1> to vector<16xi1>
    %ne3A_141 = arith.xori %lt3A_136, %ne3A_140 : vector<16xi1>
    %and3A_142 = arith.andi %ne3A_141, %ne3A_133 : vector<16xi1>
    %add3A_143 = vector.broadcast %select_n3A_128 : i32 to vector<16xi32>
    %add3A_144 = arith.addi %rem3A_130, %add3A_143 : vector<16xi32>
    %select_n3A_145 = arith.select %and3A_142, %add3A_144, %rem3A_130 : vector<16xi1>, vector<16xi32>
    %add3A_146 = arith.constant 6 : i32
    %add3A_147 = vector.broadcast %add3A_146 : i32 to vector<16xi32>
    %add3A_148 = arith.addi %iota3A, %add3A_147 : vector<16xi32>
    %jit3A_149 = arith.constant 16 : i32
    %eq3A_150 = arith.constant 0 : i32
    %eq3A_151 = arith.cmpi eq, %jit3A_149, %eq3A_150 : i32
    %jit3A_152 = arith.constant 1 : i32
    %select_n3A_153 = arith.select %eq3A_151, %jit3A_152, %jit3A_149 : i32
    %rem3A_154 = vector.broadcast %select_n3A_153 : i32 to vector<16xi32>
    %rem3A_155 = arith.remsi %add3A_148, %rem3A_154 : vector<16xi32>
    %ne3A_156 = arith.constant 0 : i32
    %ne3A_157 = vector.broadcast %ne3A_156 : i32 to vector<16xi32>
    %ne3A_158 = arith.cmpi ne, %rem3A_155, %ne3A_157 : vector<16xi32>
    %lt3A_159 = arith.constant 0 : i32
    %lt3A_160 = vector.broadcast %lt3A_159 : i32 to vector<16xi32>
    %lt3A_161 = arith.cmpi slt, %rem3A_155, %lt3A_160 : vector<16xi32>
    %lt3A_162 = arith.constant 0 : i32
    %lt3A_163 = arith.cmpi slt, %select_n3A_153, %lt3A_162 : i32
    %ne3A_164 = vector.broadcast %lt3A_163 : i1 to vector<16xi1>
    %ne3A_165 = vector.broadcast %ne3A_164 : vector<16xi1> to vector<16xi1>
    %ne3A_166 = arith.xori %lt3A_161, %ne3A_165 : vector<16xi1>
    %and3A_167 = arith.andi %ne3A_166, %ne3A_158 : vector<16xi1>
    %add3A_168 = vector.broadcast %select_n3A_153 : i32 to vector<16xi32>
    %add3A_169 = arith.addi %rem3A_155, %add3A_168 : vector<16xi32>
    %select_n3A_170 = arith.select %and3A_167, %add3A_169, %rem3A_155 : vector<16xi1>, vector<16xi32>
    %add3A_171 = arith.constant 7 : i32
    %add3A_172 = vector.broadcast %add3A_171 : i32 to vector<16xi32>
    %add3A_173 = arith.addi %iota3A, %add3A_172 : vector<16xi32>
    %jit3A_174 = arith.constant 16 : i32
    %eq3A_175 = arith.constant 0 : i32
    %eq3A_176 = arith.cmpi eq, %jit3A_174, %eq3A_175 : i32
    %jit3A_177 = arith.constant 1 : i32
    %select_n3A_178 = arith.select %eq3A_176, %jit3A_177, %jit3A_174 : i32
    %rem3A_179 = vector.broadcast %select_n3A_178 : i32 to vector<16xi32>
    %rem3A_180 = arith.remsi %add3A_173, %rem3A_179 : vector<16xi32>
    %ne3A_181 = arith.constant 0 : i32
    %ne3A_182 = vector.broadcast %ne3A_181 : i32 to vector<16xi32>
    %ne3A_183 = arith.cmpi ne, %rem3A_180, %ne3A_182 : vector<16xi32>
    %lt3A_184 = arith.constant 0 : i32
    %lt3A_185 = vector.broadcast %lt3A_184 : i32 to vector<16xi32>
    %lt3A_186 = arith.cmpi slt, %rem3A_180, %lt3A_185 : vector<16xi32>
    %lt3A_187 = arith.constant 0 : i32
    %lt3A_188 = arith.cmpi slt, %select_n3A_178, %lt3A_187 : i32
    %ne3A_189 = vector.broadcast %lt3A_188 : i1 to vector<16xi1>
    %ne3A_190 = vector.broadcast %ne3A_189 : vector<16xi1> to vector<16xi1>
    %ne3A_191 = arith.xori %lt3A_186, %ne3A_190 : vector<16xi1>
    %and3A_192 = arith.andi %ne3A_191, %ne3A_183 : vector<16xi1>
    %add3A_193 = vector.broadcast %select_n3A_178 : i32 to vector<16xi32>
    %add3A_194 = arith.addi %rem3A_180, %add3A_193 : vector<16xi32>
    %select_n3A_195 = arith.select %and3A_192, %add3A_194, %rem3A_180 : vector<16xi1>, vector<16xi32>
    %add3A_196 = arith.constant 8 : i32
    %add3A_197 = vector.broadcast %add3A_196 : i32 to vector<16xi32>
    %add3A_198 = arith.addi %iota3A, %add3A_197 : vector<16xi32>
    %jit3A_199 = arith.constant 16 : i32
    %eq3A_200 = arith.constant 0 : i32
    %eq3A_201 = arith.cmpi eq, %jit3A_199, %eq3A_200 : i32
    %jit3A_202 = arith.constant 1 : i32
    %select_n3A_203 = arith.select %eq3A_201, %jit3A_202, %jit3A_199 : i32
    %rem3A_204 = vector.broadcast %select_n3A_203 : i32 to vector<16xi32>
    %rem3A_205 = arith.remsi %add3A_198, %rem3A_204 : vector<16xi32>
    %ne3A_206 = arith.constant 0 : i32
    %ne3A_207 = vector.broadcast %ne3A_206 : i32 to vector<16xi32>
    %ne3A_208 = arith.cmpi ne, %rem3A_205, %ne3A_207 : vector<16xi32>
    %lt3A_209 = arith.constant 0 : i32
    %lt3A_210 = vector.broadcast %lt3A_209 : i32 to vector<16xi32>
    %lt3A_211 = arith.cmpi slt, %rem3A_205, %lt3A_210 : vector<16xi32>
    %lt3A_212 = arith.constant 0 : i32
    %lt3A_213 = arith.cmpi slt, %select_n3A_203, %lt3A_212 : i32
    %ne3A_214 = vector.broadcast %lt3A_213 : i1 to vector<16xi1>
    %ne3A_215 = vector.broadcast %ne3A_214 : vector<16xi1> to vector<16xi1>
    %ne3A_216 = arith.xori %lt3A_211, %ne3A_215 : vector<16xi1>
    %and3A_217 = arith.andi %ne3A_216, %ne3A_208 : vector<16xi1>
    %add3A_218 = vector.broadcast %select_n3A_203 : i32 to vector<16xi32>
    %add3A_219 = arith.addi %rem3A_205, %add3A_218 : vector<16xi32>
    %select_n3A_220 = arith.select %and3A_217, %add3A_219, %rem3A_205 : vector<16xi1>, vector<16xi32>
    %add3A_221 = arith.constant 9 : i32
    %add3A_222 = vector.broadcast %add3A_221 : i32 to vector<16xi32>
    %add3A_223 = arith.addi %iota3A, %add3A_222 : vector<16xi32>
    %jit3A_224 = arith.constant 16 : i32
    %eq3A_225 = arith.constant 0 : i32
    %eq3A_226 = arith.cmpi eq, %jit3A_224, %eq3A_225 : i32
    %jit3A_227 = arith.constant 1 : i32
    %select_n3A_228 = arith.select %eq3A_226, %jit3A_227, %jit3A_224 : i32
    %rem3A_229 = vector.broadcast %select_n3A_228 : i32 to vector<16xi32>
    %rem3A_230 = arith.remsi %add3A_223, %rem3A_229 : vector<16xi32>
    %ne3A_231 = arith.constant 0 : i32
    %ne3A_232 = vector.broadcast %ne3A_231 : i32 to vector<16xi32>
    %ne3A_233 = arith.cmpi ne, %rem3A_230, %ne3A_232 : vector<16xi32>
    %lt3A_234 = arith.constant 0 : i32
    %lt3A_235 = vector.broadcast %lt3A_234 : i32 to vector<16xi32>
    %lt3A_236 = arith.cmpi slt, %rem3A_230, %lt3A_235 : vector<16xi32>
    %lt3A_237 = arith.constant 0 : i32
    %lt3A_238 = arith.cmpi slt, %select_n3A_228, %lt3A_237 : i32
    %ne3A_239 = vector.broadcast %lt3A_238 : i1 to vector<16xi1>
    %ne3A_240 = vector.broadcast %ne3A_239 : vector<16xi1> to vector<16xi1>
    %ne3A_241 = arith.xori %lt3A_236, %ne3A_240 : vector<16xi1>
    %and3A_242 = arith.andi %ne3A_241, %ne3A_233 : vector<16xi1>
    %add3A_243 = vector.broadcast %select_n3A_228 : i32 to vector<16xi32>
    %add3A_244 = arith.addi %rem3A_230, %add3A_243 : vector<16xi32>
    %select_n3A_245 = arith.select %and3A_242, %add3A_244, %rem3A_230 : vector<16xi1>, vector<16xi32>
    %add3A_246 = arith.constant 10 : i32
    %add3A_247 = vector.broadcast %add3A_246 : i32 to vector<16xi32>
    %add3A_248 = arith.addi %iota3A, %add3A_247 : vector<16xi32>
    %jit3A_249 = arith.constant 16 : i32
    %eq3A_250 = arith.constant 0 : i32
    %eq3A_251 = arith.cmpi eq, %jit3A_249, %eq3A_250 : i32
    %jit3A_252 = arith.constant 1 : i32
    %select_n3A_253 = arith.select %eq3A_251, %jit3A_252, %jit3A_249 : i32
    %rem3A_254 = vector.broadcast %select_n3A_253 : i32 to vector<16xi32>
    %rem3A_255 = arith.remsi %add3A_248, %rem3A_254 : vector<16xi32>
    %ne3A_256 = arith.constant 0 : i32
    %ne3A_257 = vector.broadcast %ne3A_256 : i32 to vector<16xi32>
    %ne3A_258 = arith.cmpi ne, %rem3A_255, %ne3A_257 : vector<16xi32>
    %lt3A_259 = arith.constant 0 : i32
    %lt3A_260 = vector.broadcast %lt3A_259 : i32 to vector<16xi32>
    %lt3A_261 = arith.cmpi slt, %rem3A_255, %lt3A_260 : vector<16xi32>
    %lt3A_262 = arith.constant 0 : i32
    %lt3A_263 = arith.cmpi slt, %select_n3A_253, %lt3A_262 : i32
    %ne3A_264 = vector.broadcast %lt3A_263 : i1 to vector<16xi1>
    %ne3A_265 = vector.broadcast %ne3A_264 : vector<16xi1> to vector<16xi1>
    %ne3A_266 = arith.xori %lt3A_261, %ne3A_265 : vector<16xi1>
    %and3A_267 = arith.andi %ne3A_266, %ne3A_258 : vector<16xi1>
    %add3A_268 = vector.broadcast %select_n3A_253 : i32 to vector<16xi32>
    %add3A_269 = arith.addi %rem3A_255, %add3A_268 : vector<16xi32>
    %select_n3A_270 = arith.select %and3A_267, %add3A_269, %rem3A_255 : vector<16xi1>, vector<16xi32>
    %add3A_271 = arith.constant 11 : i32
    %add3A_272 = vector.broadcast %add3A_271 : i32 to vector<16xi32>
    %add3A_273 = arith.addi %iota3A, %add3A_272 : vector<16xi32>
    %jit3A_274 = arith.constant 16 : i32
    %eq3A_275 = arith.constant 0 : i32
    %eq3A_276 = arith.cmpi eq, %jit3A_274, %eq3A_275 : i32
    %jit3A_277 = arith.constant 1 : i32
    %select_n3A_278 = arith.select %eq3A_276, %jit3A_277, %jit3A_274 : i32
    %rem3A_279 = vector.broadcast %select_n3A_278 : i32 to vector<16xi32>
    %rem3A_280 = arith.remsi %add3A_273, %rem3A_279 : vector<16xi32>
    %ne3A_281 = arith.constant 0 : i32
    %ne3A_282 = vector.broadcast %ne3A_281 : i32 to vector<16xi32>
    %ne3A_283 = arith.cmpi ne, %rem3A_280, %ne3A_282 : vector<16xi32>
    %lt3A_284 = arith.constant 0 : i32
    %lt3A_285 = vector.broadcast %lt3A_284 : i32 to vector<16xi32>
    %lt3A_286 = arith.cmpi slt, %rem3A_280, %lt3A_285 : vector<16xi32>
    %lt3A_287 = arith.constant 0 : i32
    %lt3A_288 = arith.cmpi slt, %select_n3A_278, %lt3A_287 : i32
    %ne3A_289 = vector.broadcast %lt3A_288 : i1 to vector<16xi1>
    %ne3A_290 = vector.broadcast %ne3A_289 : vector<16xi1> to vector<16xi1>
    %ne3A_291 = arith.xori %lt3A_286, %ne3A_290 : vector<16xi1>
    %and3A_292 = arith.andi %ne3A_291, %ne3A_283 : vector<16xi1>
    %add3A_293 = vector.broadcast %select_n3A_278 : i32 to vector<16xi32>
    %add3A_294 = arith.addi %rem3A_280, %add3A_293 : vector<16xi32>
    %select_n3A_295 = arith.select %and3A_292, %add3A_294, %rem3A_280 : vector<16xi1>, vector<16xi32>
    %add3A_296 = arith.constant 12 : i32
    %add3A_297 = vector.broadcast %add3A_296 : i32 to vector<16xi32>
    %add3A_298 = arith.addi %iota3A, %add3A_297 : vector<16xi32>
    %jit3A_299 = arith.constant 16 : i32
    %eq3A_300 = arith.constant 0 : i32
    %eq3A_301 = arith.cmpi eq, %jit3A_299, %eq3A_300 : i32
    %jit3A_302 = arith.constant 1 : i32
    %select_n3A_303 = arith.select %eq3A_301, %jit3A_302, %jit3A_299 : i32
    %rem3A_304 = vector.broadcast %select_n3A_303 : i32 to vector<16xi32>
    %rem3A_305 = arith.remsi %add3A_298, %rem3A_304 : vector<16xi32>
    %ne3A_306 = arith.constant 0 : i32
    %ne3A_307 = vector.broadcast %ne3A_306 : i32 to vector<16xi32>
    %ne3A_308 = arith.cmpi ne, %rem3A_305, %ne3A_307 : vector<16xi32>
    %lt3A_309 = arith.constant 0 : i32
    %lt3A_310 = vector.broadcast %lt3A_309 : i32 to vector<16xi32>
    %lt3A_311 = arith.cmpi slt, %rem3A_305, %lt3A_310 : vector<16xi32>
    %lt3A_312 = arith.constant 0 : i32
    %lt3A_313 = arith.cmpi slt, %select_n3A_303, %lt3A_312 : i32
    %ne3A_314 = vector.broadcast %lt3A_313 : i1 to vector<16xi1>
    %ne3A_315 = vector.broadcast %ne3A_314 : vector<16xi1> to vector<16xi1>
    %ne3A_316 = arith.xori %lt3A_311, %ne3A_315 : vector<16xi1>
    %and3A_317 = arith.andi %ne3A_316, %ne3A_308 : vector<16xi1>
    %add3A_318 = vector.broadcast %select_n3A_303 : i32 to vector<16xi32>
    %add3A_319 = arith.addi %rem3A_305, %add3A_318 : vector<16xi32>
    %select_n3A_320 = arith.select %and3A_317, %add3A_319, %rem3A_305 : vector<16xi1>, vector<16xi32>
    %add3A_321 = arith.constant 13 : i32
    %add3A_322 = vector.broadcast %add3A_321 : i32 to vector<16xi32>
    %add3A_323 = arith.addi %iota3A, %add3A_322 : vector<16xi32>
    %jit3A_324 = arith.constant 16 : i32
    %eq3A_325 = arith.constant 0 : i32
    %eq3A_326 = arith.cmpi eq, %jit3A_324, %eq3A_325 : i32
    %jit3A_327 = arith.constant 1 : i32
    %select_n3A_328 = arith.select %eq3A_326, %jit3A_327, %jit3A_324 : i32
    %rem3A_329 = vector.broadcast %select_n3A_328 : i32 to vector<16xi32>
    %rem3A_330 = arith.remsi %add3A_323, %rem3A_329 : vector<16xi32>
    %ne3A_331 = arith.constant 0 : i32
    %ne3A_332 = vector.broadcast %ne3A_331 : i32 to vector<16xi32>
    %ne3A_333 = arith.cmpi ne, %rem3A_330, %ne3A_332 : vector<16xi32>
    %lt3A_334 = arith.constant 0 : i32
    %lt3A_335 = vector.broadcast %lt3A_334 : i32 to vector<16xi32>
    %lt3A_336 = arith.cmpi slt, %rem3A_330, %lt3A_335 : vector<16xi32>
    %lt3A_337 = arith.constant 0 : i32
    %lt3A_338 = arith.cmpi slt, %select_n3A_328, %lt3A_337 : i32
    %ne3A_339 = vector.broadcast %lt3A_338 : i1 to vector<16xi1>
    %ne3A_340 = vector.broadcast %ne3A_339 : vector<16xi1> to vector<16xi1>
    %ne3A_341 = arith.xori %lt3A_336, %ne3A_340 : vector<16xi1>
    %and3A_342 = arith.andi %ne3A_341, %ne3A_333 : vector<16xi1>
    %add3A_343 = vector.broadcast %select_n3A_328 : i32 to vector<16xi32>
    %add3A_344 = arith.addi %rem3A_330, %add3A_343 : vector<16xi32>
    %select_n3A_345 = arith.select %and3A_342, %add3A_344, %rem3A_330 : vector<16xi1>, vector<16xi32>
    %add3A_346 = arith.constant 14 : i32
    %add3A_347 = vector.broadcast %add3A_346 : i32 to vector<16xi32>
    %add3A_348 = arith.addi %iota3A, %add3A_347 : vector<16xi32>
    %jit3A_349 = arith.constant 16 : i32
    %eq3A_350 = arith.constant 0 : i32
    %eq3A_351 = arith.cmpi eq, %jit3A_349, %eq3A_350 : i32
    %jit3A_352 = arith.constant 1 : i32
    %select_n3A_353 = arith.select %eq3A_351, %jit3A_352, %jit3A_349 : i32
    %rem3A_354 = vector.broadcast %select_n3A_353 : i32 to vector<16xi32>
    %rem3A_355 = arith.remsi %add3A_348, %rem3A_354 : vector<16xi32>
    %ne3A_356 = arith.constant 0 : i32
    %ne3A_357 = vector.broadcast %ne3A_356 : i32 to vector<16xi32>
    %ne3A_358 = arith.cmpi ne, %rem3A_355, %ne3A_357 : vector<16xi32>
    %lt3A_359 = arith.constant 0 : i32
    %lt3A_360 = vector.broadcast %lt3A_359 : i32 to vector<16xi32>
    %lt3A_361 = arith.cmpi slt, %rem3A_355, %lt3A_360 : vector<16xi32>
    %lt3A_362 = arith.constant 0 : i32
    %lt3A_363 = arith.cmpi slt, %select_n3A_353, %lt3A_362 : i32
    %ne3A_364 = vector.broadcast %lt3A_363 : i1 to vector<16xi1>
    %ne3A_365 = vector.broadcast %ne3A_364 : vector<16xi1> to vector<16xi1>
    %ne3A_366 = arith.xori %lt3A_361, %ne3A_365 : vector<16xi1>
    %and3A_367 = arith.andi %ne3A_366, %ne3A_358 : vector<16xi1>
    %add3A_368 = vector.broadcast %select_n3A_353 : i32 to vector<16xi32>
    %add3A_369 = arith.addi %rem3A_355, %add3A_368 : vector<16xi32>
    %select_n3A_370 = arith.select %and3A_367, %add3A_369, %rem3A_355 : vector<16xi1>, vector<16xi32>
    %add3A_371 = arith.constant 15 : i32
    %add3A_372 = vector.broadcast %add3A_371 : i32 to vector<16xi32>
    %add3A_373 = arith.addi %iota3A, %add3A_372 : vector<16xi32>
    %jit3A_374 = arith.constant 16 : i32
    %eq3A_375 = arith.constant 0 : i32
    %eq3A_376 = arith.cmpi eq, %jit3A_374, %eq3A_375 : i32
    %jit3A_377 = arith.constant 1 : i32
    %select_n3A_378 = arith.select %eq3A_376, %jit3A_377, %jit3A_374 : i32
    %rem3A_379 = vector.broadcast %select_n3A_378 : i32 to vector<16xi32>
    %rem3A_380 = arith.remsi %add3A_373, %rem3A_379 : vector<16xi32>
    %ne3A_381 = arith.constant 0 : i32
    %ne3A_382 = vector.broadcast %ne3A_381 : i32 to vector<16xi32>
    %ne3A_383 = arith.cmpi ne, %rem3A_380, %ne3A_382 : vector<16xi32>
    %lt3A_384 = arith.constant 0 : i32
    %lt3A_385 = vector.broadcast %lt3A_384 : i32 to vector<16xi32>
    %lt3A_386 = arith.cmpi slt, %rem3A_380, %lt3A_385 : vector<16xi32>
    %lt3A_387 = arith.constant 0 : i32
    %lt3A_388 = arith.cmpi slt, %select_n3A_378, %lt3A_387 : i32
    %ne3A_389 = vector.broadcast %lt3A_388 : i1 to vector<16xi1>
    %ne3A_390 = vector.broadcast %ne3A_389 : vector<16xi1> to vector<16xi1>
    %ne3A_391 = arith.xori %lt3A_386, %ne3A_390 : vector<16xi1>
    %and3A_392 = arith.andi %ne3A_391, %ne3A_383 : vector<16xi1>
    %add3A_393 = vector.broadcast %select_n3A_378 : i32 to vector<16xi32>
    %add3A_394 = arith.addi %rem3A_380, %add3A_393 : vector<16xi32>
    %select_n3A_395 = arith.select %and3A_392, %add3A_394, %rem3A_380 : vector<16xi1>, vector<16xi32>
    %dma_start3A = arith.constant 0 : i32
    %dma_start3A_396 = arith.constant 0 : i32
    %dma_start3A_397 = arith.constant 0 : i32
    %dma_start3A_398 = arith.constant 0 : i32
    %dma_start3A_399 = tpu.memref_slice %arg6[%dma_start3A_396, %dma_start3A_397, %dma_start3A_398] : memref<5x128x128xf32, #tpu.memory_space<vmem>> -> memref<1x128x128xf32, #tpu.memory_space<vmem>>
    %dma_start3A_400 = tpu.memref_squeeze %dma_start3A_399 : memref<1x128x128xf32, #tpu.memory_space<vmem>> -> memref<128x128xf32, #tpu.memory_space<vmem>>
    %dma_start3A_401 = arith.constant 0 : i32
    %dma_start3A_402 = tpu.memref_slice %arg5[%dma_start3A, %dma_start3A_401] : memref<200x128xi32, #tpu.memory_space<vmem>> -> memref<1x128xi32, #tpu.memory_space<vmem>>
    %dma_start3A_403 = tpu.memref_squeeze %dma_start3A_402 : memref<1x128xi32, #tpu.memory_space<vmem>> -> memref<128xi32, #tpu.memory_space<vmem>>
    %dma_start3A_404 = arith.constant 0 : i32
    %dma_start3A_405 = arith.constant 0 : i32
    %dma_start3A_406 = tpu.memref_slice %arg3[%dma_start3A_404, %dma_start3A_405] : memref<1000000x128xf32, #tpu.memory_space<hbm>> -> memref<1000000x128xf32, #tpu.memory_space<hbm>>
    tpu.enqueue_indirect_dma source(%dma_start3A_406 : memref<1000000x128xf32, #tpu.memory_space<hbm>>) target(%dma_start3A_400 : memref<128x128xf32, #tpu.memory_space<vmem>>) offsets(%dma_start3A_403 : memref<128xi32, #tpu.memory_space<vmem>>) semaphore(%arg8 : memref<!tpu.dma_semaphore, #tpu.memory_space<semaphore_mem>>)
    %dma_start3A_407 = arith.constant 1 : i32
    %dma_start3A_408 = arith.constant 1 : i32
    %dma_start3A_409 = arith.constant 0 : i32
    %dma_start3A_410 = arith.constant 0 : i32
    %dma_start3A_411 = tpu.memref_slice %arg6[%dma_start3A_408, %dma_start3A_409, %dma_start3A_410] : memref<5x128x128xf32, #tpu.memory_space<vmem>> -> memref<1x128x128xf32, #tpu.memory_space<vmem>>
    %dma_start3A_412 = tpu.memref_squeeze %dma_start3A_411 : memref<1x128x128xf32, #tpu.memory_space<vmem>> -> memref<128x128xf32, #tpu.memory_space<vmem>>
    %dma_start3A_413 = arith.constant 0 : i32
    %dma_start3A_414 = tpu.memref_slice %arg5[%dma_start3A_407, %dma_start3A_413] : memref<200x128xi32, #tpu.memory_space<vmem>> -> memref<1x128xi32, #tpu.memory_space<vmem>>
    %dma_start3A_415 = tpu.memref_squeeze %dma_start3A_414 : memref<1x128xi32, #tpu.memory_space<vmem>> -> memref<128xi32, #tpu.memory_space<vmem>>
    %dma_start3A_416 = arith.constant 0 : i32
    %dma_start3A_417 = arith.constant 0 : i32
    %dma_start3A_418 = tpu.memref_slice %arg3[%dma_start3A_416, %dma_start3A_417] : memref<1000000x128xf32, #tpu.memory_space<hbm>> -> memref<1000000x128xf32, #tpu.memory_space<hbm>>
    tpu.enqueue_indirect_dma source(%dma_start3A_418 : memref<1000000x128xf32, #tpu.memory_space<hbm>>) target(%dma_start3A_412 : memref<128x128xf32, #tpu.memory_space<vmem>>) offsets(%dma_start3A_415 : memref<128xi32, #tpu.memory_space<vmem>>) semaphore(%arg8 : memref<!tpu.dma_semaphore, #tpu.memory_space<semaphore_mem>>)
    %dma_start3A_419 = arith.constant 2 : i32
    %dma_start3A_420 = arith.constant 2 : i32
    %dma_start3A_421 = arith.constant 0 : i32
    %dma_start3A_422 = arith.constant 0 : i32
    %dma_start3A_423 = tpu.memref_slice %arg6[%dma_start3A_420, %dma_start3A_421, %dma_start3A_422] : memref<5x128x128xf32, #tpu.memory_space<vmem>> -> memref<1x128x128xf32, #tpu.memory_space<vmem>>
    %dma_start3A_424 = tpu.memref_squeeze %dma_start3A_423 : memref<1x128x128xf32, #tpu.memory_space<vmem>> -> memref<128x128xf32, #tpu.memory_space<vmem>>
    %dma_start3A_425 = arith.constant 0 : i32
    %dma_start3A_426 = tpu.memref_slice %arg5[%dma_start3A_419, %dma_start3A_425] : memref<200x128xi32, #tpu.memory_space<vmem>> -> memref<1x128xi32, #tpu.memory_space<vmem>>
    %dma_start3A_427 = tpu.memref_squeeze %dma_start3A_426 : memref<1x128xi32, #tpu.memory_space<vmem>> -> memref<128xi32, #tpu.memory_space<vmem>>
    %dma_start3A_428 = arith.constant 0 : i32
    %dma_start3A_429 = arith.constant 0 : i32
    %dma_start3A_430 = tpu.memref_slice %arg3[%dma_start3A_428, %dma_start3A_429] : memref<1000000x128xf32, #tpu.memory_space<hbm>> -> memref<1000000x128xf32, #tpu.memory_space<hbm>>
    tpu.enqueue_indirect_dma source(%dma_start3A_430 : memref<1000000x128xf32, #tpu.memory_space<hbm>>) target(%dma_start3A_424 : memref<128x128xf32, #tpu.memory_space<vmem>>) offsets(%dma_start3A_427 : memref<128xi32, #tpu.memory_space<vmem>>) semaphore(%arg8 : memref<!tpu.dma_semaphore, #tpu.memory_space<semaphore_mem>>)
    %dma_start3A_431 = arith.constant 3 : i32
    %dma_start3A_432 = arith.constant 3 : i32
    %dma_start3A_433 = arith.constant 0 : i32
    %dma_start3A_434 = arith.constant 0 : i32
    %dma_start3A_435 = tpu.memref_slice %arg6[%dma_start3A_432, %dma_start3A_433, %dma_start3A_434] : memref<5x128x128xf32, #tpu.memory_space<vmem>> -> memref<1x128x128xf32, #tpu.memory_space<vmem>>
    %dma_start3A_436 = tpu.memref_squeeze %dma_start3A_435 : memref<1x128x128xf32, #tpu.memory_space<vmem>> -> memref<128x128xf32, #tpu.memory_space<vmem>>
    %dma_start3A_437 = arith.constant 0 : i32
    %dma_start3A_438 = tpu.memref_slice %arg5[%dma_start3A_431, %dma_start3A_437] : memref<200x128xi32, #tpu.memory_space<vmem>> -> memref<1x128xi32, #tpu.memory_space<vmem>>
    %dma_start3A_439 = tpu.memref_squeeze %dma_start3A_438 : memref<1x128xi32, #tpu.memory_space<vmem>> -> memref<128xi32, #tpu.memory_space<vmem>>
    %dma_start3A_440 = arith.constant 0 : i32
    %dma_start3A_441 = arith.constant 0 : i32
    %dma_start3A_442 = tpu.memref_slice %arg3[%dma_start3A_440, %dma_start3A_441] : memref<1000000x128xf32, #tpu.memory_space<hbm>> -> memref<1000000x128xf32, #tpu.memory_space<hbm>>
    tpu.enqueue_indirect_dma source(%dma_start3A_442 : memref<1000000x128xf32, #tpu.memory_space<hbm>>) target(%dma_start3A_436 : memref<128x128xf32, #tpu.memory_space<vmem>>) offsets(%dma_start3A_439 : memref<128xi32, #tpu.memory_space<vmem>>) semaphore(%arg8 : memref<!tpu.dma_semaphore, #tpu.memory_space<semaphore_mem>>)
    %scan3A = arith.constant 0 : i32
    %scan3A_443 = arith.constant 0 : i32
    %scan3A_444 = arith.constant 200 : i32
    %scan3A_445 = arith.addi %scan3A_443, %scan3A_444 : i32
    %scan3A_446 = arith.constant 1 : i32
    scf.for %scan3A_479 = %scan3A_443 to %scan3A_445 step %scan3A_446  : i32 {
      %rem3A_480 = arith.constant 5 : i32
      %rem3A_481 = arith.remsi %scan3A_479, %rem3A_480 : i32
      %rem3A_482 = arith.constant 2 : i32
      %rem3A_483 = arith.remsi %scan3A_479, %rem3A_482 : i32
      %dma_wait3A_484 = arith.constant 0 : i32
      %dma_wait3A_485 = arith.constant 0 : i32
      %dma_wait3A_486 = tpu.memref_slice %arg6[%rem3A_481, %dma_wait3A_484, %dma_wait3A_485] : memref<5x128x128xf32, #tpu.memory_space<vmem>> -> memref<1x128x128xf32, #tpu.memory_space<vmem>>
      %dma_wait3A_487 = tpu.memref_squeeze %dma_wait3A_486 : memref<1x128x128xf32, #tpu.memory_space<vmem>> -> memref<128x128xf32, #tpu.memory_space<vmem>>
      %dma_wait3A_488 = arith.constant 0 : i32
      %dma_wait3A_489 = tpu.memref_slice %arg5[%scan3A_479, %dma_wait3A_488] : memref<200x128xi32, #tpu.memory_space<vmem>> -> memref<1x128xi32, #tpu.memory_space<vmem>>
      %dma_wait3A_490 = tpu.memref_squeeze %dma_wait3A_489 : memref<1x128xi32, #tpu.memory_space<vmem>> -> memref<128xi32, #tpu.memory_space<vmem>>
      %dma_wait3A_491 = arith.constant 0 : i32
      %dma_wait3A_492 = arith.constant 0 : i32
      %dma_wait3A_493 = tpu.memref_slice %arg3[%dma_wait3A_491, %dma_wait3A_492] : memref<1000000x128xf32, #tpu.memory_space<hbm>> -> memref<1000000x128xf32, #tpu.memory_space<hbm>>
      tpu.wait_indirect_dma semaphore(%arg8 : memref<!tpu.dma_semaphore, #tpu.memory_space<semaphore_mem>>) src(%dma_wait3A_493 : memref<1000000x128xf32, #tpu.memory_space<hbm>>) dst(%dma_wait3A_487 : memref<128x128xf32, #tpu.memory_space<vmem>>)
      %add3A_494 = arith.constant 5 : i32
      %add3A_495 = arith.addi %scan3A_479, %add3A_494 : i32
      %sub3A = arith.constant 1 : i32
      %sub3A_496 = arith.subi %add3A_495, %sub3A : i32
      %lt3A_497 = arith.constant 200 : i32
      %lt3A_498 = arith.cmpi slt, %sub3A_496, %lt3A_497 : i32
      %convert_element_type3A = arith.extui %lt3A_498 : i1 to i32
      %cond3A = arith.constant 0 : i32
      %cond3A_499 = arith.cmpi ne, %convert_element_type3A, %cond3A : i32
      scf.if %cond3A_499 {
        %add3A_536 = arith.constant 5 : i32
        %add3A_537 = arith.addi %scan3A_479, %add3A_536 : i32
        %sub3A_538 = arith.constant 1 : i32
        %sub3A_539 = arith.subi %add3A_537, %sub3A_538 : i32
        %add3A_540 = arith.constant 5 : i32
        %add3A_541 = arith.addi %scan3A_479, %add3A_540 : i32
        %sub3A_542 = arith.constant 1 : i32
        %sub3A_543 = arith.subi %add3A_541, %sub3A_542 : i32
        %rem3A_544 = arith.constant 5 : i32
        %rem3A_545 = arith.remsi %sub3A_543, %rem3A_544 : i32
        %dma_start3A_546 = arith.constant 0 : i32
        %dma_start3A_547 = arith.constant 0 : i32
        %dma_start3A_548 = tpu.memref_slice %arg6[%rem3A_545, %dma_start3A_546, %dma_start3A_547] : memref<5x128x128xf32, #tpu.memory_space<vmem>> -> memref<1x128x128xf32, #tpu.memory_space<vmem>>
        %dma_start3A_549 = tpu.memref_squeeze %dma_start3A_548 : memref<1x128x128xf32, #tpu.memory_space<vmem>> -> memref<128x128xf32, #tpu.memory_space<vmem>>
        %dma_start3A_550 = arith.constant 0 : i32
        %dma_start3A_551 = tpu.memref_slice %arg5[%sub3A_539, %dma_start3A_550] : memref<200x128xi32, #tpu.memory_space<vmem>> -> memref<1x128xi32, #tpu.memory_space<vmem>>
        %dma_start3A_552 = tpu.memref_squeeze %dma_start3A_551 : memref<1x128xi32, #tpu.memory_space<vmem>> -> memref<128xi32, #tpu.memory_space<vmem>>
        %dma_start3A_553 = arith.constant 0 : i32
        %dma_start3A_554 = arith.constant 0 : i32
        %dma_start3A_555 = tpu.memref_slice %arg3[%dma_start3A_553, %dma_start3A_554] : memref<1000000x128xf32, #tpu.memory_space<hbm>> -> memref<1000000x128xf32, #tpu.memory_space<hbm>>
        tpu.enqueue_indirect_dma source(%dma_start3A_555 : memref<1000000x128xf32, #tpu.memory_space<hbm>>) target(%dma_start3A_549 : memref<128x128xf32, #tpu.memory_space<vmem>>) offsets(%dma_start3A_552 : memref<128xi32, #tpu.memory_space<vmem>>) semaphore(%arg8 : memref<!tpu.dma_semaphore, #tpu.memory_space<semaphore_mem>>)
      } else {
      }
      %ge3A = arith.constant 2 : i32
      %ge3A_500 = arith.cmpi sge, %scan3A_479, %ge3A : i32
      %convert_element_type3A_501 = arith.extui %ge3A_500 : i1 to i32
      %cond3A_502 = arith.constant 0 : i32
      %cond3A_503 = arith.cmpi ne, %convert_element_type3A_501, %cond3A_502 : i32
      scf.if %cond3A_503 {
        %jit3A_536 = arith.constant 2 : i32
        %eq3A_537 = arith.constant 0 : i32
        %eq3A_538 = arith.cmpi eq, %jit3A_536, %eq3A_537 : i32
        %jit3A_539 = arith.constant 1 : i32
        %select_n3A_540 = arith.select %eq3A_538, %jit3A_539, %jit3A_536 : i32
        %rem3A_541 = arith.remsi %rem3A_483, %select_n3A_540 : i32
        %ne3A_542 = arith.constant 0 : i32
        %ne3A_543 = arith.cmpi ne, %rem3A_541, %ne3A_542 : i32
        %lt3A_544 = arith.constant 0 : i32
        %lt3A_545 = arith.cmpi slt, %rem3A_541, %lt3A_544 : i32
        %lt3A_546 = arith.constant 0 : i32
        %lt3A_547 = arith.cmpi slt, %select_n3A_540, %lt3A_546 : i32
        %ne3A_548 = arith.xori %lt3A_545, %lt3A_547 : i1
        %and3A_549 = arith.andi %ne3A_548, %ne3A_543 : i1
        %add3A_550 = arith.addi %rem3A_541, %select_n3A_540 : i32
        %select_n3A_551 = arith.select %and3A_549, %add3A_550, %rem3A_541 : i32
        %dma_wait3A_552 = arith.constant 0 : i32
        %dma_wait3A_553 = arith.constant 0 : i32
        %dma_wait3A_554 = tpu.memref_slice %arg7[%select_n3A_551, %dma_wait3A_552, %dma_wait3A_553] : memref<2x64x128xf32, #tpu.memory_space<vmem>> -> memref<1x64x128xf32, #tpu.memory_space<vmem>>
        %dma_wait3A_555 = tpu.memref_squeeze %dma_wait3A_554 : memref<1x64x128xf32, #tpu.memory_space<vmem>> -> memref<64x128xf32, #tpu.memory_space<vmem>>
        %dma_wait3A_556 = arith.constant 0 : i32
        %dma_wait3A_557 = tpu.memref_slice %arg4[%scan3A_479, %dma_wait3A_556, %mul3A_2] : memref<200x64x4096xf32, #tpu.memory_space<hbm>> -> memref<1x64x128xf32, #tpu.memory_space<hbm>>
        %dma_wait3A_558 = tpu.memref_squeeze %dma_wait3A_557 : memref<1x64x128xf32, #tpu.memory_space<hbm>> -> memref<64x128xf32, #tpu.memory_space<hbm>>
        %dma_wait3A_559 = arith.constant 0 : i32
        %dma_wait3A_560 = tpu.memref_slice %arg4[%scan3A_479, %dma_wait3A_559, %mul3A_2] : memref<200x64x4096xf32, #tpu.memory_space<hbm>> -> memref<1x64x128xf32, #tpu.memory_space<hbm>>
        %dma_wait3A_561 = tpu.memref_squeeze %dma_wait3A_560 : memref<1x64x128xf32, #tpu.memory_space<hbm>> -> memref<64x128xf32, #tpu.memory_space<hbm>>
        %dma_wait3A_562 = arith.constant 0 : i32
        %dma_wait3A_563 = arith.constant 0 : i32
        %dma_wait3A_564 = tpu.memref_slice %arg7[%select_n3A_551, %dma_wait3A_562, %dma_wait3A_563] : memref<2x64x128xf32, #tpu.memory_space<vmem>> -> memref<1x64x128xf32, #tpu.memory_space<vmem>>
        %dma_wait3A_565 = tpu.memref_squeeze %dma_wait3A_564 : memref<1x64x128xf32, #tpu.memory_space<vmem>> -> memref<64x128xf32, #tpu.memory_space<vmem>>
        tpu.wait_dma2 semaphore(%arg9 : memref<!tpu.dma_semaphore, #tpu.memory_space<semaphore_mem>>) src(%dma_wait3A_565 : memref<64x128xf32, #tpu.memory_space<vmem>>) dst(%dma_wait3A_561 : memref<64x128xf32, #tpu.memory_space<hbm>>)
      } else {
      }
      %parallel_loop3A = arith.constant 0 : i32
      %parallel_loop3A_504 = arith.constant 128 : i32
      %parallel_loop3A_505 = arith.constant 16 : i32
      scf.for %parallel_loop3A_536 = %parallel_loop3A to %parallel_loop3A_504 step %parallel_loop3A_505  : i32 {
        %parallel_loop3A_537 = vector.broadcast %parallel_loop3A_536 : i32 to vector<16xi32>
        %parallel_loop3A_538 = arith.addi %parallel_loop3A_537, %iota3A : vector<16xi32>
        %parallel_loop3A_539 = arith.constant 0 : i32
        %parallel_loop3A_540 = vector.broadcast %parallel_loop3A_539 : i32 to vector<16xi32>
        %parallel_loop3A_541 = arith.addi %select_n3A_20, %parallel_loop3A_540 : vector<16xi32>
        %parallel_loop3A_542 = arith.constant 0 : i32
        %parallel_loop3A_543 = arith.constant 0 : i32
        %parallel_loop3A_544 = tpu.memref_slice %arg6[%rem3A_481, %parallel_loop3A_542, %parallel_loop3A_543] : memref<5x128x128xf32, #tpu.memory_space<vmem>> -> memref<1x128x128xf32, #tpu.memory_space<vmem>>
        %parallel_loop3A_545 = tpu.memref_squeeze %parallel_loop3A_544 : memref<1x128x128xf32, #tpu.memory_space<vmem>> -> memref<128x128xf32, #tpu.memory_space<vmem>>
        %parallel_loop3A_546 = tpu.vector_load_idx %parallel_loop3A_545[%parallel_loop3A_538, %parallel_loop3A_541] : memref<128x128xf32, #tpu.memory_space<vmem>>[vector<16xi32>, vector<16xi32>], vector<16xf32>,
        %parallel_loop3A_547 = arith.constant 0 : i32
        %parallel_loop3A_548 = arith.constant 0 : i32
        %parallel_loop3A_549 = tpu.memref_slice %arg7[%rem3A_483, %parallel_loop3A_547, %parallel_loop3A_548] : memref<2x64x128xf32, #tpu.memory_space<vmem>> -> memref<1x64x128xf32, #tpu.memory_space<vmem>>
        %parallel_loop3A_550 = tpu.memref_squeeze %parallel_loop3A_549 : memref<1x64x128xf32, #tpu.memory_space<vmem>> -> memref<64x128xf32, #tpu.memory_space<vmem>>
        tpu.vector_store_idx %parallel_loop3A_550[%parallel_loop3A_541, %parallel_loop3A_538], %parallel_loop3A_546 : memref<64x128xf32, #tpu.memory_space<vmem>>[vector<16xi32>, vector<16xi32>], vector<16xf32>,
        %parallel_loop3A_551 = arith.constant 0 : i32
        %parallel_loop3A_552 = vector.broadcast %parallel_loop3A_551 : i32 to vector<16xi32>
        %parallel_loop3A_553 = arith.addi %select_n3A_45, %parallel_loop3A_552 : vector<16xi32>
        %parallel_loop3A_554 = arith.constant 0 : i32
        %parallel_loop3A_555 = arith.constant 0 : i32
        %parallel_loop3A_556 = tpu.memref_slice %arg6[%rem3A_481, %parallel_loop3A_554, %parallel_loop3A_555] : memref<5x128x128xf32, #tpu.memory_space<vmem>> -> memref<1x128x128xf32, #tpu.memory_space<vmem>>
        %parallel_loop3A_557 = tpu.memref_squeeze %parallel_loop3A_556 : memref<1x128x128xf32, #tpu.memory_space<vmem>> -> memref<128x128xf32, #tpu.memory_space<vmem>>
        %parallel_loop3A_558 = tpu.vector_load_idx %parallel_loop3A_557[%parallel_loop3A_538, %parallel_loop3A_553] : memref<128x128xf32, #tpu.memory_space<vmem>>[vector<16xi32>, vector<16xi32>], vector<16xf32>,
        %parallel_loop3A_559 = arith.constant 0 : i32
        %parallel_loop3A_560 = arith.constant 0 : i32
        %parallel_loop3A_561 = tpu.memref_slice %arg7[%rem3A_483, %parallel_loop3A_559, %parallel_loop3A_560] : memref<2x64x128xf32, #tpu.memory_space<vmem>> -> memref<1x64x128xf32, #tpu.memory_space<vmem>>
        %parallel_loop3A_562 = tpu.memref_squeeze %parallel_loop3A_561 : memref<1x64x128xf32, #tpu.memory_space<vmem>> -> memref<64x128xf32, #tpu.memory_space<vmem>>
        tpu.vector_store_idx %parallel_loop3A_562[%parallel_loop3A_553, %parallel_loop3A_538], %parallel_loop3A_558 : memref<64x128xf32, #tpu.memory_space<vmem>>[vector<16xi32>, vector<16xi32>], vector<16xf32>,
        %parallel_loop3A_563 = arith.constant 0 : i32
        %parallel_loop3A_564 = vector.broadcast %parallel_loop3A_563 : i32 to vector<16xi32>
        %parallel_loop3A_565 = arith.addi %select_n3A_70, %parallel_loop3A_564 : vector<16xi32>
        %parallel_loop3A_566 = arith.constant 0 : i32
        %parallel_loop3A_567 = arith.constant 0 : i32
        %parallel_loop3A_568 = tpu.memref_slice %arg6[%rem3A_481, %parallel_loop3A_566, %parallel_loop3A_567] : memref<5x128x128xf32, #tpu.memory_space<vmem>> -> memref<1x128x128xf32, #tpu.memory_space<vmem>>
        %parallel_loop3A_569 = tpu.memref_squeeze %parallel_loop3A_568 : memref<1x128x128xf32, #tpu.memory_space<vmem>> -> memref<128x128xf32, #tpu.memory_space<vmem>>
        %parallel_loop3A_570 = tpu.vector_load_idx %parallel_loop3A_569[%parallel_loop3A_538, %parallel_loop3A_565] : memref<128x128xf32, #tpu.memory_space<vmem>>[vector<16xi32>, vector<16xi32>], vector<16xf32>,
        %parallel_loop3A_571 = arith.constant 0 : i32
        %parallel_loop3A_572 = arith.constant 0 : i32
        %parallel_loop3A_573 = tpu.memref_slice %arg7[%rem3A_483, %parallel_loop3A_571, %parallel_loop3A_572] : memref<2x64x128xf32, #tpu.memory_space<vmem>> -> memref<1x64x128xf32, #tpu.memory_space<vmem>>
        %parallel_loop3A_574 = tpu.memref_squeeze %parallel_loop3A_573 : memref<1x64x128xf32, #tpu.memory_space<vmem>> -> memref<64x128xf32, #tpu.memory_space<vmem>>
        tpu.vector_store_idx %parallel_loop3A_574[%parallel_loop3A_565, %parallel_loop3A_538], %parallel_loop3A_570 : memref<64x128xf32, #tpu.memory_space<vmem>>[vector<16xi32>, vector<16xi32>], vector<16xf32>,
        %parallel_loop3A_575 = arith.constant 0 : i32
        %parallel_loop3A_576 = vector.broadcast %parallel_loop3A_575 : i32 to vector<16xi32>
        %parallel_loop3A_577 = arith.addi %select_n3A_95, %parallel_loop3A_576 : vector<16xi32>
        %parallel_loop3A_578 = arith.constant 0 : i32
        %parallel_loop3A_579 = arith.constant 0 : i32
        %parallel_loop3A_580 = tpu.memref_slice %arg6[%rem3A_481, %parallel_loop3A_578, %parallel_loop3A_579] : memref<5x128x128xf32, #tpu.memory_space<vmem>> -> memref<1x128x128xf32, #tpu.memory_space<vmem>>
        %parallel_loop3A_581 = tpu.memref_squeeze %parallel_loop3A_580 : memref<1x128x128xf32, #tpu.memory_space<vmem>> -> memref<128x128xf32, #tpu.memory_space<vmem>>
        %parallel_loop3A_582 = tpu.vector_load_idx %parallel_loop3A_581[%parallel_loop3A_538, %parallel_loop3A_577] : memref<128x128xf32, #tpu.memory_space<vmem>>[vector<16xi32>, vector<16xi32>], vector<16xf32>,
        %parallel_loop3A_583 = arith.constant 0 : i32
        %parallel_loop3A_584 = arith.constant 0 : i32
        %parallel_loop3A_585 = tpu.memref_slice %arg7[%rem3A_483, %parallel_loop3A_583, %parallel_loop3A_584] : memref<2x64x128xf32, #tpu.memory_space<vmem>> -> memref<1x64x128xf32, #tpu.memory_space<vmem>>
        %parallel_loop3A_586 = tpu.memref_squeeze %parallel_loop3A_585 : memref<1x64x128xf32, #tpu.memory_space<vmem>> -> memref<64x128xf32, #tpu.memory_space<vmem>>
        tpu.vector_store_idx %parallel_loop3A_586[%parallel_loop3A_577, %parallel_loop3A_538], %parallel_loop3A_582 : memref<64x128xf32, #tpu.memory_space<vmem>>[vector<16xi32>, vector<16xi32>], vector<16xf32>,
        %parallel_loop3A_587 = arith.constant 0 : i32
        %parallel_loop3A_588 = vector.broadcast %parallel_loop3A_587 : i32 to vector<16xi32>
        %parallel_loop3A_589 = arith.addi %select_n3A_120, %parallel_loop3A_588 : vector<16xi32>
        %parallel_loop3A_590 = arith.constant 0 : i32
        %parallel_loop3A_591 = arith.constant 0 : i32
        %parallel_loop3A_592 = tpu.memref_slice %arg6[%rem3A_481, %parallel_loop3A_590, %parallel_loop3A_591] : memref<5x128x128xf32, #tpu.memory_space<vmem>> -> memref<1x128x128xf32, #tpu.memory_space<vmem>>
        %parallel_loop3A_593 = tpu.memref_squeeze %parallel_loop3A_592 : memref<1x128x128xf32, #tpu.memory_space<vmem>> -> memref<128x128xf32, #tpu.memory_space<vmem>>
        %parallel_loop3A_594 = tpu.vector_load_idx %parallel_loop3A_593[%parallel_loop3A_538, %parallel_loop3A_589] : memref<128x128xf32, #tpu.memory_space<vmem>>[vector<16xi32>, vector<16xi32>], vector<16xf32>,
        %parallel_loop3A_595 = arith.constant 0 : i32
        %parallel_loop3A_596 = arith.constant 0 : i32
        %parallel_loop3A_597 = tpu.memref_slice %arg7[%rem3A_483, %parallel_loop3A_595, %parallel_loop3A_596] : memref<2x64x128xf32, #tpu.memory_space<vmem>> -> memref<1x64x128xf32, #tpu.memory_space<vmem>>
        %parallel_loop3A_598 = tpu.memref_squeeze %parallel_loop3A_597 : memref<1x64x128xf32, #tpu.memory_space<vmem>> -> memref<64x128xf32, #tpu.memory_space<vmem>>
        tpu.vector_store_idx %parallel_loop3A_598[%parallel_loop3A_589, %parallel_loop3A_538], %parallel_loop3A_594 : memref<64x128xf32, #tpu.memory_space<vmem>>[vector<16xi32>, vector<16xi32>], vector<16xf32>,
        %parallel_loop3A_599 = arith.constant 0 : i32
        %parallel_loop3A_600 = vector.broadcast %parallel_loop3A_599 : i32 to vector<16xi32>
        %parallel_loop3A_601 = arith.addi %select_n3A_145, %parallel_loop3A_600 : vector<16xi32>
        %parallel_loop3A_602 = arith.constant 0 : i32
        %parallel_loop3A_603 = arith.constant 0 : i32
        %parallel_loop3A_604 = tpu.memref_slice %arg6[%rem3A_481, %parallel_loop3A_602, %parallel_loop3A_603] : memref<5x128x128xf32, #tpu.memory_space<vmem>> -> memref<1x128x128xf32, #tpu.memory_space<vmem>>
        %parallel_loop3A_605 = tpu.memref_squeeze %parallel_loop3A_604 : memref<1x128x128xf32, #tpu.memory_space<vmem>> -> memref<128x128xf32, #tpu.memory_space<vmem>>
        %parallel_loop3A_606 = tpu.vector_load_idx %parallel_loop3A_605[%parallel_loop3A_538, %parallel_loop3A_601] : memref<128x128xf32, #tpu.memory_space<vmem>>[vector<16xi32>, vector<16xi32>], vector<16xf32>,
        %parallel_loop3A_607 = arith.constant 0 : i32
        %parallel_loop3A_608 = arith.constant 0 : i32
        %parallel_loop3A_609 = tpu.memref_slice %arg7[%rem3A_483, %parallel_loop3A_607, %parallel_loop3A_608] : memref<2x64x128xf32, #tpu.memory_space<vmem>> -> memref<1x64x128xf32, #tpu.memory_space<vmem>>
        %parallel_loop3A_610 = tpu.memref_squeeze %parallel_loop3A_609 : memref<1x64x128xf32, #tpu.memory_space<vmem>> -> memref<64x128xf32, #tpu.memory_space<vmem>>
        tpu.vector_store_idx %parallel_loop3A_610[%parallel_loop3A_601, %parallel_loop3A_538], %parallel_loop3A_606 : memref<64x128xf32, #tpu.memory_space<vmem>>[vector<16xi32>, vector<16xi32>], vector<16xf32>,
        %parallel_loop3A_611 = arith.constant 0 : i32
        %parallel_loop3A_612 = vector.broadcast %parallel_loop3A_611 : i32 to vector<16xi32>
        %parallel_loop3A_613 = arith.addi %select_n3A_170, %parallel_loop3A_612 : vector<16xi32>
        %parallel_loop3A_614 = arith.constant 0 : i32
        %parallel_loop3A_615 = arith.constant 0 : i32
        %parallel_loop3A_616 = tpu.memref_slice %arg6[%rem3A_481, %parallel_loop3A_614, %parallel_loop3A_615] : memref<5x128x128xf32, #tpu.memory_space<vmem>> -> memref<1x128x128xf32, #tpu.memory_space<vmem>>
        %parallel_loop3A_617 = tpu.memref_squeeze %parallel_loop3A_616 : memref<1x128x128xf32, #tpu.memory_space<vmem>> -> memref<128x128xf32, #tpu.memory_space<vmem>>
        %parallel_loop3A_618 = tpu.vector_load_idx %parallel_loop3A_617[%parallel_loop3A_538, %parallel_loop3A_613] : memref<128x128xf32, #tpu.memory_space<vmem>>[vector<16xi32>, vector<16xi32>], vector<16xf32>,
        %parallel_loop3A_619 = arith.constant 0 : i32
        %parallel_loop3A_620 = arith.constant 0 : i32
        %parallel_loop3A_621 = tpu.memref_slice %arg7[%rem3A_483, %parallel_loop3A_619, %parallel_loop3A_620] : memref<2x64x128xf32, #tpu.memory_space<vmem>> -> memref<1x64x128xf32, #tpu.memory_space<vmem>>
        %parallel_loop3A_622 = tpu.memref_squeeze %parallel_loop3A_621 : memref<1x64x128xf32, #tpu.memory_space<vmem>> -> memref<64x128xf32, #tpu.memory_space<vmem>>
        tpu.vector_store_idx %parallel_loop3A_622[%parallel_loop3A_613, %parallel_loop3A_538], %parallel_loop3A_618 : memref<64x128xf32, #tpu.memory_space<vmem>>[vector<16xi32>, vector<16xi32>], vector<16xf32>,
        %parallel_loop3A_623 = arith.constant 0 : i32
        %parallel_loop3A_624 = vector.broadcast %parallel_loop3A_623 : i32 to vector<16xi32>
        %parallel_loop3A_625 = arith.addi %select_n3A_195, %parallel_loop3A_624 : vector<16xi32>
        %parallel_loop3A_626 = arith.constant 0 : i32
        %parallel_loop3A_627 = arith.constant 0 : i32
        %parallel_loop3A_628 = tpu.memref_slice %arg6[%rem3A_481, %parallel_loop3A_626, %parallel_loop3A_627] : memref<5x128x128xf32, #tpu.memory_space<vmem>> -> memref<1x128x128xf32, #tpu.memory_space<vmem>>
        %parallel_loop3A_629 = tpu.memref_squeeze %parallel_loop3A_628 : memref<1x128x128xf32, #tpu.memory_space<vmem>> -> memref<128x128xf32, #tpu.memory_space<vmem>>
        %parallel_loop3A_630 = tpu.vector_load_idx %parallel_loop3A_629[%parallel_loop3A_538, %parallel_loop3A_625] : memref<128x128xf32, #tpu.memory_space<vmem>>[vector<16xi32>, vector<16xi32>], vector<16xf32>,
        %parallel_loop3A_631 = arith.constant 0 : i32
        %parallel_loop3A_632 = arith.constant 0 : i32
        %parallel_loop3A_633 = tpu.memref_slice %arg7[%rem3A_483, %parallel_loop3A_631, %parallel_loop3A_632] : memref<2x64x128xf32, #tpu.memory_space<vmem>> -> memref<1x64x128xf32, #tpu.memory_space<vmem>>
        %parallel_loop3A_634 = tpu.memref_squeeze %parallel_loop3A_633 : memref<1x64x128xf32, #tpu.memory_space<vmem>> -> memref<64x128xf32, #tpu.memory_space<vmem>>
        tpu.vector_store_idx %parallel_loop3A_634[%parallel_loop3A_625, %parallel_loop3A_538], %parallel_loop3A_630 : memref<64x128xf32, #tpu.memory_space<vmem>>[vector<16xi32>, vector<16xi32>], vector<16xf32>,
        %parallel_loop3A_635 = arith.constant 0 : i32
        %parallel_loop3A_636 = vector.broadcast %parallel_loop3A_635 : i32 to vector<16xi32>
        %parallel_loop3A_637 = arith.addi %select_n3A_220, %parallel_loop3A_636 : vector<16xi32>
        %parallel_loop3A_638 = arith.constant 0 : i32
        %parallel_loop3A_639 = arith.constant 0 : i32
        %parallel_loop3A_640 = tpu.memref_slice %arg6[%rem3A_481, %parallel_loop3A_638, %parallel_loop3A_639] : memref<5x128x128xf32, #tpu.memory_space<vmem>> -> memref<1x128x128xf32, #tpu.memory_space<vmem>>
        %parallel_loop3A_641 = tpu.memref_squeeze %parallel_loop3A_640 : memref<1x128x128xf32, #tpu.memory_space<vmem>> -> memref<128x128xf32, #tpu.memory_space<vmem>>
        %parallel_loop3A_642 = tpu.vector_load_idx %parallel_loop3A_641[%parallel_loop3A_538, %parallel_loop3A_637] : memref<128x128xf32, #tpu.memory_space<vmem>>[vector<16xi32>, vector<16xi32>], vector<16xf32>,
        %parallel_loop3A_643 = arith.constant 0 : i32
        %parallel_loop3A_644 = arith.constant 0 : i32
        %parallel_loop3A_645 = tpu.memref_slice %arg7[%rem3A_483, %parallel_loop3A_643, %parallel_loop3A_644] : memref<2x64x128xf32, #tpu.memory_space<vmem>> -> memref<1x64x128xf32, #tpu.memory_space<vmem>>
        %parallel_loop3A_646 = tpu.memref_squeeze %parallel_loop3A_645 : memref<1x64x128xf32, #tpu.memory_space<vmem>> -> memref<64x128xf32, #tpu.memory_space<vmem>>
        tpu.vector_store_idx %parallel_loop3A_646[%parallel_loop3A_637, %parallel_loop3A_538], %parallel_loop3A_642 : memref<64x128xf32, #tpu.memory_space<vmem>>[vector<16xi32>, vector<16xi32>], vector<16xf32>,
        %parallel_loop3A_647 = arith.constant 0 : i32
        %parallel_loop3A_648 = vector.broadcast %parallel_loop3A_647 : i32 to vector<16xi32>
        %parallel_loop3A_649 = arith.addi %select_n3A_245, %parallel_loop3A_648 : vector<16xi32>
        %parallel_loop3A_650 = arith.constant 0 : i32
        %parallel_loop3A_651 = arith.constant 0 : i32
        %parallel_loop3A_652 = tpu.memref_slice %arg6[%rem3A_481, %parallel_loop3A_650, %parallel_loop3A_651] : memref<5x128x128xf32, #tpu.memory_space<vmem>> -> memref<1x128x128xf32, #tpu.memory_space<vmem>>
        %parallel_loop3A_653 = tpu.memref_squeeze %parallel_loop3A_652 : memref<1x128x128xf32, #tpu.memory_space<vmem>> -> memref<128x128xf32, #tpu.memory_space<vmem>>
        %parallel_loop3A_654 = tpu.vector_load_idx %parallel_loop3A_653[%parallel_loop3A_538, %parallel_loop3A_649] : memref<128x128xf32, #tpu.memory_space<vmem>>[vector<16xi32>, vector<16xi32>], vector<16xf32>,
        %parallel_loop3A_655 = arith.constant 0 : i32
        %parallel_loop3A_656 = arith.constant 0 : i32
        %parallel_loop3A_657 = tpu.memref_slice %arg7[%rem3A_483, %parallel_loop3A_655, %parallel_loop3A_656] : memref<2x64x128xf32, #tpu.memory_space<vmem>> -> memref<1x64x128xf32, #tpu.memory_space<vmem>>
        %parallel_loop3A_658 = tpu.memref_squeeze %parallel_loop3A_657 : memref<1x64x128xf32, #tpu.memory_space<vmem>> -> memref<64x128xf32, #tpu.memory_space<vmem>>
        tpu.vector_store_idx %parallel_loop3A_658[%parallel_loop3A_649, %parallel_loop3A_538], %parallel_loop3A_654 : memref<64x128xf32, #tpu.memory_space<vmem>>[vector<16xi32>, vector<16xi32>], vector<16xf32>,
        %parallel_loop3A_659 = arith.constant 0 : i32
        %parallel_loop3A_660 = vector.broadcast %parallel_loop3A_659 : i32 to vector<16xi32>
        %parallel_loop3A_661 = arith.addi %select_n3A_270, %parallel_loop3A_660 : vector<16xi32>
        %parallel_loop3A_662 = arith.constant 0 : i32
        %parallel_loop3A_663 = arith.constant 0 : i32
        %parallel_loop3A_664 = tpu.memref_slice %arg6[%rem3A_481, %parallel_loop3A_662, %parallel_loop3A_663] : memref<5x128x128xf32, #tpu.memory_space<vmem>> -> memref<1x128x128xf32, #tpu.memory_space<vmem>>
        %parallel_loop3A_665 = tpu.memref_squeeze %parallel_loop3A_664 : memref<1x128x128xf32, #tpu.memory_space<vmem>> -> memref<128x128xf32, #tpu.memory_space<vmem>>
        %parallel_loop3A_666 = tpu.vector_load_idx %parallel_loop3A_665[%parallel_loop3A_538, %parallel_loop3A_661] : memref<128x128xf32, #tpu.memory_space<vmem>>[vector<16xi32>, vector<16xi32>], vector<16xf32>,
        %parallel_loop3A_667 = arith.constant 0 : i32
        %parallel_loop3A_668 = arith.constant 0 : i32
        %parallel_loop3A_669 = tpu.memref_slice %arg7[%rem3A_483, %parallel_loop3A_667, %parallel_loop3A_668] : memref<2x64x128xf32, #tpu.memory_space<vmem>> -> memref<1x64x128xf32, #tpu.memory_space<vmem>>
        %parallel_loop3A_670 = tpu.memref_squeeze %parallel_loop3A_669 : memref<1x64x128xf32, #tpu.memory_space<vmem>> -> memref<64x128xf32, #tpu.memory_space<vmem>>
        tpu.vector_store_idx %parallel_loop3A_670[%parallel_loop3A_661, %parallel_loop3A_538], %parallel_loop3A_666 : memref<64x128xf32, #tpu.memory_space<vmem>>[vector<16xi32>, vector<16xi32>], vector<16xf32>,
        %parallel_loop3A_671 = arith.constant 0 : i32
        %parallel_loop3A_672 = vector.broadcast %parallel_loop3A_671 : i32 to vector<16xi32>
        %parallel_loop3A_673 = arith.addi %select_n3A_295, %parallel_loop3A_672 : vector<16xi32>
        %parallel_loop3A_674 = arith.constant 0 : i32
        %parallel_loop3A_675 = arith.constant 0 : i32
        %parallel_loop3A_676 = tpu.memref_slice %arg6[%rem3A_481, %parallel_loop3A_674, %parallel_loop3A_675] : memref<5x128x128xf32, #tpu.memory_space<vmem>> -> memref<1x128x128xf32, #tpu.memory_space<vmem>>
        %parallel_loop3A_677 = tpu.memref_squeeze %parallel_loop3A_676 : memref<1x128x128xf32, #tpu.memory_space<vmem>> -> memref<128x128xf32, #tpu.memory_space<vmem>>
        %parallel_loop3A_678 = tpu.vector_load_idx %parallel_loop3A_677[%parallel_loop3A_538, %parallel_loop3A_673] : memref<128x128xf32, #tpu.memory_space<vmem>>[vector<16xi32>, vector<16xi32>], vector<16xf32>,
        %parallel_loop3A_679 = arith.constant 0 : i32
        %parallel_loop3A_680 = arith.constant 0 : i32
        %parallel_loop3A_681 = tpu.memref_slice %arg7[%rem3A_483, %parallel_loop3A_679, %parallel_loop3A_680] : memref<2x64x128xf32, #tpu.memory_space<vmem>> -> memref<1x64x128xf32, #tpu.memory_space<vmem>>
        %parallel_loop3A_682 = tpu.memref_squeeze %parallel_loop3A_681 : memref<1x64x128xf32, #tpu.memory_space<vmem>> -> memref<64x128xf32, #tpu.memory_space<vmem>>
        tpu.vector_store_idx %parallel_loop3A_682[%parallel_loop3A_673, %parallel_loop3A_538], %parallel_loop3A_678 : memref<64x128xf32, #tpu.memory_space<vmem>>[vector<16xi32>, vector<16xi32>], vector<16xf32>,
        %parallel_loop3A_683 = arith.constant 0 : i32
        %parallel_loop3A_684 = vector.broadcast %parallel_loop3A_683 : i32 to vector<16xi32>
        %parallel_loop3A_685 = arith.addi %select_n3A_320, %parallel_loop3A_684 : vector<16xi32>
        %parallel_loop3A_686 = arith.constant 0 : i32
        %parallel_loop3A_687 = arith.constant 0 : i32
        %parallel_loop3A_688 = tpu.memref_slice %arg6[%rem3A_481, %parallel_loop3A_686, %parallel_loop3A_687] : memref<5x128x128xf32, #tpu.memory_space<vmem>> -> memref<1x128x128xf32, #tpu.memory_space<vmem>>
        %parallel_loop3A_689 = tpu.memref_squeeze %parallel_loop3A_688 : memref<1x128x128xf32, #tpu.memory_space<vmem>> -> memref<128x128xf32, #tpu.memory_space<vmem>>
        %parallel_loop3A_690 = tpu.vector_load_idx %parallel_loop3A_689[%parallel_loop3A_538, %parallel_loop3A_685] : memref<128x128xf32, #tpu.memory_space<vmem>>[vector<16xi32>, vector<16xi32>], vector<16xf32>,
        %parallel_loop3A_691 = arith.constant 0 : i32
        %parallel_loop3A_692 = arith.constant 0 : i32
        %parallel_loop3A_693 = tpu.memref_slice %arg7[%rem3A_483, %parallel_loop3A_691, %parallel_loop3A_692] : memref<2x64x128xf32, #tpu.memory_space<vmem>> -> memref<1x64x128xf32, #tpu.memory_space<vmem>>
        %parallel_loop3A_694 = tpu.memref_squeeze %parallel_loop3A_693 : memref<1x64x128xf32, #tpu.memory_space<vmem>> -> memref<64x128xf32, #tpu.memory_space<vmem>>
        tpu.vector_store_idx %parallel_loop3A_694[%parallel_loop3A_685, %parallel_loop3A_538], %parallel_loop3A_690 : memref<64x128xf32, #tpu.memory_space<vmem>>[vector<16xi32>, vector<16xi32>], vector<16xf32>,
        %parallel_loop3A_695 = arith.constant 0 : i32
        %parallel_loop3A_696 = vector.broadcast %parallel_loop3A_695 : i32 to vector<16xi32>
        %parallel_loop3A_697 = arith.addi %select_n3A_345, %parallel_loop3A_696 : vector<16xi32>
        %parallel_loop3A_698 = arith.constant 0 : i32
        %parallel_loop3A_699 = arith.constant 0 : i32
        %parallel_loop3A_700 = tpu.memref_slice %arg6[%rem3A_481, %parallel_loop3A_698, %parallel_loop3A_699] : memref<5x128x128xf32, #tpu.memory_space<vmem>> -> memref<1x128x128xf32, #tpu.memory_space<vmem>>
        %parallel_loop3A_701 = tpu.memref_squeeze %parallel_loop3A_700 : memref<1x128x128xf32, #tpu.memory_space<vmem>> -> memref<128x128xf32, #tpu.memory_space<vmem>>
        %parallel_loop3A_702 = tpu.vector_load_idx %parallel_loop3A_701[%parallel_loop3A_538, %parallel_loop3A_697] : memref<128x128xf32, #tpu.memory_space<vmem>>[vector<16xi32>, vector<16xi32>], vector<16xf32>,
        %parallel_loop3A_703 = arith.constant 0 : i32
        %parallel_loop3A_704 = arith.constant 0 : i32
        %parallel_loop3A_705 = tpu.memref_slice %arg7[%rem3A_483, %parallel_loop3A_703, %parallel_loop3A_704] : memref<2x64x128xf32, #tpu.memory_space<vmem>> -> memref<1x64x128xf32, #tpu.memory_space<vmem>>
        %parallel_loop3A_706 = tpu.memref_squeeze %parallel_loop3A_705 : memref<1x64x128xf32, #tpu.memory_space<vmem>> -> memref<64x128xf32, #tpu.memory_space<vmem>>
        tpu.vector_store_idx %parallel_loop3A_706[%parallel_loop3A_697, %parallel_loop3A_538], %parallel_loop3A_702 : memref<64x128xf32, #tpu.memory_space<vmem>>[vector<16xi32>, vector<16xi32>], vector<16xf32>,
        %parallel_loop3A_707 = arith.constant 0 : i32
        %parallel_loop3A_708 = vector.broadcast %parallel_loop3A_707 : i32 to vector<16xi32>
        %parallel_loop3A_709 = arith.addi %select_n3A_370, %parallel_loop3A_708 : vector<16xi32>
        %parallel_loop3A_710 = arith.constant 0 : i32
        %parallel_loop3A_711 = arith.constant 0 : i32
        %parallel_loop3A_712 = tpu.memref_slice %arg6[%rem3A_481, %parallel_loop3A_710, %parallel_loop3A_711] : memref<5x128x128xf32, #tpu.memory_space<vmem>> -> memref<1x128x128xf32, #tpu.memory_space<vmem>>
        %parallel_loop3A_713 = tpu.memref_squeeze %parallel_loop3A_712 : memref<1x128x128xf32, #tpu.memory_space<vmem>> -> memref<128x128xf32, #tpu.memory_space<vmem>>
        %parallel_loop3A_714 = tpu.vector_load_idx %parallel_loop3A_713[%parallel_loop3A_538, %parallel_loop3A_709] : memref<128x128xf32, #tpu.memory_space<vmem>>[vector<16xi32>, vector<16xi32>], vector<16xf32>,
        %parallel_loop3A_715 = arith.constant 0 : i32
        %parallel_loop3A_716 = arith.constant 0 : i32
        %parallel_loop3A_717 = tpu.memref_slice %arg7[%rem3A_483, %parallel_loop3A_715, %parallel_loop3A_716] : memref<2x64x128xf32, #tpu.memory_space<vmem>> -> memref<1x64x128xf32, #tpu.memory_space<vmem>>
        %parallel_loop3A_718 = tpu.memref_squeeze %parallel_loop3A_717 : memref<1x64x128xf32, #tpu.memory_space<vmem>> -> memref<64x128xf32, #tpu.memory_space<vmem>>
        tpu.vector_store_idx %parallel_loop3A_718[%parallel_loop3A_709, %parallel_loop3A_538], %parallel_loop3A_714 : memref<64x128xf32, #tpu.memory_space<vmem>>[vector<16xi32>, vector<16xi32>], vector<16xf32>,
        %parallel_loop3A_719 = arith.constant 0 : i32
        %parallel_loop3A_720 = vector.broadcast %parallel_loop3A_719 : i32 to vector<16xi32>
        %parallel_loop3A_721 = arith.addi %select_n3A_395, %parallel_loop3A_720 : vector<16xi32>
        %parallel_loop3A_722 = arith.constant 0 : i32
        %parallel_loop3A_723 = arith.constant 0 : i32
        %parallel_loop3A_724 = tpu.memref_slice %arg6[%rem3A_481, %parallel_loop3A_722, %parallel_loop3A_723] : memref<5x128x128xf32, #tpu.memory_space<vmem>> -> memref<1x128x128xf32, #tpu.memory_space<vmem>>
        %parallel_loop3A_725 = tpu.memref_squeeze %parallel_loop3A_724 : memref<1x128x128xf32, #tpu.memory_space<vmem>> -> memref<128x128xf32, #tpu.memory_space<vmem>>
        %parallel_loop3A_726 = tpu.vector_load_idx %parallel_loop3A_725[%parallel_loop3A_538, %parallel_loop3A_721] : memref<128x128xf32, #tpu.memory_space<vmem>>[vector<16xi32>, vector<16xi32>], vector<16xf32>,
        %parallel_loop3A_727 = arith.constant 0 : i32
        %parallel_loop3A_728 = arith.constant 0 : i32
        %parallel_loop3A_729 = tpu.memref_slice %arg7[%rem3A_483, %parallel_loop3A_727, %parallel_loop3A_728] : memref<2x64x128xf32, #tpu.memory_space<vmem>> -> memref<1x64x128xf32, #tpu.memory_space<vmem>>
        %parallel_loop3A_730 = tpu.memref_squeeze %parallel_loop3A_729 : memref<1x64x128xf32, #tpu.memory_space<vmem>> -> memref<64x128xf32, #tpu.memory_space<vmem>>
        tpu.vector_store_idx %parallel_loop3A_730[%parallel_loop3A_721, %parallel_loop3A_538], %parallel_loop3A_726 : memref<64x128xf32, #tpu.memory_space<vmem>>[vector<16xi32>, vector<16xi32>], vector<16xf32>,
        %parallel_loop3A_731 = arith.constant 16 : i32
        %parallel_loop3A_732 = vector.broadcast %parallel_loop3A_731 : i32 to vector<16xi32>
        %parallel_loop3A_733 = arith.addi %select_n3A_20, %parallel_loop3A_732 : vector<16xi32>
        %parallel_loop3A_734 = arith.constant 0 : i32
        %parallel_loop3A_735 = arith.constant 0 : i32
        %parallel_loop3A_736 = tpu.memref_slice %arg6[%rem3A_481, %parallel_loop3A_734, %parallel_loop3A_735] : memref<5x128x128xf32, #tpu.memory_space<vmem>> -> memref<1x128x128xf32, #tpu.memory_space<vmem>>
        %parallel_loop3A_737 = tpu.memref_squeeze %parallel_loop3A_736 : memref<1x128x128xf32, #tpu.memory_space<vmem>> -> memref<128x128xf32, #tpu.memory_space<vmem>>
        %parallel_loop3A_738 = tpu.vector_load_idx %parallel_loop3A_737[%parallel_loop3A_538, %parallel_loop3A_733] : memref<128x128xf32, #tpu.memory_space<vmem>>[vector<16xi32>, vector<16xi32>], vector<16xf32>,
        %parallel_loop3A_739 = arith.constant 0 : i32
        %parallel_loop3A_740 = arith.constant 0 : i32
        %parallel_loop3A_741 = tpu.memref_slice %arg7[%rem3A_483, %parallel_loop3A_739, %parallel_loop3A_740] : memref<2x64x128xf32, #tpu.memory_space<vmem>> -> memref<1x64x128xf32, #tpu.memory_space<vmem>>
        %parallel_loop3A_742 = tpu.memref_squeeze %parallel_loop3A_741 : memref<1x64x128xf32, #tpu.memory_space<vmem>> -> memref<64x128xf32, #tpu.memory_space<vmem>>
        tpu.vector_store_idx %parallel_loop3A_742[%parallel_loop3A_733, %parallel_loop3A_538], %parallel_loop3A_738 : memref<64x128xf32, #tpu.memory_space<vmem>>[vector<16xi32>, vector<16xi32>], vector<16xf32>,
        %parallel_loop3A_743 = arith.constant 16 : i32
        %parallel_loop3A_744 = vector.broadcast %parallel_loop3A_743 : i32 to vector<16xi32>
        %parallel_loop3A_745 = arith.addi %select_n3A_45, %parallel_loop3A_744 : vector<16xi32>
        %parallel_loop3A_746 = arith.constant 0 : i32
        %parallel_loop3A_747 = arith.constant 0 : i32
        %parallel_loop3A_748 = tpu.memref_slice %arg6[%rem3A_481, %parallel_loop3A_746, %parallel_loop3A_747] : memref<5x128x128xf32, #tpu.memory_space<vmem>> -> memref<1x128x128xf32, #tpu.memory_space<vmem>>
        %parallel_loop3A_749 = tpu.memref_squeeze %parallel_loop3A_748 : memref<1x128x128xf32, #tpu.memory_space<vmem>> -> memref<128x128xf32, #tpu.memory_space<vmem>>
        %parallel_loop3A_750 = tpu.vector_load_idx %parallel_loop3A_749[%parallel_loop3A_538, %parallel_loop3A_745] : memref<128x128xf32, #tpu.memory_space<vmem>>[vector<16xi32>, vector<16xi32>], vector<16xf32>,
        %parallel_loop3A_751 = arith.constant 0 : i32
        %parallel_loop3A_752 = arith.constant 0 : i32
        %parallel_loop3A_753 = tpu.memref_slice %arg7[%rem3A_483, %parallel_loop3A_751, %parallel_loop3A_752] : memref<2x64x128xf32, #tpu.memory_space<vmem>> -> memref<1x64x128xf32, #tpu.memory_space<vmem>>
        %parallel_loop3A_754 = tpu.memref_squeeze %parallel_loop3A_753 : memref<1x64x128xf32, #tpu.memory_space<vmem>> -> memref<64x128xf32, #tpu.memory_space<vmem>>
        tpu.vector_store_idx %parallel_loop3A_754[%parallel_loop3A_745, %parallel_loop3A_538], %parallel_loop3A_750 : memref<64x128xf32, #tpu.memory_space<vmem>>[vector<16xi32>, vector<16xi32>], vector<16xf32>,
        %parallel_loop3A_755 = arith.constant 16 : i32
        %parallel_loop3A_756 = vector.broadcast %parallel_loop3A_755 : i32 to vector<16xi32>
        %parallel_loop3A_757 = arith.addi %select_n3A_70, %parallel_loop3A_756 : vector<16xi32>
        %parallel_loop3A_758 = arith.constant 0 : i32
        %parallel_loop3A_759 = arith.constant 0 : i32
        %parallel_loop3A_760 = tpu.memref_slice %arg6[%rem3A_481, %parallel_loop3A_758, %parallel_loop3A_759] : memref<5x128x128xf32, #tpu.memory_space<vmem>> -> memref<1x128x128xf32, #tpu.memory_space<vmem>>
        %parallel_loop3A_761 = tpu.memref_squeeze %parallel_loop3A_760 : memref<1x128x128xf32, #tpu.memory_space<vmem>> -> memref<128x128xf32, #tpu.memory_space<vmem>>
        %parallel_loop3A_762 = tpu.vector_load_idx %parallel_loop3A_761[%parallel_loop3A_538, %parallel_loop3A_757] : memref<128x128xf32, #tpu.memory_space<vmem>>[vector<16xi32>, vector<16xi32>], vector<16xf32>,
        %parallel_loop3A_763 = arith.constant 0 : i32
        %parallel_loop3A_764 = arith.constant 0 : i32
        %parallel_loop3A_765 = tpu.memref_slice %arg7[%rem3A_483, %parallel_loop3A_763, %parallel_loop3A_764] : memref<2x64x128xf32, #tpu.memory_space<vmem>> -> memref<1x64x128xf32, #tpu.memory_space<vmem>>
        %parallel_loop3A_766 = tpu.memref_squeeze %parallel_loop3A_765 : memref<1x64x128xf32, #tpu.memory_space<vmem>> -> memref<64x128xf32, #tpu.memory_space<vmem>>
        tpu.vector_store_idx %parallel_loop3A_766[%parallel_loop3A_757, %parallel_loop3A_538], %parallel_loop3A_762 : memref<64x128xf32, #tpu.memory_space<vmem>>[vector<16xi32>, vector<16xi32>], vector<16xf32>,
        %parallel_loop3A_767 = arith.constant 16 : i32
        %parallel_loop3A_768 = vector.broadcast %parallel_loop3A_767 : i32 to vector<16xi32>
        %parallel_loop3A_769 = arith.addi %select_n3A_95, %parallel_loop3A_768 : vector<16xi32>
        %parallel_loop3A_770 = arith.constant 0 : i32
        %parallel_loop3A_771 = arith.constant 0 : i32
        %parallel_loop3A_772 = tpu.memref_slice %arg6[%rem3A_481, %parallel_loop3A_770, %parallel_loop3A_771] : memref<5x128x128xf32, #tpu.memory_space<vmem>> -> memref<1x128x128xf32, #tpu.memory_space<vmem>>
        %parallel_loop3A_773 = tpu.memref_squeeze %parallel_loop3A_772 : memref<1x128x128xf32, #tpu.memory_space<vmem>> -> memref<128x128xf32, #tpu.memory_space<vmem>>
        %parallel_loop3A_774 = tpu.vector_load_idx %parallel_loop3A_773[%parallel_loop3A_538, %parallel_loop3A_769] : memref<128x128xf32, #tpu.memory_space<vmem>>[vector<16xi32>, vector<16xi32>], vector<16xf32>,
        %parallel_loop3A_775 = arith.constant 0 : i32
        %parallel_loop3A_776 = arith.constant 0 : i32
        %parallel_loop3A_777 = tpu.memref_slice %arg7[%rem3A_483, %parallel_loop3A_775, %parallel_loop3A_776] : memref<2x64x128xf32, #tpu.memory_space<vmem>> -> memref<1x64x128xf32, #tpu.memory_space<vmem>>
        %parallel_loop3A_778 = tpu.memref_squeeze %parallel_loop3A_777 : memref<1x64x128xf32, #tpu.memory_space<vmem>> -> memref<64x128xf32, #tpu.memory_space<vmem>>
        tpu.vector_store_idx %parallel_loop3A_778[%parallel_loop3A_769, %parallel_loop3A_538], %parallel_loop3A_774 : memref<64x128xf32, #tpu.memory_space<vmem>>[vector<16xi32>, vector<16xi32>], vector<16xf32>,
        %parallel_loop3A_779 = arith.constant 16 : i32
        %parallel_loop3A_780 = vector.broadcast %parallel_loop3A_779 : i32 to vector<16xi32>
        %parallel_loop3A_781 = arith.addi %select_n3A_120, %parallel_loop3A_780 : vector<16xi32>
        %parallel_loop3A_782 = arith.constant 0 : i32
        %parallel_loop3A_783 = arith.constant 0 : i32
        %parallel_loop3A_784 = tpu.memref_slice %arg6[%rem3A_481, %parallel_loop3A_782, %parallel_loop3A_783] : memref<5x128x128xf32, #tpu.memory_space<vmem>> -> memref<1x128x128xf32, #tpu.memory_space<vmem>>
        %parallel_loop3A_785 = tpu.memref_squeeze %parallel_loop3A_784 : memref<1x128x128xf32, #tpu.memory_space<vmem>> -> memref<128x128xf32, #tpu.memory_space<vmem>>
        %parallel_loop3A_786 = tpu.vector_load_idx %parallel_loop3A_785[%parallel_loop3A_538, %parallel_loop3A_781] : memref<128x128xf32, #tpu.memory_space<vmem>>[vector<16xi32>, vector<16xi32>], vector<16xf32>,
        %parallel_loop3A_787 = arith.constant 0 : i32
        %parallel_loop3A_788 = arith.constant 0 : i32
        %parallel_loop3A_789 = tpu.memref_slice %arg7[%rem3A_483, %parallel_loop3A_787, %parallel_loop3A_788] : memref<2x64x128xf32, #tpu.memory_space<vmem>> -> memref<1x64x128xf32, #tpu.memory_space<vmem>>
        %parallel_loop3A_790 = tpu.memref_squeeze %parallel_loop3A_789 : memref<1x64x128xf32, #tpu.memory_space<vmem>> -> memref<64x128xf32, #tpu.memory_space<vmem>>
        tpu.vector_store_idx %parallel_loop3A_790[%parallel_loop3A_781, %parallel_loop3A_538], %parallel_loop3A_786 : memref<64x128xf32, #tpu.memory_space<vmem>>[vector<16xi32>, vector<16xi32>], vector<16xf32>,
        %parallel_loop3A_791 = arith.constant 16 : i32
        %parallel_loop3A_792 = vector.broadcast %parallel_loop3A_791 : i32 to vector<16xi32>
        %parallel_loop3A_793 = arith.addi %select_n3A_145, %parallel_loop3A_792 : vector<16xi32>
        %parallel_loop3A_794 = arith.constant 0 : i32
        %parallel_loop3A_795 = arith.constant 0 : i32
        %parallel_loop3A_796 = tpu.memref_slice %arg6[%rem3A_481, %parallel_loop3A_794, %parallel_loop3A_795] : memref<5x128x128xf32, #tpu.memory_space<vmem>> -> memref<1x128x128xf32, #tpu.memory_space<vmem>>
        %parallel_loop3A_797 = tpu.memref_squeeze %parallel_loop3A_796 : memref<1x128x128xf32, #tpu.memory_space<vmem>> -> memref<128x128xf32, #tpu.memory_space<vmem>>
        %parallel_loop3A_798 = tpu.vector_load_idx %parallel_loop3A_797[%parallel_loop3A_538, %parallel_loop3A_793] : memref<128x128xf32, #tpu.memory_space<vmem>>[vector<16xi32>, vector<16xi32>], vector<16xf32>,
        %parallel_loop3A_799 = arith.constant 0 : i32
        %parallel_loop3A_800 = arith.constant 0 : i32
        %parallel_loop3A_801 = tpu.memref_slice %arg7[%rem3A_483, %parallel_loop3A_799, %parallel_loop3A_800] : memref<2x64x128xf32, #tpu.memory_space<vmem>> -> memref<1x64x128xf32, #tpu.memory_space<vmem>>
        %parallel_loop3A_802 = tpu.memref_squeeze %parallel_loop3A_801 : memref<1x64x128xf32, #tpu.memory_space<vmem>> -> memref<64x128xf32, #tpu.memory_space<vmem>>
        tpu.vector_store_idx %parallel_loop3A_802[%parallel_loop3A_793, %parallel_loop3A_538], %parallel_loop3A_798 : memref<64x128xf32, #tpu.memory_space<vmem>>[vector<16xi32>, vector<16xi32>], vector<16xf32>,
        %parallel_loop3A_803 = arith.constant 16 : i32
        %parallel_loop3A_804 = vector.broadcast %parallel_loop3A_803 : i32 to vector<16xi32>
        %parallel_loop3A_805 = arith.addi %select_n3A_170, %parallel_loop3A_804 : vector<16xi32>
        %parallel_loop3A_806 = arith.constant 0 : i32
        %parallel_loop3A_807 = arith.constant 0 : i32
        %parallel_loop3A_808 = tpu.memref_slice %arg6[%rem3A_481, %parallel_loop3A_806, %parallel_loop3A_807] : memref<5x128x128xf32, #tpu.memory_space<vmem>> -> memref<1x128x128xf32, #tpu.memory_space<vmem>>
        %parallel_loop3A_809 = tpu.memref_squeeze %parallel_loop3A_808 : memref<1x128x128xf32, #tpu.memory_space<vmem>> -> memref<128x128xf32, #tpu.memory_space<vmem>>
        %parallel_loop3A_810 = tpu.vector_load_idx %parallel_loop3A_809[%parallel_loop3A_538, %parallel_loop3A_805] : memref<128x128xf32, #tpu.memory_space<vmem>>[vector<16xi32>, vector<16xi32>], vector<16xf32>,
        %parallel_loop3A_811 = arith.constant 0 : i32
        %parallel_loop3A_812 = arith.constant 0 : i32
        %parallel_loop3A_813 = tpu.memref_slice %arg7[%rem3A_483, %parallel_loop3A_811, %parallel_loop3A_812] : memref<2x64x128xf32, #tpu.memory_space<vmem>> -> memref<1x64x128xf32, #tpu.memory_space<vmem>>
        %parallel_loop3A_814 = tpu.memref_squeeze %parallel_loop3A_813 : memref<1x64x128xf32, #tpu.memory_space<vmem>> -> memref<64x128xf32, #tpu.memory_space<vmem>>
        tpu.vector_store_idx %parallel_loop3A_814[%parallel_loop3A_805, %parallel_loop3A_538], %parallel_loop3A_810 : memref<64x128xf32, #tpu.memory_space<vmem>>[vector<16xi32>, vector<16xi32>], vector<16xf32>,
        %parallel_loop3A_815 = arith.constant 16 : i32
        %parallel_loop3A_816 = vector.broadcast %parallel_loop3A_815 : i32 to vector<16xi32>
        %parallel_loop3A_817 = arith.addi %select_n3A_195, %parallel_loop3A_816 : vector<16xi32>
        %parallel_loop3A_818 = arith.constant 0 : i32
        %parallel_loop3A_819 = arith.constant 0 : i32
        %parallel_loop3A_820 = tpu.memref_slice %arg6[%rem3A_481, %parallel_loop3A_818, %parallel_loop3A_819] : memref<5x128x128xf32, #tpu.memory_space<vmem>> -> memref<1x128x128xf32, #tpu.memory_space<vmem>>
        %parallel_loop3A_821 = tpu.memref_squeeze %parallel_loop3A_820 : memref<1x128x128xf32, #tpu.memory_space<vmem>> -> memref<128x128xf32, #tpu.memory_space<vmem>>
        %parallel_loop3A_822 = tpu.vector_load_idx %parallel_loop3A_821[%parallel_loop3A_538, %parallel_loop3A_817] : memref<128x128xf32, #tpu.memory_space<vmem>>[vector<16xi32>, vector<16xi32>], vector<16xf32>,
        %parallel_loop3A_823 = arith.constant 0 : i32
        %parallel_loop3A_824 = arith.constant 0 : i32
        %parallel_loop3A_825 = tpu.memref_slice %arg7[%rem3A_483, %parallel_loop3A_823, %parallel_loop3A_824] : memref<2x64x128xf32, #tpu.memory_space<vmem>> -> memref<1x64x128xf32, #tpu.memory_space<vmem>>
        %parallel_loop3A_826 = tpu.memref_squeeze %parallel_loop3A_825 : memref<1x64x128xf32, #tpu.memory_space<vmem>> -> memref<64x128xf32, #tpu.memory_space<vmem>>
        tpu.vector_store_idx %parallel_loop3A_826[%parallel_loop3A_817, %parallel_loop3A_538], %parallel_loop3A_822 : memref<64x128xf32, #tpu.memory_space<vmem>>[vector<16xi32>, vector<16xi32>], vector<16xf32>,
        %parallel_loop3A_827 = arith.constant 16 : i32
        %parallel_loop3A_828 = vector.broadcast %parallel_loop3A_827 : i32 to vector<16xi32>
        %parallel_loop3A_829 = arith.addi %select_n3A_220, %parallel_loop3A_828 : vector<16xi32>
        %parallel_loop3A_830 = arith.constant 0 : i32
        %parallel_loop3A_831 = arith.constant 0 : i32
        %parallel_loop3A_832 = tpu.memref_slice %arg6[%rem3A_481, %parallel_loop3A_830, %parallel_loop3A_831] : memref<5x128x128xf32, #tpu.memory_space<vmem>> -> memref<1x128x128xf32, #tpu.memory_space<vmem>>
        %parallel_loop3A_833 = tpu.memref_squeeze %parallel_loop3A_832 : memref<1x128x128xf32, #tpu.memory_space<vmem>> -> memref<128x128xf32, #tpu.memory_space<vmem>>
        %parallel_loop3A_834 = tpu.vector_load_idx %parallel_loop3A_833[%parallel_loop3A_538, %parallel_loop3A_829] : memref<128x128xf32, #tpu.memory_space<vmem>>[vector<16xi32>, vector<16xi32>], vector<16xf32>,
        %parallel_loop3A_835 = arith.constant 0 : i32
        %parallel_loop3A_836 = arith.constant 0 : i32
        %parallel_loop3A_837 = tpu.memref_slice %arg7[%rem3A_483, %parallel_loop3A_835, %parallel_loop3A_836] : memref<2x64x128xf32, #tpu.memory_space<vmem>> -> memref<1x64x128xf32, #tpu.memory_space<vmem>>
        %parallel_loop3A_838 = tpu.memref_squeeze %parallel_loop3A_837 : memref<1x64x128xf32, #tpu.memory_space<vmem>> -> memref<64x128xf32, #tpu.memory_space<vmem>>
        tpu.vector_store_idx %parallel_loop3A_838[%parallel_loop3A_829, %parallel_loop3A_538], %parallel_loop3A_834 : memref<64x128xf32, #tpu.memory_space<vmem>>[vector<16xi32>, vector<16xi32>], vector<16xf32>,
        %parallel_loop3A_839 = arith.constant 16 : i32
        %parallel_loop3A_840 = vector.broadcast %parallel_loop3A_839 : i32 to vector<16xi32>
        %parallel_loop3A_841 = arith.addi %select_n3A_245, %parallel_loop3A_840 : vector<16xi32>
        %parallel_loop3A_842 = arith.constant 0 : i32
        %parallel_loop3A_843 = arith.constant 0 : i32
        %parallel_loop3A_844 = tpu.memref_slice %arg6[%rem3A_481, %parallel_loop3A_842, %parallel_loop3A_843] : memref<5x128x128xf32, #tpu.memory_space<vmem>> -> memref<1x128x128xf32, #tpu.memory_space<vmem>>
        %parallel_loop3A_845 = tpu.memref_squeeze %parallel_loop3A_844 : memref<1x128x128xf32, #tpu.memory_space<vmem>> -> memref<128x128xf32, #tpu.memory_space<vmem>>
        %parallel_loop3A_846 = tpu.vector_load_idx %parallel_loop3A_845[%parallel_loop3A_538, %parallel_loop3A_841] : memref<128x128xf32, #tpu.memory_space<vmem>>[vector<16xi32>, vector<16xi32>], vector<16xf32>,
        %parallel_loop3A_847 = arith.constant 0 : i32
        %parallel_loop3A_848 = arith.constant 0 : i32
        %parallel_loop3A_849 = tpu.memref_slice %arg7[%rem3A_483, %parallel_loop3A_847, %parallel_loop3A_848] : memref<2x64x128xf32, #tpu.memory_space<vmem>> -> memref<1x64x128xf32, #tpu.memory_space<vmem>>
        %parallel_loop3A_850 = tpu.memref_squeeze %parallel_loop3A_849 : memref<1x64x128xf32, #tpu.memory_space<vmem>> -> memref<64x128xf32, #tpu.memory_space<vmem>>
        tpu.vector_store_idx %parallel_loop3A_850[%parallel_loop3A_841, %parallel_loop3A_538], %parallel_loop3A_846 : memref<64x128xf32, #tpu.memory_space<vmem>>[vector<16xi32>, vector<16xi32>], vector<16xf32>,
        %parallel_loop3A_851 = arith.constant 16 : i32
        %parallel_loop3A_852 = vector.broadcast %parallel_loop3A_851 : i32 to vector<16xi32>
        %parallel_loop3A_853 = arith.addi %select_n3A_270, %parallel_loop3A_852 : vector<16xi32>
        %parallel_loop3A_854 = arith.constant 0 : i32
        %parallel_loop3A_855 = arith.constant 0 : i32
        %parallel_loop3A_856 = tpu.memref_slice %arg6[%rem3A_481, %parallel_loop3A_854, %parallel_loop3A_855] : memref<5x128x128xf32, #tpu.memory_space<vmem>> -> memref<1x128x128xf32, #tpu.memory_space<vmem>>
        %parallel_loop3A_857 = tpu.memref_squeeze %parallel_loop3A_856 : memref<1x128x128xf32, #tpu.memory_space<vmem>> -> memref<128x128xf32, #tpu.memory_space<vmem>>
        %parallel_loop3A_858 = tpu.vector_load_idx %parallel_loop3A_857[%parallel_loop3A_538, %parallel_loop3A_853] : memref<128x128xf32, #tpu.memory_space<vmem>>[vector<16xi32>, vector<16xi32>], vector<16xf32>,
        %parallel_loop3A_859 = arith.constant 0 : i32
        %parallel_loop3A_860 = arith.constant 0 : i32
        %parallel_loop3A_861 = tpu.memref_slice %arg7[%rem3A_483, %parallel_loop3A_859, %parallel_loop3A_860] : memref<2x64x128xf32, #tpu.memory_space<vmem>> -> memref<1x64x128xf32, #tpu.memory_space<vmem>>
        %parallel_loop3A_862 = tpu.memref_squeeze %parallel_loop3A_861 : memref<1x64x128xf32, #tpu.memory_space<vmem>> -> memref<64x128xf32, #tpu.memory_space<vmem>>
        tpu.vector_store_idx %parallel_loop3A_862[%parallel_loop3A_853, %parallel_loop3A_538], %parallel_loop3A_858 : memref<64x128xf32, #tpu.memory_space<vmem>>[vector<16xi32>, vector<16xi32>], vector<16xf32>,
        %parallel_loop3A_863 = arith.constant 16 : i32
        %parallel_loop3A_864 = vector.broadcast %parallel_loop3A_863 : i32 to vector<16xi32>
        %parallel_loop3A_865 = arith.addi %select_n3A_295, %parallel_loop3A_864 : vector<16xi32>
        %parallel_loop3A_866 = arith.constant 0 : i32
        %parallel_loop3A_867 = arith.constant 0 : i32
        %parallel_loop3A_868 = tpu.memref_slice %arg6[%rem3A_481, %parallel_loop3A_866, %parallel_loop3A_867] : memref<5x128x128xf32, #tpu.memory_space<vmem>> -> memref<1x128x128xf32, #tpu.memory_space<vmem>>
        %parallel_loop3A_869 = tpu.memref_squeeze %parallel_loop3A_868 : memref<1x128x128xf32, #tpu.memory_space<vmem>> -> memref<128x128xf32, #tpu.memory_space<vmem>>
        %parallel_loop3A_870 = tpu.vector_load_idx %parallel_loop3A_869[%parallel_loop3A_538, %parallel_loop3A_865] : memref<128x128xf32, #tpu.memory_space<vmem>>[vector<16xi32>, vector<16xi32>], vector<16xf32>,
        %parallel_loop3A_871 = arith.constant 0 : i32
        %parallel_loop3A_872 = arith.constant 0 : i32
        %parallel_loop3A_873 = tpu.memref_slice %arg7[%rem3A_483, %parallel_loop3A_871, %parallel_loop3A_872] : memref<2x64x128xf32, #tpu.memory_space<vmem>> -> memref<1x64x128xf32, #tpu.memory_space<vmem>>
        %parallel_loop3A_874 = tpu.memref_squeeze %parallel_loop3A_873 : memref<1x64x128xf32, #tpu.memory_space<vmem>> -> memref<64x128xf32, #tpu.memory_space<vmem>>
        tpu.vector_store_idx %parallel_loop3A_874[%parallel_loop3A_865, %parallel_loop3A_538], %parallel_loop3A_870 : memref<64x128xf32, #tpu.memory_space<vmem>>[vector<16xi32>, vector<16xi32>], vector<16xf32>,
        %parallel_loop3A_875 = arith.constant 16 : i32
        %parallel_loop3A_876 = vector.broadcast %parallel_loop3A_875 : i32 to vector<16xi32>
        %parallel_loop3A_877 = arith.addi %select_n3A_320, %parallel_loop3A_876 : vector<16xi32>
        %parallel_loop3A_878 = arith.constant 0 : i32
        %parallel_loop3A_879 = arith.constant 0 : i32
        %parallel_loop3A_880 = tpu.memref_slice %arg6[%rem3A_481, %parallel_loop3A_878, %parallel_loop3A_879] : memref<5x128x128xf32, #tpu.memory_space<vmem>> -> memref<1x128x128xf32, #tpu.memory_space<vmem>>
        %parallel_loop3A_881 = tpu.memref_squeeze %parallel_loop3A_880 : memref<1x128x128xf32, #tpu.memory_space<vmem>> -> memref<128x128xf32, #tpu.memory_space<vmem>>
        %parallel_loop3A_882 = tpu.vector_load_idx %parallel_loop3A_881[%parallel_loop3A_538, %parallel_loop3A_877] : memref<128x128xf32, #tpu.memory_space<vmem>>[vector<16xi32>, vector<16xi32>], vector<16xf32>,
        %parallel_loop3A_883 = arith.constant 0 : i32
        %parallel_loop3A_884 = arith.constant 0 : i32
        %parallel_loop3A_885 = tpu.memref_slice %arg7[%rem3A_483, %parallel_loop3A_883, %parallel_loop3A_884] : memref<2x64x128xf32, #tpu.memory_space<vmem>> -> memref<1x64x128xf32, #tpu.memory_space<vmem>>
        %parallel_loop3A_886 = tpu.memref_squeeze %parallel_loop3A_885 : memref<1x64x128xf32, #tpu.memory_space<vmem>> -> memref<64x128xf32, #tpu.memory_space<vmem>>
        tpu.vector_store_idx %parallel_loop3A_886[%parallel_loop3A_877, %parallel_loop3A_538], %parallel_loop3A_882 : memref<64x128xf32, #tpu.memory_space<vmem>>[vector<16xi32>, vector<16xi32>], vector<16xf32>,
        %parallel_loop3A_887 = arith.constant 16 : i32
        %parallel_loop3A_888 = vector.broadcast %parallel_loop3A_887 : i32 to vector<16xi32>
        %parallel_loop3A_889 = arith.addi %select_n3A_345, %parallel_loop3A_888 : vector<16xi32>
        %parallel_loop3A_890 = arith.constant 0 : i32
        %parallel_loop3A_891 = arith.constant 0 : i32
        %parallel_loop3A_892 = tpu.memref_slice %arg6[%rem3A_481, %parallel_loop3A_890, %parallel_loop3A_891] : memref<5x128x128xf32, #tpu.memory_space<vmem>> -> memref<1x128x128xf32, #tpu.memory_space<vmem>>
        %parallel_loop3A_893 = tpu.memref_squeeze %parallel_loop3A_892 : memref<1x128x128xf32, #tpu.memory_space<vmem>> -> memref<128x128xf32, #tpu.memory_space<vmem>>
        %parallel_loop3A_894 = tpu.vector_load_idx %parallel_loop3A_893[%parallel_loop3A_538, %parallel_loop3A_889] : memref<128x128xf32, #tpu.memory_space<vmem>>[vector<16xi32>, vector<16xi32>], vector<16xf32>,
        %parallel_loop3A_895 = arith.constant 0 : i32
        %parallel_loop3A_896 = arith.constant 0 : i32
        %parallel_loop3A_897 = tpu.memref_slice %arg7[%rem3A_483, %parallel_loop3A_895, %parallel_loop3A_896] : memref<2x64x128xf32, #tpu.memory_space<vmem>> -> memref<1x64x128xf32, #tpu.memory_space<vmem>>
        %parallel_loop3A_898 = tpu.memref_squeeze %parallel_loop3A_897 : memref<1x64x128xf32, #tpu.memory_space<vmem>> -> memref<64x128xf32, #tpu.memory_space<vmem>>
        tpu.vector_store_idx %parallel_loop3A_898[%parallel_loop3A_889, %parallel_loop3A_538], %parallel_loop3A_894 : memref<64x128xf32, #tpu.memory_space<vmem>>[vector<16xi32>, vector<16xi32>], vector<16xf32>,
        %parallel_loop3A_899 = arith.constant 16 : i32
        %parallel_loop3A_900 = vector.broadcast %parallel_loop3A_899 : i32 to vector<16xi32>
        %parallel_loop3A_901 = arith.addi %select_n3A_370, %parallel_loop3A_900 : vector<16xi32>
        %parallel_loop3A_902 = arith.constant 0 : i32
        %parallel_loop3A_903 = arith.constant 0 : i32
        %parallel_loop3A_904 = tpu.memref_slice %arg6[%rem3A_481, %parallel_loop3A_902, %parallel_loop3A_903] : memref<5x128x128xf32, #tpu.memory_space<vmem>> -> memref<1x128x128xf32, #tpu.memory_space<vmem>>
        %parallel_loop3A_905 = tpu.memref_squeeze %parallel_loop3A_904 : memref<1x128x128xf32, #tpu.memory_space<vmem>> -> memref<128x128xf32, #tpu.memory_space<vmem>>
        %parallel_loop3A_906 = tpu.vector_load_idx %parallel_loop3A_905[%parallel_loop3A_538, %parallel_loop3A_901] : memref<128x128xf32, #tpu.memory_space<vmem>>[vector<16xi32>, vector<16xi32>], vector<16xf32>,
        %parallel_loop3A_907 = arith.constant 0 : i32
        %parallel_loop3A_908 = arith.constant 0 : i32
        %parallel_loop3A_909 = tpu.memref_slice %arg7[%rem3A_483, %parallel_loop3A_907, %parallel_loop3A_908] : memref<2x64x128xf32, #tpu.memory_space<vmem>> -> memref<1x64x128xf32, #tpu.memory_space<vmem>>
        %parallel_loop3A_910 = tpu.memref_squeeze %parallel_loop3A_909 : memref<1x64x128xf32, #tpu.memory_space<vmem>> -> memref<64x128xf32, #tpu.memory_space<vmem>>
        tpu.vector_store_idx %parallel_loop3A_910[%parallel_loop3A_901, %parallel_loop3A_538], %parallel_loop3A_906 : memref<64x128xf32, #tpu.memory_space<vmem>>[vector<16xi32>, vector<16xi32>], vector<16xf32>,
        %parallel_loop3A_911 = arith.constant 16 : i32
        %parallel_loop3A_912 = vector.broadcast %parallel_loop3A_911 : i32 to vector<16xi32>
        %parallel_loop3A_913 = arith.addi %select_n3A_395, %parallel_loop3A_912 : vector<16xi32>
        %parallel_loop3A_914 = arith.constant 0 : i32
        %parallel_loop3A_915 = arith.constant 0 : i32
        %parallel_loop3A_916 = tpu.memref_slice %arg6[%rem3A_481, %parallel_loop3A_914, %parallel_loop3A_915] : memref<5x128x128xf32, #tpu.memory_space<vmem>> -> memref<1x128x128xf32, #tpu.memory_space<vmem>>
        %parallel_loop3A_917 = tpu.memref_squeeze %parallel_loop3A_916 : memref<1x128x128xf32, #tpu.memory_space<vmem>> -> memref<128x128xf32, #tpu.memory_space<vmem>>
        %parallel_loop3A_918 = tpu.vector_load_idx %parallel_loop3A_917[%parallel_loop3A_538, %parallel_loop3A_913] : memref<128x128xf32, #tpu.memory_space<vmem>>[vector<16xi32>, vector<16xi32>], vector<16xf32>,
        %parallel_loop3A_919 = arith.constant 0 : i32
        %parallel_loop3A_920 = arith.constant 0 : i32
        %parallel_loop3A_921 = tpu.memref_slice %arg7[%rem3A_483, %parallel_loop3A_919, %parallel_loop3A_920] : memref<2x64x128xf32, #tpu.memory_space<vmem>> -> memref<1x64x128xf32, #tpu.memory_space<vmem>>
        %parallel_loop3A_922 = tpu.memref_squeeze %parallel_loop3A_921 : memref<1x64x128xf32, #tpu.memory_space<vmem>> -> memref<64x128xf32, #tpu.memory_space<vmem>>
        tpu.vector_store_idx %parallel_loop3A_922[%parallel_loop3A_913, %parallel_loop3A_538], %parallel_loop3A_918 : memref<64x128xf32, #tpu.memory_space<vmem>>[vector<16xi32>, vector<16xi32>], vector<16xf32>,
        %parallel_loop3A_923 = arith.constant 32 : i32
        %parallel_loop3A_924 = vector.broadcast %parallel_loop3A_923 : i32 to vector<16xi32>
        %parallel_loop3A_925 = arith.addi %select_n3A_20, %parallel_loop3A_924 : vector<16xi32>
        %parallel_loop3A_926 = arith.constant 0 : i32
        %parallel_loop3A_927 = arith.constant 0 : i32
        %parallel_loop3A_928 = tpu.memref_slice %arg6[%rem3A_481, %parallel_loop3A_926, %parallel_loop3A_927] : memref<5x128x128xf32, #tpu.memory_space<vmem>> -> memref<1x128x128xf32, #tpu.memory_space<vmem>>
        %parallel_loop3A_929 = tpu.memref_squeeze %parallel_loop3A_928 : memref<1x128x128xf32, #tpu.memory_space<vmem>> -> memref<128x128xf32, #tpu.memory_space<vmem>>
        %parallel_loop3A_930 = tpu.vector_load_idx %parallel_loop3A_929[%parallel_loop3A_538, %parallel_loop3A_925] : memref<128x128xf32, #tpu.memory_space<vmem>>[vector<16xi32>, vector<16xi32>], vector<16xf32>,
        %parallel_loop3A_931 = arith.constant 0 : i32
        %parallel_loop3A_932 = arith.constant 0 : i32
        %parallel_loop3A_933 = tpu.memref_slice %arg7[%rem3A_483, %parallel_loop3A_931, %parallel_loop3A_932] : memref<2x64x128xf32, #tpu.memory_space<vmem>> -> memref<1x64x128xf32, #tpu.memory_space<vmem>>
        %parallel_loop3A_934 = tpu.memref_squeeze %parallel_loop3A_933 : memref<1x64x128xf32, #tpu.memory_space<vmem>> -> memref<64x128xf32, #tpu.memory_space<vmem>>
        tpu.vector_store_idx %parallel_loop3A_934[%parallel_loop3A_925, %parallel_loop3A_538], %parallel_loop3A_930 : memref<64x128xf32, #tpu.memory_space<vmem>>[vector<16xi32>, vector<16xi32>], vector<16xf32>,
        %parallel_loop3A_935 = arith.constant 32 : i32
        %parallel_loop3A_936 = vector.broadcast %parallel_loop3A_935 : i32 to vector<16xi32>
        %parallel_loop3A_937 = arith.addi %select_n3A_45, %parallel_loop3A_936 : vector<16xi32>
        %parallel_loop3A_938 = arith.constant 0 : i32
        %parallel_loop3A_939 = arith.constant 0 : i32
        %parallel_loop3A_940 = tpu.memref_slice %arg6[%rem3A_481, %parallel_loop3A_938, %parallel_loop3A_939] : memref<5x128x128xf32, #tpu.memory_space<vmem>> -> memref<1x128x128xf32, #tpu.memory_space<vmem>>
        %parallel_loop3A_941 = tpu.memref_squeeze %parallel_loop3A_940 : memref<1x128x128xf32, #tpu.memory_space<vmem>> -> memref<128x128xf32, #tpu.memory_space<vmem>>
        %parallel_loop3A_942 = tpu.vector_load_idx %parallel_loop3A_941[%parallel_loop3A_538, %parallel_loop3A_937] : memref<128x128xf32, #tpu.memory_space<vmem>>[vector<16xi32>, vector<16xi32>], vector<16xf32>,
        %parallel_loop3A_943 = arith.constant 0 : i32
        %parallel_loop3A_944 = arith.constant 0 : i32
        %parallel_loop3A_945 = tpu.memref_slice %arg7[%rem3A_483, %parallel_loop3A_943, %parallel_loop3A_944] : memref<2x64x128xf32, #tpu.memory_space<vmem>> -> memref<1x64x128xf32, #tpu.memory_space<vmem>>
        %parallel_loop3A_946 = tpu.memref_squeeze %parallel_loop3A_945 : memref<1x64x128xf32, #tpu.memory_space<vmem>> -> memref<64x128xf32, #tpu.memory_space<vmem>>
        tpu.vector_store_idx %parallel_loop3A_946[%parallel_loop3A_937, %parallel_loop3A_538], %parallel_loop3A_942 : memref<64x128xf32, #tpu.memory_space<vmem>>[vector<16xi32>, vector<16xi32>], vector<16xf32>,
        %parallel_loop3A_947 = arith.constant 32 : i32
        %parallel_loop3A_948 = vector.broadcast %parallel_loop3A_947 : i32 to vector<16xi32>
        %parallel_loop3A_949 = arith.addi %select_n3A_70, %parallel_loop3A_948 : vector<16xi32>
        %parallel_loop3A_950 = arith.constant 0 : i32
        %parallel_loop3A_951 = arith.constant 0 : i32
        %parallel_loop3A_952 = tpu.memref_slice %arg6[%rem3A_481, %parallel_loop3A_950, %parallel_loop3A_951] : memref<5x128x128xf32, #tpu.memory_space<vmem>> -> memref<1x128x128xf32, #tpu.memory_space<vmem>>
        %parallel_loop3A_953 = tpu.memref_squeeze %parallel_loop3A_952 : memref<1x128x128xf32, #tpu.memory_space<vmem>> -> memref<128x128xf32, #tpu.memory_space<vmem>>
        %parallel_loop3A_954 = tpu.vector_load_idx %parallel_loop3A_953[%parallel_loop3A_538, %parallel_loop3A_949] : memref<128x128xf32, #tpu.memory_space<vmem>>[vector<16xi32>, vector<16xi32>], vector<16xf32>,
        %parallel_loop3A_955 = arith.constant 0 : i32
        %parallel_loop3A_956 = arith.constant 0 : i32
        %parallel_loop3A_957 = tpu.memref_slice %arg7[%rem3A_483, %parallel_loop3A_955, %parallel_loop3A_956] : memref<2x64x128xf32, #tpu.memory_space<vmem>> -> memref<1x64x128xf32, #tpu.memory_space<vmem>>
        %parallel_loop3A_958 = tpu.memref_squeeze %parallel_loop3A_957 : memref<1x64x128xf32, #tpu.memory_space<vmem>> -> memref<64x128xf32, #tpu.memory_space<vmem>>
        tpu.vector_store_idx %parallel_loop3A_958[%parallel_loop3A_949, %parallel_loop3A_538], %parallel_loop3A_954 : memref<64x128xf32, #tpu.memory_space<vmem>>[vector<16xi32>, vector<16xi32>], vector<16xf32>,
        %parallel_loop3A_959 = arith.constant 32 : i32
        %parallel_loop3A_960 = vector.broadcast %parallel_loop3A_959 : i32 to vector<16xi32>
        %parallel_loop3A_961 = arith.addi %select_n3A_95, %parallel_loop3A_960 : vector<16xi32>
        %parallel_loop3A_962 = arith.constant 0 : i32
        %parallel_loop3A_963 = arith.constant 0 : i32
        %parallel_loop3A_964 = tpu.memref_slice %arg6[%rem3A_481, %parallel_loop3A_962, %parallel_loop3A_963] : memref<5x128x128xf32, #tpu.memory_space<vmem>> -> memref<1x128x128xf32, #tpu.memory_space<vmem>>
        %parallel_loop3A_965 = tpu.memref_squeeze %parallel_loop3A_964 : memref<1x128x128xf32, #tpu.memory_space<vmem>> -> memref<128x128xf32, #tpu.memory_space<vmem>>
        %parallel_loop3A_966 = tpu.vector_load_idx %parallel_loop3A_965[%parallel_loop3A_538, %parallel_loop3A_961] : memref<128x128xf32, #tpu.memory_space<vmem>>[vector<16xi32>, vector<16xi32>], vector<16xf32>,
        %parallel_loop3A_967 = arith.constant 0 : i32
        %parallel_loop3A_968 = arith.constant 0 : i32
        %parallel_loop3A_969 = tpu.memref_slice %arg7[%rem3A_483, %parallel_loop3A_967, %parallel_loop3A_968] : memref<2x64x128xf32, #tpu.memory_space<vmem>> -> memref<1x64x128xf32, #tpu.memory_space<vmem>>
        %parallel_loop3A_970 = tpu.memref_squeeze %parallel_loop3A_969 : memref<1x64x128xf32, #tpu.memory_space<vmem>> -> memref<64x128xf32, #tpu.memory_space<vmem>>
        tpu.vector_store_idx %parallel_loop3A_970[%parallel_loop3A_961, %parallel_loop3A_538], %parallel_loop3A_966 : memref<64x128xf32, #tpu.memory_space<vmem>>[vector<16xi32>, vector<16xi32>], vector<16xf32>,
        %parallel_loop3A_971 = arith.constant 32 : i32
        %parallel_loop3A_972 = vector.broadcast %parallel_loop3A_971 : i32 to vector<16xi32>
        %parallel_loop3A_973 = arith.addi %select_n3A_120, %parallel_loop3A_972 : vector<16xi32>
        %parallel_loop3A_974 = arith.constant 0 : i32
        %parallel_loop3A_975 = arith.constant 0 : i32
        %parallel_loop3A_976 = tpu.memref_slice %arg6[%rem3A_481, %parallel_loop3A_974, %parallel_loop3A_975] : memref<5x128x128xf32, #tpu.memory_space<vmem>> -> memref<1x128x128xf32, #tpu.memory_space<vmem>>
        %parallel_loop3A_977 = tpu.memref_squeeze %parallel_loop3A_976 : memref<1x128x128xf32, #tpu.memory_space<vmem>> -> memref<128x128xf32, #tpu.memory_space<vmem>>
        %parallel_loop3A_978 = tpu.vector_load_idx %parallel_loop3A_977[%parallel_loop3A_538, %parallel_loop3A_973] : memref<128x128xf32, #tpu.memory_space<vmem>>[vector<16xi32>, vector<16xi32>], vector<16xf32>,
        %parallel_loop3A_979 = arith.constant 0 : i32
        %parallel_loop3A_980 = arith.constant 0 : i32
        %parallel_loop3A_981 = tpu.memref_slice %arg7[%rem3A_483, %parallel_loop3A_979, %parallel_loop3A_980] : memref<2x64x128xf32, #tpu.memory_space<vmem>> -> memref<1x64x128xf32, #tpu.memory_space<vmem>>
        %parallel_loop3A_982 = tpu.memref_squeeze %parallel_loop3A_981 : memref<1x64x128xf32, #tpu.memory_space<vmem>> -> memref<64x128xf32, #tpu.memory_space<vmem>>
        tpu.vector_store_idx %parallel_loop3A_982[%parallel_loop3A_973, %parallel_loop3A_538], %parallel_loop3A_978 : memref<64x128xf32, #tpu.memory_space<vmem>>[vector<16xi32>, vector<16xi32>], vector<16xf32>,
        %parallel_loop3A_983 = arith.constant 32 : i32
        %parallel_loop3A_984 = vector.broadcast %parallel_loop3A_983 : i32 to vector<16xi32>
        %parallel_loop3A_985 = arith.addi %select_n3A_145, %parallel_loop3A_984 : vector<16xi32>
        %parallel_loop3A_986 = arith.constant 0 : i32
        %parallel_loop3A_987 = arith.constant 0 : i32
        %parallel_loop3A_988 = tpu.memref_slice %arg6[%rem3A_481, %parallel_loop3A_986, %parallel_loop3A_987] : memref<5x128x128xf32, #tpu.memory_space<vmem>> -> memref<1x128x128xf32, #tpu.memory_space<vmem>>
        %parallel_loop3A_989 = tpu.memref_squeeze %parallel_loop3A_988 : memref<1x128x128xf32, #tpu.memory_space<vmem>> -> memref<128x128xf32, #tpu.memory_space<vmem>>
        %parallel_loop3A_990 = tpu.vector_load_idx %parallel_loop3A_989[%parallel_loop3A_538, %parallel_loop3A_985] : memref<128x128xf32, #tpu.memory_space<vmem>>[vector<16xi32>, vector<16xi32>], vector<16xf32>,
        %parallel_loop3A_991 = arith.constant 0 : i32
        %parallel_loop3A_992 = arith.constant 0 : i32
        %parallel_loop3A_993 = tpu.memref_slice %arg7[%rem3A_483, %parallel_loop3A_991, %parallel_loop3A_992] : memref<2x64x128xf32, #tpu.memory_space<vmem>> -> memref<1x64x128xf32, #tpu.memory_space<vmem>>
        %parallel_loop3A_994 = tpu.memref_squeeze %parallel_loop3A_993 : memref<1x64x128xf32, #tpu.memory_space<vmem>> -> memref<64x128xf32, #tpu.memory_space<vmem>>
        tpu.vector_store_idx %parallel_loop3A_994[%parallel_loop3A_985, %parallel_loop3A_538], %parallel_loop3A_990 : memref<64x128xf32, #tpu.memory_space<vmem>>[vector<16xi32>, vector<16xi32>], vector<16xf32>,
        %parallel_loop3A_995 = arith.constant 32 : i32
        %parallel_loop3A_996 = vector.broadcast %parallel_loop3A_995 : i32 to vector<16xi32>
        %parallel_loop3A_997 = arith.addi %select_n3A_170, %parallel_loop3A_996 : vector<16xi32>
        %parallel_loop3A_998 = arith.constant 0 : i32
        %parallel_loop3A_999 = arith.constant 0 : i32
        %parallel_loop3A_1000 = tpu.memref_slice %arg6[%rem3A_481, %parallel_loop3A_998, %parallel_loop3A_999] : memref<5x128x128xf32, #tpu.memory_space<vmem>> -> memref<1x128x128xf32, #tpu.memory_space<vmem>>
        %parallel_loop3A_1001 = tpu.memref_squeeze %parallel_loop3A_1000 : memref<1x128x128xf32, #tpu.memory_space<vmem>> -> memref<128x128xf32, #tpu.memory_space<vmem>>
        %parallel_loop3A_1002 = tpu.vector_load_idx %parallel_loop3A_1001[%parallel_loop3A_538, %parallel_loop3A_997] : memref<128x128xf32, #tpu.memory_space<vmem>>[vector<16xi32>, vector<16xi32>], vector<16xf32>,
        %parallel_loop3A_1003 = arith.constant 0 : i32
        %parallel_loop3A_1004 = arith.constant 0 : i32
        %parallel_loop3A_1005 = tpu.memref_slice %arg7[%rem3A_483, %parallel_loop3A_1003, %parallel_loop3A_1004] : memref<2x64x128xf32, #tpu.memory_space<vmem>> -> memref<1x64x128xf32, #tpu.memory_space<vmem>>
        %parallel_loop3A_1006 = tpu.memref_squeeze %parallel_loop3A_1005 : memref<1x64x128xf32, #tpu.memory_space<vmem>> -> memref<64x128xf32, #tpu.memory_space<vmem>>
        tpu.vector_store_idx %parallel_loop3A_1006[%parallel_loop3A_997, %parallel_loop3A_538], %parallel_loop3A_1002 : memref<64x128xf32, #tpu.memory_space<vmem>>[vector<16xi32>, vector<16xi32>], vector<16xf32>,
        %parallel_loop3A_1007 = arith.constant 32 : i32
        %parallel_loop3A_1008 = vector.broadcast %parallel_loop3A_1007 : i32 to vector<16xi32>
        %parallel_loop3A_1009 = arith.addi %select_n3A_195, %parallel_loop3A_1008 : vector<16xi32>
        %parallel_loop3A_1010 = arith.constant 0 : i32
        %parallel_loop3A_1011 = arith.constant 0 : i32
        %parallel_loop3A_1012 = tpu.memref_slice %arg6[%rem3A_481, %parallel_loop3A_1010, %parallel_loop3A_1011] : memref<5x128x128xf32, #tpu.memory_space<vmem>> -> memref<1x128x128xf32, #tpu.memory_space<vmem>>
        %parallel_loop3A_1013 = tpu.memref_squeeze %parallel_loop3A_1012 : memref<1x128x128xf32, #tpu.memory_space<vmem>> -> memref<128x128xf32, #tpu.memory_space<vmem>>
        %parallel_loop3A_1014 = tpu.vector_load_idx %parallel_loop3A_1013[%parallel_loop3A_538, %parallel_loop3A_1009] : memref<128x128xf32, #tpu.memory_space<vmem>>[vector<16xi32>, vector<16xi32>], vector<16xf32>,
        %parallel_loop3A_1015 = arith.constant 0 : i32
        %parallel_loop3A_1016 = arith.constant 0 : i32
        %parallel_loop3A_1017 = tpu.memref_slice %arg7[%rem3A_483, %parallel_loop3A_1015, %parallel_loop3A_1016] : memref<2x64x128xf32, #tpu.memory_space<vmem>> -> memref<1x64x128xf32, #tpu.memory_space<vmem>>
        %parallel_loop3A_1018 = tpu.memref_squeeze %parallel_loop3A_1017 : memref<1x64x128xf32, #tpu.memory_space<vmem>> -> memref<64x128xf32, #tpu.memory_space<vmem>>
        tpu.vector_store_idx %parallel_loop3A_1018[%parallel_loop3A_1009, %parallel_loop3A_538], %parallel_loop3A_1014 : memref<64x128xf32, #tpu.memory_space<vmem>>[vector<16xi32>, vector<16xi32>], vector<16xf32>,
        %parallel_loop3A_1019 = arith.constant 32 : i32
        %parallel_loop3A_1020 = vector.broadcast %parallel_loop3A_1019 : i32 to vector<16xi32>
        %parallel_loop3A_1021 = arith.addi %select_n3A_220, %parallel_loop3A_1020 : vector<16xi32>
        %parallel_loop3A_1022 = arith.constant 0 : i32
        %parallel_loop3A_1023 = arith.constant 0 : i32
        %parallel_loop3A_1024 = tpu.memref_slice %arg6[%rem3A_481, %parallel_loop3A_1022, %parallel_loop3A_1023] : memref<5x128x128xf32, #tpu.memory_space<vmem>> -> memref<1x128x128xf32, #tpu.memory_space<vmem>>
        %parallel_loop3A_1025 = tpu.memref_squeeze %parallel_loop3A_1024 : memref<1x128x128xf32, #tpu.memory_space<vmem>> -> memref<128x128xf32, #tpu.memory_space<vmem>>
        %parallel_loop3A_1026 = tpu.vector_load_idx %parallel_loop3A_1025[%parallel_loop3A_538, %parallel_loop3A_1021] : memref<128x128xf32, #tpu.memory_space<vmem>>[vector<16xi32>, vector<16xi32>], vector<16xf32>,
        %parallel_loop3A_1027 = arith.constant 0 : i32
        %parallel_loop3A_1028 = arith.constant 0 : i32
        %parallel_loop3A_1029 = tpu.memref_slice %arg7[%rem3A_483, %parallel_loop3A_1027, %parallel_loop3A_1028] : memref<2x64x128xf32, #tpu.memory_space<vmem>> -> memref<1x64x128xf32, #tpu.memory_space<vmem>>
        %parallel_loop3A_1030 = tpu.memref_squeeze %parallel_loop3A_1029 : memref<1x64x128xf32, #tpu.memory_space<vmem>> -> memref<64x128xf32, #tpu.memory_space<vmem>>
        tpu.vector_store_idx %parallel_loop3A_1030[%parallel_loop3A_1021, %parallel_loop3A_538], %parallel_loop3A_1026 : memref<64x128xf32, #tpu.memory_space<vmem>>[vector<16xi32>, vector<16xi32>], vector<16xf32>,
        %parallel_loop3A_1031 = arith.constant 32 : i32
        %parallel_loop3A_1032 = vector.broadcast %parallel_loop3A_1031 : i32 to vector<16xi32>
        %parallel_loop3A_1033 = arith.addi %select_n3A_245, %parallel_loop3A_1032 : vector<16xi32>
        %parallel_loop3A_1034 = arith.constant 0 : i32
        %parallel_loop3A_1035 = arith.constant 0 : i32
        %parallel_loop3A_1036 = tpu.memref_slice %arg6[%rem3A_481, %parallel_loop3A_1034, %parallel_loop3A_1035] : memref<5x128x128xf32, #tpu.memory_space<vmem>> -> memref<1x128x128xf32, #tpu.memory_space<vmem>>
        %parallel_loop3A_1037 = tpu.memref_squeeze %parallel_loop3A_1036 : memref<1x128x128xf32, #tpu.memory_space<vmem>> -> memref<128x128xf32, #tpu.memory_space<vmem>>
        %parallel_loop3A_1038 = tpu.vector_load_idx %parallel_loop3A_1037[%parallel_loop3A_538, %parallel_loop3A_1033] : memref<128x128xf32, #tpu.memory_space<vmem>>[vector<16xi32>, vector<16xi32>], vector<16xf32>,
        %parallel_loop3A_1039 = arith.constant 0 : i32
        %parallel_loop3A_1040 = arith.constant 0 : i32
        %parallel_loop3A_1041 = tpu.memref_slice %arg7[%rem3A_483, %parallel_loop3A_1039, %parallel_loop3A_1040] : memref<2x64x128xf32, #tpu.memory_space<vmem>> -> memref<1x64x128xf32, #tpu.memory_space<vmem>>
        %parallel_loop3A_1042 = tpu.memref_squeeze %parallel_loop3A_1041 : memref<1x64x128xf32, #tpu.memory_space<vmem>> -> memref<64x128xf32, #tpu.memory_space<vmem>>
        tpu.vector_store_idx %parallel_loop3A_1042[%parallel_loop3A_1033, %parallel_loop3A_538], %parallel_loop3A_1038 : memref<64x128xf32, #tpu.memory_space<vmem>>[vector<16xi32>, vector<16xi32>], vector<16xf32>,
        %parallel_loop3A_1043 = arith.constant 32 : i32
        %parallel_loop3A_1044 = vector.broadcast %parallel_loop3A_1043 : i32 to vector<16xi32>
        %parallel_loop3A_1045 = arith.addi %select_n3A_270, %parallel_loop3A_1044 : vector<16xi32>
        %parallel_loop3A_1046 = arith.constant 0 : i32
        %parallel_loop3A_1047 = arith.constant 0 : i32
        %parallel_loop3A_1048 = tpu.memref_slice %arg6[%rem3A_481, %parallel_loop3A_1046, %parallel_loop3A_1047] : memref<5x128x128xf32, #tpu.memory_space<vmem>> -> memref<1x128x128xf32, #tpu.memory_space<vmem>>
        %parallel_loop3A_1049 = tpu.memref_squeeze %parallel_loop3A_1048 : memref<1x128x128xf32, #tpu.memory_space<vmem>> -> memref<128x128xf32, #tpu.memory_space<vmem>>
        %parallel_loop3A_1050 = tpu.vector_load_idx %parallel_loop3A_1049[%parallel_loop3A_538, %parallel_loop3A_1045] : memref<128x128xf32, #tpu.memory_space<vmem>>[vector<16xi32>, vector<16xi32>], vector<16xf32>,
        %parallel_loop3A_1051 = arith.constant 0 : i32
        %parallel_loop3A_1052 = arith.constant 0 : i32
        %parallel_loop3A_1053 = tpu.memref_slice %arg7[%rem3A_483, %parallel_loop3A_1051, %parallel_loop3A_1052] : memref<2x64x128xf32, #tpu.memory_space<vmem>> -> memref<1x64x128xf32, #tpu.memory_space<vmem>>
        %parallel_loop3A_1054 = tpu.memref_squeeze %parallel_loop3A_1053 : memref<1x64x128xf32, #tpu.memory_space<vmem>> -> memref<64x128xf32, #tpu.memory_space<vmem>>
        tpu.vector_store_idx %parallel_loop3A_1054[%parallel_loop3A_1045, %parallel_loop3A_538], %parallel_loop3A_1050 : memref<64x128xf32, #tpu.memory_space<vmem>>[vector<16xi32>, vector<16xi32>], vector<16xf32>,
        %parallel_loop3A_1055 = arith.constant 32 : i32
        %parallel_loop3A_1056 = vector.broadcast %parallel_loop3A_1055 : i32 to vector<16xi32>
        %parallel_loop3A_1057 = arith.addi %select_n3A_295, %parallel_loop3A_1056 : vector<16xi32>
        %parallel_loop3A_1058 = arith.constant 0 : i32
        %parallel_loop3A_1059 = arith.constant 0 : i32
        %parallel_loop3A_1060 = tpu.memref_slice %arg6[%rem3A_481, %parallel_loop3A_1058, %parallel_loop3A_1059] : memref<5x128x128xf32, #tpu.memory_space<vmem>> -> memref<1x128x128xf32, #tpu.memory_space<vmem>>
        %parallel_loop3A_1061 = tpu.memref_squeeze %parallel_loop3A_1060 : memref<1x128x128xf32, #tpu.memory_space<vmem>> -> memref<128x128xf32, #tpu.memory_space<vmem>>
        %parallel_loop3A_1062 = tpu.vector_load_idx %parallel_loop3A_1061[%parallel_loop3A_538, %parallel_loop3A_1057] : memref<128x128xf32, #tpu.memory_space<vmem>>[vector<16xi32>, vector<16xi32>], vector<16xf32>,
        %parallel_loop3A_1063 = arith.constant 0 : i32
        %parallel_loop3A_1064 = arith.constant 0 : i32
        %parallel_loop3A_1065 = tpu.memref_slice %arg7[%rem3A_483, %parallel_loop3A_1063, %parallel_loop3A_1064] : memref<2x64x128xf32, #tpu.memory_space<vmem>> -> memref<1x64x128xf32, #tpu.memory_space<vmem>>
        %parallel_loop3A_1066 = tpu.memref_squeeze %parallel_loop3A_1065 : memref<1x64x128xf32, #tpu.memory_space<vmem>> -> memref<64x128xf32, #tpu.memory_space<vmem>>
        tpu.vector_store_idx %parallel_loop3A_1066[%parallel_loop3A_1057, %parallel_loop3A_538], %parallel_loop3A_1062 : memref<64x128xf32, #tpu.memory_space<vmem>>[vector<16xi32>, vector<16xi32>], vector<16xf32>,
        %parallel_loop3A_1067 = arith.constant 32 : i32
        %parallel_loop3A_1068 = vector.broadcast %parallel_loop3A_1067 : i32 to vector<16xi32>
        %parallel_loop3A_1069 = arith.addi %select_n3A_320, %parallel_loop3A_1068 : vector<16xi32>
        %parallel_loop3A_1070 = arith.constant 0 : i32
        %parallel_loop3A_1071 = arith.constant 0 : i32
        %parallel_loop3A_1072 = tpu.memref_slice %arg6[%rem3A_481, %parallel_loop3A_1070, %parallel_loop3A_1071] : memref<5x128x128xf32, #tpu.memory_space<vmem>> -> memref<1x128x128xf32, #tpu.memory_space<vmem>>
        %parallel_loop3A_1073 = tpu.memref_squeeze %parallel_loop3A_1072 : memref<1x128x128xf32, #tpu.memory_space<vmem>> -> memref<128x128xf32, #tpu.memory_space<vmem>>
        %parallel_loop3A_1074 = tpu.vector_load_idx %parallel_loop3A_1073[%parallel_loop3A_538, %parallel_loop3A_1069] : memref<128x128xf32, #tpu.memory_space<vmem>>[vector<16xi32>, vector<16xi32>], vector<16xf32>,
        %parallel_loop3A_1075 = arith.constant 0 : i32
        %parallel_loop3A_1076 = arith.constant 0 : i32
        %parallel_loop3A_1077 = tpu.memref_slice %arg7[%rem3A_483, %parallel_loop3A_1075, %parallel_loop3A_1076] : memref<2x64x128xf32, #tpu.memory_space<vmem>> -> memref<1x64x128xf32, #tpu.memory_space<vmem>>
        %parallel_loop3A_1078 = tpu.memref_squeeze %parallel_loop3A_1077 : memref<1x64x128xf32, #tpu.memory_space<vmem>> -> memref<64x128xf32, #tpu.memory_space<vmem>>
        tpu.vector_store_idx %parallel_loop3A_1078[%parallel_loop3A_1069, %parallel_loop3A_538], %parallel_loop3A_1074 : memref<64x128xf32, #tpu.memory_space<vmem>>[vector<16xi32>, vector<16xi32>], vector<16xf32>,
        %parallel_loop3A_1079 = arith.constant 32 : i32
        %parallel_loop3A_1080 = vector.broadcast %parallel_loop3A_1079 : i32 to vector<16xi32>
        %parallel_loop3A_1081 = arith.addi %select_n3A_345, %parallel_loop3A_1080 : vector<16xi32>
        %parallel_loop3A_1082 = arith.constant 0 : i32
        %parallel_loop3A_1083 = arith.constant 0 : i32
        %parallel_loop3A_1084 = tpu.memref_slice %arg6[%rem3A_481, %parallel_loop3A_1082, %parallel_loop3A_1083] : memref<5x128x128xf32, #tpu.memory_space<vmem>> -> memref<1x128x128xf32, #tpu.memory_space<vmem>>
        %parallel_loop3A_1085 = tpu.memref_squeeze %parallel_loop3A_1084 : memref<1x128x128xf32, #tpu.memory_space<vmem>> -> memref<128x128xf32, #tpu.memory_space<vmem>>
        %parallel_loop3A_1086 = tpu.vector_load_idx %parallel_loop3A_1085[%parallel_loop3A_538, %parallel_loop3A_1081] : memref<128x128xf32, #tpu.memory_space<vmem>>[vector<16xi32>, vector<16xi32>], vector<16xf32>,
        %parallel_loop3A_1087 = arith.constant 0 : i32
        %parallel_loop3A_1088 = arith.constant 0 : i32
        %parallel_loop3A_1089 = tpu.memref_slice %arg7[%rem3A_483, %parallel_loop3A_1087, %parallel_loop3A_1088] : memref<2x64x128xf32, #tpu.memory_space<vmem>> -> memref<1x64x128xf32, #tpu.memory_space<vmem>>
        %parallel_loop3A_1090 = tpu.memref_squeeze %parallel_loop3A_1089 : memref<1x64x128xf32, #tpu.memory_space<vmem>> -> memref<64x128xf32, #tpu.memory_space<vmem>>
        tpu.vector_store_idx %parallel_loop3A_1090[%parallel_loop3A_1081, %parallel_loop3A_538], %parallel_loop3A_1086 : memref<64x128xf32, #tpu.memory_space<vmem>>[vector<16xi32>, vector<16xi32>], vector<16xf32>,
        %parallel_loop3A_1091 = arith.constant 32 : i32
        %parallel_loop3A_1092 = vector.broadcast %parallel_loop3A_1091 : i32 to vector<16xi32>
        %parallel_loop3A_1093 = arith.addi %select_n3A_370, %parallel_loop3A_1092 : vector<16xi32>
        %parallel_loop3A_1094 = arith.constant 0 : i32
        %parallel_loop3A_1095 = arith.constant 0 : i32
        %parallel_loop3A_1096 = tpu.memref_slice %arg6[%rem3A_481, %parallel_loop3A_1094, %parallel_loop3A_1095] : memref<5x128x128xf32, #tpu.memory_space<vmem>> -> memref<1x128x128xf32, #tpu.memory_space<vmem>>
        %parallel_loop3A_1097 = tpu.memref_squeeze %parallel_loop3A_1096 : memref<1x128x128xf32, #tpu.memory_space<vmem>> -> memref<128x128xf32, #tpu.memory_space<vmem>>
        %parallel_loop3A_1098 = tpu.vector_load_idx %parallel_loop3A_1097[%parallel_loop3A_538, %parallel_loop3A_1093] : memref<128x128xf32, #tpu.memory_space<vmem>>[vector<16xi32>, vector<16xi32>], vector<16xf32>,
        %parallel_loop3A_1099 = arith.constant 0 : i32
        %parallel_loop3A_1100 = arith.constant 0 : i32
        %parallel_loop3A_1101 = tpu.memref_slice %arg7[%rem3A_483, %parallel_loop3A_1099, %parallel_loop3A_1100] : memref<2x64x128xf32, #tpu.memory_space<vmem>> -> memref<1x64x128xf32, #tpu.memory_space<vmem>>
        %parallel_loop3A_1102 = tpu.memref_squeeze %parallel_loop3A_1101 : memref<1x64x128xf32, #tpu.memory_space<vmem>> -> memref<64x128xf32, #tpu.memory_space<vmem>>
        tpu.vector_store_idx %parallel_loop3A_1102[%parallel_loop3A_1093, %parallel_loop3A_538], %parallel_loop3A_1098 : memref<64x128xf32, #tpu.memory_space<vmem>>[vector<16xi32>, vector<16xi32>], vector<16xf32>,
        %parallel_loop3A_1103 = arith.constant 32 : i32
        %parallel_loop3A_1104 = vector.broadcast %parallel_loop3A_1103 : i32 to vector<16xi32>
        %parallel_loop3A_1105 = arith.addi %select_n3A_395, %parallel_loop3A_1104 : vector<16xi32>
        %parallel_loop3A_1106 = arith.constant 0 : i32
        %parallel_loop3A_1107 = arith.constant 0 : i32
        %parallel_loop3A_1108 = tpu.memref_slice %arg6[%rem3A_481, %parallel_loop3A_1106, %parallel_loop3A_1107] : memref<5x128x128xf32, #tpu.memory_space<vmem>> -> memref<1x128x128xf32, #tpu.memory_space<vmem>>
        %parallel_loop3A_1109 = tpu.memref_squeeze %parallel_loop3A_1108 : memref<1x128x128xf32, #tpu.memory_space<vmem>> -> memref<128x128xf32, #tpu.memory_space<vmem>>
        %parallel_loop3A_1110 = tpu.vector_load_idx %parallel_loop3A_1109[%parallel_loop3A_538, %parallel_loop3A_1105] : memref<128x128xf32, #tpu.memory_space<vmem>>[vector<16xi32>, vector<16xi32>], vector<16xf32>,
        %parallel_loop3A_1111 = arith.constant 0 : i32
        %parallel_loop3A_1112 = arith.constant 0 : i32
        %parallel_loop3A_1113 = tpu.memref_slice %arg7[%rem3A_483, %parallel_loop3A_1111, %parallel_loop3A_1112] : memref<2x64x128xf32, #tpu.memory_space<vmem>> -> memref<1x64x128xf32, #tpu.memory_space<vmem>>
        %parallel_loop3A_1114 = tpu.memref_squeeze %parallel_loop3A_1113 : memref<1x64x128xf32, #tpu.memory_space<vmem>> -> memref<64x128xf32, #tpu.memory_space<vmem>>
        tpu.vector_store_idx %parallel_loop3A_1114[%parallel_loop3A_1105, %parallel_loop3A_538], %parallel_loop3A_1110 : memref<64x128xf32, #tpu.memory_space<vmem>>[vector<16xi32>, vector<16xi32>], vector<16xf32>,
        %parallel_loop3A_1115 = arith.constant 48 : i32
        %parallel_loop3A_1116 = vector.broadcast %parallel_loop3A_1115 : i32 to vector<16xi32>
        %parallel_loop3A_1117 = arith.addi %select_n3A_20, %parallel_loop3A_1116 : vector<16xi32>
        %parallel_loop3A_1118 = arith.constant 0 : i32
        %parallel_loop3A_1119 = arith.constant 0 : i32
        %parallel_loop3A_1120 = tpu.memref_slice %arg6[%rem3A_481, %parallel_loop3A_1118, %parallel_loop3A_1119] : memref<5x128x128xf32, #tpu.memory_space<vmem>> -> memref<1x128x128xf32, #tpu.memory_space<vmem>>
        %parallel_loop3A_1121 = tpu.memref_squeeze %parallel_loop3A_1120 : memref<1x128x128xf32, #tpu.memory_space<vmem>> -> memref<128x128xf32, #tpu.memory_space<vmem>>
        %parallel_loop3A_1122 = tpu.vector_load_idx %parallel_loop3A_1121[%parallel_loop3A_538, %parallel_loop3A_1117] : memref<128x128xf32, #tpu.memory_space<vmem>>[vector<16xi32>, vector<16xi32>], vector<16xf32>,
        %parallel_loop3A_1123 = arith.constant 0 : i32
        %parallel_loop3A_1124 = arith.constant 0 : i32
        %parallel_loop3A_1125 = tpu.memref_slice %arg7[%rem3A_483, %parallel_loop3A_1123, %parallel_loop3A_1124] : memref<2x64x128xf32, #tpu.memory_space<vmem>> -> memref<1x64x128xf32, #tpu.memory_space<vmem>>
        %parallel_loop3A_1126 = tpu.memref_squeeze %parallel_loop3A_1125 : memref<1x64x128xf32, #tpu.memory_space<vmem>> -> memref<64x128xf32, #tpu.memory_space<vmem>>
        tpu.vector_store_idx %parallel_loop3A_1126[%parallel_loop3A_1117, %parallel_loop3A_538], %parallel_loop3A_1122 : memref<64x128xf32, #tpu.memory_space<vmem>>[vector<16xi32>, vector<16xi32>], vector<16xf32>,
        %parallel_loop3A_1127 = arith.constant 48 : i32
        %parallel_loop3A_1128 = vector.broadcast %parallel_loop3A_1127 : i32 to vector<16xi32>
        %parallel_loop3A_1129 = arith.addi %select_n3A_45, %parallel_loop3A_1128 : vector<16xi32>
        %parallel_loop3A_1130 = arith.constant 0 : i32
        %parallel_loop3A_1131 = arith.constant 0 : i32
        %parallel_loop3A_1132 = tpu.memref_slice %arg6[%rem3A_481, %parallel_loop3A_1130, %parallel_loop3A_1131] : memref<5x128x128xf32, #tpu.memory_space<vmem>> -> memref<1x128x128xf32, #tpu.memory_space<vmem>>
        %parallel_loop3A_1133 = tpu.memref_squeeze %parallel_loop3A_1132 : memref<1x128x128xf32, #tpu.memory_space<vmem>> -> memref<128x128xf32, #tpu.memory_space<vmem>>
        %parallel_loop3A_1134 = tpu.vector_load_idx %parallel_loop3A_1133[%parallel_loop3A_538, %parallel_loop3A_1129] : memref<128x128xf32, #tpu.memory_space<vmem>>[vector<16xi32>, vector<16xi32>], vector<16xf32>,
        %parallel_loop3A_1135 = arith.constant 0 : i32
        %parallel_loop3A_1136 = arith.constant 0 : i32
        %parallel_loop3A_1137 = tpu.memref_slice %arg7[%rem3A_483, %parallel_loop3A_1135, %parallel_loop3A_1136] : memref<2x64x128xf32, #tpu.memory_space<vmem>> -> memref<1x64x128xf32, #tpu.memory_space<vmem>>
        %parallel_loop3A_1138 = tpu.memref_squeeze %parallel_loop3A_1137 : memref<1x64x128xf32, #tpu.memory_space<vmem>> -> memref<64x128xf32, #tpu.memory_space<vmem>>
        tpu.vector_store_idx %parallel_loop3A_1138[%parallel_loop3A_1129, %parallel_loop3A_538], %parallel_loop3A_1134 : memref<64x128xf32, #tpu.memory_space<vmem>>[vector<16xi32>, vector<16xi32>], vector<16xf32>,
        %parallel_loop3A_1139 = arith.constant 48 : i32
        %parallel_loop3A_1140 = vector.broadcast %parallel_loop3A_1139 : i32 to vector<16xi32>
        %parallel_loop3A_1141 = arith.addi %select_n3A_70, %parallel_loop3A_1140 : vector<16xi32>
        %parallel_loop3A_1142 = arith.constant 0 : i32
        %parallel_loop3A_1143 = arith.constant 0 : i32
        %parallel_loop3A_1144 = tpu.memref_slice %arg6[%rem3A_481, %parallel_loop3A_1142, %parallel_loop3A_1143] : memref<5x128x128xf32, #tpu.memory_space<vmem>> -> memref<1x128x128xf32, #tpu.memory_space<vmem>>
        %parallel_loop3A_1145 = tpu.memref_squeeze %parallel_loop3A_1144 : memref<1x128x128xf32, #tpu.memory_space<vmem>> -> memref<128x128xf32, #tpu.memory_space<vmem>>
        %parallel_loop3A_1146 = tpu.vector_load_idx %parallel_loop3A_1145[%parallel_loop3A_538, %parallel_loop3A_1141] : memref<128x128xf32, #tpu.memory_space<vmem>>[vector<16xi32>, vector<16xi32>], vector<16xf32>,
        %parallel_loop3A_1147 = arith.constant 0 : i32
        %parallel_loop3A_1148 = arith.constant 0 : i32
        %parallel_loop3A_1149 = tpu.memref_slice %arg7[%rem3A_483, %parallel_loop3A_1147, %parallel_loop3A_1148] : memref<2x64x128xf32, #tpu.memory_space<vmem>> -> memref<1x64x128xf32, #tpu.memory_space<vmem>>
        %parallel_loop3A_1150 = tpu.memref_squeeze %parallel_loop3A_1149 : memref<1x64x128xf32, #tpu.memory_space<vmem>> -> memref<64x128xf32, #tpu.memory_space<vmem>>
        tpu.vector_store_idx %parallel_loop3A_1150[%parallel_loop3A_1141, %parallel_loop3A_538], %parallel_loop3A_1146 : memref<64x128xf32, #tpu.memory_space<vmem>>[vector<16xi32>, vector<16xi32>], vector<16xf32>,
        %parallel_loop3A_1151 = arith.constant 48 : i32
        %parallel_loop3A_1152 = vector.broadcast %parallel_loop3A_1151 : i32 to vector<16xi32>
        %parallel_loop3A_1153 = arith.addi %select_n3A_95, %parallel_loop3A_1152 : vector<16xi32>
        %parallel_loop3A_1154 = arith.constant 0 : i32
        %parallel_loop3A_1155 = arith.constant 0 : i32
        %parallel_loop3A_1156 = tpu.memref_slice %arg6[%rem3A_481, %parallel_loop3A_1154, %parallel_loop3A_1155] : memref<5x128x128xf32, #tpu.memory_space<vmem>> -> memref<1x128x128xf32, #tpu.memory_space<vmem>>
        %parallel_loop3A_1157 = tpu.memref_squeeze %parallel_loop3A_1156 : memref<1x128x128xf32, #tpu.memory_space<vmem>> -> memref<128x128xf32, #tpu.memory_space<vmem>>
        %parallel_loop3A_1158 = tpu.vector_load_idx %parallel_loop3A_1157[%parallel_loop3A_538, %parallel_loop3A_1153] : memref<128x128xf32, #tpu.memory_space<vmem>>[vector<16xi32>, vector<16xi32>], vector<16xf32>,
        %parallel_loop3A_1159 = arith.constant 0 : i32
        %parallel_loop3A_1160 = arith.constant 0 : i32
        %parallel_loop3A_1161 = tpu.memref_slice %arg7[%rem3A_483, %parallel_loop3A_1159, %parallel_loop3A_1160] : memref<2x64x128xf32, #tpu.memory_space<vmem>> -> memref<1x64x128xf32, #tpu.memory_space<vmem>>
        %parallel_loop3A_1162 = tpu.memref_squeeze %parallel_loop3A_1161 : memref<1x64x128xf32, #tpu.memory_space<vmem>> -> memref<64x128xf32, #tpu.memory_space<vmem>>
        tpu.vector_store_idx %parallel_loop3A_1162[%parallel_loop3A_1153, %parallel_loop3A_538], %parallel_loop3A_1158 : memref<64x128xf32, #tpu.memory_space<vmem>>[vector<16xi32>, vector<16xi32>], vector<16xf32>,
        %parallel_loop3A_1163 = arith.constant 48 : i32
        %parallel_loop3A_1164 = vector.broadcast %parallel_loop3A_1163 : i32 to vector<16xi32>
        %parallel_loop3A_1165 = arith.addi %select_n3A_120, %parallel_loop3A_1164 : vector<16xi32>
        %parallel_loop3A_1166 = arith.constant 0 : i32
        %parallel_loop3A_1167 = arith.constant 0 : i32
        %parallel_loop3A_1168 = tpu.memref_slice %arg6[%rem3A_481, %parallel_loop3A_1166, %parallel_loop3A_1167] : memref<5x128x128xf32, #tpu.memory_space<vmem>> -> memref<1x128x128xf32, #tpu.memory_space<vmem>>
        %parallel_loop3A_1169 = tpu.memref_squeeze %parallel_loop3A_1168 : memref<1x128x128xf32, #tpu.memory_space<vmem>> -> memref<128x128xf32, #tpu.memory_space<vmem>>
        %parallel_loop3A_1170 = tpu.vector_load_idx %parallel_loop3A_1169[%parallel_loop3A_538, %parallel_loop3A_1165] : memref<128x128xf32, #tpu.memory_space<vmem>>[vector<16xi32>, vector<16xi32>], vector<16xf32>,
        %parallel_loop3A_1171 = arith.constant 0 : i32
        %parallel_loop3A_1172 = arith.constant 0 : i32
        %parallel_loop3A_1173 = tpu.memref_slice %arg7[%rem3A_483, %parallel_loop3A_1171, %parallel_loop3A_1172] : memref<2x64x128xf32, #tpu.memory_space<vmem>> -> memref<1x64x128xf32, #tpu.memory_space<vmem>>
        %parallel_loop3A_1174 = tpu.memref_squeeze %parallel_loop3A_1173 : memref<1x64x128xf32, #tpu.memory_space<vmem>> -> memref<64x128xf32, #tpu.memory_space<vmem>>
        tpu.vector_store_idx %parallel_loop3A_1174[%parallel_loop3A_1165, %parallel_loop3A_538], %parallel_loop3A_1170 : memref<64x128xf32, #tpu.memory_space<vmem>>[vector<16xi32>, vector<16xi32>], vector<16xf32>,
        %parallel_loop3A_1175 = arith.constant 48 : i32
        %parallel_loop3A_1176 = vector.broadcast %parallel_loop3A_1175 : i32 to vector<16xi32>
        %parallel_loop3A_1177 = arith.addi %select_n3A_145, %parallel_loop3A_1176 : vector<16xi32>
        %parallel_loop3A_1178 = arith.constant 0 : i32
        %parallel_loop3A_1179 = arith.constant 0 : i32
        %parallel_loop3A_1180 = tpu.memref_slice %arg6[%rem3A_481, %parallel_loop3A_1178, %parallel_loop3A_1179] : memref<5x128x128xf32, #tpu.memory_space<vmem>> -> memref<1x128x128xf32, #tpu.memory_space<vmem>>
        %parallel_loop3A_1181 = tpu.memref_squeeze %parallel_loop3A_1180 : memref<1x128x128xf32, #tpu.memory_space<vmem>> -> memref<128x128xf32, #tpu.memory_space<vmem>>
        %parallel_loop3A_1182 = tpu.vector_load_idx %parallel_loop3A_1181[%parallel_loop3A_538, %parallel_loop3A_1177] : memref<128x128xf32, #tpu.memory_space<vmem>>[vector<16xi32>, vector<16xi32>], vector<16xf32>,
        %parallel_loop3A_1183 = arith.constant 0 : i32
        %parallel_loop3A_1184 = arith.constant 0 : i32
        %parallel_loop3A_1185 = tpu.memref_slice %arg7[%rem3A_483, %parallel_loop3A_1183, %parallel_loop3A_1184] : memref<2x64x128xf32, #tpu.memory_space<vmem>> -> memref<1x64x128xf32, #tpu.memory_space<vmem>>
        %parallel_loop3A_1186 = tpu.memref_squeeze %parallel_loop3A_1185 : memref<1x64x128xf32, #tpu.memory_space<vmem>> -> memref<64x128xf32, #tpu.memory_space<vmem>>
        tpu.vector_store_idx %parallel_loop3A_1186[%parallel_loop3A_1177, %parallel_loop3A_538], %parallel_loop3A_1182 : memref<64x128xf32, #tpu.memory_space<vmem>>[vector<16xi32>, vector<16xi32>], vector<16xf32>,
        %parallel_loop3A_1187 = arith.constant 48 : i32
        %parallel_loop3A_1188 = vector.broadcast %parallel_loop3A_1187 : i32 to vector<16xi32>
        %parallel_loop3A_1189 = arith.addi %select_n3A_170, %parallel_loop3A_1188 : vector<16xi32>
        %parallel_loop3A_1190 = arith.constant 0 : i32
        %parallel_loop3A_1191 = arith.constant 0 : i32
        %parallel_loop3A_1192 = tpu.memref_slice %arg6[%rem3A_481, %parallel_loop3A_1190, %parallel_loop3A_1191] : memref<5x128x128xf32, #tpu.memory_space<vmem>> -> memref<1x128x128xf32, #tpu.memory_space<vmem>>
        %parallel_loop3A_1193 = tpu.memref_squeeze %parallel_loop3A_1192 : memref<1x128x128xf32, #tpu.memory_space<vmem>> -> memref<128x128xf32, #tpu.memory_space<vmem>>
        %parallel_loop3A_1194 = tpu.vector_load_idx %parallel_loop3A_1193[%parallel_loop3A_538, %parallel_loop3A_1189] : memref<128x128xf32, #tpu.memory_space<vmem>>[vector<16xi32>, vector<16xi32>], vector<16xf32>,
        %parallel_loop3A_1195 = arith.constant 0 : i32
        %parallel_loop3A_1196 = arith.constant 0 : i32
        %parallel_loop3A_1197 = tpu.memref_slice %arg7[%rem3A_483, %parallel_loop3A_1195, %parallel_loop3A_1196] : memref<2x64x128xf32, #tpu.memory_space<vmem>> -> memref<1x64x128xf32, #tpu.memory_space<vmem>>
        %parallel_loop3A_1198 = tpu.memref_squeeze %parallel_loop3A_1197 : memref<1x64x128xf32, #tpu.memory_space<vmem>> -> memref<64x128xf32, #tpu.memory_space<vmem>>
        tpu.vector_store_idx %parallel_loop3A_1198[%parallel_loop3A_1189, %parallel_loop3A_538], %parallel_loop3A_1194 : memref<64x128xf32, #tpu.memory_space<vmem>>[vector<16xi32>, vector<16xi32>], vector<16xf32>,
        %parallel_loop3A_1199 = arith.constant 48 : i32
        %parallel_loop3A_1200 = vector.broadcast %parallel_loop3A_1199 : i32 to vector<16xi32>
        %parallel_loop3A_1201 = arith.addi %select_n3A_195, %parallel_loop3A_1200 : vector<16xi32>
        %parallel_loop3A_1202 = arith.constant 0 : i32
        %parallel_loop3A_1203 = arith.constant 0 : i32
        %parallel_loop3A_1204 = tpu.memref_slice %arg6[%rem3A_481, %parallel_loop3A_1202, %parallel_loop3A_1203] : memref<5x128x128xf32, #tpu.memory_space<vmem>> -> memref<1x128x128xf32, #tpu.memory_space<vmem>>
        %parallel_loop3A_1205 = tpu.memref_squeeze %parallel_loop3A_1204 : memref<1x128x128xf32, #tpu.memory_space<vmem>> -> memref<128x128xf32, #tpu.memory_space<vmem>>
        %parallel_loop3A_1206 = tpu.vector_load_idx %parallel_loop3A_1205[%parallel_loop3A_538, %parallel_loop3A_1201] : memref<128x128xf32, #tpu.memory_space<vmem>>[vector<16xi32>, vector<16xi32>], vector<16xf32>,
        %parallel_loop3A_1207 = arith.constant 0 : i32
        %parallel_loop3A_1208 = arith.constant 0 : i32
        %parallel_loop3A_1209 = tpu.memref_slice %arg7[%rem3A_483, %parallel_loop3A_1207, %parallel_loop3A_1208] : memref<2x64x128xf32, #tpu.memory_space<vmem>> -> memref<1x64x128xf32, #tpu.memory_space<vmem>>
        %parallel_loop3A_1210 = tpu.memref_squeeze %parallel_loop3A_1209 : memref<1x64x128xf32, #tpu.memory_space<vmem>> -> memref<64x128xf32, #tpu.memory_space<vmem>>
        tpu.vector_store_idx %parallel_loop3A_1210[%parallel_loop3A_1201, %parallel_loop3A_538], %parallel_loop3A_1206 : memref<64x128xf32, #tpu.memory_space<vmem>>[vector<16xi32>, vector<16xi32>], vector<16xf32>,
        %parallel_loop3A_1211 = arith.constant 48 : i32
        %parallel_loop3A_1212 = vector.broadcast %parallel_loop3A_1211 : i32 to vector<16xi32>
        %parallel_loop3A_1213 = arith.addi %select_n3A_220, %parallel_loop3A_1212 : vector<16xi32>
        %parallel_loop3A_1214 = arith.constant 0 : i32
        %parallel_loop3A_1215 = arith.constant 0 : i32
        %parallel_loop3A_1216 = tpu.memref_slice %arg6[%rem3A_481, %parallel_loop3A_1214, %parallel_loop3A_1215] : memref<5x128x128xf32, #tpu.memory_space<vmem>> -> memref<1x128x128xf32, #tpu.memory_space<vmem>>
        %parallel_loop3A_1217 = tpu.memref_squeeze %parallel_loop3A_1216 : memref<1x128x128xf32, #tpu.memory_space<vmem>> -> memref<128x128xf32, #tpu.memory_space<vmem>>
        %parallel_loop3A_1218 = tpu.vector_load_idx %parallel_loop3A_1217[%parallel_loop3A_538, %parallel_loop3A_1213] : memref<128x128xf32, #tpu.memory_space<vmem>>[vector<16xi32>, vector<16xi32>], vector<16xf32>,
        %parallel_loop3A_1219 = arith.constant 0 : i32
        %parallel_loop3A_1220 = arith.constant 0 : i32
        %parallel_loop3A_1221 = tpu.memref_slice %arg7[%rem3A_483, %parallel_loop3A_1219, %parallel_loop3A_1220] : memref<2x64x128xf32, #tpu.memory_space<vmem>> -> memref<1x64x128xf32, #tpu.memory_space<vmem>>
        %parallel_loop3A_1222 = tpu.memref_squeeze %parallel_loop3A_1221 : memref<1x64x128xf32, #tpu.memory_space<vmem>> -> memref<64x128xf32, #tpu.memory_space<vmem>>
        tpu.vector_store_idx %parallel_loop3A_1222[%parallel_loop3A_1213, %parallel_loop3A_538], %parallel_loop3A_1218 : memref<64x128xf32, #tpu.memory_space<vmem>>[vector<16xi32>, vector<16xi32>], vector<16xf32>,
        %parallel_loop3A_1223 = arith.constant 48 : i32
        %parallel_loop3A_1224 = vector.broadcast %parallel_loop3A_1223 : i32 to vector<16xi32>
        %parallel_loop3A_1225 = arith.addi %select_n3A_245, %parallel_loop3A_1224 : vector<16xi32>
        %parallel_loop3A_1226 = arith.constant 0 : i32
        %parallel_loop3A_1227 = arith.constant 0 : i32
        %parallel_loop3A_1228 = tpu.memref_slice %arg6[%rem3A_481, %parallel_loop3A_1226, %parallel_loop3A_1227] : memref<5x128x128xf32, #tpu.memory_space<vmem>> -> memref<1x128x128xf32, #tpu.memory_space<vmem>>
        %parallel_loop3A_1229 = tpu.memref_squeeze %parallel_loop3A_1228 : memref<1x128x128xf32, #tpu.memory_space<vmem>> -> memref<128x128xf32, #tpu.memory_space<vmem>>
        %parallel_loop3A_1230 = tpu.vector_load_idx %parallel_loop3A_1229[%parallel_loop3A_538, %parallel_loop3A_1225] : memref<128x128xf32, #tpu.memory_space<vmem>>[vector<16xi32>, vector<16xi32>], vector<16xf32>,
        %parallel_loop3A_1231 = arith.constant 0 : i32
        %parallel_loop3A_1232 = arith.constant 0 : i32
        %parallel_loop3A_1233 = tpu.memref_slice %arg7[%rem3A_483, %parallel_loop3A_1231, %parallel_loop3A_1232] : memref<2x64x128xf32, #tpu.memory_space<vmem>> -> memref<1x64x128xf32, #tpu.memory_space<vmem>>
        %parallel_loop3A_1234 = tpu.memref_squeeze %parallel_loop3A_1233 : memref<1x64x128xf32, #tpu.memory_space<vmem>> -> memref<64x128xf32, #tpu.memory_space<vmem>>
        tpu.vector_store_idx %parallel_loop3A_1234[%parallel_loop3A_1225, %parallel_loop3A_538], %parallel_loop3A_1230 : memref<64x128xf32, #tpu.memory_space<vmem>>[vector<16xi32>, vector<16xi32>], vector<16xf32>,
        %parallel_loop3A_1235 = arith.constant 48 : i32
        %parallel_loop3A_1236 = vector.broadcast %parallel_loop3A_1235 : i32 to vector<16xi32>
        %parallel_loop3A_1237 = arith.addi %select_n3A_270, %parallel_loop3A_1236 : vector<16xi32>
        %parallel_loop3A_1238 = arith.constant 0 : i32
        %parallel_loop3A_1239 = arith.constant 0 : i32
        %parallel_loop3A_1240 = tpu.memref_slice %arg6[%rem3A_481, %parallel_loop3A_1238, %parallel_loop3A_1239] : memref<5x128x128xf32, #tpu.memory_space<vmem>> -> memref<1x128x128xf32, #tpu.memory_space<vmem>>
        %parallel_loop3A_1241 = tpu.memref_squeeze %parallel_loop3A_1240 : memref<1x128x128xf32, #tpu.memory_space<vmem>> -> memref<128x128xf32, #tpu.memory_space<vmem>>
        %parallel_loop3A_1242 = tpu.vector_load_idx %parallel_loop3A_1241[%parallel_loop3A_538, %parallel_loop3A_1237] : memref<128x128xf32, #tpu.memory_space<vmem>>[vector<16xi32>, vector<16xi32>], vector<16xf32>,
        %parallel_loop3A_1243 = arith.constant 0 : i32
        %parallel_loop3A_1244 = arith.constant 0 : i32
        %parallel_loop3A_1245 = tpu.memref_slice %arg7[%rem3A_483, %parallel_loop3A_1243, %parallel_loop3A_1244] : memref<2x64x128xf32, #tpu.memory_space<vmem>> -> memref<1x64x128xf32, #tpu.memory_space<vmem>>
        %parallel_loop3A_1246 = tpu.memref_squeeze %parallel_loop3A_1245 : memref<1x64x128xf32, #tpu.memory_space<vmem>> -> memref<64x128xf32, #tpu.memory_space<vmem>>
        tpu.vector_store_idx %parallel_loop3A_1246[%parallel_loop3A_1237, %parallel_loop3A_538], %parallel_loop3A_1242 : memref<64x128xf32, #tpu.memory_space<vmem>>[vector<16xi32>, vector<16xi32>], vector<16xf32>,
        %parallel_loop3A_1247 = arith.constant 48 : i32
        %parallel_loop3A_1248 = vector.broadcast %parallel_loop3A_1247 : i32 to vector<16xi32>
        %parallel_loop3A_1249 = arith.addi %select_n3A_295, %parallel_loop3A_1248 : vector<16xi32>
        %parallel_loop3A_1250 = arith.constant 0 : i32
        %parallel_loop3A_1251 = arith.constant 0 : i32
        %parallel_loop3A_1252 = tpu.memref_slice %arg6[%rem3A_481, %parallel_loop3A_1250, %parallel_loop3A_1251] : memref<5x128x128xf32, #tpu.memory_space<vmem>> -> memref<1x128x128xf32, #tpu.memory_space<vmem>>
        %parallel_loop3A_1253 = tpu.memref_squeeze %parallel_loop3A_1252 : memref<1x128x128xf32, #tpu.memory_space<vmem>> -> memref<128x128xf32, #tpu.memory_space<vmem>>
        %parallel_loop3A_1254 = tpu.vector_load_idx %parallel_loop3A_1253[%parallel_loop3A_538, %parallel_loop3A_1249] : memref<128x128xf32, #tpu.memory_space<vmem>>[vector<16xi32>, vector<16xi32>], vector<16xf32>,
        %parallel_loop3A_1255 = arith.constant 0 : i32
        %parallel_loop3A_1256 = arith.constant 0 : i32
        %parallel_loop3A_1257 = tpu.memref_slice %arg7[%rem3A_483, %parallel_loop3A_1255, %parallel_loop3A_1256] : memref<2x64x128xf32, #tpu.memory_space<vmem>> -> memref<1x64x128xf32, #tpu.memory_space<vmem>>
        %parallel_loop3A_1258 = tpu.memref_squeeze %parallel_loop3A_1257 : memref<1x64x128xf32, #tpu.memory_space<vmem>> -> memref<64x128xf32, #tpu.memory_space<vmem>>
        tpu.vector_store_idx %parallel_loop3A_1258[%parallel_loop3A_1249, %parallel_loop3A_538], %parallel_loop3A_1254 : memref<64x128xf32, #tpu.memory_space<vmem>>[vector<16xi32>, vector<16xi32>], vector<16xf32>,
        %parallel_loop3A_1259 = arith.constant 48 : i32
        %parallel_loop3A_1260 = vector.broadcast %parallel_loop3A_1259 : i32 to vector<16xi32>
        %parallel_loop3A_1261 = arith.addi %select_n3A_320, %parallel_loop3A_1260 : vector<16xi32>
        %parallel_loop3A_1262 = arith.constant 0 : i32
        %parallel_loop3A_1263 = arith.constant 0 : i32
        %parallel_loop3A_1264 = tpu.memref_slice %arg6[%rem3A_481, %parallel_loop3A_1262, %parallel_loop3A_1263] : memref<5x128x128xf32, #tpu.memory_space<vmem>> -> memref<1x128x128xf32, #tpu.memory_space<vmem>>
        %parallel_loop3A_1265 = tpu.memref_squeeze %parallel_loop3A_1264 : memref<1x128x128xf32, #tpu.memory_space<vmem>> -> memref<128x128xf32, #tpu.memory_space<vmem>>
        %parallel_loop3A_1266 = tpu.vector_load_idx %parallel_loop3A_1265[%parallel_loop3A_538, %parallel_loop3A_1261] : memref<128x128xf32, #tpu.memory_space<vmem>>[vector<16xi32>, vector<16xi32>], vector<16xf32>,
        %parallel_loop3A_1267 = arith.constant 0 : i32
        %parallel_loop3A_1268 = arith.constant 0 : i32
        %parallel_loop3A_1269 = tpu.memref_slice %arg7[%rem3A_483, %parallel_loop3A_1267, %parallel_loop3A_1268] : memref<2x64x128xf32, #tpu.memory_space<vmem>> -> memref<1x64x128xf32, #tpu.memory_space<vmem>>
        %parallel_loop3A_1270 = tpu.memref_squeeze %parallel_loop3A_1269 : memref<1x64x128xf32, #tpu.memory_space<vmem>> -> memref<64x128xf32, #tpu.memory_space<vmem>>
        tpu.vector_store_idx %parallel_loop3A_1270[%parallel_loop3A_1261, %parallel_loop3A_538], %parallel_loop3A_1266 : memref<64x128xf32, #tpu.memory_space<vmem>>[vector<16xi32>, vector<16xi32>], vector<16xf32>,
        %parallel_loop3A_1271 = arith.constant 48 : i32
        %parallel_loop3A_1272 = vector.broadcast %parallel_loop3A_1271 : i32 to vector<16xi32>
        %parallel_loop3A_1273 = arith.addi %select_n3A_345, %parallel_loop3A_1272 : vector<16xi32>
        %parallel_loop3A_1274 = arith.constant 0 : i32
        %parallel_loop3A_1275 = arith.constant 0 : i32
        %parallel_loop3A_1276 = tpu.memref_slice %arg6[%rem3A_481, %parallel_loop3A_1274, %parallel_loop3A_1275] : memref<5x128x128xf32, #tpu.memory_space<vmem>> -> memref<1x128x128xf32, #tpu.memory_space<vmem>>
        %parallel_loop3A_1277 = tpu.memref_squeeze %parallel_loop3A_1276 : memref<1x128x128xf32, #tpu.memory_space<vmem>> -> memref<128x128xf32, #tpu.memory_space<vmem>>
        %parallel_loop3A_1278 = tpu.vector_load_idx %parallel_loop3A_1277[%parallel_loop3A_538, %parallel_loop3A_1273] : memref<128x128xf32, #tpu.memory_space<vmem>>[vector<16xi32>, vector<16xi32>], vector<16xf32>,
        %parallel_loop3A_1279 = arith.constant 0 : i32
        %parallel_loop3A_1280 = arith.constant 0 : i32
        %parallel_loop3A_1281 = tpu.memref_slice %arg7[%rem3A_483, %parallel_loop3A_1279, %parallel_loop3A_1280] : memref<2x64x128xf32, #tpu.memory_space<vmem>> -> memref<1x64x128xf32, #tpu.memory_space<vmem>>
        %parallel_loop3A_1282 = tpu.memref_squeeze %parallel_loop3A_1281 : memref<1x64x128xf32, #tpu.memory_space<vmem>> -> memref<64x128xf32, #tpu.memory_space<vmem>>
        tpu.vector_store_idx %parallel_loop3A_1282[%parallel_loop3A_1273, %parallel_loop3A_538], %parallel_loop3A_1278 : memref<64x128xf32, #tpu.memory_space<vmem>>[vector<16xi32>, vector<16xi32>], vector<16xf32>,
        %parallel_loop3A_1283 = arith.constant 48 : i32
        %parallel_loop3A_1284 = vector.broadcast %parallel_loop3A_1283 : i32 to vector<16xi32>
        %parallel_loop3A_1285 = arith.addi %select_n3A_370, %parallel_loop3A_1284 : vector<16xi32>
        %parallel_loop3A_1286 = arith.constant 0 : i32
        %parallel_loop3A_1287 = arith.constant 0 : i32
        %parallel_loop3A_1288 = tpu.memref_slice %arg6[%rem3A_481, %parallel_loop3A_1286, %parallel_loop3A_1287] : memref<5x128x128xf32, #tpu.memory_space<vmem>> -> memref<1x128x128xf32, #tpu.memory_space<vmem>>
        %parallel_loop3A_1289 = tpu.memref_squeeze %parallel_loop3A_1288 : memref<1x128x128xf32, #tpu.memory_space<vmem>> -> memref<128x128xf32, #tpu.memory_space<vmem>>
        %parallel_loop3A_1290 = tpu.vector_load_idx %parallel_loop3A_1289[%parallel_loop3A_538, %parallel_loop3A_1285] : memref<128x128xf32, #tpu.memory_space<vmem>>[vector<16xi32>, vector<16xi32>], vector<16xf32>,
        %parallel_loop3A_1291 = arith.constant 0 : i32
        %parallel_loop3A_1292 = arith.constant 0 : i32
        %parallel_loop3A_1293 = tpu.memref_slice %arg7[%rem3A_483, %parallel_loop3A_1291, %parallel_loop3A_1292] : memref<2x64x128xf32, #tpu.memory_space<vmem>> -> memref<1x64x128xf32, #tpu.memory_space<vmem>>
        %parallel_loop3A_1294 = tpu.memref_squeeze %parallel_loop3A_1293 : memref<1x64x128xf32, #tpu.memory_space<vmem>> -> memref<64x128xf32, #tpu.memory_space<vmem>>
        tpu.vector_store_idx %parallel_loop3A_1294[%parallel_loop3A_1285, %parallel_loop3A_538], %parallel_loop3A_1290 : memref<64x128xf32, #tpu.memory_space<vmem>>[vector<16xi32>, vector<16xi32>], vector<16xf32>,
        %parallel_loop3A_1295 = arith.constant 48 : i32
        %parallel_loop3A_1296 = vector.broadcast %parallel_loop3A_1295 : i32 to vector<16xi32>
        %parallel_loop3A_1297 = arith.addi %select_n3A_395, %parallel_loop3A_1296 : vector<16xi32>
        %parallel_loop3A_1298 = arith.constant 0 : i32
        %parallel_loop3A_1299 = arith.constant 0 : i32
        %parallel_loop3A_1300 = tpu.memref_slice %arg6[%rem3A_481, %parallel_loop3A_1298, %parallel_loop3A_1299] : memref<5x128x128xf32, #tpu.memory_space<vmem>> -> memref<1x128x128xf32, #tpu.memory_space<vmem>>
        %parallel_loop3A_1301 = tpu.memref_squeeze %parallel_loop3A_1300 : memref<1x128x128xf32, #tpu.memory_space<vmem>> -> memref<128x128xf32, #tpu.memory_space<vmem>>
        %parallel_loop3A_1302 = tpu.vector_load_idx %parallel_loop3A_1301[%parallel_loop3A_538, %parallel_loop3A_1297] : memref<128x128xf32, #tpu.memory_space<vmem>>[vector<16xi32>, vector<16xi32>], vector<16xf32>,
        %parallel_loop3A_1303 = arith.constant 0 : i32
        %parallel_loop3A_1304 = arith.constant 0 : i32
        %parallel_loop3A_1305 = tpu.memref_slice %arg7[%rem3A_483, %parallel_loop3A_1303, %parallel_loop3A_1304] : memref<2x64x128xf32, #tpu.memory_space<vmem>> -> memref<1x64x128xf32, #tpu.memory_space<vmem>>
        %parallel_loop3A_1306 = tpu.memref_squeeze %parallel_loop3A_1305 : memref<1x64x128xf32, #tpu.memory_space<vmem>> -> memref<64x128xf32, #tpu.memory_space<vmem>>
        tpu.vector_store_idx %parallel_loop3A_1306[%parallel_loop3A_1297, %parallel_loop3A_538], %parallel_loop3A_1302 : memref<64x128xf32, #tpu.memory_space<vmem>>[vector<16xi32>, vector<16xi32>], vector<16xf32>,
      } {sc.loop_unroll_factor = 1 : i64, sc.parallel_access}
      %jit3A_506 = arith.constant 2 : i32
      %eq3A_507 = arith.constant 0 : i32
      %eq3A_508 = arith.cmpi eq, %jit3A_506, %eq3A_507 : i32
      %jit3A_509 = arith.constant 1 : i32
      %select_n3A_510 = arith.select %eq3A_508, %jit3A_509, %jit3A_506 : i32
      %rem3A_511 = arith.remsi %rem3A_483, %select_n3A_510 : i32
      %ne3A_512 = arith.constant 0 : i32
      %ne3A_513 = arith.cmpi ne, %rem3A_511, %ne3A_512 : i32
      %lt3A_514 = arith.constant 0 : i32
      %lt3A_515 = arith.cmpi slt, %rem3A_511, %lt3A_514 : i32
      %lt3A_516 = arith.constant 0 : i32
      %lt3A_517 = arith.cmpi slt, %select_n3A_510, %lt3A_516 : i32
      %ne3A_518 = arith.xori %lt3A_515, %lt3A_517 : i1
      %and3A_519 = arith.andi %ne3A_518, %ne3A_513 : i1
      %add3A_520 = arith.addi %rem3A_511, %select_n3A_510 : i32
      %select_n3A_521 = arith.select %and3A_519, %add3A_520, %rem3A_511 : i32
      %dma_start3A_522 = arith.constant 0 : i32
      %dma_start3A_523 = arith.constant 0 : i32
      %dma_start3A_524 = tpu.memref_slice %arg7[%select_n3A_521, %dma_start3A_522, %dma_start3A_523] : memref<2x64x128xf32, #tpu.memory_space<vmem>> -> memref<1x64x128xf32, #tpu.memory_space<vmem>>
      %dma_start3A_525 = tpu.memref_squeeze %dma_start3A_524 : memref<1x64x128xf32, #tpu.memory_space<vmem>> -> memref<64x128xf32, #tpu.memory_space<vmem>>
      %dma_start3A_526 = arith.constant 0 : i32
      %dma_start3A_527 = tpu.memref_slice %arg4[%scan3A_479, %dma_start3A_526, %mul3A_2] : memref<200x64x4096xf32, #tpu.memory_space<hbm>> -> memref<1x64x128xf32, #tpu.memory_space<hbm>>
      %dma_start3A_528 = tpu.memref_squeeze %dma_start3A_527 : memref<1x64x128xf32, #tpu.memory_space<hbm>> -> memref<64x128xf32, #tpu.memory_space<hbm>>
      %dma_start3A_529 = arith.constant 0 : i32
      %dma_start3A_530 = tpu.memref_slice %arg4[%scan3A_479, %dma_start3A_529, %mul3A_2] : memref<200x64x4096xf32, #tpu.memory_space<hbm>> -> memref<1x64x128xf32, #tpu.memory_space<hbm>>
      %dma_start3A_531 = tpu.memref_squeeze %dma_start3A_530 : memref<1x64x128xf32, #tpu.memory_space<hbm>> -> memref<64x128xf32, #tpu.memory_space<hbm>>
      %dma_start3A_532 = arith.constant 0 : i32
      %dma_start3A_533 = arith.constant 0 : i32
      %dma_start3A_534 = tpu.memref_slice %arg7[%select_n3A_521, %dma_start3A_532, %dma_start3A_533] : memref<2x64x128xf32, #tpu.memory_space<vmem>> -> memref<1x64x128xf32, #tpu.memory_space<vmem>>
      %dma_start3A_535 = tpu.memref_squeeze %dma_start3A_534 : memref<1x64x128xf32, #tpu.memory_space<vmem>> -> memref<64x128xf32, #tpu.memory_space<vmem>>
      tpu.enqueue_dma source(%dma_start3A_535 : memref<64x128xf32, #tpu.memory_space<vmem>>) target(%dma_start3A_531 : memref<64x128xf32, #tpu.memory_space<hbm>>) target_semaphore(%arg9 : memref<!tpu.dma_semaphore, #tpu.memory_space<semaphore_mem>>)
    }
    %scan3A_447 = arith.constant 200 : i32
    %dma_wait3A = arith.constant 0 : i32
    %dma_wait3A_448 = arith.constant 0 : i32
    %dma_wait3A_449 = arith.constant 0 : i32
    %dma_wait3A_450 = arith.constant 0 : i32
    %dma_wait3A_451 = tpu.memref_slice %arg7[%dma_wait3A, %dma_wait3A_449, %dma_wait3A_450] : memref<2x64x128xf32, #tpu.memory_space<vmem>> -> memref<1x64x128xf32, #tpu.memory_space<vmem>>
    %dma_wait3A_452 = tpu.memref_squeeze %dma_wait3A_451 : memref<1x64x128xf32, #tpu.memory_space<vmem>> -> memref<64x128xf32, #tpu.memory_space<vmem>>
    %dma_wait3A_453 = arith.constant 0 : i32
    %dma_wait3A_454 = tpu.memref_slice %arg4[%dma_wait3A_448, %dma_wait3A_453, %mul3A_2] : memref<200x64x4096xf32, #tpu.memory_space<hbm>> -> memref<1x64x128xf32, #tpu.memory_space<hbm>>
    %dma_wait3A_455 = tpu.memref_squeeze %dma_wait3A_454 : memref<1x64x128xf32, #tpu.memory_space<hbm>> -> memref<64x128xf32, #tpu.memory_space<hbm>>
    %dma_wait3A_456 = arith.constant 0 : i32
    %dma_wait3A_457 = tpu.memref_slice %arg4[%dma_wait3A_448, %dma_wait3A_456, %mul3A_2] : memref<200x64x4096xf32, #tpu.memory_space<hbm>> -> memref<1x64x128xf32, #tpu.memory_space<hbm>>
    %dma_wait3A_458 = tpu.memref_squeeze %dma_wait3A_457 : memref<1x64x128xf32, #tpu.memory_space<hbm>> -> memref<64x128xf32, #tpu.memory_space<hbm>>
    %dma_wait3A_459 = arith.constant 0 : i32
    %dma_wait3A_460 = arith.constant 0 : i32
    %dma_wait3A_461 = tpu.memref_slice %arg7[%dma_wait3A, %dma_wait3A_459, %dma_wait3A_460] : memref<2x64x128xf32, #tpu.memory_space<vmem>> -> memref<1x64x128xf32, #tpu.memory_space<vmem>>
    %dma_wait3A_462 = tpu.memref_squeeze %dma_wait3A_461 : memref<1x64x128xf32, #tpu.memory_space<vmem>> -> memref<64x128xf32, #tpu.memory_space<vmem>>
    tpu.wait_dma2 semaphore(%arg9 : memref<!tpu.dma_semaphore, #tpu.memory_space<semaphore_mem>>) src(%dma_wait3A_462 : memref<64x128xf32, #tpu.memory_space<vmem>>) dst(%dma_wait3A_458 : memref<64x128xf32, #tpu.memory_space<hbm>>)
    %dma_wait3A_463 = arith.constant 1 : i32
    %dma_wait3A_464 = arith.constant 0 : i32
    %dma_wait3A_465 = arith.constant 0 : i32
    %dma_wait3A_466 = arith.constant 0 : i32
    %dma_wait3A_467 = tpu.memref_slice %arg7[%dma_wait3A_463, %dma_wait3A_465, %dma_wait3A_466] : memref<2x64x128xf32, #tpu.memory_space<vmem>> -> memref<1x64x128xf32, #tpu.memory_space<vmem>>
    %dma_wait3A_468 = tpu.memref_squeeze %dma_wait3A_467 : memref<1x64x128xf32, #tpu.memory_space<vmem>> -> memref<64x128xf32, #tpu.memory_space<vmem>>
    %dma_wait3A_469 = arith.constant 0 : i32
    %dma_wait3A_470 = tpu.memref_slice %arg4[%dma_wait3A_464, %dma_wait3A_469, %mul3A_2] : memref<200x64x4096xf32, #tpu.memory_space<hbm>> -> memref<1x64x128xf32, #tpu.memory_space<hbm>>
    %dma_wait3A_471 = tpu.memref_squeeze %dma_wait3A_470 : memref<1x64x128xf32, #tpu.memory_space<hbm>> -> memref<64x128xf32, #tpu.memory_space<hbm>>
    %dma_wait3A_472 = arith.constant 0 : i32
    %dma_wait3A_473 = tpu.memref_slice %arg4[%dma_wait3A_464, %dma_wait3A_472, %mul3A_2] : memref<200x64x4096xf32, #tpu.memory_space<hbm>> -> memref<1x64x128xf32, #tpu.memory_space<hbm>>
    %dma_wait3A_474 = tpu.memref_squeeze %dma_wait3A_473 : memref<1x64x128xf32, #tpu.memory_space<hbm>> -> memref<64x128xf32, #tpu.memory_space<hbm>>
    %dma_wait3A_475 = arith.constant 0 : i32
    %dma_wait3A_476 = arith.constant 0 : i32
    %dma_wait3A_477 = tpu.memref_slice %arg7[%dma_wait3A_463, %dma_wait3A_475, %dma_wait3A_476] : memref<2x64x128xf32, #tpu.memory_space<vmem>> -> memref<1x64x128xf32, #tpu.memory_space<vmem>>
    %dma_wait3A_478 = tpu.memref_squeeze %dma_wait3A_477 : memref<1x64x128xf32, #tpu.memory_space<vmem>> -> memref<64x128xf32, #tpu.memory_space<vmem>>
    tpu.wait_dma2 semaphore(%arg9 : memref<!tpu.dma_semaphore, #tpu.memory_space<semaphore_mem>>) src(%dma_wait3A_478 : memref<64x128xf32, #tpu.memory_space<vmem>>) dst(%dma_wait3A_474 : memref<64x128xf32, #tpu.memory_space<hbm>>)
    return
  }
}

</mosaic_0001>

<sc_bundles>
// kernel: kernel.3.cloned.1.call-start
scs
__scs_entry_jumppad:
0x0: {  	(pc) =	sbr.rel $0x88, $3  }
0x1: {  	(tag) =	ssettag $0x0;
	lr =	simm.s32 $0x1  }
0x2: {  	[smem:$0x3F9F] =	sst lr;
	_ =	strace $0xD0000000  }
0x3: {  	_ = 	snop  }
0x4: {  	_ = 	snop  }
0x5: {  	_ = 	snop  }
0x6: {  	_ = 	snop  }
0x7: {  	_ = 	snop  }
__scs_overlays_trampoline_lowered:
0x8: {  	[smem:$0x3FAE] =	sst s0  }
0x9: {  	[smem:$0x3FAF] =	sst s1  }
0xa: {  	[smem:$0x3FB0] =	sst s2  }
0xb: {  	[smem:$0x3FB1] =	sst s3  }
0xc: {  	[smem:$0x3FB2] =	sst s4  }
0xd: {  	[smem:$0x3FB3] =	sst s5  }
0xe: {  	[smem:$0x3FB4] =	sst s6  }
0xf: {  	[smem:$0x3FB5] =	sst s7  }
0x10: {  	[smem:$0x3FB6] =	sst s8  }
0x11: {  	[smem:$0x3FB7] =	sst s9;
	s0 =	simm.s32 @!p0 $0x0  }
0x12: {  	s1 =	sld [smem:$0x3F9D];
	s0 =	simm.s32 @p0 $0x1  }
0x13: {  	[smem:$0x3FB8] =	sst s0;
	s0 =	simm.s32 @!p1 $0x0  }
0x14: {  	s2 =	sld [smem:$0x3F9C];
	s0 =	simm.s32 @p1 $0x1  }
0x15: {  	[smem:$0x3FB9] =	sst s0;
	s0 =	simm.s32 @!p2 $0x0  }
0x16: {  	s3 =	sld [smem:$0x3FDB];
	s0 =	simm.s32 @p2 $0x1  }
0x17: {  	s4 =	simm.s32 $0x1BF5;
	[smem:$0x3FBB] =	sst s0  }
0x18: {  	s0 =	sld [smem:$0x3F9E];
	_ =	swait.ge [sflag:s4], $0x0  }
0x19: {  	s7 =	sld [smem:$0x3F9F]  }
0x1a: {  	s8 =	sadd.s32 $0xFFFFE003, lr  }
0x1b: {  	s9 =	sadd.s32 $0xFFFFFEF7, lr;
	s5 =	simm.s32 $0xFFFFFFFF;
	p2 =	slt.u32 s8, $0xFFFFF086  }
0x1c: {  	p1 =	slt.u32 s9, $0xF7A;
	s5 =	simm.s32 @!p2 $0x0  }
0x1d: {  	s5 =	simm.s32 @p1 $0x1;
	p0 =	seq.s32 s7, s2  }
0x1e: {  	s7 =	smul.u32 @!p0 $0xF7A, s2;
	p2 =	seq.s32 @!p0 s5, $0x0  }
0x1f: {  	s9 =	smul.u32 $0xF7A, s1;
	s8 =	simm.s32 @!p0 $0x1BF5;
	p2 =	por !p2, p0  }
0x20: {  	[sflag:s8] =	ssyncset.s32 @!p0 $0xFFFFF086;
	s6 =	sadd.s32 @!p0 s3, s7;
	s7 =	simm.s32 @!p0 $0x108  }
0x21: {  	s3 =	sadd.s32 s3, s9;
	s6 =	sadd.s32 @!p0 $0x88, s6;
	s7 =	simm.s32 @p2 $0x1082  }
0x22: {  	[simem:s7], [sflag:s8] =	dma.local @!p0 [hbm:s6], $0xF7A  }
0x23: {  	s9 =	sor.u32 $0xD0000000, s2;
	s6 =	simm.s32 $0x108;
	_ =	swait.ge @!p0 [sflag:s8], $0x0  }
0x24: {  	s3 =	sadd.s32 $0x88, s3;
	s6 =	simm.s32 @!p1 $0x1082;
	[sflag:s4] =	ssyncset.s32 $0xFFFFF086  }
0x25: {  	[simem:s6], [sflag:s4] =	dma.local [hbm:s3], $0xF7A  }
0x26: {  	[smem:$0x3F9F] =	sst s1;
	(tag) =	ssettag s2;
	_ =	strace s9  }
0x27: {  	s1 =	sld [smem:$0x3FAF]  }
0x28: {  	s2 =	sld [smem:$0x3FB0]  }
0x29: {  	s4 =	sld [smem:$0x3FB2]  }
0x2a: {  	p0 =	seq.s32 s5, $0x0;
	s5 =	sld [smem:$0x3FB3]  }
0x2b: {  	s6 =	sld [smem:$0x3FB4]  }
0x2c: {  	s7 =	sld [smem:$0x3FB5]  }
0x2d: {  	s3 =	simm.s32 $0x108;
	s8 =	sld [smem:$0x3FB6]  }
0x2e: {  	s3 =	simm.s32 @!p0 $0x1082;
	s9 =	sld [smem:$0x3FB7]  }
0x2f: {  	lr =	sadd.s32 s0, s3;
	s0 =	sld [smem:$0x3FAE]  }
0x30: {  	s3 =	sld [smem:$0x3FB1]  }
0x31: {  	[smem:$0x3FBA] =	sst s10  }
0x32: {  	s10 =	sld [smem:$0x3FB8];
	_ =	sdelay $0x3  }
0x33: {  	p0 =	seq.s32 s10, $0x1;
	s10 =	sld [smem:$0x3FBA];
	_ =	sdelay $0x3  }
0x34: {  	[smem:$0x3FBA] =	sst s10  }
0x35: {  	s10 =	sld [smem:$0x3FB9];
	_ =	sdelay $0x3  }
0x36: {  	p1 =	seq.s32 s10, $0x1;
	s10 =	sld [smem:$0x3FBA];
	_ =	sdelay $0x3  }
0x37: {  	[smem:$0x3FBA] =	sst s10  }
0x38: {  	s10 =	sld [smem:$0x3FBB]  }
0x39: {  	_ = 	snop;
	(pc) =	sbr.ind lr, $3  }
0x3a: {  	_ = 	snop  }
0x3b: {  	_ = 	snop  }
0x3c: {  	p2 =	seq.s32 s10, $0x1;
	s10 =	sld [smem:$0x3FBA]  }
0x3d: {  	_ =	shalt  }
0x3e: {  	_ =	shalt  }
0x3f: {  	_ =	shalt  }
0x40: {  	_ =	shalt  }
0x41: {  	_ =	shalt  }
0x42: {  	_ =	shalt  }
0x43: {  	_ =	shalt  }
0x44: {  	_ =	shalt  }
0x45: {  	_ =	shalt  }
0x46: {  	_ =	shalt  }
0x47: {  	_ =	shalt  }
0x48: {  	_ =	shalt  }
0x49: {  	_ =	shalt  }
0x4a: {  	_ =	shalt  }
0x4b: {  	_ =	shalt  }
0x4c: {  	_ =	shalt  }
0x4d: {  	_ =	shalt  }
0x4e: {  	_ =	shalt  }
0x4f: {  	_ =	shalt  }
0x50: {  	_ =	shalt  }
0x51: {  	_ =	shalt  }
0x52: {  	_ =	shalt  }
0x53: {  	_ =	shalt  }
0x54: {  	_ =	shalt  }
0x55: {  	_ =	shalt  }
0x56: {  	_ =	shalt  }
0x57: {  	_ =	shalt  }
0x58: {  	_ =	shalt  }
0x59: {  	_ =	shalt  }
0x5a: {  	_ =	shalt  }
0x5b: {  	_ =	shalt  }
0x5c: {  	_ =	shalt  }
0x5d: {  	_ =	shalt  }
0x5e: {  	_ =	shalt  }
0x5f: {  	_ =	shalt  }
0x60: {  	_ =	shalt  }
0x61: {  	_ =	shalt  }
0x62: {  	_ =	shalt  }
0x63: {  	_ =	shalt  }
0x64: {  	_ =	shalt  }
0x65: {  	_ =	shalt  }
0x66: {  	_ =	shalt  }
0x67: {  	_ =	shalt  }
0x68: {  	_ =	shalt  }
0x69: {  	_ =	shalt  }
0x6a: {  	_ =	shalt  }
0x6b: {  	_ =	shalt  }
0x6c: {  	_ =	shalt  }
0x6d: {  	_ =	shalt  }
0x6e: {  	_ =	shalt  }
0x6f: {  	_ =	shalt  }
0x70: {  	_ =	shalt  }
0x71: {  	_ =	shalt  }
0x72: {  	_ =	shalt  }
0x73: {  	_ =	shalt  }
0x74: {  	_ =	shalt  }
0x75: {  	_ =	shalt  }
0x76: {  	_ =	shalt  }
0x77: {  	_ =	shalt  }
0x78: {  	_ =	shalt  }
0x79: {  	_ =	shalt  }
0x7a: {  	_ =	shalt  }
0x7b: {  	_ =	shalt  }
0x7c: {  	_ =	shalt  }
0x7d: {  	_ =	shalt  }
0x7e: {  	_ =	shalt  }
0x7f: {  	_ =	shalt  }
0x80: {  	_ =	shalt  }
0x81: {  	_ =	shalt  }
0x82: {  	_ =	shalt  }
0x83: {  	_ =	shalt  }
0x84: {  	_ =	shalt  }
0x85: {  	_ =	shalt  }
0x86: {  	_ =	shalt  }
0x87: {  	_ =	shalt  }
.Lfunc_end0:
.L_simem_size_0:
called_computation_lowered:
.L_overlay_start_0:
0x88: {  	s2 =	sld [smem:$0x3FD9]  }
0x89: {  	s3 =	sld [smem:$0x3FFE];
	_ =	sdelay $0x1  }
0x8a: {  	s1 =	srdreg.scid  }
0x8b: {  	s0 =	sand.u32 $0x1, s1  }
0x8c: {  	s17 =	sshll.u32 s0, $0xA;
	s2 =	sadd.s32 s3, s2  }
0x8d: {  	s2 =	sadd.s32 s2, s17  }
0x8e: {  	[smem:$0x3FC6] =	sst s2  }
0x8f: {  	_ = 	snop  }
0x90: {  	s2 =	sld [smem:$0x3FC9]  }
0x91: {  	s18 =	sld [smem:$0x3FD0];
	(tm) =	ssettm $0x1  }
0x92: {  	s4 =	sld [smem:$0x3FFB];
	_ =	sdelay $0x3  }
0x93: {  	_ =	strace s4  }
0x94: {  	s4 =	sld [smem:$0x3FFC];
	_ =	sdelay $0x3  }
0x95: {  	_ =	strace s4  }
0x96: {  	s4 =	sld [smem:$0x3FFD];
	_ =	sdelay $0x3  }
0x97: {  	_ =	strace s4  }
0x98: {  	_ =	strace $0x8FFFFFFF  }
0x99: {  	s19 =	sld [smem:$0x3FDB];
	_ =	sdelay $0x1  }
0x9a: {  	s5 =	simm.s32 $_scs_section_size  }
0x9b: {  	s6 =	simm.s32 $_size__tile_overlayer_lowered;
	s7 =	simm.s32 $_tile_overlayer_lowered  }
0x9c: {  	s22 =	simm.s32 $0x1BFF;
	s21 =	sshll.u32 s7, $0x1;
	s4 =	sadd.s32 s5, s19  }
0x9d: {  	s8 =	simm.s32 $0x0;
	s20 =	sshll.u32 s6, $0x1;
	s6 =	sadd.s32 s21, s4  }
0x9e: {  	[timem:s8], [sflag:s22] =	dma.local [hbm:s6], s20  }
0x9f: {  	_ =	swait.ge [sflag:s22], s20  }
0xa0: {  	s5 =	ssub.s32 $0x0, s20;
	[sflag:s22] =	ssyncset.done $0x0  }
0xa1: {  	[sflag:s22] =	ssyncadd.s32 s5;
	_ =	sdelay $0x1  }
0xa2: {  	s23 =	simm.s32 $0x1B8B  }
0xa3: {  	_ =	swait.ge [sflag:s23], $0x1  }
0xa4: {  	[sflag:s23] =	ssyncset.done $0x0  }
0xa5: {  	s25 =	simm.s32 $0x1B8E;
	s24 =	sld [smem:$0x3FFE];
	[sflag:s23] =	ssyncadd.s32 $0xFFFFFFFF  }
0xa6: {  	s26 =	simm.s32 $execute0_lowered;
	[smem:$0x3FD2] =	sst s25  }
0xa7: {  	s6 =	sshll.u32 s26, $0x1;
	_ =	strace $0x80000046;
	[dreg:$0x1] =	wrdreg $0xFFFFFFFF  }
0xa8: {  	s28 =	simm.s32 $_size_execute0_lowered;
	s4 =	sadd.s32 s4, s6;
	[dreg:$0x0] =	wrdreg $0x0  }
0xa9: {  	s6 =	sshll.u32 s28, $0x1;
	[dreg:$0x2] =	wrdreg s4  }
0xaa: {  	[dreg:$0x3] =	wrdreg s6  }
0xab: {  	[dreg:$0x4] =	wrdreg $0xC0  }
0xac: {  	_ =	task [dreg:s8], $0x5FFFF  }
0xad: {  	[dreg:$0x1] =	wrdreg $0xFFFFFFFF  }
0xae: {  	[dreg:$0x0] =	wrdreg $0x60  }
0xaf: {  	[dreg:$0x2] =	wrdreg s2  }
0xb0: {  	[dreg:$0x3] =	wrdreg s24  }
0xb1: {  	[dreg:$0x4] =	wrdreg s18  }
0xb2: {  	[dreg:$0x5] =	wrdreg $0x9  }
0xb3: {  	_ =	task.clear_ibuf [dreg:s8], $0x6FFFF;
	_ =	strace $0x90000046  }
0xb4: {  	s29 =	simm.s32 $0x9;
	_ =	strace $0x80000048  }
0xb5: {  	_ =	swait.ge [sflag:s29], $0x1  }
0xb6: {  	[sflag:s29] =	ssyncadd.s32 $0xFFFFFFFF  }
0xb7: {  	_ =	strace $0x90000048  }
0xb8: {  	_ =	sfence  }
0xb9: {  	s30 =	sld [smem:$0x0];
	_ =	sdelay $0x2  }
0xba: {  	s31 =	sshll.u32 s1, $0xD;
	s1 =	sshrl.u32 s1, $0x2  }
0xbb: {  	s3 =	sand.u32 $0x4000, s31;
	s1 =	sadd.s32 s1, s30  }
0xbc: {  	s0 =	sor.u32 s3, s0;
	s1 =	sshll.u32 s1, $0x11  }
0xbd: {  	s0 =	sor.u32 s1, s0  }
0xbe: {  	s0 =	sadd.s32 $0x8F2B, s0  }
0xbf: {  	[sflag:s0] =	ssyncadd.remote.s32 $0x1  }
0xc0: {  	_ =	sfence.sel $0xFFFF  }
0xc1: {  	[dreg:$0x0] =	wrdreg $0xFFFFFFFF;
	(pc) =	sbr.abs _section_cstart, $3  }
0xc2: {  	[dreg:$0x1] =	wrdreg $0xFFFFFFFF  }
0xc3: {  	_ =	task.clear_ibuf [dreg:s8], $0x2FFFF;
	_ =	strace $0x9FFFFFFF  }
0xc4: {  	(tm) =	ssettm $0x7FFFFFFF  }
0xc5: {  	_ =	shalt  }
tec
execute0_lowered:
.L_overlay_start_1:
0x0: {  	(tag) =	ssettag $0x1  }
0x1: {  	v0 =	vimm.s32 $0xFEDCBA9;
	v1 =	vimm.s32 $0x87654321;
	vm14 =	vcmask $0x300  }
0x2: {  	v2 =	vimm.s32 $0xF;
	vm13 =	vcmask $0x704;
	vm12 =	vcmask $0xB08  }
0x3: {  	vm11 =	vcmask $0xF0C;
	vm10 =	vcmask $0x1310;
	vm9 =	vcmask $0x1714  }
0x4: {  	vm8 =	vcmask $0x1B18;
	vm7 =	vcmask $0x1F1C;
	vm5 =	vcmask $0x2320  }
0x5: {  	vm6 =	vcmask $0x2724;
	vm4 =	vcmask $0x2B28;
	vm2 =	vcmask $0x2F2C  }
0x6: {  	vm3 =	vcmask $0x3330;
	vm1 =	vcmask $0x3734;
	vm0 =	vcmask $0x3B38  }
0x7: {  	v4 =	vimm.s32 $0x98765432;
	v5 =	vimm.s32 $0x10F;
	v23 =	vimm.s32 $0x210FEDCB  }
0x8: {  	v24 =	vimm.s32 $0xA9876543;
	v34 =	vimm.s32 $0x18F;
	v35 =	vimm.s32 $0x3210FEDC  }
0x9: {  	v36 =	vimm.s32 $0xBA987654;
	v41 =	vimm.s32 $0x20F;
	v43 =	vimm.s32 $0x43210FED  }
0xa: {  	v44 =	vimm.s32 $0xCBA98765;
	v48 =	vimm.s32 $0x28F;
	v50 =	vimm.s32 $0x30F  }
0xb: {  	v54 =	vimm.s32 $0x543210FE;
	v55 =	vimm.s32 $0xDCBA9876;
	v14 =	vimm.s32 $0x6543210F  }
0xc: {  	v15 =	vimm.s32 $0xEDCBA987;
	v63 =	vimm.s32 $0x38F;
	v22 =	vimm.s32 $0x76543210  }
0xd: {  	v19 =	vimm.s32 $0x128F;
	v27 =	vimm.s32 $0x168F;
	v28 =	vimm.s32 $0x170F  }
0xe: {  	v29 =	vimm.s32 $0x180F;
	v30 =	vimm.s32 $0x188F;
	v31 =	vimm.s32 $0x190F  }
0xf: {  	v0 =	vunpack.c.l.s4.s8 v0;
	v1 =	vunpack.c.l.s4.s8 v1;
	v2 =	vsel vm14, $0x80, v2  }
0x10: {  	v4 =	vunpack.c.l.s4.s8 v4;
	v53 =	vsel vm14, $0x380, v50;
	v14 =	vunpack.c.l.s4.s8 v14  }
0x11: {  	v15 =	vunpack.c.l.s4.s8 v15;
	v20 =	vsel vm14, $0x400, v63;
	v19 =	vsel vm14, $0x1300, v19  }
0x12: {  	v27 =	vsel vm14, $0x1700, v27;
	v28 =	vsel vm14, $0x1780, v28;
	v29 =	vsel vm14, $0x1880, v29  }
0x13: {  	v30 =	vsel vm14, $0x1900, v30;
	v31 =	vsel vm14, $0x1980, v31;
	v2 =	vsel vm13, $0x101, v2  }
0x14: {  	v21 =	vsel vm13, $0x481, v20;
	v20 =	vimm.s32 $0x130F;
	v2 =	vsel vm12, $0x182, v2  }
0x15: {  	v19 =	vsel vm13, $0x1381, v19;
	v27 =	vsel vm13, $0x1781, v27;
	v2 =	vsel vm11, $0x203, v2  }
0x16: {  	v0 =	vunpack.c.0.s8.s32 v0;
	v1 =	vunpack.c.0.s8.s32 v1;
	v2 =	vsel vm10, $0x284, v2  }
0x17: {  	v28 =	vsel vm13, $0x1001, v28;
	v29 =	vsel vm13, $0x1901, v29;
	v2 =	vsel vm9, $0x305, v2  }
0x18: {  	v30 =	vsel vm13, $0x1981, v30;
	v3 =	vcombine.low v1, v0;
	v2 =	vsel vm8, $0x386, v2  }
0x19: {  	v31 =	vsel vm13, $0x1A01, v31;
	v7 =	vunpack.c.0.s8.s32 v4;
	v2 =	vsel vm7, $0x407, v2  }
0x1a: {  	v58 =	vand.u32 $0xF, v3;
	v3 =	vimm.s32 $0x8F;
	v2 =	vsel vm5, $0x488, v2  }
0x1b: {  	v4 =	vunpack.c.l.s4.s8 v23;
	v3 =	vsel vm14, $0x100, v3;
	v2 =	vsel vm6, $0x509, v2  }
0x1c: {  	v56 =	vunpack.c.0.s8.s32 v14;
	v3 =	vsel vm13, $0x181, v3;
	v2 =	vsel vm4, $0x58A, v2  }
0x1d: {  	v57 =	vunpack.c.0.s8.s32 v15;
	v3 =	vsel vm12, $0x202, v3;
	v2 =	vsel vm2, $0x60B, v2  }
0x1e: {  	v23 =	vimm.s32 $0x40F;
	v3 =	vsel vm11, $0x283, v3;
	v2 =	vsel vm3, $0x68C, v2  }
0x1f: {  	v20 =	vsel vm14, $0x1380, v20;
	v3 =	vsel vm10, $0x304, v3;
	v2 =	vsel vm1, $0x70D, v2  }
0x20: {  	v3 =	vsel vm9, $0x385, v3;
	v52 =	vsel vm0, $0x78E, v2;
	v2 =	vimm.s32 $0x10FEDCBA  }
0x21: {  	v0 =	vcombine.low v0, v1;
	v3 =	vsel vm8, $0x406, v3;
	v2 =	vunpack.c.l.s4.s8 v2  }
0x22: {  	v20 =	vsel vm13, $0x1401, v20;
	v62 =	vcombine.low v57, v56;
	v3 =	vsel vm7, $0x487, v3  }
0x23: {  	v0 =	vand.u32 $0xF, v0;
	v3 =	vsel vm5, $0x508, v3;
	v6 =	vunpack.c.0.s8.s32 v2  }
0x24: {  	v2 =	vsel vm6, $0x589, v3;
	v3 =	vsel vm14, $0x180, v5;
	v5 =	vunpack.c.l.s4.s8 v24  }
0x25: {  	v24 =	vimm.s32 $0xFEDCBA98;
	v2 =	vsel vm4, $0x60A, v2;
	v3 =	vsel vm13, $0x201, v3  }
0x26: {  	v3 =	vsel vm12, $0x282, v3;
	v8 =	vcombine.low v7, v6;
	v9 =	vsel vm2, $0x68B, v2  }
0x27: {  	v2 =	vunpack.c.0.s8.s32 v4;
	v6 =	vcombine.low v6, v7;
	v3 =	vsel vm11, $0x303, v3  }
0x28: {  	v32 =	vsel vm3, $0x70C, v9;
	v9 =	vunpack.c.l.s4.s8 v36;
	v36 =	vimm.s32 $0xA8F  }
0x29: {  	v10 =	vsel vm10, $0x384, v3;
	v3 =	vunpack.c.0.s8.s32 v5;
	v26 =	vand.u32 $0xF, v8  }
0x2a: {  	v5 =	vsel vm1, $0x78D, v32;
	v6 =	vand.u32 $0xF, v6;
	v25 =	vsel vm9, $0x405, v10  }
0x2b: {  	v5 =	vsel vm0, $0xE, v5;
	v40 =	vunpack.c.0.s8.s32 v9;
	v9 =	vsel vm14, $0x280, v41  }
0x2c: {  	[tilespmem:$0x1F7D0] =	vst v26;
	v26 =	vimm.s32 $0x48F;
	v41 =	vimm.s32 $0xD0F;
	v4 =	vsel vm8, $0x486, v25  }
0x2d: {  	v33 =	vcombine.low v3, v2;
	[tilespmem:$0x1F7E0] =	vst v5;
	v5 =	vsel vm14, $0x200, v34;
	v9 =	vsel vm13, $0x301, v9  }
0x2e: {  	v34 =	vimm.s32 $0x50F;
	v2 =	vcombine.low v2, v3;
	v4 =	vsel vm7, $0x507, v4  }
0x2f: {  	v5 =	vsel vm13, $0x281, v5;
	v9 =	vsel vm12, $0x382, v9;
	v4 =	vsel vm5, $0x588, v4  }
0x30: {  	v8 =	vand.u32 $0xF, v33;
	v5 =	vsel vm12, $0x302, v5;
	v9 =	vsel vm11, $0x403, v9  }
0x31: {  	[tilespmem:$0x1F7F0] =	vst v8;
	v4 =	vsel vm6, $0x609, v4;
	v8 =	vunpack.c.l.s4.s8 v35;
	v5 =	vsel vm11, $0x383, v5  }
0x32: {  	v9 =	vsel vm10, $0x484, v9;
	v35 =	vimm.s32 $0x58F;
	v4 =	vsel vm4, $0x68A, v4  }
0x33: {  	[tilespmem:$0x1F8B0] =	vst v6;
	v39 =	vsel vm10, $0x404, v5;
	v9 =	vsel vm9, $0x505, v9;
	v6 =	vsel vm14, $0x600, v35  }
0x34: {  	v35 =	vimm.s32 $0x1B0F;
	v4 =	vsel vm2, $0x70B, v4;
	v38 =	vunpack.c.0.s8.s32 v8  }
0x35: {  	v8 =	vsel vm9, $0x485, v39;
	v9 =	vsel vm8, $0x586, v9;
	v6 =	vsel vm13, $0x681, v6  }
0x36: {  	v39 =	vimm.s32 $0xC0F;
	v35 =	vsel vm14, $0x1B80, v35;
	v37 =	vsel vm3, $0x78C, v4  }
0x37: {  	v8 =	vsel vm8, $0x506, v8;
	v46 =	vsel vm7, $0x607, v9;
	v6 =	vsel vm12, $0x702, v6  }
0x38: {  	v4 =	vsel vm14, $0xB00, v36;
	v7 =	vsel vm14, $0xC80, v39;
	v9 =	vsel vm14, $0xD80, v41  }
0x39: {  	v36 =	vimm.s32 $0x1B8F;
	v39 =	vimm.s32 $0x1D0F;
	v41 =	vimm.s32 $0x1E0F  }
0x3a: {  	v35 =	vsel vm13, $0x1C01, v35;
	v10 =	vsel vm1, $0xD, v37;
	v11 =	vcombine.low v40, v38  }
0x3b: {  	v8 =	vsel vm7, $0x587, v8;
	v6 =	vsel vm11, $0x783, v6;
	v37 =	vimm.s32 $0xB0F  }
0x3c: {  	v36 =	vsel vm14, $0x1C00, v36;
	v39 =	vsel vm14, $0x1D80, v39;
	v41 =	vsel vm14, $0x1E80, v41  }
0x3d: {  	v4 =	vsel vm13, $0xB81, v4;
	v7 =	vsel vm13, $0xD01, v7;
	v9 =	vsel vm13, $0xE01, v9  }
0x3e: {  	v10 =	vsel vm0, $0x8E, v10;
	v8 =	vsel vm5, $0x608, v8;
	v3 =	vsel vm10, $0x4, v6  }
0x3f: {  	v5 =	vsel vm14, $0xB80, v37;
	v37 =	vimm.s32 $0x1C0F;
	v36 =	vsel vm13, $0x1C81, v36  }
0x40: {  	v39 =	vsel vm13, $0x1E01, v39;
	v41 =	vsel vm13, $0x1F01, v41;
	v42 =	vand.u32 $0xF, v11  }
0x41: {  	[tilespmem:$0x1F800] =	vst v10;
	v8 =	vsel vm6, $0x689, v8;
	v10 =	vunpack.c.l.s4.s8 v43;
	v11 =	vunpack.c.l.s4.s8 v44  }
0x42: {  	v43 =	vimm.s32 $0xE0F;
	v44 =	vimm.s32 $0xE8F;
	v37 =	vsel vm14, $0x1C80, v37  }
0x43: {  	v5 =	vsel vm13, $0xC01, v5;
	[tilespmem:$0x1F810] =	vst v42;
	v8 =	vsel vm4, $0x70A, v8;
	v42 =	vimm.s32 $0xD8F  }
0x44: {  	v37 =	vsel vm13, $0x1D01, v37;
	v8 =	vsel vm2, $0x78B, v8;
	v45 =	vunpack.c.0.s8.s32 v10  }
0x45: {  	v47 =	vunpack.c.0.s8.s32 v11;
	v10 =	vsel vm5, $0x688, v46;
	v11 =	vsel vm14, $0x300, v48  }
0x46: {  	v48 =	vand.u32 $0xF, v62;
	v62 =	vimm.s32 $0x19181716;
	v12 =	vsel vm3, $0xC, v8  }
0x47: {  	v10 =	vsel vm6, $0x709, v10;
	v11 =	vsel vm13, $0x381, v11;
	v12 =	vsel vm1, $0x8D, v12  }
0x48: {  	v13 =	vcombine.low v47, v45;
	v10 =	vsel vm4, $0x78A, v10;
	v11 =	vsel vm12, $0x402, v11  }
0x49: {  	v12 =	vsel vm0, $0x10E, v12;
	v10 =	vsel vm2, $0xB, v10;
	v11 =	vsel vm11, $0x483, v11  }
0x4a: {  	v49 =	vand.u32 $0xF, v13;
	v10 =	vsel vm3, $0x8C, v10;
	v11 =	vsel vm10, $0x504, v11  }
0x4b: {  	[tilespmem:$0x1F820] =	vst v12;
	v12 =	vunpack.c.l.s4.s8 v54;
	v13 =	vunpack.c.l.s4.s8 v55;
	v10 =	vsel vm1, $0x10D, v10  }
0x4c: {  	v51 =	vsel vm9, $0x585, v11;
	v11 =	vsel vm13, $0x401, v53;
	v53 =	vand.u32 $0xF, v2  }
0x4d: {  	v2 =	vimm.s32 $0x60F;
	v10 =	vsel vm0, $0x18E, v10;
	v11 =	vsel vm12, $0x482, v11  }
0x4e: {  	v12 =	vunpack.c.0.s8.s32 v12;
	v13 =	vunpack.c.0.s8.s32 v13;
	v2 =	vsel vm14, $0x680, v2  }
0x4f: {  	[tilespmem:$0x1F840] =	vst v10;
	v10 =	vsel vm8, $0x606, v51;
	v11 =	vsel vm11, $0x503, v11;
	v2 =	vsel vm13, $0x701, v2  }
0x50: {  	v10 =	vsel vm7, $0x687, v10;
	v11 =	vsel vm10, $0x584, v11;
	v16 =	vcombine.low v13, v12  }
0x51: {  	v2 =	vsel vm12, $0x782, v2;
	v10 =	vsel vm5, $0x708, v10;
	v11 =	vsel vm9, $0x605, v11  }
0x52: {  	v2 =	vsel vm11, $0x3, v2;
	v10 =	vsel vm6, $0x789, v10;
	v11 =	vsel vm8, $0x686, v11  }
0x53: {  	v60 =	vand.u32 $0xF, v16;
	v16 =	vsel vm14, $0x480, v23;
	v23 =	vimm.s32 $0x148F  }
0x54: {  	v10 =	vsel vm4, $0xA, v10;
	v11 =	vsel vm7, $0x707, v11;
	v16 =	vsel vm13, $0x501, v16  }
0x55: {  	[tilespmem:$0x1F850] =	vst v60;
	v60 =	vimm.s32 $0x118F;
	v23 =	vsel vm14, $0x1500, v23;
	v10 =	vsel vm2, $0x8B, v10  }
0x56: {  	v11 =	vsel vm5, $0x788, v11;
	v16 =	vsel vm12, $0x582, v16;
	v23 =	vsel vm13, $0x1581, v23  }
0x57: {  	v17 =	vsel vm3, $0x10C, v10;
	v18 =	vsel vm6, $0x9, v11;
	v16 =	vsel vm11, $0x603, v16  }
0x58: {  	v10 =	vsel vm14, $0xE00, v42;
	v11 =	vsel vm14, $0xE80, v43;
	v42 =	vimm.s32 $0x1E8F  }
0x59: {  	v43 =	vimm.s32 $0x1F0F;
	v59 =	vsel vm4, $0x8A, v18;
	v61 =	vsel vm1, $0x18D, v17  }
0x5a: {  	v17 =	vunpack.c.l.s4.s8 v24;
	v16 =	vsel vm10, $0x684, v16;
	v24 =	vimm.s32 $0x150F  }
0x5b: {  	v42 =	vsel vm14, $0x1F00, v42;
	v43 =	vsel vm14, $0x1F80, v43;
	v10 =	vsel vm13, $0xE81, v10  }
0x5c: {  	v11 =	vsel vm13, $0xF01, v11;
	v14 =	vsel vm2, $0x10B, v59;
	v15 =	vsel vm0, $0x20E, v61  }
0x5d: {  	v16 =	vsel vm9, $0x705, v16;
	v59 =	vimm.s32 $0x110F;
	v61 =	vimm.s32 $0x120F  }
0x5e: {  	v24 =	vsel vm14, $0x1580, v24;
	v42 =	vsel vm13, $0x1F81, v42;
	v43 =	vsel vm13, $0x1801, v43  }
0x5f: {  	v14 =	vsel vm3, $0x18C, v14;
	[tilespmem:$0x1F860] =	vst v15;
	v15 =	vunpack.c.l.s4.s8 v22;
	v17 =	vunpack.c.0.s8.s32 v17  }
0x60: {  	v25 =	vsel vm8, $0x786, v16;
	v16 =	vsel vm14, $0x500, v26;
	v18 =	vsel vm14, $0x1280, v61  }
0x61: {  	v22 =	vimm.s32 $0x140F;
	v26 =	vimm.s32 $0x160F;
	v24 =	vsel vm13, $0x1601, v24  }
0x62: {  	v61 =	vsel vm12, $0x1882, v43;
	v14 =	vsel vm1, $0x20D, v14;
	v16 =	vsel vm13, $0x581, v16  }
0x63: {  	v22 =	vsel vm14, $0x1480, v22;
	v26 =	vsel vm14, $0x1680, v26;
	v18 =	vsel vm13, $0x1301, v18  }
0x64: {  	[tilespmem:$0x1F830] =	vst v49;
	v49 =	vsel vm0, $0x28E, v14;
	v14 =	vsel vm12, $0x502, v21;
	v15 =	vunpack.c.0.s8.s32 v15  }
0x65: {  	v17 =	vand.u32 $0xF, v17;
	v16 =	vsel vm12, $0x602, v16;
	v21 =	vimm.s32 $0x138F  }
0x66: {  	v22 =	vsel vm13, $0x1501, v22;
	v26 =	vsel vm13, $0x1701, v26;
	v14 =	vsel vm11, $0x583, v14  }
0x67: {  	v32 =	vsel vm11, $0x683, v16;
	v16 =	vsel vm14, $0x1180, v59;
	v21 =	vsel vm14, $0x1400, v21  }
0x68: {  	v59 =	vsel vm12, $0x1F82, v41;
	v14 =	vsel vm10, $0x604, v14;
	v15 =	vcombine.low v17, v15  }
0x69: {  	v33 =	vsel vm10, $0x704, v32;
	v17 =	vsel vm14, $0x1200, v60;
	v32 =	vimm.s32 $0x198F  }
0x6a: {  	v16 =	vsel vm13, $0x1201, v16;
	v21 =	vsel vm13, $0x1481, v21;
	v60 =	vsel vm12, $0x1802, v42  }
0x6b: {  	v42 =	vsel vm11, $0x1903, v61;
	v14 =	vsel vm9, $0x685, v14;
	v32 =	vsel vm14, $0x1A00, v32  }
0x6c: {  	v17 =	vsel vm13, $0x1281, v17;
	v41 =	vsel vm11, $0x1883, v60;
	v42 =	vsel vm10, $0x1984, v42  }
0x6d: {  	v14 =	vsel vm8, $0x706, v14;
	[tilespmem:$0x1F870] =	vst v15;
	v15 =	vsel vm7, $0x7, v25;
	v25 =	vimm.s32 $0x158F  }
0x6e: {  	v32 =	vsel vm13, $0x1A81, v32;
	v41 =	vsel vm10, $0x1904, v41;
	v15 =	vsel vm5, $0x88, v15  }
0x6f: {  	v42 =	vsel vm9, $0x1A05, v42;
	v14 =	vsel vm7, $0x787, v14;
	v15 =	vsel vm6, $0x109, v15  }
0x70: {  	v25 =	vsel vm14, $0x1600, v25;
	v41 =	vsel vm9, $0x1985, v41;
	v15 =	vsel vm4, $0x18A, v15  }
0x71: {  	v42 =	vsel vm8, $0x1A86, v42;
	v14 =	vsel vm5, $0x8, v14;
	v1 =	vsel vm2, $0x20B, v15  }
0x72: {  	v25 =	vsel vm13, $0x1681, v25;
	v41 =	vsel vm8, $0x1A06, v41;
	v1 =	vsel vm3, $0x28C, v1  }
0x73: {  	[tilespmem:$0x1F890] =	vst v0;
	v14 =	vsel vm6, $0x89, v14;
	v0 =	vsel vm1, $0x30D, v1;
	v1 =	vsel vm9, $0x785, v33  }
0x74: {  	v14 =	vsel vm4, $0x10A, v14;
	v1 =	vsel vm8, $0x6, v1;
	v0 =	vsel vm0, $0x38E, v0  }
0x75: {  	v14 =	vsel vm2, $0x18B, v14;
	[tilespmem:$0x1F8A0] =	vst v0;
	v0 =	vsel vm7, $0x87, v1;
	v1 =	vsel vm14, $0x580, v34  }
0x76: {  	v14 =	vsel vm3, $0x20C, v14;
	v0 =	vsel vm5, $0x108, v0;
	v1 =	vsel vm13, $0x601, v1  }
0x77: {  	v33 =	vimm.s32 $0x1A0F;
	v0 =	vsel vm6, $0x189, v0;
	v1 =	vsel vm12, $0x682, v1  }
0x78: {  	v14 =	vsel vm1, $0x28D, v14;
	v0 =	vsel vm4, $0x20A, v0;
	v1 =	vsel vm11, $0x703, v1  }
0x79: {  	v33 =	vsel vm14, $0x1A80, v33;
	v0 =	vsel vm2, $0x28B, v0;
	v1 =	vsel vm10, $0x784, v1  }
0x7a: {  	v14 =	vsel vm0, $0x30E, v14;
	v0 =	vsel vm3, $0x30C, v0;
	v1 =	vsel vm9, $0x5, v1  }
0x7b: {  	v34 =	vimm.s32 $0x1A8F;
	v0 =	vsel vm1, $0x38D, v0;
	v1 =	vsel vm8, $0x86, v1  }
0x7c: {  	v34 =	vsel vm14, $0x1B00, v34;
	v1 =	vsel vm7, $0x107, v1;
	v0 =	vsel vm0, $0x40E, v0  }
0x7d: {  	v33 =	vsel vm13, $0x1B01, v33;
	v34 =	vsel vm13, $0x1B81, v34;
	[tilespmem:$0x1F8C0] =	vst v0;
	v0 =	vsel vm5, $0x188, v1  }
0x7e: {  	v1 =	vsel vm9, $0x85, v3;
	v3 =	vcombine.low v38, v40;
	v38 =	vimm.s32 $0xB8F  }
0x7f: {  	v40 =	vimm.s32 $0xC8F;
	v0 =	vsel vm6, $0x209, v0;
	v1 =	vsel vm8, $0x106, v1  }
0x80: {  	v6 =	vsel vm14, $0xC00, v38;
	v8 =	vsel vm14, $0xD00, v40;
	v38 =	vimm.s32 $0x1C8F  }
0x81: {  	v40 =	vimm.s32 $0x1D8F;
	v0 =	vsel vm4, $0x28A, v0;
	v1 =	vsel vm7, $0x187, v1  }
0x82: {  	v38 =	vsel vm14, $0x1D00, v38;
	v40 =	vsel vm14, $0x1E00, v40;
	v6 =	vsel vm13, $0xC81, v6  }
0x83: {  	v8 =	vsel vm13, $0xD81, v8;
	v0 =	vsel vm2, $0x30B, v0;
	v1 =	vsel vm5, $0x208, v1  }
0x84: {  	v38 =	vsel vm13, $0x1D81, v38;
	v0 =	vsel vm3, $0x38C, v0;
	v1 =	vsel vm6, $0x289, v1  }
0x85: {  	v40 =	vsel vm13, $0x1E81, v40;
	v0 =	vsel vm1, $0x40D, v0;
	v1 =	vsel vm4, $0x30A, v1  }
0x86: {  	v63 =	vsel vm12, $0x1E02, v38;
	v1 =	vsel vm2, $0x38B, v1;
	v0 =	vsel vm0, $0x48E, v0  }
0x87: {  	[tilespmem:$0x1F8D0] =	vst v0;
	v0 =	vsel vm3, $0x40C, v1;
	v1 =	vsel vm10, $0x84, v2;
	v2 =	vand.u32 $0xF, v3  }
0x88: {  	v3 =	vimm.s32 $0x68F;
	v0 =	vsel vm1, $0x48D, v0;
	v1 =	vsel vm9, $0x105, v1  }
0x89: {  	[tilespmem:$0x1F8E0] =	vst v2;
	v2 =	vcombine.low v45, v47;
	v1 =	vsel vm8, $0x186, v1;
	v0 =	vsel vm0, $0x50E, v0  }
0x8a: {  	v45 =	vimm.s32 $0xF0F;
	[tilespmem:$0x1F8F0] =	vst v0;
	v0 =	vsel vm7, $0x207, v1;
	v1 =	vsel vm14, $0x700, v3  }
0x8b: {  	v2 =	vand.u32 $0xF, v2;
	v3 =	vcombine.low v12, v13;
	v12 =	vsel vm14, $0xF00, v44  }
0x8c: {  	v13 =	vsel vm14, $0xF80, v45;
	v44 =	vimm.s32 $0x15141312;
	v45 =	vsel vm12, $0x1E82, v39  }
0x8d: {  	[tilespmem:$0x1F900] =	vst v2;
	v0 =	vsel vm5, $0x288, v0;
	v1 =	vsel vm13, $0x781, v1;
	v2 =	vimm.s32 $0x70F  }
0x8e: {  	v12 =	vsel vm13, $0xF81, v12;
	v13 =	vsel vm13, $0x801, v13;
	v38 =	vsel vm11, $0x1F03, v45  }
0x8f: {  	v45 =	vimm.s32 $0x16151413;
	v0 =	vsel vm6, $0x309, v0;
	v1 =	vsel vm12, $0x2, v1  }
0x90: {  	v2 =	vsel vm14, $0x780, v2;
	v38 =	vsel vm10, $0x1F84, v38;
	v0 =	vsel vm4, $0x38A, v0  }
0x91: {  	v1 =	vsel vm11, $0x83, v1;
	v2 =	vsel vm13, $0x1, v2;
	v38 =	vsel vm9, $0x1805, v38  }
0x92: {  	v0 =	vsel vm2, $0x40B, v0;
	v1 =	vsel vm10, $0x104, v1;
	v2 =	vsel vm12, $0x82, v2  }
0x93: {  	v38 =	vsel vm8, $0x1886, v38;
	v0 =	vsel vm3, $0x48C, v0;
	v1 =	vsel vm9, $0x185, v1  }
0x94: {  	v2 =	vsel vm11, $0x103, v2;
	v0 =	vsel vm1, $0x50D, v0;
	v1 =	vsel vm8, $0x206, v1  }
0x95: {  	v2 =	vsel vm10, $0x184, v2;
	v1 =	vsel vm7, $0x287, v1;
	v0 =	vsel vm0, $0x58E, v0  }
0x96: {  	v61 =	vsel vm7, $0x1907, v38;
	[tilespmem:$0x1F910] =	vst v0;
	v0 =	vsel vm5, $0x308, v1;
	v1 =	vsel vm9, $0x205, v2  }
0x97: {  	v2 =	vand.u32 $0xF, v3;
	v3 =	vcombine.low v56, v57;
	v56 =	vimm.s32 $0x100F  }
0x98: {  	[tilespmem:$0x1F880] =	vst v14;
	v57 =	vimm.s32 $0x108F;
	v0 =	vsel vm6, $0x389, v0;
	v1 =	vsel vm8, $0x286, v1  }
0x99: {  	[tilespmem:$0x1F920] =	vst v2;
	v2 =	vimm.s32 $0x80F;
	v14 =	vsel vm14, $0x1080, v56;
	v15 =	vsel vm14, $0x1100, v57  }
0x9a: {  	v56 =	vunpack.c.0.s8.s32 v44;
	v44 =	vunpack.c.0.s8.s32 v62;
	v57 =	vsel vm12, $0x1F02, v40  }
0x9b: {  	v62 =	vimm.s32 $0x1E1D1C1B;
	v40 =	vsel vm11, $0x1803, v59;
	v59 =	vimm.s32 $0x1F1E1D1C  }
0x9c: {  	v0 =	vsel vm4, $0x40A, v0;
	v1 =	vsel vm7, $0x307, v1;
	v2 =	vsel vm14, $0x880, v2  }
0x9d: {  	v14 =	vsel vm13, $0x1101, v14;
	v15 =	vsel vm13, $0x1181, v15;
	v43 =	vunpack.c.0.s8.s32 v62  }
0x9e: {  	v39 =	vsel vm11, $0x1F83, v57;
	v40 =	vsel vm10, $0x1884, v40;
	v57 =	vimm.s32 $0x1A191817  }
0x9f: {  	v0 =	vsel vm2, $0x48B, v0;
	v1 =	vsel vm5, $0x388, v1;
	v2 =	vsel vm13, $0x901, v2  }
0xa0: {  	v39 =	vsel vm10, $0x1804, v39;
	v0 =	vsel vm3, $0x50C, v0;
	v1 =	vsel vm6, $0x409, v1  }
0xa1: {  	v40 =	vsel vm9, $0x1905, v40;
	v0 =	vsel vm1, $0x58D, v0;
	v1 =	vsel vm4, $0x48A, v1  }
0xa2: {  	v2 =	vsel vm12, $0x982, v2;
	v1 =	vsel vm2, $0x50B, v1;
	v0 =	vsel vm0, $0x60E, v0  }
0xa3: {  	v39 =	vsel vm9, $0x1885, v39;
	v2 =	vsel vm11, $0xA03, v2;
	[tilespmem:$0x1F930] =	vst v0;
	v0 =	vsel vm3, $0x58C, v1  }
0xa4: {  	v40 =	vsel vm8, $0x1986, v40;
	v1 =	vsel vm10, $0xA84, v2;
	v0 =	vsel vm1, $0x60D, v0  }
0xa5: {  	v39 =	vsel vm8, $0x1906, v39;
	v1 =	vsel vm9, $0xB05, v1;
	v0 =	vsel vm0, $0x68E, v0  }
0xa6: {  	v62 =	vsel vm7, $0x1987, v39;
	v1 =	vsel vm8, $0xB86, v1;
	[tilespmem:$0x1F950] =	vst v0;
	v0 =	vimm.s32 $0x1C1B1A19  }
0xa7: {  	v1 =	vsel vm7, $0xC07, v1;
	v46 =	vunpack.c.0.s8.s32 v0;
	v0 =	vimm.s32 $0x101F1E1D  }
0xa8: {  	v2 =	vand.u32 $0xF, v3;
	v47 =	vunpack.c.0.s8.s32 v0;
	v0 =	vsel vm5, $0xC88, v1  }
0xa9: {  	v3 =	vimm.s32 $0xA0F;
	v1 =	vimm.s32 $0x88F;
	v0 =	vsel vm6, $0xD09, v0  }
0xaa: {  	v38 =	vsel vm5, $0x1A08, v62;
	v1 =	vsel vm14, $0x900, v1;
	v0 =	vsel vm4, $0xD8A, v0  }
0xab: {  	[tilespmem:$0x1F940] =	vst v2;
	v2 =	vimm.s32 $0x14131211;
	v1 =	vsel vm13, $0x981, v1;
	v0 =	vsel vm2, $0xE0B, v0  }
0xac: {  	v3 =	vsel vm14, $0xA80, v3;
	v1 =	vsel vm12, $0xA02, v1;
	v0 =	vsel vm3, $0xE8C, v0  }
0xad: {  	v50 =	vunpack.c.0.s8.s32 v2;
	v1 =	vsel vm11, $0xA83, v1;
	v0 =	vsel vm1, $0xF0D, v0  }
0xae: {  	v2 =	vimm.s32 $0x18171615;
	v1 =	vsel vm10, $0xB04, v1;
	v0 =	vsel vm0, $0xF8E, v0  }
0xaf: {  	v51 =	vunpack.c.0.s8.s32 v2;
	v2 =	vimm.s32 $0x90F;
	[tilespmem:$0x1F960] =	vst v0;
	v0 =	vsel vm9, $0xB85, v1  }
0xb0: {  	v38 =	vsel vm6, $0x1A89, v38;
	v1 =	vsel vm14, $0x980, v2;
	v0 =	vsel vm8, $0xC06, v0  }
0xb1: {  	v3 =	vsel vm13, $0xB01, v3;
	v1 =	vsel vm13, $0xA01, v1;
	v0 =	vsel vm7, $0xC87, v0  }
0xb2: {  	v2 =	vimm.s32 $0x1D1C1B1A;
	v1 =	vsel vm12, $0xA82, v1;
	v0 =	vsel vm5, $0xD08, v0  }
0xb3: {  	v54 =	vunpack.c.0.s8.s32 v2;
	v1 =	vsel vm11, $0xB03, v1;
	v0 =	vsel vm6, $0xD89, v0  }
0xb4: {  	v2 =	vimm.s32 $0x11101F1E;
	v1 =	vsel vm10, $0xB84, v1;
	v0 =	vsel vm4, $0xE0A, v0  }
0xb5: {  	v55 =	vunpack.c.0.s8.s32 v2;
	v1 =	vsel vm9, $0xC05, v1;
	v0 =	vsel vm2, $0xE8B, v0  }
0xb6: {  	v2 =	vimm.s32 $0x98F;
	v1 =	vsel vm8, $0xC86, v1;
	v0 =	vsel vm3, $0xF0C, v0  }
0xb7: {  	v2 =	vsel vm14, $0xA00, v2;
	v1 =	vsel vm7, $0xD07, v1;
	v0 =	vsel vm1, $0xF8D, v0  }
0xb8: {  	v2 =	vsel vm13, $0xA81, v2;
	v1 =	vsel vm5, $0xD88, v1;
	v0 =	vsel vm0, $0x80E, v0  }
0xb9: {  	[tilespmem:$0x1F970] =	vst v0;
	v0 =	vsel vm6, $0xE09, v1;
	v1 =	vsel vm12, $0xB02, v2;
	v2 =	vsel vm12, $0xB82, v3  }
0xba: {  	v3 =	vsel vm12, $0xC02, v4;
	v4 =	vsel vm12, $0xC82, v5;
	v5 =	vsel vm12, $0xD02, v6  }
0xbb: {  	v6 =	vsel vm12, $0xD82, v7;
	v7 =	vsel vm12, $0xE02, v8;
	v8 =	vsel vm12, $0xE82, v9  }
0xbc: {  	v9 =	vsel vm12, $0xF02, v10;
	v10 =	vsel vm12, $0xF82, v11;
	v11 =	vsel vm12, $0x802, v12  }
0xbd: {  	v12 =	vsel vm12, $0x882, v13;
	v13 =	vsel vm12, $0x1182, v14;
	v14 =	vsel vm12, $0x1202, v15  }
0xbe: {  	v15 =	vsel vm12, $0x1282, v16;
	v16 =	vsel vm12, $0x1302, v17;
	v17 =	vsel vm12, $0x1382, v18  }
0xbf: {  	v18 =	vsel vm12, $0x1402, v19;
	v19 =	vsel vm12, $0x1482, v20;
	v20 =	vsel vm12, $0x1502, v21  }
0xc0: {  	v21 =	vsel vm12, $0x1582, v22;
	v22 =	vsel vm12, $0x1602, v23;
	v23 =	vsel vm12, $0x1682, v24  }
0xc1: {  	v24 =	vsel vm12, $0x1702, v25;
	v25 =	vsel vm12, $0x1782, v26;
	v26 =	vsel vm12, $0x1002, v27  }
0xc2: {  	v27 =	vsel vm12, $0x1082, v28;
	v28 =	vsel vm12, $0x1982, v29;
	v29 =	vsel vm12, $0x1A02, v30  }
0xc3: {  	v30 =	vsel vm12, $0x1A82, v31;
	v31 =	vsel vm12, $0x1B02, v32;
	v32 =	vsel vm12, $0x1B82, v33  }
0xc4: {  	v33 =	vsel vm12, $0x1C02, v34;
	v34 =	vsel vm12, $0x1C82, v35;
	v35 =	vsel vm12, $0x1D02, v36  }
0xc5: {  	v36 =	vsel vm12, $0x1D82, v37;
	v37 =	vsel vm11, $0x1E83, v63;
	v63 =	vimm.s32 $0x1211101F  }
0xc6: {  	v0 =	vsel vm4, $0xE8A, v0;
	v1 =	vsel vm11, $0xB83, v1;
	v2 =	vsel vm11, $0xC03, v2  }
0xc7: {  	v3 =	vsel vm11, $0xC83, v3;
	v4 =	vsel vm11, $0xD03, v4;
	v5 =	vsel vm11, $0xD83, v5  }
0xc8: {  	v6 =	vsel vm11, $0xE03, v6;
	v7 =	vsel vm11, $0xE83, v7;
	v8 =	vsel vm11, $0xF03, v8  }
0xc9: {  	v9 =	vsel vm11, $0xF83, v9;
	v10 =	vsel vm11, $0x803, v10;
	v11 =	vsel vm11, $0x883, v11  }
0xca: {  	v12 =	vsel vm11, $0x903, v12;
	v13 =	vsel vm11, $0x1203, v13;
	v14 =	vsel vm11, $0x1283, v14  }
0xcb: {  	v15 =	vsel vm11, $0x1303, v15;
	v16 =	vsel vm11, $0x1383, v16;
	v17 =	vsel vm11, $0x1403, v17  }
0xcc: {  	v18 =	vsel vm11, $0x1483, v18;
	v19 =	vsel vm11, $0x1503, v19;
	v20 =	vsel vm11, $0x1583, v20  }
0xcd: {  	v21 =	vsel vm11, $0x1603, v21;
	v22 =	vsel vm11, $0x1683, v22;
	v23 =	vsel vm11, $0x1703, v23  }
0xce: {  	v24 =	vsel vm11, $0x1783, v24;
	v25 =	vsel vm11, $0x1003, v25;
	v26 =	vsel vm11, $0x1083, v26  }
0xcf: {  	v27 =	vsel vm11, $0x1103, v27;
	v28 =	vsel vm11, $0x1A03, v28;
	v29 =	vsel vm11, $0x1A83, v29  }
0xd0: {  	v30 =	vsel vm11, $0x1B03, v30;
	v31 =	vsel vm11, $0x1B83, v31;
	v32 =	vsel vm11, $0x1C03, v32  }
0xd1: {  	v33 =	vsel vm11, $0x1C83, v33;
	v34 =	vsel vm11, $0x1D03, v34;
	v35 =	vsel vm11, $0x1D83, v35  }
0xd2: {  	[tilespmem:$0x1F980] =	vst v43;
	v36 =	vsel vm11, $0x1E03, v36;
	v43 =	vunpack.c.0.s8.s32 v63;
	v37 =	vsel vm10, $0x1F04, v37  }
0xd3: {  	v63 =	vsel vm7, $0x1A07, v40;
	v0 =	vsel vm2, $0xF0B, v0;
	v1 =	vsel vm10, $0xC04, v1  }
0xd4: {  	v2 =	vsel vm10, $0xC84, v2;
	v3 =	vsel vm10, $0xD04, v3;
	v4 =	vsel vm10, $0xD84, v4  }
0xd5: {  	v5 =	vsel vm10, $0xE04, v5;
	v6 =	vsel vm10, $0xE84, v6;
	v7 =	vsel vm10, $0xF04, v7  }
0xd6: {  	v8 =	vsel vm10, $0xF84, v8;
	v9 =	vsel vm10, $0x804, v9;
	v10 =	vsel vm10, $0x884, v10  }
0xd7: {  	v11 =	vsel vm10, $0x904, v11;
	v12 =	vsel vm10, $0x984, v12;
	v13 =	vsel vm10, $0x1284, v13  }
0xd8: {  	v14 =	vsel vm10, $0x1304, v14;
	v15 =	vsel vm10, $0x1384, v15;
	v16 =	vsel vm10, $0x1404, v16  }
0xd9: {  	v17 =	vsel vm10, $0x1484, v17;
	v18 =	vsel vm10, $0x1504, v18;
	v19 =	vsel vm10, $0x1584, v19  }
0xda: {  	v20 =	vsel vm10, $0x1604, v20;
	v21 =	vsel vm10, $0x1684, v21;
	v22 =	vsel vm10, $0x1704, v22  }
0xdb: {  	v23 =	vsel vm10, $0x1784, v23;
	v24 =	vsel vm10, $0x1004, v24;
	v25 =	vsel vm10, $0x1084, v25  }
0xdc: {  	v26 =	vsel vm10, $0x1104, v26;
	v27 =	vsel vm10, $0x1184, v27;
	v28 =	vsel vm10, $0x1A84, v28  }
0xdd: {  	v29 =	vsel vm10, $0x1B04, v29;
	v30 =	vsel vm10, $0x1B84, v30;
	v31 =	vsel vm10, $0x1C04, v31  }
0xde: {  	v32 =	vsel vm10, $0x1C84, v32;
	v33 =	vsel vm10, $0x1D04, v33;
	v34 =	vsel vm10, $0x1D84, v34  }
0xdf: {  	v35 =	vsel vm10, $0x1E04, v35;
	v36 =	vsel vm10, $0x1E84, v36;
	v37 =	vsel vm9, $0x1F85, v37  }
0xe0: {  	v39 =	vsel vm5, $0x1A88, v63;
	[tilespmem:$0x1F990] =	vst v43;
	v43 =	vunpack.c.0.s8.s32 v45;
	v0 =	vsel vm3, $0xF8C, v0  }
0xe1: {  	v1 =	vsel vm9, $0xC85, v1;
	v2 =	vsel vm9, $0xD05, v2;
	v3 =	vsel vm9, $0xD85, v3  }
0xe2: {  	v4 =	vsel vm9, $0xE05, v4;
	v5 =	vsel vm9, $0xE85, v5;
	v6 =	vsel vm9, $0xF05, v6  }
0xe3: {  	v7 =	vsel vm9, $0xF85, v7;
	v8 =	vsel vm9, $0x805, v8;
	v9 =	vsel vm9, $0x885, v9  }
0xe4: {  	v10 =	vsel vm9, $0x905, v10;
	v11 =	vsel vm9, $0x985, v11;
	v12 =	vsel vm9, $0xA05, v12  }
0xe5: {  	v13 =	vsel vm9, $0x1305, v13;
	v14 =	vsel vm9, $0x1385, v14;
	v15 =	vsel vm9, $0x1405, v15  }
0xe6: {  	v16 =	vsel vm9, $0x1485, v16;
	v17 =	vsel vm9, $0x1505, v17;
	v18 =	vsel vm9, $0x1585, v18  }
0xe7: {  	v19 =	vsel vm9, $0x1605, v19;
	v20 =	vsel vm9, $0x1685, v20;
	v21 =	vsel vm9, $0x1705, v21  }
0xe8: {  	v22 =	vsel vm9, $0x1785, v22;
	v23 =	vsel vm9, $0x1005, v23;
	v24 =	vsel vm9, $0x1085, v24  }
0xe9: {  	v25 =	vsel vm9, $0x1105, v25;
	v26 =	vsel vm9, $0x1185, v26;
	v27 =	vsel vm9, $0x1205, v27  }
0xea: {  	v28 =	vsel vm9, $0x1B05, v28;
	v29 =	vsel vm9, $0x1B85, v29;
	v30 =	vsel vm9, $0x1C05, v30  }
0xeb: {  	v31 =	vsel vm9, $0x1C85, v31;
	v32 =	vsel vm9, $0x1D05, v32;
	v33 =	vsel vm9, $0x1D85, v33  }
0xec: {  	v34 =	vsel vm9, $0x1E05, v34;
	v35 =	vsel vm9, $0x1E85, v35;
	v36 =	vsel vm9, $0x1F05, v36  }
0xed: {  	v37 =	vsel vm8, $0x1806, v37;
	v45 =	vsel vm7, $0x1A87, v41;
	v0 =	vsel vm1, $0x80D, v0  }
0xee: {  	v1 =	vsel vm8, $0xD06, v1;
	v2 =	vsel vm8, $0xD86, v2;
	v3 =	vsel vm8, $0xE06, v3  }
0xef: {  	v4 =	vsel vm8, $0xE86, v4;
	v5 =	vsel vm8, $0xF06, v5;
	v6 =	vsel vm8, $0xF86, v6  }
0xf0: {  	v7 =	vsel vm8, $0x806, v7;
	v8 =	vsel vm8, $0x886, v8;
	v9 =	vsel vm8, $0x906, v9  }
0xf1: {  	v10 =	vsel vm8, $0x986, v10;
	v11 =	vsel vm8, $0xA06, v11;
	v12 =	vsel vm8, $0xA86, v12  }
0xf2: {  	v13 =	vsel vm8, $0x1386, v13;
	v14 =	vsel vm8, $0x1406, v14;
	v15 =	vsel vm8, $0x1486, v15  }
0xf3: {  	v16 =	vsel vm8, $0x1506, v16;
	v17 =	vsel vm8, $0x1586, v17;
	v18 =	vsel vm8, $0x1606, v18  }
0xf4: {  	v19 =	vsel vm8, $0x1686, v19;
	v20 =	vsel vm8, $0x1706, v20;
	v21 =	vsel vm8, $0x1786, v21  }
0xf5: {  	v22 =	vsel vm8, $0x1006, v22;
	v23 =	vsel vm8, $0x1086, v23;
	v24 =	vsel vm8, $0x1106, v24  }
0xf6: {  	v25 =	vsel vm8, $0x1186, v25;
	v26 =	vsel vm8, $0x1206, v26;
	v27 =	vsel vm8, $0x1286, v27  }
0xf7: {  	v28 =	vsel vm8, $0x1B86, v28;
	v29 =	vsel vm8, $0x1C06, v29;
	v30 =	vsel vm8, $0x1C86, v30  }
0xf8: {  	v31 =	vsel vm8, $0x1D06, v31;
	v32 =	vsel vm8, $0x1D86, v32;
	v33 =	vsel vm8, $0x1E06, v33  }
0xf9: {  	v34 =	vsel vm8, $0x1E86, v34;
	v35 =	vsel vm8, $0x1F06, v35;
	v36 =	vsel vm8, $0x1F86, v36  }
0xfa: {  	v60 =	vsel vm7, $0x1887, v37;
	v37 =	vsel vm5, $0x1988, v61;
	v40 =	vsel vm5, $0x1B08, v45  }
0xfb: {  	v45 =	vsel vm6, $0x1B09, v39;
	v61 =	vimm.s32 $0x1B1A1918;
	[tilespmem:$0x1F9A0] =	vst v43;
	v43 =	vunpack.c.0.s8.s32 v57  }
0xfc: {  	v0 =	vsel vm0, $0x88E, v0;
	v57 =	vsel vm7, $0x1B07, v42;
	v37 =	vsel vm6, $0x1A09, v37  }
0xfd: {  	v40 =	vsel vm6, $0x1B89, v40;
	v62 =	vunpack.c.0.s8.s32 v61;
	[tilespmem:$0x1F9C0] =	vst v0;
	v0 =	vunpack.c.0.s8.s32 v59  }
0xfe: {  	v59 =	vimm.s32 $0x13121110;
	v41 =	vsel vm5, $0x1B88, v57;
	v61 =	vsel vm4, $0x1A8A, v37  }
0xff: {  	v42 =	vunpack.c.0.s8.s32 v59;
	v41 =	vsel vm6, $0x1C09, v41;
	[tilespmem:$0x1FA00] =	vst v62;
	v62 =	vsel vm4, $0x1B0A, v38  }
0x100: {  	[tilespmem:$0x1F9D0] =	vst v0;
	v0 =	vsel vm7, $0xD87, v1;
	v1 =	vsel vm7, $0xE07, v2;
	v2 =	vsel vm7, $0xE87, v3  }
0x101: {  	v3 =	vsel vm7, $0xF07, v4;
	v4 =	vsel vm7, $0xF87, v5;
	v5 =	vsel vm7, $0x807, v6  }
0x102: {  	v6 =	vsel vm7, $0x887, v7;
	v7 =	vsel vm7, $0x907, v8;
	v8 =	vsel vm7, $0x987, v9  }
0x103: {  	v9 =	vsel vm7, $0xA07, v10;
	v10 =	vsel vm7, $0xA87, v11;
	v11 =	vsel vm7, $0xB07, v12  }
0x104: {  	v12 =	vsel vm7, $0x1407, v13;
	v13 =	vsel vm7, $0x1487, v14;
	v14 =	vsel vm7, $0x1507, v15  }
0x105: {  	v15 =	vsel vm7, $0x1587, v16;
	v16 =	vsel vm7, $0x1607, v17;
	v17 =	vsel vm7, $0x1687, v18  }
0x106: {  	v18 =	vsel vm7, $0x1707, v19;
	v19 =	vsel vm7, $0x1787, v20;
	v20 =	vsel vm7, $0x1007, v21  }
0x107: {  	v21 =	vsel vm7, $0x1087, v22;
	v22 =	vsel vm7, $0x1107, v23;
	v23 =	vsel vm7, $0x1187, v24  }
0x108: {  	v24 =	vsel vm7, $0x1207, v25;
	v25 =	vsel vm7, $0x1287, v26;
	v26 =	vsel vm7, $0x1307, v27  }
0x109: {  	v27 =	vsel vm7, $0x1C07, v28;
	v28 =	vsel vm7, $0x1C87, v29;
	v29 =	vsel vm7, $0x1D07, v30  }
0x10a: {  	v30 =	vsel vm7, $0x1D87, v31;
	v31 =	vsel vm7, $0x1E07, v32;
	v32 =	vsel vm7, $0x1E87, v33  }
0x10b: {  	v33 =	vsel vm7, $0x1F07, v34;
	v34 =	vsel vm7, $0x1F87, v35;
	v35 =	vsel vm7, $0x1807, v36  }
0x10c: {  	v36 =	vsel vm5, $0x1908, v60;
	v60 =	vimm.s32 $0x17161514;
	v0 =	vsel vm5, $0xE08, v0  }
0x10d: {  	v1 =	vsel vm5, $0xE88, v1;
	v2 =	vsel vm5, $0xF08, v2;
	v3 =	vsel vm5, $0xF88, v3  }
0x10e: {  	v4 =	vsel vm5, $0x808, v4;
	v5 =	vsel vm5, $0x888, v5;
	v6 =	vsel vm5, $0x908, v6  }
0x10f: {  	v7 =	vsel vm5, $0x988, v7;
	v8 =	vsel vm5, $0xA08, v8;
	v9 =	vsel vm5, $0xA88, v9  }
0x110: {  	v10 =	vsel vm5, $0xB08, v10;
	v11 =	vsel vm5, $0xB88, v11;
	v12 =	vsel vm5, $0x1488, v12  }
0x111: {  	v13 =	vsel vm5, $0x1508, v13;
	v14 =	vsel vm5, $0x1588, v14;
	v15 =	vsel vm5, $0x1608, v15  }
0x112: {  	v16 =	vsel vm5, $0x1688, v16;
	v17 =	vsel vm5, $0x1708, v17;
	v0 =	vsel vm6, $0xE89, v0  }
0x113: {  	v18 =	vsel vm5, $0x1788, v18;
	v19 =	vsel vm5, $0x1008, v19;
	v0 =	vsel vm4, $0xF0A, v0  }
0x114: {  	v20 =	vsel vm5, $0x1088, v20;
	v1 =	vsel vm6, $0xF09, v1;
	v0 =	vsel vm2, $0xF8B, v0  }
0x115: {  	v2 =	vsel vm6, $0xF89, v2;
	v1 =	vsel vm4, $0xF8A, v1;
	v0 =	vsel vm3, $0x80C, v0  }
0x116: {  	v2 =	vsel vm4, $0x80A, v2;
	v1 =	vsel vm2, $0x80B, v1;
	v0 =	vsel vm1, $0x88D, v0  }
0x117: {  	v2 =	vsel vm2, $0x88B, v2;
	v1 =	vsel vm3, $0x88C, v1;
	v0 =	vsel vm0, $0x90E, v0  }
0x118: {  	v21 =	vsel vm5, $0x1108, v21;
	v2 =	vsel vm3, $0x90C, v2;
	[tilespmem:$0x1FA10] =	vst v0;
	v0 =	vsel vm1, $0x90D, v1  }
0x119: {  	v22 =	vsel vm5, $0x1188, v22;
	v1 =	vsel vm1, $0x98D, v2;
	v0 =	vsel vm0, $0x98E, v0  }
0x11a: {  	v30 =	vsel vm5, $0x1E08, v30;
	v3 =	vsel vm6, $0x809, v3;
	[tilespmem:$0x1FA20] =	vst v0;
	v0 =	vsel vm0, $0xA0E, v1  }
0x11b: {  	v31 =	vsel vm5, $0x1E88, v31;
	v34 =	vsel vm5, $0x1808, v34;
	[tilespmem:$0x1FA30] =	vst v0;
	v0 =	vsel vm4, $0x88A, v3  }
0x11c: {  	v4 =	vsel vm6, $0x889, v4;
	v5 =	vsel vm6, $0x909, v5;
	v0 =	vsel vm2, $0x90B, v0  }
0x11d: {  	v6 =	vsel vm6, $0x989, v6;
	v1 =	vsel vm4, $0x90A, v4;
	v0 =	vsel vm3, $0x98C, v0  }
0x11e: {  	v2 =	vsel vm4, $0x98A, v5;
	v1 =	vsel vm2, $0x98B, v1;
	v0 =	vsel vm1, $0xA0D, v0  }
0x11f: {  	v2 =	vsel vm2, $0xA0B, v2;
	v1 =	vsel vm3, $0xA0C, v1;
	v0 =	vsel vm0, $0xA8E, v0  }
0x120: {  	v7 =	vsel vm6, $0xA09, v7;
	v2 =	vsel vm3, $0xA8C, v2;
	[tilespmem:$0x1FA40] =	vst v0;
	v0 =	vsel vm1, $0xA8D, v1  }
0x121: {  	v8 =	vsel vm6, $0xA89, v8;
	v1 =	vsel vm1, $0xB0D, v2;
	v0 =	vsel vm0, $0xB0E, v0  }
0x122: {  	v9 =	vsel vm6, $0xB09, v9;
	v10 =	vsel vm6, $0xB89, v10;
	[tilespmem:$0x1FA50] =	vst v0;
	v0 =	vsel vm0, $0xB8E, v1  }
0x123: {  	v11 =	vsel vm6, $0xC09, v11;
	v18 =	vsel vm6, $0x1009, v18;
	[tilespmem:$0x1FA60] =	vst v0;
	v0 =	vsel vm4, $0xA0A, v6  }
0x124: {  	v19 =	vsel vm6, $0x1089, v19;
	v30 =	vsel vm6, $0x1E89, v30;
	v0 =	vsel vm2, $0xA8B, v0  }
0x125: {  	v31 =	vsel vm6, $0x1F09, v31;
	v1 =	vsel vm4, $0xA8A, v7;
	v0 =	vsel vm3, $0xB0C, v0  }
0x126: {  	v2 =	vsel vm4, $0xB0A, v8;
	v1 =	vsel vm2, $0xB0B, v1;
	v0 =	vsel vm1, $0xB8D, v0  }
0x127: {  	v2 =	vsel vm2, $0xB8B, v2;
	v1 =	vsel vm3, $0xB8C, v1;
	v0 =	vsel vm0, $0xC0E, v0  }
0x128: {  	v63 =	vsel vm4, $0x1F8A, v31;
	v2 =	vsel vm3, $0xC0C, v2;
	[tilespmem:$0x1FA70] =	vst v0;
	v0 =	vsel vm1, $0xC0D, v1  }
0x129: {  	v6 =	vsel vm4, $0x108A, v18;
	v1 =	vsel vm1, $0xC8D, v2;
	v0 =	vsel vm0, $0xC8E, v0  }
0x12a: {  	v18 =	vsel vm4, $0x1F0A, v30;
	v30 =	vimm.s32 $0x2C2B2A29;
	[tilespmem:$0x1FA80] =	vst v0;
	v0 =	vsel vm0, $0xD0E, v1  }
0x12b: {  	v31 =	vsel vm4, $0x1C0A, v40;
	v30 =	vunpack.c.0.s8.s32 v30;
	[tilespmem:$0x1FA90] =	vst v0;
	v0 =	vsel vm4, $0xB8A, v9  }
0x12c: {  	v7 =	vsel vm4, $0x110A, v19;
	v19 =	vsel vm2, $0x180B, v63;
	v0 =	vsel vm2, $0xC0B, v0  }
0x12d: {  	[tilespmem:$0x1FAD0] =	vst v30;
	v30 =	vsel vm2, $0x1C8B, v31;
	v1 =	vsel vm4, $0xC0A, v10;
	v0 =	vsel vm3, $0xC8C, v0  }
0x12e: {  	v2 =	vsel vm4, $0xC8A, v11;
	v1 =	vsel vm2, $0xC8B, v1;
	v0 =	vsel vm1, $0xD0D, v0  }
0x12f: {  	v2 =	vsel vm2, $0xD0B, v2;
	v1 =	vsel vm3, $0xD0C, v1;
	v0 =	vsel vm0, $0xD8E, v0  }
0x130: {  	v63 =	vsel vm3, $0x1D0C, v30;
	v2 =	vsel vm3, $0xD8C, v2;
	[tilespmem:$0x1FAA0] =	vst v0;
	v0 =	vsel vm1, $0xD8D, v1  }
0x131: {  	v30 =	vimm.s32 $0x202F2E2D;
	v1 =	vsel vm1, $0xE0D, v2;
	v0 =	vsel vm0, $0xE0E, v0  }
0x132: {  	v12 =	vsel vm6, $0x1509, v12;
	v30 =	vunpack.c.0.s8.s32 v30;
	[tilespmem:$0x1FAB0] =	vst v0;
	v0 =	vsel vm0, $0xE8E, v1  }
0x133: {  	v13 =	vsel vm6, $0x1589, v13;
	v31 =	vimm.s32 $0x24232221;
	[tilespmem:$0x1FAC0] =	vst v0;
	v0 =	vsel vm4, $0x158A, v12  }
0x134: {  	v34 =	vsel vm6, $0x1889, v34;
	[tilespmem:$0x1FAE0] =	vst v30;
	v30 =	vunpack.c.0.s8.s32 v31;
	v0 =	vsel vm2, $0x160B, v0  }
0x135: {  	v57 =	vsel vm4, $0x190A, v34;
	v31 =	vsel vm1, $0x1D8D, v63;
	v0 =	vsel vm3, $0x168C, v0  }
0x136: {  	[tilespmem:$0x1FAF0] =	vst v30;
	v30 =	vimm.s32 $0x28272625;
	v1 =	vsel vm4, $0x160A, v13;
	v0 =	vsel vm1, $0x170D, v0  }
0x137: {  	v1 =	vsel vm2, $0x168B, v1;
	v34 =	vsel vm0, $0x178E, v0;
	v0 =	vsel vm0, $0x1E0E, v31  }
0x138: {  	v30 =	vunpack.c.0.s8.s32 v30;
	v1 =	vsel vm3, $0x170C, v1;
	[tilespmem:$0x1FB10] =	vst v0;
	v0 =	vimm.s32 $0x2D2C2B2A  }
0x139: {  	v23 =	vsel vm5, $0x1208, v23;
	v1 =	vsel vm1, $0x178D, v1;
	v0 =	vunpack.c.0.s8.s32 v0  }
0x13a: {  	v24 =	vsel vm5, $0x1288, v24;
	[tilespmem:$0x1FB00] =	vst v30;
	v30 =	vsel vm0, $0x100E, v1;
	v1 =	vimm.s32 $0x21202F2E  }
0x13b: {  	v25 =	vsel vm5, $0x1308, v25;
	v26 =	vsel vm5, $0x1388, v26;
	[tilespmem:$0x1FB20] =	vst v0;
	v0 =	vunpack.c.0.s8.s32 v1  }
0x13c: {  	v27 =	vsel vm5, $0x1C88, v27;
	v28 =	vsel vm5, $0x1D08, v28;
	v29 =	vsel vm5, $0x1D88, v29  }
0x13d: {  	v32 =	vsel vm5, $0x1F08, v32;
	v33 =	vsel vm5, $0x1F88, v33;
	[tilespmem:$0x1FB30] =	vst v0;
	v0 =	vimm.s32 $0x25242322  }
0x13e: {  	v35 =	vsel vm5, $0x1888, v35;
	v36 =	vsel vm6, $0x1989, v36;
	v0 =	vunpack.c.0.s8.s32 v0  }
0x13f: {  	[tilespmem:$0x1F9E0] =	vst v42;
	v42 =	vunpack.c.0.s8.s32 v60;
	v14 =	vsel vm6, $0x1609, v14;
	v15 =	vsel vm6, $0x1689, v15  }
0x140: {  	v16 =	vsel vm6, $0x1709, v16;
	v17 =	vsel vm6, $0x1789, v17;
	[tilespmem:$0x1FB40] =	vst v0;
	v0 =	vimm.s32 $0x29282726  }
0x141: {  	v20 =	vsel vm6, $0x1109, v20;
	v21 =	vsel vm6, $0x1189, v21;
	v0 =	vunpack.c.0.s8.s32 v0  }
0x142: {  	v22 =	vsel vm6, $0x1209, v22;
	v23 =	vsel vm6, $0x1289, v23;
	v1 =	vimm.s32 $0x2E2D2C2B  }
0x143: {  	v24 =	vsel vm6, $0x1309, v24;
	v25 =	vsel vm6, $0x1389, v25;
	[tilespmem:$0x1FB50] =	vst v0;
	v0 =	vunpack.c.0.s8.s32 v1  }
0x144: {  	v26 =	vsel vm6, $0x1409, v26;
	v27 =	vsel vm6, $0x1D09, v27;
	v28 =	vsel vm6, $0x1D89, v28  }
0x145: {  	v29 =	vsel vm6, $0x1E09, v29;
	v32 =	vsel vm6, $0x1F89, v32;
	[tilespmem:$0x1FB60] =	vst v0;
	v0 =	vimm.s32 $0x2221202F  }
0x146: {  	[tilespmem:$0x1F9B0] =	vst v43;
	v33 =	vsel vm6, $0x1809, v33;
	v35 =	vsel vm6, $0x1909, v35;
	v0 =	vunpack.c.0.s8.s32 v0  }
0x147: {  	v60 =	vsel vm4, $0x1A0A, v36;
	[tilespmem:$0x1F9F0] =	vst v42;
	v42 =	vsel vm4, $0x180A, v32;
	v43 =	vsel vm4, $0x188A, v33  }
0x148: {  	v59 =	vsel vm4, $0x198A, v35;
	v5 =	vsel vm4, $0x100A, v17;
	[tilespmem:$0x1FB70] =	vst v0;
	v0 =	vimm.s32 $0x26252423  }
0x149: {  	v17 =	vsel vm4, $0x1E8A, v29;
	v29 =	vsel vm4, $0x1C8A, v41;
	v0 =	vunpack.c.0.s8.s32 v0  }
0x14a: {  	v5 =	vsel vm2, $0x108B, v5;
	v17 =	vsel vm2, $0x1F0B, v17;
	v1 =	vimm.s32 $0x2A292827  }
0x14b: {  	v29 =	vsel vm2, $0x1D0B, v29;
	v4 =	vsel vm4, $0x178A, v16;
	[tilespmem:$0x1FB80] =	vst v0;
	v0 =	vunpack.c.0.s8.s32 v1  }
0x14c: {  	v16 =	vsel vm4, $0x1E0A, v28;
	v5 =	vsel vm3, $0x110C, v5;
	v17 =	vsel vm3, $0x1F8C, v17  }
0x14d: {  	v29 =	vsel vm3, $0x1D8C, v29;
	v3 =	vsel vm4, $0x170A, v15;
	[tilespmem:$0x1FB90] =	vst v0;
	v0 =	vimm.s32 $0x2F2E2D2C  }
0x14e: {  	v15 =	vsel vm4, $0x1D8A, v27;
	v27 =	vsel vm4, $0x1B8A, v45;
	v0 =	vunpack.c.0.s8.s32 v0  }
0x14f: {  	v4 =	vsel vm2, $0x100B, v4;
	v16 =	vsel vm2, $0x1E8B, v16;
	v5 =	vsel vm1, $0x118D, v5  }
0x150: {  	v17 =	vsel vm1, $0x180D, v17;
	v29 =	vsel vm1, $0x1E0D, v29;
	[tilespmem:$0x1FBA0] =	vst v0;
	v0 =	vimm.s32 $0x23222120  }
0x151: {  	v3 =	vsel vm2, $0x178B, v3;
	v4 =	vsel vm3, $0x108C, v4;
	v0 =	vunpack.c.0.s8.s32 v0  }
0x152: {  	v15 =	vsel vm2, $0x1E0B, v15;
	v16 =	vsel vm3, $0x1F0C, v16;
	v1 =	vimm.s32 $0x27262524  }
0x153: {  	v27 =	vsel vm2, $0x1C0B, v27;
	v3 =	vsel vm3, $0x100C, v3;
	[tilespmem:$0x1FBB0] =	vst v0;
	v0 =	vunpack.c.0.s8.s32 v1  }
0x154: {  	v15 =	vsel vm3, $0x1E8C, v15;
	v27 =	vsel vm3, $0x1C8C, v27;
	v4 =	vsel vm1, $0x110D, v4  }
0x155: {  	v16 =	vsel vm1, $0x1F8D, v16;
	v3 =	vsel vm1, $0x108D, v3;
	[tilespmem:$0x1FBC0] =	vst v0;
	v0 =	vimm.s32 $0x2B2A2928  }
0x156: {  	v15 =	vsel vm1, $0x1F0D, v15;
	v8 =	vsel vm4, $0x118A, v20;
	v0 =	vunpack.c.0.s8.s32 v0  }
0x157: {  	v27 =	vsel vm1, $0x1D0D, v27;
	v20 =	vsel vm2, $0x188B, v42;
	v8 =	vsel vm2, $0x120B, v8  }
0x158: {  	v20 =	vsel vm3, $0x190C, v20;
	v8 =	vsel vm3, $0x128C, v8;
	[tilespmem:$0x1FBD0] =	vst v0;
	v0 =	vimm.s32 $0x3C3B3A39  }
0x159: {  	v20 =	vsel vm1, $0x198D, v20;
	v7 =	vsel vm2, $0x118B, v7;
	v0 =	vunpack.c.0.s8.s32 v0  }
0x15a: {  	v19 =	vsel vm3, $0x188C, v19;
	v8 =	vsel vm1, $0x130D, v8;
	v1 =	vimm.s32 $0x303F3E3D  }
0x15b: {  	v6 =	vsel vm2, $0x110B, v6;
	v7 =	vsel vm3, $0x120C, v7;
	[tilespmem:$0x1FBE0] =	vst v0;
	v0 =	vunpack.c.0.s8.s32 v1  }
0x15c: {  	v18 =	vsel vm2, $0x1F8B, v18;
	v19 =	vsel vm1, $0x190D, v19;
	v6 =	vsel vm3, $0x118C, v6  }
0x15d: {  	v18 =	vsel vm3, $0x180C, v18;
	v7 =	vsel vm1, $0x128D, v7;
	[tilespmem:$0x1FBF0] =	vst v0;
	v0 =	vimm.s32 $0x34333231  }
0x15e: {  	v6 =	vsel vm1, $0x120D, v6;
	v18 =	vsel vm1, $0x188D, v18;
	v0 =	vunpack.c.0.s8.s32 v0  }
0x15f: {  	v37 =	vsel vm0, $0x190E, v18;
	v18 =	vsel vm0, $0x198E, v19;
	v19 =	vsel vm0, $0x1A0E, v20  }
0x160: {  	v11 =	vsel vm4, $0x130A, v23;
	v23 =	vsel vm2, $0x1A0B, v59;
	[tilespmem:$0x1FC00] =	vst v0;
	v0 =	vimm.s32 $0x38373635  }
0x161: {  	v59 =	vsel vm0, $0x188E, v17;
	v11 =	vsel vm2, $0x138B, v11;
	v0 =	vunpack.c.0.s8.s32 v0  }
0x162: {  	v23 =	vsel vm3, $0x1A8C, v23;
	v10 =	vsel vm4, $0x128A, v22;
	v1 =	vimm.s32 $0x3D3C3B3A  }
0x163: {  	v11 =	vsel vm3, $0x140C, v11;
	v22 =	vsel vm2, $0x198B, v57;
	[tilespmem:$0x1FC10] =	vst v0;
	v0 =	vunpack.c.0.s8.s32 v1  }
0x164: {  	v23 =	vsel vm1, $0x1B0D, v23;
	v9 =	vsel vm4, $0x120A, v21;
	v10 =	vsel vm2, $0x130B, v10  }
0x165: {  	v21 =	vsel vm2, $0x190B, v43;
	v22 =	vsel vm3, $0x1A0C, v22;
	[tilespmem:$0x1FC20] =	vst v0;
	v0 =	vimm.s32 $0x31303F3E  }
0x166: {  	v11 =	vsel vm1, $0x148D, v11;
	v9 =	vsel vm2, $0x128B, v9;
	v0 =	vunpack.c.0.s8.s32 v0  }
0x167: {  	v10 =	vsel vm3, $0x138C, v10;
	v21 =	vsel vm3, $0x198C, v21;
	v22 =	vsel vm1, $0x1A8D, v22  }
0x168: {  	v9 =	vsel vm3, $0x130C, v9;
	v10 =	vsel vm1, $0x140D, v10;
	[tilespmem:$0x1FC30] =	vst v0;
	v0 =	vimm.s32 $0x35343332  }
0x169: {  	v21 =	vsel vm1, $0x1A0D, v21;
	v9 =	vsel vm1, $0x138D, v9;
	v0 =	vunpack.c.0.s8.s32 v0  }
0x16a: {  	v57 =	vsel vm0, $0x140E, v9;
	v9 =	vsel vm0, $0x148E, v10;
	v1 =	vimm.s32 $0x39383736  }
0x16b: {  	v10 =	vsel vm0, $0x150E, v11;
	v2 =	vsel vm4, $0x168A, v14;
	[tilespmem:$0x1FC40] =	vst v0;
	v0 =	vunpack.c.0.s8.s32 v1  }
0x16c: {  	v14 =	vsel vm4, $0x148A, v26;
	v26 =	vsel vm2, $0x1B8B, v62;
	v2 =	vsel vm2, $0x170B, v2  }
0x16d: {  	v14 =	vsel vm2, $0x150B, v14;
	v26 =	vsel vm3, $0x1C0C, v26;
	[tilespmem:$0x1FC50] =	vst v0;
	v0 =	vimm.s32 $0x3E3D3C3B  }
0x16e: {  	v13 =	vsel vm4, $0x140A, v25;
	v2 =	vsel vm3, $0x178C, v2;
	v0 =	vunpack.c.0.s8.s32 v0  }
0x16f: {  	v14 =	vsel vm3, $0x158C, v14;
	v25 =	vsel vm2, $0x1B0B, v61;
	v26 =	vsel vm1, $0x1C8D, v26  }
0x170: {  	v61 =	vsel vm0, $0x118E, v4;
	v4 =	vsel vm0, $0x1A8E, v21;
	[tilespmem:$0x1FC60] =	vst v0;
	v0 =	vimm.s32 $0x3231303F  }
0x171: {  	v21 =	vsel vm0, $0x1D8E, v27;
	v27 =	vsel vm0, $0x1E8E, v29;
	v0 =	vunpack.c.0.s8.s32 v0  }
0x172: {  	s6 =	rddreg [dreg:$0x0];
	v12 =	vsel vm4, $0x138A, v24;
	v13 =	vsel vm2, $0x148B, v13;
	v1 =	vimm.s32 $0x36353433  }
0x173: {  	s5 =	rddreg [dreg:$0x1];
	v24 =	vsel vm2, $0x1A8B, v60;
	v25 =	vsel vm3, $0x1B8C, v25;
	[tilespmem:$0x1FC70] =	vst v0;
	v0 =	vunpack.c.0.s8.s32 v1  }
0x174: {  	s1 =	rddreg [dreg:$0x2];
	s2 =	simm.s32 $0x0;
	v2 =	vsel vm1, $0x100D, v2;
	v14 =	vsel vm1, $0x160D, v14;
	v60 =	vsel vm0, $0x120E, v5  }
0x175: {  	[smem:$0x7FF] =	sst s2;
	v5 =	vsel vm0, $0x128E, v6;
	v6 =	vsel vm0, $0x130E, v7;
	v7 =	vsel vm0, $0x138E, v8;
	[tilespmem:$0x1FC80] =	vst v0  }
0x176: {  	s0 =	rddreg [dreg:$0x3];
	v8 =	vsel vm0, $0x1B0E, v22;
	v20 =	vsel vm0, $0x1D0E, v26;
	v12 =	vsel vm2, $0x140B, v12;
	_ =	strace $0x80000047;
	[tilespmem:$0x1FCE0] =	vst v46  }
0x177: {  	v13 =	vsel vm3, $0x150C, v13;
	v24 =	vsel vm3, $0x1B0C, v24;
	v25 =	vsel vm1, $0x1C0D, v25;
	[tilespmem:$0x1FCF0] =	vst v47  }
0x178: {  	v63 =	vsel vm0, $0x108E, v2;
	v2 =	vsel vm0, $0x110E, v3;
	v42 =	vsel vm0, $0x168E, v14;
	[tilespmem:$0x1FD00] =	vst v50  }
0x179: {  	v14 =	vsel vm0, $0x1F8E, v15;
	v15 =	vsel vm0, $0x180E, v16;
	v12 =	vsel vm3, $0x148C, v12;
	[tilespmem:$0x1FD10] =	vst v51  }
0x17a: {  	v13 =	vsel vm1, $0x158D, v13;
	v24 =	vsel vm1, $0x1B8D, v24;
	v12 =	vsel vm1, $0x150D, v12;
	[tilespmem:$0x1FD20] =	vst v54  }
0x17b: {  	v17 =	vsel vm0, $0x1C8E, v25;
	v16 =	vsel vm0, $0x1C0E, v24;
	v11 =	vsel vm0, $0x158E, v12;
	[tilespmem:$0x1FD30] =	vst v55  }
0x17c: {  	v12 =	vsel vm0, $0x160E, v13;
	v13 =	vsel vm0, $0x1B8E, v23;
	vm0 =	vcmask $0x1F10;
	[tilespmem:$0x1FD40] =	vst v56  }
0x17d: {  	v29 =	vsel vm0, v55, v54;
	[tilespmem:$0x1FD50] =	vst v44  }
0x17e: {  	[tilespmem:$0x1FD80] =	vst v29  }
0x17f: {  	[tilespmem:$0x1FDA0] =	vst v2  }
0x180: {  	[tilespmem:$0x1FDB0] =	vst v61  }
0x181: {  	[tilespmem:$0x1FDC0] =	vst v60  }
0x182: {  	[tilespmem:$0x1FDD0] =	vst v5  }
0x183: {  	[tilespmem:$0x1FDE0] =	vst v6  }
0x184: {  	[tilespmem:$0x1FDF0] =	vst v7  }
0x185: {  	[tilespmem:$0x1FE00] =	vst v57  }
0x186: {  	[tilespmem:$0x1FE10] =	vst v9  }
0x187: {  	[tilespmem:$0x1FE20] =	vst v10  }
0x188: {  	[tilespmem:$0x1FE30] =	vst v11  }
0x189: {  	[tilespmem:$0x1FE40] =	vst v12  }
0x18a: {  	[tilespmem:$0x1FE50] =	vst v42  }
0x18b: {  	[tilespmem:$0x1FE60] =	vst v14  }
0x18c: {  	[tilespmem:$0x1FE70] =	vst v15  }
0x18d: {  	[tilespmem:$0x1FE80] =	vst v59  }
0x18e: {  	[tilespmem:$0x1FE90] =	vst v37  }
0x18f: {  	[tilespmem:$0x1FEA0] =	vst v18  }
0x190: {  	[tilespmem:$0x1FEB0] =	vst v19  }
0x191: {  	[tilespmem:$0x1FEC0] =	vst v4  }
0x192: {  	[tilespmem:$0x1FED0] =	vst v8  }
0x193: {  	[tilespmem:$0x1FEE0] =	vst v13  }
0x194: {  	[tilespmem:$0x1FEF0] =	vst v16  }
0x195: {  	[tilespmem:$0x1FF00] =	vst v17  }
0x196: {  	[tilespmem:$0x1FF10] =	vst v20  }
0x197: {  	v41 =	vlaneseq.u32;
	[tilespmem:$0x1FF20] =	vst v21  }
0x198: {  	v36 =	vmul.u32 $0x81, v41;
	v43 =	vor.u32 $0x10, v41;
	[tilespmem:$0x1FF30] =	vst v27  }
0x199: {  	[tilespmem:$0x1FF50] =	vst v43  }
0x19a: {  	[tilespmem:$0x1FF60] =	vst v36  }
0x19b: {  	v0 =	vimm.s32 $0x3A393837;
	[tilespmem:$0x1FF70] =	vst v34  }
0x19c: {  	v62 =	vor.u32 $0x800, v36;
	v0 =	vunpack.c.0.s8.s32 v0;
	[tilespmem:$0x1FF80] =	vst v30  }
0x19d: {  	[tilespmem:$0x1FFA0] =	vst v62  }
0x19e: {  	[tilespmem:$0x1FC90] =	vst v0;
	v0 =	vimm.s32 $0x3F3E3D3C  }
0x19f: {  	[tilespmem:$0x1FFC0] =	vst v63;
	v0 =	vunpack.c.0.s8.s32 v0  }
0x1a0: {  	v1 =	vimm.s32 $0x33323130;
	[tilespmem:$0x1FFD0] =	vst v53  }
0x1a1: {  	[tilespmem:$0x1FCA0] =	vst v0;
	v0 =	vunpack.c.0.s8.s32 v1  }
0x1a2: {  	[tilespmem:$0x1FFE0] =	vst v49  }
0x1a3: {  	[tilespmem:$0x1FCB0] =	vst v0;
	v0 =	vimm.s32 $0x37363534  }
0x1a4: {  	s4 =	srdreg.scid;
	s3 =	stileid.u32;
	v51 =	vsel vm0, v51, v50;
	[tilespmem:$0x1FFF0] =	vst v48;
	v0 =	vunpack.c.0.s8.s32 v0  }
0x1a5: {  	s10 =	simm.s32 $0x3;
	s11 =	simm.s32 $0x80;
	s12 =	simm.s32 $0x6400;
	v56 =	vsel vm0, v44, v56;
	[tilespmem:$0x1FD70] =	vst v51  }
0x1a6: {  	s13 =	simm.s32 $0xA400;
	s14 =	simm.s32 $0x100;
	s15 =	simm.s32 $0xE400;
	v29 =	vcombine.low v56, v29;
	[tilespmem:$0x1FCC0] =	vst v0;
	v0 =	vimm.s32 $0x3B3A3938  }
0x1a7: {  	s16 =	simm.s32 $0x180;
	s17 =	simm.s32 $0x12400;
	s18 =	simm.s32 $0x1;
	[tilespmem:$0x1FD90] =	vst v56;
	v0 =	vunpack.c.0.s8.s32 v0  }
0x1a8: {  	s19 =	simm.s32 $0x2;
	s20 =	simm.s32 $0x0;
	s4 =	sand.u32 $0x1, s4;
	[tilespmem:$0x1FF90] =	vst v29;
	v1 =	vmul.u32 $0x80, v41  }
0x1a9: {  	s8 =	sshll.u32 s3, $0xB;
	s7 =	ssub.s32 $0x2, s4;
	s4 =	sshll.u32 s4, $0xA;
	[tilespmem:$0x1FCD0] =	vst v0;
	v0 =	vsel vm0, v47, v46  }
0x1aa: {  	s5 =	sadd.s32 $0xF42800, s5;
	s9 =	sshrl.u32 s7, $0x1;
	s4 =	sor.u32 s4, s8;
	[tilespmem:$0x1FF40] =	vst v1;
	v40 =	vcombine.low v51, v0  }
0x1ab: {  	s7 =	ssub.s32 s7, s9;
	s8 =	sshrl.u32 s4, $0x3;
	s9 =	simm.s32 $0x8000;
	[tilespmem:$0x1FD60] =	vst v0  }
0x1ac: {  	s6 =	sadd.s32 s6, s8;
	s7 =	smax.u32 s7, $0x1;
	s8 =	simm.s32 $0x400;
	v39 =	vmov v49;
	v28 =	vmov v48;
	[tilespmem:$0x1FFB0] =	vst v40  }
.LBB2_1:
0x1ad: {  	[tilespmem:s2], [sflag:$0x3] =	stream.strided.gather [hbm4b:s6+s8], $0x6400, s9, s8, $0x38;
	[tilespmem:$0x1E400] =	vst v63  }
0x1ae: {  	_ =	swait.ge [sflag:s10], $0x6400  }
0x1af: {  	[sflag:s10] =	ssyncset.done $0x0  }
0x1b0: {  	[sflag:s10] =	ssyncadd.s32 $0xFFFF9C00  }
0x1b1: {  	[tilespmem:s12], [sflag:$0x1] =	stream.indirect.gather [hbm4b:s5+s11], $0x80, s2, s11, $0xb8;
	[tilespmem:$0x1E400] =	vst v63  }
0x1b2: {  	_ = 	snop  }
0x1b3: {  	[tilespmem:s13], [sflag:$0x1] =	stream.indirect.gather [hbm4b:s5+s11], $0x80, s11, s11, $0xb8;
	[tilespmem:$0x1E400] =	vst v63  }
0x1b4: {  	_ = 	snop  }
0x1b5: {  	[tilespmem:s15], [sflag:$0x1] =	stream.indirect.gather [hbm4b:s5+s11], $0x80, s14, s11, $0xb8;
	[tilespmem:$0x1E400] =	vst v63  }
0x1b6: {  	s21 =	simm.s32 $0x0  }
0x1b7: {  	[tilespmem:s17], [sflag:$0x1] =	stream.indirect.gather [hbm4b:s5+s11], $0x80, s16, s11, $0xb8;
	[tilespmem:$0x1E400] =	vst v63  }
.LBB2_2:
0x1b8: {  	p0 =	sgt.u32 s21, $0xC3  }
0x1b9: {  	s22 =	sadd.s32 @!p0 $0x4, s21  }
0x1ba: {  	s23 =	smul.u32 @!p0 $0xCD, s22;
	_ =	sdelay $0x1  }
0x1bb: {  	s23 =	sshrl.u32 @!p0 s23, $0xA  }
0x1bc: {  	s23 =	sand.u32 @!p0 $0x3F, s23  }
0x1bd: {  	_ =	swait.ge [sflag:s18], $0x4000;
	s23 =	smul.u32 @!p0 $0x5, s23  }
0x1be: {  	v5 =	vld [tilespmem:$0x1F8D0]  }
0x1bf: {  	s26 =	smul.u32 $0xCD, s21;
	v30 =	vld [tilespmem:$0x1F8E0];
	s23 =	ssub.s32 @!p0 s22, s23  }
0x1c0: {  	s30 =	simm.s32 $0x0;
	[sflag:s18] =	ssyncset.done $0x0;
	v10 =	vld [tilespmem:$0x1F8F0];
	s23 =	sand.u32 @!p0 $0xFF, s23  }
0x1c1: {  	s24 =	simm.s32 @!p0 $0x80;
	v6 =	vld [tilespmem:$0x1F900];
	s22 =	sshll.u32 @!p0 s22, $0x7;
	s23 =	sshll.u32 @!p0 s23, $0xE  }
0x1c2: {  	v8 =	vld [tilespmem:$0x1F910];
	[sflag:s18] =	ssyncadd.s32 $0xFFFFC000;
	s22 =	sand.u32 @!p0 $0x3FFFFF80, s22;
	s23 =	sadd.s32 @!p0 $0x6400, s23  }
0x1c3: {  	v9 =	vld [tilespmem:$0x1F920];
	[tilespmem:s23], [sflag:$0x1] =	stream.indirect.gather @!p0 [hbm4b:s5+s24], $0x80, s22, s24, $0xb8  }
0x1c4: {  	v7 =	vld [tilespmem:$0x1F930];
	v0 =	vmov s30;
	s22 =	sshrl.u32 s26, $0xA  }
0x1c5: {  	v16 =	vld [tilespmem:$0x1F950];
	v0 =	vshll.u32 v0, $0x7;
	s22 =	sand.u32 $0x3F, s22  }
0x1c6: {  	v63 =	vmov v1;
	v61 =	vld [tilespmem:$0x1F960];
	v1 =	vor.u32 v1, v0;
	s22 =	smul.u32 $0x5, s22  }
0x1c7: {  	p1 =	slt.u32 @!p0 s21, $0x2;
	v13 =	vld [tilespmem:$0x1F970];
	v0 =	vor.u32 v41, v1  }
0x1c8: {  	v12 =	vld [tilespmem:$0x1F9C0];
	p0 =	por p0, !p1;
	s22 =	ssub.s32 s21, s22  }
0x1c9: {  	v31 =	vld [tilespmem:$0x1FA20];
	_ =	swait.ge @p0 [sflag:s19], $0x2000;
	s22 =	sand.u32 $0xFF, s22  }
0x1ca: {  	[sflag:s19] =	ssyncset.done @p0 $0x0;
	s22 =	sshll.u32 s22, $0xE  }
0x1cb: {  	[sflag:s19] =	ssyncadd.s32 @p0 $0xFFFFE000;
	s23 =	sadd.s32 $0x6400, s22  }
0x1cc: {  	v2 =	vor.u32 s30, v36;
	v0 =	vld.idx.msk [tilespmem:v0+s23+$0x0], $0xffff  }
0x1cd: {  	v3 =	vor.u32 v58, v1  }
0x1ce: {  	s31 =	sshll.u32 s21, $0xD  }
0x1cf: {  	s22 =	sand.u32 $0x2000, s31  }
0x1d0: {  	s22 =	sadd.s32 $0x1A400, s22  }
0x1d1: {  	[tilespmem:v2+s22+$0x0] =	vst.idx.msk $0xffff, v0  }
0x1d2: {  	v2 =	vor.u32 s30, v52;
	v0 =	vld.idx.msk [tilespmem:v3+s23+$0x0], $0xffff  }
0x1d3: {  	v44 =	vld [tilespmem:$0x1F7D0];
	_ =	sdelay $0x3  }
0x1d4: {  	[tilespmem:v2+s22+$0x0] =	vst.idx.msk $0xffff, v0  }
0x1d5: {  	v3 =	vor.u32 v44, v1;
	v34 =	vld [tilespmem:$0x1F7E0];
	_ =	sdelay $0x4  }
0x1d6: {  	v0 =	vld.idx.msk [tilespmem:v3+s23+$0x0], $0xffff;
	v2 =	vor.u32 s30, v34  }
0x1d7: {  	v47 =	vld [tilespmem:$0x1F7F0];
	_ =	sdelay $0x3  }
0x1d8: {  	[tilespmem:v2+s22+$0x0] =	vst.idx.msk $0xffff, v0  }
0x1d9: {  	v3 =	vor.u32 v47, v1;
	v32 =	vld [tilespmem:$0x1F800];
	_ =	sdelay $0x4  }
0x1da: {  	v0 =	vld.idx.msk [tilespmem:v3+s23+$0x0], $0xffff;
	v2 =	vor.u32 s30, v32  }
0x1db: {  	v51 =	vld [tilespmem:$0x1F810];
	_ =	sdelay $0x3  }
0x1dc: {  	[tilespmem:v2+s22+$0x0] =	vst.idx.msk $0xffff, v0  }
0x1dd: {  	v3 =	vor.u32 v51, v1;
	v42 =	vld [tilespmem:$0x1F820];
	_ =	sdelay $0x4  }
0x1de: {  	v0 =	vld.idx.msk [tilespmem:v3+s23+$0x0], $0xffff;
	v2 =	vor.u32 s30, v42  }
0x1df: {  	v33 =	vld [tilespmem:$0x1F830];
	_ =	sdelay $0x3  }
0x1e0: {  	[tilespmem:v2+s22+$0x0] =	vst.idx.msk $0xffff, v0  }
0x1e1: {  	v3 =	vor.u32 v33, v1;
	v55 =	vld [tilespmem:$0x1F840];
	_ =	sdelay $0x4  }
0x1e2: {  	v0 =	vld.idx.msk [tilespmem:v3+s23+$0x0], $0xffff;
	v2 =	vor.u32 s30, v55  }
0x1e3: {  	v57 =	vld [tilespmem:$0x1F850];
	_ =	sdelay $0x3  }
0x1e4: {  	[tilespmem:v2+s22+$0x0] =	vst.idx.msk $0xffff, v0  }
0x1e5: {  	v3 =	vor.u32 v57, v1;
	v60 =	vld [tilespmem:$0x1F860];
	_ =	sdelay $0x4  }
0x1e6: {  	v0 =	vld.idx.msk [tilespmem:v3+s23+$0x0], $0xffff;
	v2 =	vor.u32 s30, v60  }
0x1e7: {  	v3 =	vor.u32 v28, v1;
	_ =	sdelay $0x3  }
0x1e8: {  	[tilespmem:v2+s22+$0x0] =	vst.idx.msk $0xffff, v0  }
0x1e9: {  	v2 =	vor.u32 s30, v39;
	v0 =	vld.idx.msk [tilespmem:v3+s23+$0x0], $0xffff  }
0x1ea: {  	v50 =	vld [tilespmem:$0x1F870];
	_ =	sdelay $0x3  }
0x1eb: {  	[tilespmem:v2+s22+$0x0] =	vst.idx.msk $0xffff, v0  }
0x1ec: {  	v3 =	vor.u32 v50, v1;
	v56 =	vld [tilespmem:$0x1F880];
	_ =	sdelay $0x4  }
0x1ed: {  	v0 =	vld.idx.msk [tilespmem:v3+s23+$0x0], $0xffff;
	v2 =	vor.u32 s30, v56  }
0x1ee: {  	v38 =	vld [tilespmem:$0x1F890];
	_ =	sdelay $0x3  }
0x1ef: {  	[tilespmem:v2+s22+$0x0] =	vst.idx.msk $0xffff, v0  }
0x1f0: {  	v37 =	vmov v28;
	v3 =	vor.u32 v38, v1;
	v28 =	vld [tilespmem:$0x1F8A0];
	_ =	sdelay $0x4  }
0x1f1: {  	v2 =	vld.idx.msk [tilespmem:v3+s23+$0x0], $0xffff;
	v0 =	vor.u32 s30, v28  }
0x1f2: {  	v35 =	vld [tilespmem:$0x1F8B0];
	_ =	sdelay $0x3  }
0x1f3: {  	[tilespmem:v0+s22+$0x0] =	vst.idx.msk $0xffff, v2  }
0x1f4: {  	v3 =	vor.u32 v35, v1;
	v45 =	vld [tilespmem:$0x1F8C0];
	_ =	sdelay $0x4  }
0x1f5: {  	v2 =	vld.idx.msk [tilespmem:v3+s23+$0x0], $0xffff;
	v0 =	vor.u32 s30, v45  }
0x1f6: {  	v3 =	vor.u32 v53, v1;
	_ =	sdelay $0x2  }
0x1f7: {  	s24 =	simm.s32 $0x10  }
0x1f8: {  	[tilespmem:v0+s22+$0x0] =	vst.idx.msk $0xffff, v2;
	v0 =	vmov s24  }
0x1f9: {  	v2 =	vld.idx.msk [tilespmem:v3+s23+$0x0], $0xffff;
	v3 =	vor.u32 s30, v5;
	v0 =	vshll.u32 v0, $0x7  }
0x1fa: {  	v4 =	vor.u32 v30, v1;
	v17 =	vor.u32 v63, v0  }
0x1fb: {  	v0 =	vor.u32 v41, v17;
	_ =	sdelay $0x2  }
0x1fc: {  	[tilespmem:v3+s22+$0x0] =	vst.idx.msk $0xffff, v2  }
0x1fd: {  	v3 =	vor.u32 s30, v10;
	v2 =	vld.idx.msk [tilespmem:v4+s23+$0x0], $0xffff  }
0x1fe: {  	v41 =	vmov v5;
	v5 =	vor.u32 s24, v36;
	v4 =	vor.u32 v6, v1;
	v0 =	vld.idx.msk [tilespmem:v0+s23+$0x0], $0xffff  }
0x1ff: {  	v54 =	vmov v6;
	v6 =	vor.u32 v58, v17;
	_ =	sdelay $0x2  }
0x200: {  	[tilespmem:v3+s22+$0x0] =	vst.idx.msk $0xffff, v2  }
0x201: {  	v2 =	vor.u32 s30, v8;
	v3 =	vld.idx.msk [tilespmem:v4+s23+$0x0], $0xffff;
	[tilespmem:v5+s22+$0x0] =	vst.idx.msk $0xffff, v0  }
0x202: {  	v5 =	vor.u32 s24, v52;
	v4 =	vld.idx.msk [tilespmem:v6+s23+$0x0], $0xffff;
	_ =	sdelay $0x3  }
0x203: {  	v6 =	vor.u32 v44, v17;
	[tilespmem:v2+s22+$0x0] =	vst.idx.msk $0xffff, v3  }
0x204: {  	v0 =	vor.u32 v9, v1;
	[tilespmem:v5+s22+$0x0] =	vst.idx.msk $0xffff, v4  }
0x205: {  	v3 =	vld [tilespmem:$0x1F940];
	_ =	sdelay $0x2  }
0x206: {  	v5 =	vor.u32 s24, v34;
	v4 =	vld.idx.msk [tilespmem:v6+s23+$0x0], $0xffff  }
0x207: {  	v2 =	vor.u32 s30, v7;
	v0 =	vld.idx.msk [tilespmem:v0+s23+$0x0], $0xffff;
	v6 =	vor.u32 v47, v17  }
0x208: {  	v3 =	vor.u32 v3, v1;
	_ =	sdelay $0x2  }
0x209: {  	[tilespmem:v5+s22+$0x0] =	vst.idx.msk $0xffff, v4  }
0x20a: {  	[tilespmem:v2+s22+$0x0] =	vst.idx.msk $0xffff, v0;
	v5 =	vor.u32 s24, v32;
	v4 =	vld.idx.msk [tilespmem:v6+s23+$0x0], $0xffff  }
0x20b: {  	v0 =	vor.u32 s30, v16;
	v6 =	vor.u32 v51, v17;
	v2 =	vld.idx.msk [tilespmem:v3+s23+$0x0], $0xffff  }
0x20c: {  	v3 =	vor.u32 v43, v1;
	_ =	sdelay $0x2  }
0x20d: {  	[tilespmem:v5+s22+$0x0] =	vst.idx.msk $0xffff, v4  }
0x20e: {  	v5 =	vor.u32 s24, v42;
	v4 =	vld.idx.msk [tilespmem:v6+s23+$0x0], $0xffff;
	[tilespmem:v0+s22+$0x0] =	vst.idx.msk $0xffff, v2  }
0x20f: {  	v6 =	vor.u32 v33, v17;
	v0 =	vor.u32 s30, v62;
	v2 =	vld.idx.msk [tilespmem:v3+s23+$0x0], $0xffff  }
0x210: {  	v3 =	vor.u32 v40, v1;
	_ =	sdelay $0x2  }
0x211: {  	[tilespmem:v5+s22+$0x0] =	vst.idx.msk $0xffff, v4  }
0x212: {  	v5 =	vor.u32 s24, v55;
	v4 =	vld.idx.msk [tilespmem:v6+s23+$0x0], $0xffff;
	[tilespmem:v0+s22+$0x0] =	vst.idx.msk $0xffff, v2  }
0x213: {  	v0 =	vor.u32 s30, v61;
	v2 =	vld.idx.msk [tilespmem:v3+s23+$0x0], $0xffff  }
0x214: {  	v16 =	vld [tilespmem:$0x1F980]  }
0x215: {  	v18 =	vld [tilespmem:$0x1F990]  }
0x216: {  	v19 =	vld [tilespmem:$0x1F9A0]  }
0x217: {  	v20 =	vld [tilespmem:$0x1F9B0];
	[tilespmem:v5+s22+$0x0] =	vst.idx.msk $0xffff, v4  }
0x218: {  	[tilespmem:v0+s22+$0x0] =	vst.idx.msk $0xffff, v2  }
0x219: {  	v21 =	vld [tilespmem:$0x1F9D0]  }
0x21a: {  	v23 =	vld [tilespmem:$0x1F9E0]  }
0x21b: {  	v3 =	vor.u32 v29, v1;
	v24 =	vld [tilespmem:$0x1F9F0]  }
0x21c: {  	v6 =	vor.u32 v57, v17;
	v25 =	vld [tilespmem:$0x1FA00]  }
0x21d: {  	v46 =	vmov v7;
	v7 =	vsel vm0, v18, v16;
	v26 =	vsel vm0, v20, v19  }
0x21e: {  	v48 =	vcombine.low v26, v7;
	_ =	sdelay $0x1  }
0x21f: {  	v59 =	vmov v9;
	v5 =	vor.u32 s24, v60;
	v0 =	vor.u32 s30, v13;
	v2 =	vld.idx.msk [tilespmem:v3+s23+$0x0], $0xffff;
	[tilespmem:$0x1F500] =	vst v48  }
0x220: {  	v3 =	vor.u32 v48, v1;
	v4 =	vld.idx.msk [tilespmem:v6+s23+$0x0], $0xffff;
	v9 =	vsel vm0, v23, v21;
	v27 =	vsel vm0, v25, v24  }
0x221: {  	v11 =	vcombine.low v27, v9;
	_ =	sdelay $0x1  }
0x222: {  	[tilespmem:$0x1F540] =	vst v11  }
0x223: {  	[tilespmem:v0+s22+$0x0] =	vst.idx.msk $0xffff, v2  }
0x224: {  	v6 =	vor.u32 v37, v17;
	[tilespmem:v5+s22+$0x0] =	vst.idx.msk $0xffff, v4;
	v2 =	vld.idx.msk [tilespmem:v3+s23+$0x0], $0xffff  }
0x225: {  	v3 =	vor.u32 v11, v1;
	v11 =	vld [tilespmem:$0x1FCF0]  }
0x226: {  	v40 =	vmov v12;
	v0 =	vor.u32 s30, v12;
	v12 =	vld [tilespmem:$0x1FD00];
	_ =	sdelay $0x2  }
0x227: {  	v5 =	vor.u32 s24, v39;
	v4 =	vld.idx.msk [tilespmem:v6+s23+$0x0], $0xffff  }
0x228: {  	v29 =	vmov v13;
	v13 =	vld [tilespmem:$0x1FD10]  }
0x229: {  	v11 =	vsel vm0, v12, v11;
	v12 =	vld [tilespmem:$0x1FCE0];
	_ =	sdelay $0x1  }
0x22a: {  	[tilespmem:v0+s22+$0x0] =	vst.idx.msk $0xffff, v2  }
0x22b: {  	v49 =	vld [tilespmem:$0x1FA10];
	[tilespmem:v5+s22+$0x0] =	vst.idx.msk $0xffff, v4  }
0x22c: {  	v14 =	vld [tilespmem:$0x1FD40]  }
0x22d: {  	v12 =	vsel vm0, v12, v13;
	v13 =	vld [tilespmem:$0x1FD30];
	_ =	sdelay $0x3  }
0x22e: {  	v15 =	vld [tilespmem:$0x1FD50]  }
0x22f: {  	v13 =	vsel vm0, v14, v13;
	v14 =	vld [tilespmem:$0x1FD20];
	_ =	sdelay $0x2  }
0x230: {  	v6 =	vor.u32 v50, v17;
	v22 =	vcombine.low v12, v11  }
0x231: {  	v2 =	vld.idx.msk [tilespmem:v3+s23+$0x0], $0xffff;
	v0 =	vor.u32 s30, v49  }
0x232: {  	v3 =	vor.u32 v22, v1;
	v14 =	vsel vm0, v14, v15  }
0x233: {  	v15 =	vcombine.low v14, v13  }
0x234: {  	[tilespmem:$0x1F580] =	vst v22  }
0x235: {  	v5 =	vor.u32 s24, v56;
	v4 =	vld.idx.msk [tilespmem:v6+s23+$0x0], $0xffff;
	[tilespmem:$0x1F5C0] =	vst v15  }
0x236: {  	v6 =	vor.u32 v38, v17;
	[tilespmem:v0+s22+$0x0] =	vst.idx.msk $0xffff, v2  }
0x237: {  	v0 =	vor.u32 s30, v31;
	v2 =	vld.idx.msk [tilespmem:v3+s23+$0x0], $0xffff  }
0x238: {  	v16 =	vsel vm0, v16, v20;
	v3 =	vor.u32 v15, v1;
	v15 =	vsel vm0, v19, v18  }
0x239: {  	v18 =	vcombine.low v16, v15  }
0x23a: {  	[tilespmem:v5+s22+$0x0] =	vst.idx.msk $0xffff, v4  }
0x23b: {  	v5 =	vld.idx.msk [tilespmem:v6+s23+$0x0], $0xffff;
	[tilespmem:$0x1F5F0] =	vst v18  }
0x23c: {  	[tilespmem:v0+s22+$0x0] =	vst.idx.msk $0xffff, v2  }
0x23d: {  	v4 =	vor.u32 s24, v28;
	v0 =	vld [tilespmem:$0x1FA30]  }
0x23e: {  	v6 =	vor.u32 v35, v17;
	_ =	sdelay $0x3  }
0x23f: {  	v19 =	vsel vm0, v24, v23;
	v2 =	vld.idx.msk [tilespmem:v3+s23+$0x0], $0xffff;
	[tilespmem:v4+s22+$0x0] =	vst.idx.msk $0xffff, v5;
	v0 =	vor.u32 s30, v0  }
0x240: {  	v3 =	vor.u32 v18, v1;
	v4 =	vor.u32 s24, v45;
	v18 =	vsel vm0, v21, v25;
	v5 =	vld.idx.msk [tilespmem:v6+s23+$0x0], $0xffff  }
0x241: {  	v18 =	vcombine.low v18, v19;
	_ =	sdelay $0x1  }
0x242: {  	[tilespmem:$0x1F630] =	vst v18  }
0x243: {  	[tilespmem:v0+s22+$0x0] =	vst.idx.msk $0xffff, v2  }
0x244: {  	v31 =	vld [tilespmem:$0x1FA40];
	[tilespmem:v4+s22+$0x0] =	vst.idx.msk $0xffff, v5  }
0x245: {  	v20 =	vld [tilespmem:$0x1FD60]  }
0x246: {  	v21 =	vld [tilespmem:$0x1FD70];
	_ =	sdelay $0x1  }
0x247: {  	v6 =	vor.u32 v53, v17  }
0x248: {  	v2 =	vld.idx.msk [tilespmem:v3+s23+$0x0], $0xffff;
	v0 =	vor.u32 s30, v31;
	_ =	sdelay $0x1  }
0x249: {  	v20 =	vcombine.low v20, v21  }
0x24a: {  	s25 =	simm.s32 $0x20  }
0x24b: {  	v3 =	vmov s25;
	v5 =	vld.idx.msk [tilespmem:v6+s23+$0x0], $0xffff;
	[tilespmem:$0x1F6A0] =	vst v20  }
0x24c: {  	v3 =	vshll.u32 v3, $0x7;
	[tilespmem:v0+s22+$0x0] =	vst.idx.msk $0xffff, v2  }
0x24d: {  	v53 =	vmovc v30;
	v4 =	vor.u32 v18, v1;
	v18 =	vor.u32 v63, v3;
	v3 =	vor.u32 v30, v17;
	v30 =	vld [tilespmem:$0x1FA50];
	_ =	sdelay $0x2  }
0x24e: {  	v6 =	vor.u32 s24, v41;
	_ =	sdelay $0x1  }
0x24f: {  	v2 =	vld.idx.msk [tilespmem:v4+s23+$0x0], $0xffff;
	v0 =	vor.u32 s30, v30;
	_ =	sdelay $0x2  }
0x250: {  	v19 =	vlaneseq.u32;
	[tilespmem:v6+s22+$0x0] =	vst.idx.msk $0xffff, v5  }
0x251: {  	v19 =	vor.u32 v19, v18;
	v23 =	vld [tilespmem:$0x1FD80]  }
0x252: {  	v24 =	vld [tilespmem:$0x1FD90];
	[tilespmem:v0+s22+$0x0] =	vst.idx.msk $0xffff, v2  }
0x253: {  	v4 =	vor.u32 v20, v1;
	v0 =	vld [tilespmem:$0x1FA60]  }
0x254: {  	v5 =	vor.u32 s24, v10;
	v3 =	vld.idx.msk [tilespmem:v3+s23+$0x0], $0xffff;
	_ =	sdelay $0x1  }
0x255: {  	v6 =	vld.idx.msk [tilespmem:v19+s23+$0x0], $0xffff;
	v19 =	vor.u32 s25, v36;
	v20 =	vor.u32 v54, v17  }
0x256: {  	v21 =	vor.u32 v58, v18  }
0x257: {  	v23 =	vcombine.low v23, v24;
	v2 =	vld.idx.msk [tilespmem:v4+s23+$0x0], $0xffff;
	v0 =	vor.u32 s30, v0  }
0x258: {  	[tilespmem:v5+s22+$0x0] =	vst.idx.msk $0xffff, v3  }
0x259: {  	v7 =	vcombine.low v7, v26;
	[tilespmem:$0x1F760] =	vst v23  }
0x25a: {  	[tilespmem:v19+s22+$0x0] =	vst.idx.msk $0xffff, v6;
	v5 =	vld.idx.msk [tilespmem:v20+s23+$0x0], $0xffff  }
0x25b: {  	v6 =	vld.idx.msk [tilespmem:v21+s23+$0x0], $0xffff;
	[tilespmem:$0x1F7B0] =	vst v7  }
0x25c: {  	[tilespmem:v0+s22+$0x0] =	vst.idx.msk $0xffff, v2  }
0x25d: {  	v3 =	vor.u32 v23, v1;
	v0 =	vld [tilespmem:$0x1FA70];
	_ =	sdelay $0x1  }
0x25e: {  	v4 =	vor.u32 s24, v8  }
0x25f: {  	v19 =	vor.u32 s25, v52;
	_ =	sdelay $0x1  }
0x260: {  	v20 =	vor.u32 v59, v17;
	v2 =	vld.idx.msk [tilespmem:v3+s23+$0x0], $0xffff;
	v0 =	vor.u32 s30, v0;
	_ =	sdelay $0x1  }
0x261: {  	v21 =	vor.u32 v44, v18;
	[tilespmem:v4+s22+$0x0] =	vst.idx.msk $0xffff, v5  }
0x262: {  	[tilespmem:v19+s22+$0x0] =	vst.idx.msk $0xffff, v6  }
0x263: {  	v41 =	vld [tilespmem:$0x1F940]  }
0x264: {  	v3 =	vor.u32 v7, v1;
	v5 =	vld.idx.msk [tilespmem:v20+s23+$0x0], $0xffff;
	[tilespmem:v0+s22+$0x0] =	vst.idx.msk $0xffff, v2  }
0x265: {  	v4 =	vor.u32 s24, v46;
	v2 =	vld [tilespmem:$0x1FA80]  }
0x266: {  	v7 =	vor.u32 s25, v34;
	v6 =	vld.idx.msk [tilespmem:v21+s23+$0x0], $0xffff  }
0x267: {  	v9 =	vcombine.low v9, v27  }
0x268: {  	v8 =	vor.u32 v41, v17  }
0x269: {  	v19 =	vor.u32 v47, v18;
	v0 =	vld.idx.msk [tilespmem:v3+s23+$0x0], $0xffff;
	[tilespmem:$0x1F740] =	vst v9  }
0x26a: {  	[tilespmem:v4+s22+$0x0] =	vst.idx.msk $0xffff, v5;
	v2 =	vor.u32 s30, v2  }
0x26b: {  	[tilespmem:v7+s22+$0x0] =	vst.idx.msk $0xffff, v6  }
0x26c: {  	v10 =	vcombine.low v11, v12;
	v4 =	vld [tilespmem:$0x1F950]  }
0x26d: {  	v5 =	vld.idx.msk [tilespmem:v8+s23+$0x0], $0xffff  }
0x26e: {  	v6 =	vld.idx.msk [tilespmem:v19+s23+$0x0], $0xffff;
	[tilespmem:$0x1F4C0] =	vst v10  }
0x26f: {  	[tilespmem:v2+s22+$0x0] =	vst.idx.msk $0xffff, v0  }
0x270: {  	v3 =	vor.u32 v9, v1;
	v0 =	vld [tilespmem:$0x1FA90]  }
0x271: {  	v7 =	vor.u32 s25, v32  }
0x272: {  	v9 =	vor.u32 v51, v18;
	v4 =	vor.u32 s24, v4;
	_ =	sdelay $0x1  }
0x273: {  	v8 =	vor.u32 v43, v17  }
0x274: {  	v2 =	vld.idx.msk [tilespmem:v3+s23+$0x0], $0xffff;
	v0 =	vor.u32 s30, v0  }
0x275: {  	[tilespmem:v7+s22+$0x0] =	vst.idx.msk $0xffff, v6  }
0x276: {  	v3 =	vor.u32 v10, v1;
	v10 =	vcombine.low v13, v14;
	[tilespmem:v4+s22+$0x0] =	vst.idx.msk $0xffff, v5;
	v6 =	vld.idx.msk [tilespmem:v9+s23+$0x0], $0xffff  }
0x277: {  	v24 =	vld [tilespmem:$0x1FFB0]  }
0x278: {  	v5 =	vld.idx.msk [tilespmem:v8+s23+$0x0], $0xffff;
	[tilespmem:$0x1F4E0] =	vst v10  }
0x279: {  	[tilespmem:v0+s22+$0x0] =	vst.idx.msk $0xffff, v2  }
0x27a: {  	v0 =	vld [tilespmem:$0x1FAA0]  }
0x27b: {  	v4 =	vor.u32 s24, v62  }
0x27c: {  	v7 =	vor.u32 s25, v42;
	v8 =	vor.u32 v24, v17;
	_ =	sdelay $0x1  }
0x27d: {  	v9 =	vor.u32 v33, v18  }
0x27e: {  	v2 =	vld.idx.msk [tilespmem:v3+s23+$0x0], $0xffff;
	v0 =	vor.u32 s30, v0  }
0x27f: {  	[tilespmem:v4+s22+$0x0] =	vst.idx.msk $0xffff, v5  }
0x280: {  	v3 =	vor.u32 v10, v1;
	[tilespmem:v7+s22+$0x0] =	vst.idx.msk $0xffff, v6;
	v10 =	vcombine.low v15, v16;
	v5 =	vld.idx.msk [tilespmem:v8+s23+$0x0], $0xffff  }
0x281: {  	v20 =	vld [tilespmem:$0x1FF90]  }
0x282: {  	v6 =	vld.idx.msk [tilespmem:v9+s23+$0x0], $0xffff;
	[tilespmem:$0x1F530] =	vst v10  }
0x283: {  	[tilespmem:v0+s22+$0x0] =	vst.idx.msk $0xffff, v2  }
0x284: {  	v0 =	vld [tilespmem:$0x1FAB0]  }
0x285: {  	v4 =	vor.u32 s24, v61  }
0x286: {  	v7 =	vor.u32 s25, v55;
	v8 =	vor.u32 v20, v17  }
0x287: {  	v9 =	vor.u32 v57, v18;
	_ =	sdelay $0x1  }
0x288: {  	v2 =	vld.idx.msk [tilespmem:v3+s23+$0x0], $0xffff;
	v0 =	vor.u32 s30, v0  }
0x289: {  	[tilespmem:v4+s22+$0x0] =	vst.idx.msk $0xffff, v5  }
0x28a: {  	[tilespmem:v7+s22+$0x0] =	vst.idx.msk $0xffff, v6;
	v4 =	vor.u32 s24, v29;
	v5 =	vld.idx.msk [tilespmem:v8+s23+$0x0], $0xffff  }
0x28b: {  	v7 =	vor.u32 s25, v60;
	v6 =	vld.idx.msk [tilespmem:v9+s23+$0x0], $0xffff  }
0x28c: {  	v21 =	vlaneseq.u32  }
0x28d: {  	v3 =	vor.u32 v10, v1;
	v10 =	vor.u32 $0x20, v21;
	[tilespmem:v0+s22+$0x0] =	vst.idx.msk $0xffff, v2  }
0x28e: {  	[tilespmem:$0x1F570] =	vst v10  }
0x28f: {  	v0 =	vld [tilespmem:$0x1FAC0];
	[tilespmem:v4+s22+$0x0] =	vst.idx.msk $0xffff, v5  }
0x290: {  	[tilespmem:v7+s22+$0x0] =	vst.idx.msk $0xffff, v6  }
0x291: {  	v25 =	vld [tilespmem:$0x1FAD0]  }
0x292: {  	v46 =	vld [tilespmem:$0x1FAE0]  }
0x293: {  	v45 =	vld [tilespmem:$0x1FAF0]  }
0x294: {  	v8 =	vor.u32 v48, v17;
	v47 =	vld [tilespmem:$0x1FB00]  }
0x295: {  	v9 =	vor.u32 v37, v18;
	_ =	sdelay $0x2  }
0x296: {  	v11 =	vor.u32 $0x1000, v36;
	v2 =	vld.idx.msk [tilespmem:v3+s23+$0x0], $0xffff;
	v0 =	vor.u32 s30, v0  }
0x297: {  	v4 =	vor.u32 s24, v40;
	v5 =	vld.idx.msk [tilespmem:v8+s23+$0x0], $0xffff;
	v14 =	vsel vm0, v46, v25;
	v15 =	vsel vm0, v47, v45  }
0x298: {  	v3 =	vor.u32 v10, v1;
	v7 =	vor.u32 s25, v39;
	v6 =	vld.idx.msk [tilespmem:v9+s23+$0x0], $0xffff;
	v10 =	vcombine.low v15, v14  }
0x299: {  	[tilespmem:$0x1F5A0] =	vst v11  }
0x29a: {  	v9 =	vld [tilespmem:$0x1F540];
	[tilespmem:$0x1F5B0] =	vst v10  }
0x29b: {  	[tilespmem:v0+s22+$0x0] =	vst.idx.msk $0xffff, v2  }
0x29c: {  	[tilespmem:v4+s22+$0x0] =	vst.idx.msk $0xffff, v5  }
0x29d: {  	[tilespmem:v7+s22+$0x0] =	vst.idx.msk $0xffff, v6  }
0x29e: {  	v51 =	vld [tilespmem:$0x1FB20]  }
0x29f: {  	v8 =	vor.u32 v9, v17;
	v9 =	vor.u32 v50, v18;
	v50 =	vld [tilespmem:$0x1FB30]  }
0x2a0: {  	v54 =	vld [tilespmem:$0x1FB40]  }
0x2a1: {  	v55 =	vld [tilespmem:$0x1FB50];
	_ =	sdelay $0x3  }
0x2a2: {  	v0 =	vor.u32 s30, v11;
	v2 =	vld.idx.msk [tilespmem:v3+s23+$0x0], $0xffff  }
0x2a3: {  	v4 =	vor.u32 s24, v49;
	v5 =	vld.idx.msk [tilespmem:v8+s23+$0x0], $0xffff;
	v12 =	vsel vm0, v50, v51;
	v13 =	vsel vm0, v55, v54  }
0x2a4: {  	v7 =	vor.u32 s25, v56;
	v3 =	vor.u32 v10, v1;
	v6 =	vld.idx.msk [tilespmem:v9+s23+$0x0], $0xffff;
	v10 =	vcombine.low v13, v12;
	_ =	sdelay $0x1  }
0x2a5: {  	[tilespmem:$0x1F5E0] =	vst v10  }
0x2a6: {  	[tilespmem:v0+s22+$0x0] =	vst.idx.msk $0xffff, v2  }
0x2a7: {  	v0 =	vld [tilespmem:$0x1FF70];
	[tilespmem:v4+s22+$0x0] =	vst.idx.msk $0xffff, v5  }
0x2a8: {  	[tilespmem:v7+s22+$0x0] =	vst.idx.msk $0xffff, v6  }
0x2a9: {  	v32 =	vld [tilespmem:$0x1FA20]  }
0x2aa: {  	v56 =	vld [tilespmem:$0x1FB80]  }
0x2ab: {  	v37 =	vmov v57;
	v57 =	vld [tilespmem:$0x1FB90]  }
0x2ac: {  	v48 =	vld [tilespmem:$0x1FB60]  }
0x2ad: {  	v8 =	vor.u32 v22, v17;
	v59 =	vld [tilespmem:$0x1FB70]  }
0x2ae: {  	v9 =	vor.u32 v38, v18;
	_ =	sdelay $0x2  }
0x2af: {  	v27 =	vmov v44;
	v2 =	vld.idx.msk [tilespmem:v3+s23+$0x0], $0xffff;
	v3 =	vor.u32 v10, v1;
	v0 =	vor.u32 s30, v0  }
0x2b0: {  	v44 =	vmovc v36;
	v5 =	vld.idx.msk [tilespmem:v8+s23+$0x0], $0xffff;
	v4 =	vor.u32 s24, v32;
	v36 =	vsel vm0, v57, v56;
	v10 =	vsel vm0, v59, v48  }
0x2b1: {  	v6 =	vor.u32 s25, v28;
	v7 =	vld.idx.msk [tilespmem:v9+s23+$0x0], $0xffff;
	v16 =	vcombine.low v36, v10;
	_ =	sdelay $0x1  }
0x2b2: {  	[tilespmem:$0x1F620] =	vst v16  }
0x2b3: {  	v8 =	vld [tilespmem:$0x1F5C0];
	[tilespmem:v0+s22+$0x0] =	vst.idx.msk $0xffff, v2  }
0x2b4: {  	v0 =	vld [tilespmem:$0x1FF80];
	[tilespmem:v4+s22+$0x0] =	vst.idx.msk $0xffff, v5  }
0x2b5: {  	v11 =	vor.u32 v35, v18;
	v2 =	vld.idx.msk [tilespmem:v3+s23+$0x0], $0xffff;
	[tilespmem:v6+s22+$0x0] =	vst.idx.msk $0xffff, v7  }
0x2b6: {  	v4 =	vld [tilespmem:$0x1FA30]  }
0x2b7: {  	s26 =	simm.s32 $0x30;
	v7 =	vld [tilespmem:$0x1F5F0]  }
0x2b8: {  	v3 =	vmov s26;
	v49 =	vld [tilespmem:$0x1FBA0]  }
0x2b9: {  	v3 =	vshll.u32 v3, $0x7;
	v61 =	vld [tilespmem:$0x1FBC0]  }
0x2ba: {  	v19 =	vor.u32 v63, v3;
	v3 =	vld.idx.msk [tilespmem:v11+s23+$0x0], $0xffff  }
0x2bb: {  	v33 =	vmov v63;
	v63 =	vld [tilespmem:$0x1FBB0]  }
0x2bc: {  	v9 =	vor.u32 v8, v17;
	v11 =	vor.u32 v7, v17;
	v7 =	vmov v62;
	v62 =	vld [tilespmem:$0x1FBD0]  }
0x2bd: {  	v40 =	vld [tilespmem:$0x1F8C0];
	_ =	sdelay $0x2  }
0x2be: {  	v0 =	vor.u32 s30, v0  }
0x2bf: {  	v5 =	vld.idx.msk [tilespmem:v9+s23+$0x0], $0xffff;
	v4 =	vor.u32 s24, v4;
	v39 =	vsel vm0, v63, v49;
	v38 =	vsel vm0, v62, v61  }
0x2c0: {  	v16 =	vor.u32 v16, v1;
	v6 =	vor.u32 s25, v40;
	v22 =	vcombine.low v38, v39;
	_ =	sdelay $0x1  }
0x2c1: {  	v35 =	vld [tilespmem:$0x1FFD0];
	[tilespmem:$0x1F670] =	vst v22  }
0x2c2: {  	[tilespmem:v0+s22+$0x0] =	vst.idx.msk $0xffff, v2  }
0x2c3: {  	v0 =	vld [tilespmem:$0x1FFC0];
	[tilespmem:v4+s22+$0x0] =	vst.idx.msk $0xffff, v5  }
0x2c4: {  	v2 =	vld.idx.msk [tilespmem:v16+s23+$0x0], $0xffff;
	[tilespmem:v6+s22+$0x0] =	vst.idx.msk $0xffff, v3  }
0x2c5: {  	v5 =	vld [tilespmem:$0x1F630]  }
0x2c6: {  	v9 =	vmov v20;
	v20 =	vor.u32 v35, v18;
	v60 =	vld [tilespmem:$0x1F8D0];
	_ =	sdelay $0x1  }
0x2c7: {  	v21 =	vor.u32 v21, v19  }
0x2c8: {  	v3 =	vor.u32 s24, v31;
	v0 =	vor.u32 s30, v0  }
0x2c9: {  	v6 =	vsel vm0, v45, v46;
	v4 =	vld.idx.msk [tilespmem:v11+s23+$0x0], $0xffff;
	v23 =	vor.u32 v5, v17;
	v5 =	vsel vm0, v25, v47  }
0x2ca: {  	v16 =	vor.u32 v22, v1;
	v20 =	vld.idx.msk [tilespmem:v20+s23+$0x0], $0xffff;
	v22 =	vor.u32 s25, v60;
	v26 =	vcombine.low v5, v6;
	_ =	sdelay $0x1  }
0x2cb: {  	v21 =	vld.idx.msk [tilespmem:v21+s23+$0x0], $0xffff;
	[tilespmem:$0x1F6F0] =	vst v26  }
0x2cc: {  	[tilespmem:v0+s22+$0x0] =	vst.idx.msk $0xffff, v2  }
0x2cd: {  	v0 =	vld [tilespmem:$0x1FDA0];
	[tilespmem:v3+s22+$0x0] =	vst.idx.msk $0xffff, v4  }
0x2ce: {  	v11 =	vor.u32 s26, v44;
	[tilespmem:v22+s22+$0x0] =	vst.idx.msk $0xffff, v20  }
0x2cf: {  	v3 =	vld [tilespmem:$0x1FA50];
	_ =	sdelay $0x3  }
0x2d0: {  	v8 =	vmov v24;
	v24 =	vor.u32 v53, v18;
	[tilespmem:v11+s22+$0x0] =	vst.idx.msk $0xffff, v21  }
0x2d1: {  	v20 =	vor.u32 s24, v3;
	v3 =	vld [tilespmem:$0x1F6A0];
	_ =	sdelay $0x3  }
0x2d2: {  	v21 =	vld.idx.msk [tilespmem:v24+s23+$0x0], $0xffff  }
0x2d3: {  	v24 =	vor.u32 v3, v17;
	v3 =	vld [tilespmem:$0x1F900];
	_ =	sdelay $0x2  }
0x2d4: {  	v25 =	vor.u32 v58, v19;
	v53 =	vld [tilespmem:$0x1F8F0]  }
0x2d5: {  	v2 =	vld.idx.msk [tilespmem:v16+s23+$0x0], $0xffff;
	v16 =	vor.u32 v26, v1;
	v0 =	vor.u32 s30, v0  }
0x2d6: {  	v4 =	vsel vm0, v51, v55;
	v26 =	vor.u32 v3, v18;
	v3 =	vsel vm0, v54, v50  }
0x2d7: {  	v29 =	vcombine.low v4, v3  }
0x2d8: {  	v22 =	vld.idx.msk [tilespmem:v23+s23+$0x0], $0xffff  }
0x2d9: {  	v25 =	vld.idx.msk [tilespmem:v25+s23+$0x0], $0xffff;
	v23 =	vor.u32 s25, v53;
	[tilespmem:$0x1F790] =	vst v29  }
0x2da: {  	v11 =	vor.u32 s26, v52;
	v47 =	vld [tilespmem:$0x1FA60];
	[tilespmem:v0+s22+$0x0] =	vst.idx.msk $0xffff, v2  }
0x2db: {  	v0 =	vld [tilespmem:$0x1FDB0];
	_ =	sdelay $0x1  }
0x2dc: {  	[tilespmem:v20+s22+$0x0] =	vst.idx.msk $0xffff, v22  }
0x2dd: {  	[tilespmem:v23+s22+$0x0] =	vst.idx.msk $0xffff, v21  }
0x2de: {  	[tilespmem:v11+s22+$0x0] =	vst.idx.msk $0xffff, v25  }
0x2df: {  	v28 =	vor.u32 s30, v0;
	v0 =	vld [tilespmem:$0x1F760];
	_ =	sdelay $0x1  }
0x2e0: {  	v2 =	vmov v27;
	v27 =	vor.u32 v27, v19;
	v16 =	vld.idx.msk [tilespmem:v16+s23+$0x0], $0xffff  }
0x2e1: {  	v50 =	vld [tilespmem:$0x1F910]  }
0x2e2: {  	v30 =	vmovc v34;
	v46 =	vsel vm0, v48, v57;
	v20 =	vor.u32 s24, v47;
	v47 =	vsel vm0, v56, v59  }
0x2e3: {  	v22 =	vld.idx.msk [tilespmem:v26+s23+$0x0], $0xffff;
	v26 =	vor.u32 s26, v30;
	v23 =	vor.u32 v0, v17;
	v0 =	vmovc v30;
	v30 =	vcombine.low v46, v47  }
0x2e4: {  	v21 =	vld.idx.msk [tilespmem:v24+s23+$0x0], $0xffff  }
0x2e5: {  	v29 =	vor.u32 v29, v1;
	v25 =	vld.idx.msk [tilespmem:v27+s23+$0x0], $0xffff;
	[tilespmem:$0x1F7A0] =	vst v30  }
0x2e6: {  	v54 =	vld [tilespmem:$0x1F920];
	v11 =	vor.u32 s25, v50;
	[tilespmem:v28+s22+$0x0] =	vst.idx.msk $0xffff, v16  }
0x2e7: {  	v27 =	vld [tilespmem:$0x1FDC0];
	_ =	sdelay $0x1  }
0x2e8: {  	v59 =	vld [tilespmem:$0x1F7F0]  }
0x2e9: {  	v28 =	vld.idx.msk [tilespmem:v29+s23+$0x0], $0xffff;
	[tilespmem:v20+s22+$0x0] =	vst.idx.msk $0xffff, v21  }
0x2ea: {  	v24 =	vor.u32 v54, v18;
	v55 =	vld [tilespmem:$0x1FA70];
	[tilespmem:v11+s22+$0x0] =	vst.idx.msk $0xffff, v22  }
0x2eb: {  	v57 =	vld [tilespmem:$0x1F930];
	v27 =	vor.u32 s30, v27;
	_ =	sdelay $0x1  }
0x2ec: {  	v21 =	vld.idx.msk [tilespmem:v23+s23+$0x0], $0xffff  }
0x2ed: {  	v56 =	vld [tilespmem:$0x1F7B0]  }
0x2ee: {  	v51 =	vmov v32;
	v29 =	vor.u32 v30, v1;
	v24 =	vld.idx.msk [tilespmem:v24+s23+$0x0], $0xffff;
	[tilespmem:v26+s22+$0x0] =	vst.idx.msk $0xffff, v25;
	v20 =	vor.u32 s24, v55  }
0x2ef: {  	v30 =	vsel vm0, v61, v63;
	v11 =	vsel vm0, v49, v62;
	v32 =	vld [tilespmem:$0x1F800];
	v22 =	vor.u32 s25, v57;
	[tilespmem:v27+s22+$0x0] =	vst.idx.msk $0xffff, v28  }
0x2f0: {  	v61 =	vcombine.low v11, v30;
	v11 =	vld [tilespmem:$0x1FDD0];
	_ =	sdelay $0x2  }
0x2f1: {  	v31 =	vld [tilespmem:$0x1F810];
	[tilespmem:v20+s22+$0x0] =	vst.idx.msk $0xffff, v21  }
0x2f2: {  	[tilespmem:v22+s22+$0x0] =	vst.idx.msk $0xffff, v24  }
0x2f3: {  	v28 =	vor.u32 s30, v11;
	v11 =	vld [tilespmem:$0x1FA80];
	_ =	sdelay $0x4  }
0x2f4: {  	v21 =	vor.u32 s24, v11;
	v11 =	vld [tilespmem:$0x1F740]  }
0x2f5: {  	v16 =	vor.u32 v59, v19;
	_ =	sdelay $0x3  }
0x2f6: {  	v23 =	vor.u32 v56, v17;
	v22 =	vor.u32 v11, v17;
	v11 =	vld [tilespmem:$0x1F950]  }
0x2f7: {  	v26 =	vor.u32 s26, v32;
	v16 =	vld.idx.msk [tilespmem:v16+s23+$0x0], $0xffff  }
0x2f8: {  	v25 =	vor.u32 v41, v18  }
0x2f9: {  	v29 =	vld.idx.msk [tilespmem:v29+s23+$0x0], $0xffff;
	_ =	sdelay $0x1  }
0x2fa: {  	v20 =	vld.idx.msk [tilespmem:v23+s23+$0x0], $0xffff;
	v23 =	vor.u32 s25, v11;
	v11 =	vcombine.low v14, v15  }
0x2fb: {  	[tilespmem:v26+s22+$0x0] =	vst.idx.msk $0xffff, v16  }
0x2fc: {  	v24 =	vld.idx.msk [tilespmem:v25+s23+$0x0], $0xffff;
	[tilespmem:$0x1F750] =	vst v11  }
0x2fd: {  	[tilespmem:v28+s22+$0x0] =	vst.idx.msk $0xffff, v29  }
0x2fe: {  	v27 =	vor.u32 v31, v19;
	v29 =	vld [tilespmem:$0x1F950]  }
0x2ff: {  	v34 =	vld [tilespmem:$0x1F830]  }
0x300: {  	v30 =	vor.u32 v61, v1;
	v41 =	vld [tilespmem:$0x1FDE0];
	[tilespmem:v21+s22+$0x0] =	vst.idx.msk $0xffff, v20  }
0x301: {  	v28 =	vor.u32 v11, v1;
	v11 =	vld [tilespmem:$0x1FA90];
	_ =	sdelay $0x1  }
0x302: {  	v15 =	vor.u32 s26, v42;
	v14 =	vld.idx.msk [tilespmem:v27+s23+$0x0], $0xffff  }
0x303: {  	v16 =	vor.u32 v43, v18  }
0x304: {  	v27 =	vld.idx.msk [tilespmem:v30+s23+$0x0], $0xffff;
	v26 =	vor.u32 s30, v41  }
0x305: {  	[tilespmem:v23+s22+$0x0] =	vst.idx.msk $0xffff, v24;
	v22 =	vld.idx.msk [tilespmem:v22+s23+$0x0], $0xffff;
	v21 =	vor.u32 s24, v11  }
0x306: {  	v24 =	vor.u32 s25, v7;
	v7 =	vcombine.low v12, v13;
	v11 =	vld [tilespmem:$0x1F4C0]  }
0x307: {  	[tilespmem:v15+s22+$0x0] =	vst.idx.msk $0xffff, v14  }
0x308: {  	v16 =	vld.idx.msk [tilespmem:v16+s23+$0x0], $0xffff;
	[tilespmem:$0x1F4F0] =	vst v7  }
0x309: {  	v45 =	vld [tilespmem:$0x1F840];
	[tilespmem:v26+s22+$0x0] =	vst.idx.msk $0xffff, v27  }
0x30a: {  	v63 =	vld [tilespmem:$0x1FDF0];
	[tilespmem:v21+s22+$0x0] =	vst.idx.msk $0xffff, v22  }
0x30b: {  	v23 =	vor.u32 v11, v17;
	v11 =	vld [tilespmem:$0x1FAA0]  }
0x30c: {  	v25 =	vor.u32 v34, v19;
	_ =	sdelay $0x2  }
0x30d: {  	[tilespmem:v24+s22+$0x0] =	vst.idx.msk $0xffff, v16  }
0x30e: {  	v22 =	vor.u32 s24, v11;
	v11 =	vld [tilespmem:$0x1F4E0]  }
0x30f: {  	s28 =	simm.s32 $0x40;
	v12 =	vld.idx.msk [tilespmem:v25+s23+$0x0], $0xffff;
	v13 =	vor.u32 s26, v45  }
0x310: {  	v14 =	vor.u32 v8, v18;
	v15 =	vmov s28  }
0x311: {  	v15 =	vshll.u32 v15, $0x7;
	v27 =	vld.idx.msk [tilespmem:v28+s23+$0x0], $0xffff;
	v26 =	vor.u32 s30, v63  }
0x312: {  	v20 =	vor.u32 v33, v15;
	v15 =	vor.u32 v7, v1;
	v7 =	vlaneseq.u32;
	v16 =	vld.idx.msk [tilespmem:v23+s23+$0x0], $0xffff  }
0x313: {  	v21 =	vor.u32 v7, v20;
	v7 =	vcombine.low v10, v36;
	v23 =	vor.u32 v11, v17;
	v11 =	vld [tilespmem:$0x1F960]  }
0x314: {  	[tilespmem:v13+s22+$0x0] =	vst.idx.msk $0xffff, v12  }
0x315: {  	v14 =	vld.idx.msk [tilespmem:v14+s23+$0x0], $0xffff;
	[tilespmem:$0x1F520] =	vst v7  }
0x316: {  	v49 =	vld [tilespmem:$0x1F860];
	[tilespmem:v26+s22+$0x0] =	vst.idx.msk $0xffff, v27  }
0x317: {  	v48 =	vld [tilespmem:$0x1FFF0]  }
0x318: {  	v33 =	vld [tilespmem:$0x1FE00];
	[tilespmem:v22+s22+$0x0] =	vst.idx.msk $0xffff, v16;
	v24 =	vor.u32 s25, v11  }
0x319: {  	v11 =	vld [tilespmem:$0x1FAB0];
	_ =	sdelay $0x2  }
0x31a: {  	v25 =	vor.u32 v37, v19  }
0x31b: {  	[tilespmem:v24+s22+$0x0] =	vst.idx.msk $0xffff, v14  }
0x31c: {  	v22 =	vor.u32 s24, v11;
	v11 =	vld [tilespmem:$0x1F530];
	_ =	sdelay $0x2  }
0x31d: {  	v8 =	vld.idx.msk [tilespmem:v25+s23+$0x0], $0xffff  }
0x31e: {  	v10 =	vor.u32 s26, v49;
	v14 =	vld.idx.msk [tilespmem:v23+s23+$0x0], $0xffff  }
0x31f: {  	v23 =	vor.u32 v11, v17;
	v11 =	vld [tilespmem:$0x1F970];
	_ =	sdelay $0x1  }
0x320: {  	v12 =	vor.u32 v9, v18  }
0x321: {  	v21 =	vld.idx.msk [tilespmem:v21+s23+$0x0], $0xffff  }
0x322: {  	v15 =	vld.idx.msk [tilespmem:v15+s23+$0x0], $0xffff;
	v13 =	vor.u32 v48, v19;
	v25 =	vor.u32 s30, v33;
	[tilespmem:v10+s22+$0x0] =	vst.idx.msk $0xffff, v8  }
0x323: {  	v27 =	vor.u32 s28, v44;
	v24 =	vor.u32 s25, v11;
	v11 =	vld [tilespmem:$0x1FFE0]  }
0x324: {  	v28 =	vcombine.low v39, v38  }
0x325: {  	v12 =	vld.idx.msk [tilespmem:v12+s23+$0x0], $0xffff  }
0x326: {  	v8 =	vld [tilespmem:$0x1F500];
	[tilespmem:$0x1F560] =	vst v28  }
0x327: {  	v26 =	vor.u32 v7, v1;
	v7 =	vld.idx.msk [tilespmem:v13+s23+$0x0], $0xffff;
	[tilespmem:v25+s22+$0x0] =	vst.idx.msk $0xffff, v15  }
0x328: {  	v30 =	vld [tilespmem:$0x1F870];
	[tilespmem:v27+s22+$0x0] =	vst.idx.msk $0xffff, v21;
	v9 =	vor.u32 s26, v11  }
0x329: {  	v62 =	vld [tilespmem:$0x1FE10];
	[tilespmem:v22+s22+$0x0] =	vst.idx.msk $0xffff, v14  }
0x32a: {  	v22 =	vld [tilespmem:$0x1FAC0]  }
0x32b: {  	[tilespmem:v24+s22+$0x0] =	vst.idx.msk $0xffff, v12;
	v12 =	vld.idx.msk [tilespmem:v23+s23+$0x0], $0xffff  }
0x32c: {  	v23 =	vld [tilespmem:$0x1F570]  }
0x32d: {  	v16 =	vor.u32 v58, v20;
	v24 =	vld [tilespmem:$0x1F9C0];
	[tilespmem:v9+s22+$0x0] =	vst.idx.msk $0xffff, v7  }
0x32e: {  	v14 =	vor.u32 v2, v20;
	v2 =	vld [tilespmem:$0x1F540]  }
0x32f: {  	v8 =	vor.u32 v8, v18;
	_ =	sdelay $0x1  }
0x330: {  	v15 =	vld.idx.msk [tilespmem:v26+s23+$0x0], $0xffff;
	v10 =	vor.u32 v30, v19;
	v13 =	vor.u32 s30, v62  }
0x331: {  	v25 =	vor.u32 s28, v52;
	v16 =	vld.idx.msk [tilespmem:v16+s23+$0x0], $0xffff  }
0x332: {  	v7 =	vor.u32 v2, v18;
	v2 =	vcombine.low v6, v5  }
0x333: {  	v8 =	vld.idx.msk [tilespmem:v8+s23+$0x0], $0xffff  }
0x334: {  	v21 =	vor.u32 v28, v1;
	v27 =	vld [tilespmem:$0x1F880];
	[tilespmem:$0x1F590] =	vst v2  }
0x335: {  	v22 =	vor.u32 s24, v22;
	v5 =	vld.idx.msk [tilespmem:v10+s23+$0x0], $0xffff;
	[tilespmem:v13+s22+$0x0] =	vst.idx.msk $0xffff, v15  }
0x336: {  	v9 =	vld [tilespmem:$0x1F890];
	[tilespmem:v25+s22+$0x0] =	vst.idx.msk $0xffff, v16  }
0x337: {  	v23 =	vor.u32 v23, v17;
	v24 =	vor.u32 s25, v24;
	v10 =	vld [tilespmem:$0x1FE20];
	_ =	sdelay $0x1  }
0x338: {  	v13 =	vld.idx.msk [tilespmem:v21+s23+$0x0], $0xffff  }
0x339: {  	v6 =	vor.u32 s26, v27;
	v14 =	vld.idx.msk [tilespmem:v14+s23+$0x0], $0xffff;
	[tilespmem:v22+s22+$0x0] =	vst.idx.msk $0xffff, v12  }
0x33a: {  	v21 =	vld [tilespmem:$0x1F5A0]  }
0x33b: {  	[tilespmem:v24+s22+$0x0] =	vst.idx.msk $0xffff, v8;
	v8 =	vld.idx.msk [tilespmem:v23+s23+$0x0], $0xffff;
	v10 =	vor.u32 s30, v10  }
0x33c: {  	v16 =	vor.u32 s28, v0;
	v22 =	vld [tilespmem:$0x1F5B0]  }
0x33d: {  	v0 =	vcombine.low v3, v4;
	v23 =	vld [tilespmem:$0x1FA10]  }
0x33e: {  	v7 =	vld.idx.msk [tilespmem:v7+s23+$0x0], $0xffff;
	[tilespmem:v6+s22+$0x0] =	vst.idx.msk $0xffff, v5;
	v9 =	vor.u32 v9, v19  }
0x33f: {  	v15 =	vor.u32 v2, v1;
	[tilespmem:$0x1F5D0] =	vst v0;
	v3 =	vld [tilespmem:$0x1F8A0];
	v21 =	vor.u32 s24, v21  }
0x340: {  	v5 =	vld [tilespmem:$0x1F580];
	[tilespmem:v10+s22+$0x0] =	vst.idx.msk $0xffff, v13  }
0x341: {  	v12 =	vor.u32 v59, v20;
	v6 =	vld [tilespmem:$0x1F8B0];
	[tilespmem:v16+s22+$0x0] =	vst.idx.msk $0xffff, v14  }
0x342: {  	v59 =	vld [tilespmem:$0x1FE30]  }
0x343: {  	v22 =	vor.u32 v22, v17;
	v23 =	vor.u32 s25, v23;
	v4 =	vld.idx.msk [tilespmem:v9+s23+$0x0], $0xffff  }
0x344: {  	v3 =	vor.u32 s26, v3;
	v10 =	vld.idx.msk [tilespmem:v15+s23+$0x0], $0xffff;
	[tilespmem:v21+s22+$0x0] =	vst.idx.msk $0xffff, v8  }
0x345: {  	v5 =	vor.u32 v5, v18;
	v15 =	vld [tilespmem:$0x1FF70]  }
0x346: {  	v14 =	vor.u32 s28, v32;
	v12 =	vld.idx.msk [tilespmem:v12+s23+$0x0], $0xffff  }
0x347: {  	v9 =	vor.u32 s30, v59  }
0x348: {  	[tilespmem:v23+s22+$0x0] =	vst.idx.msk $0xffff, v7;
	v7 =	vld.idx.msk [tilespmem:v22+s23+$0x0], $0xffff;
	v22 =	vcombine.low v47, v46  }
0x349: {  	v16 =	vld [tilespmem:$0x1F5E0];
	[tilespmem:v3+s22+$0x0] =	vst.idx.msk $0xffff, v4;
	v6 =	vor.u32 v6, v19  }
0x34a: {  	v13 =	vor.u32 v0, v1;
	v5 =	vld.idx.msk [tilespmem:v5+s23+$0x0], $0xffff;
	[tilespmem:$0x1F600] =	vst v22;
	v15 =	vor.u32 s24, v15  }
0x34b: {  	v0 =	vld [tilespmem:$0x1F5C0];
	[tilespmem:v14+s22+$0x0] =	vst.idx.msk $0xffff, v12  }
0x34c: {  	v8 =	vor.u32 v31, v20;
	v21 =	vor.u32 s25, v51;
	[tilespmem:v9+s22+$0x0] =	vst.idx.msk $0xffff, v10  }
0x34d: {  	v43 =	vmov v42;
	v42 =	vld [tilespmem:$0x1FE40]  }
0x34e: {  	v16 =	vor.u32 v16, v17;
	v2 =	vld.idx.msk [tilespmem:v6+s23+$0x0], $0xffff  }
0x34f: {  	v9 =	vld.idx.msk [tilespmem:v13+s23+$0x0], $0xffff;
	[tilespmem:v15+s22+$0x0] =	vst.idx.msk $0xffff, v7  }
0x350: {  	v3 =	vor.u32 v0, v18;
	v0 =	vor.u32 s26, v40;
	v13 =	vld [tilespmem:$0x1FF80]  }
0x351: {  	v8 =	vld.idx.msk [tilespmem:v8+s23+$0x0], $0xffff;
	v10 =	vor.u32 s28, v43;
	[tilespmem:v21+s22+$0x0] =	vst.idx.msk $0xffff, v5  }
0x352: {  	v6 =	vor.u32 v35, v19;
	v15 =	vld [tilespmem:$0x1FA30];
	v4 =	vor.u32 s30, v42  }
0x353: {  	v5 =	vld.idx.msk [tilespmem:v16+s23+$0x0], $0xffff  }
0x354: {  	v14 =	vld [tilespmem:$0x1F620]  }
0x355: {  	v7 =	vor.u32 v34, v20;
	v16 =	vld [tilespmem:$0x1F5F0];
	[tilespmem:v0+s22+$0x0] =	vst.idx.msk $0xffff, v2;
	v13 =	vor.u32 s24, v13  }
0x356: {  	v3 =	vld.idx.msk [tilespmem:v3+s23+$0x0], $0xffff;
	[tilespmem:v10+s22+$0x0] =	vst.idx.msk $0xffff, v8  }
0x357: {  	v31 =	vlaneseq.u32;
	v12 =	vor.u32 v22, v1;
	v0 =	vld.idx.msk [tilespmem:v6+s23+$0x0], $0xffff;
	v15 =	vor.u32 s25, v15;
	[tilespmem:v4+s22+$0x0] =	vst.idx.msk $0xffff, v9  }
0x358: {  	v8 =	vor.u32 $0x30, v31;
	v4 =	vld [tilespmem:$0x1F8E0]  }
0x359: {  	v40 =	vmov v43;
	[tilespmem:$0x1F640] =	vst v8;
	v43 =	vld [tilespmem:$0x1FE50]  }
0x35a: {  	v10 =	vld.idx.msk [tilespmem:v7+s23+$0x0], $0xffff;
	[tilespmem:v13+s22+$0x0] =	vst.idx.msk $0xffff, v5  }
0x35b: {  	v7 =	vld [tilespmem:$0x1FFC0]  }
0x35c: {  	v9 =	vld.idx.msk [tilespmem:v12+s23+$0x0], $0xffff;
	[tilespmem:v15+s22+$0x0] =	vst.idx.msk $0xffff, v3  }
0x35d: {  	v21 =	vor.u32 v8, v1;
	v8 =	vld [tilespmem:$0x1FBF0]  }
0x35e: {  	v12 =	vor.u32 s28, v45;
	v45 =	vld [tilespmem:$0x1FC00]  }
0x35f: {  	v14 =	vor.u32 v14, v17;
	v28 =	vld [tilespmem:$0x1FC10]  }
0x360: {  	v13 =	vor.u32 s24, v7;
	v7 =	vld [tilespmem:$0x1FBE0];
	_ =	sdelay $0x1  }
0x361: {  	v2 =	vor.u32 s26, v60  }
0x362: {  	v16 =	vor.u32 v16, v18  }
0x363: {  	v5 =	vor.u32 v37, v20;
	v3 =	vld.idx.msk [tilespmem:v14+s23+$0x0], $0xffff;
	v6 =	vor.u32 s30, v43  }
0x364: {  	v14 =	vld [tilespmem:$0x1F670];
	v4 =	vor.u32 v4, v19;
	v37 =	vsel vm0, v28, v45;
	v36 =	vsel vm0, v8, v7  }
0x365: {  	v15 =	vld [tilespmem:$0x1FA40];
	v23 =	vcombine.low v37, v36  }
0x366: {  	v22 =	vld [tilespmem:$0x1F630];
	[tilespmem:v2+s22+$0x0] =	vst.idx.msk $0xffff, v0  }
0x367: {  	v16 =	vld.idx.msk [tilespmem:v16+s23+$0x0], $0xffff;
	[tilespmem:$0x1F6E0] =	vst v23  }
0x368: {  	[tilespmem:v6+s22+$0x0] =	vst.idx.msk $0xffff, v9  }
0x369: {  	v0 =	vld.idx.msk [tilespmem:v4+s23+$0x0], $0xffff;
	[tilespmem:v12+s22+$0x0] =	vst.idx.msk $0xffff, v10  }
0x36a: {  	v4 =	vld [tilespmem:$0x1F900];
	_ =	sdelay $0x3  }
0x36b: {  	v15 =	vor.u32 s25, v15;
	[tilespmem:v13+s22+$0x0] =	vst.idx.msk $0xffff, v3  }
0x36c: {  	v6 =	vor.u32 v4, v19;
	v4 =	vld [tilespmem:$0x1FDA0];
	_ =	sdelay $0x3  }
0x36d: {  	[tilespmem:v15+s22+$0x0] =	vst.idx.msk $0xffff, v16  }
0x36e: {  	v2 =	vor.u32 s26, v53;
	v13 =	vor.u32 s24, v4;
	v4 =	vld [tilespmem:$0x1F6F0];
	_ =	sdelay $0x2  }
0x36f: {  	v9 =	vld.idx.msk [tilespmem:v21+s23+$0x0], $0xffff  }
0x370: {  	v21 =	vor.u32 v23, v1;
	v23 =	vld [tilespmem:$0x1F6A0]  }
0x371: {  	v15 =	vor.u32 v4, v17;
	v4 =	vld [tilespmem:$0x1FA50];
	[tilespmem:v2+s22+$0x0] =	vst.idx.msk $0xffff, v0  }
0x372: {  	v46 =	vld [tilespmem:$0x1FC20]  }
0x373: {  	v47 =	vld [tilespmem:$0x1FC30]  }
0x374: {  	v3 =	vor.u32 v48, v20;
	v48 =	vld [tilespmem:$0x1FC40]  }
0x375: {  	v14 =	vor.u32 v14, v17;
	v12 =	vor.u32 s28, v49;
	v49 =	vld [tilespmem:$0x1FC50]  }
0x376: {  	v60 =	vor.u32 $0x1800, v44  }
0x377: {  	v22 =	vor.u32 v22, v18;
	v10 =	vor.u32 s30, v60;
	_ =	sdelay $0x1  }
0x378: {  	v5 =	vld.idx.msk [tilespmem:v5+s23+$0x0], $0xffff  }
0x379: {  	v14 =	vld.idx.msk [tilespmem:v14+s23+$0x0], $0xffff;
	v39 =	vsel vm0, v47, v46;
	v2 =	vsel vm0, v49, v48  }
0x37a: {  	v0 =	vcombine.low v2, v39  }
0x37b: {  	v22 =	vld.idx.msk [tilespmem:v22+s23+$0x0], $0xffff;
	[tilespmem:v10+s22+$0x0] =	vst.idx.msk $0xffff, v9  }
0x37c: {  	v6 =	vld.idx.msk [tilespmem:v6+s23+$0x0], $0xffff;
	[tilespmem:$0x1F770] =	vst v0  }
0x37d: {  	[tilespmem:v12+s22+$0x0] =	vst.idx.msk $0xffff, v5  }
0x37e: {  	v16 =	vor.u32 s25, v4;
	v10 =	vld [tilespmem:$0x1FE60];
	[tilespmem:v13+s22+$0x0] =	vst.idx.msk $0xffff, v14  }
0x37f: {  	v13 =	vor.u32 v0, v1;
	v0 =	vld [tilespmem:$0x1FDB0];
	_ =	sdelay $0x3  }
0x380: {  	[tilespmem:v16+s22+$0x0] =	vst.idx.msk $0xffff, v22  }
0x381: {  	v25 =	vor.u32 s24, v0;
	v0 =	vld [tilespmem:$0x1F790];
	_ =	sdelay $0x2  }
0x382: {  	v24 =	vor.u32 s26, v50;
	v50 =	vld [tilespmem:$0x1FC60]  }
0x383: {  	v51 =	vld [tilespmem:$0x1FC70]  }
0x384: {  	v16 =	vor.u32 v0, v17;
	v0 =	vld [tilespmem:$0x1FA60];
	_ =	sdelay $0x1  }
0x385: {  	v9 =	vld.idx.msk [tilespmem:v21+s23+$0x0], $0xffff  }
0x386: {  	v12 =	vld.idx.msk [tilespmem:v3+s23+$0x0], $0xffff;
	v10 =	vor.u32 s30, v10  }
0x387: {  	v21 =	vor.u32 s28, v11;
	v15 =	vld.idx.msk [tilespmem:v15+s23+$0x0], $0xffff  }
0x388: {  	v11 =	vsel vm0, v51, v50;
	v22 =	vor.u32 s25, v0;
	v0 =	vld [tilespmem:$0x1F760]  }
0x389: {  	v53 =	vld [tilespmem:$0x1FC80];
	[tilespmem:$0x1F610] =	vst v11  }
0x38a: {  	v5 =	vor.u32 v54, v19;
	v54 =	vld [tilespmem:$0x1FC90];
	[tilespmem:v24+s22+$0x0] =	vst.idx.msk $0xffff, v6  }
0x38b: {  	[tilespmem:v10+s22+$0x0] =	vst.idx.msk $0xffff, v9  }
0x38c: {  	[tilespmem:v21+s22+$0x0] =	vst.idx.msk $0xffff, v12  }
0x38d: {  	v26 =	vor.u32 v0, v18;
	v0 =	vld [tilespmem:$0x1F940];
	_ =	sdelay $0x3  }
0x38e: {  	v23 =	vor.u32 v23, v18  }
0x38f: {  	v9 =	vor.u32 v0, v19;
	v0 =	vld [tilespmem:$0x1FE70];
	_ =	sdelay $0x3  }
0x390: {  	v23 =	vld.idx.msk [tilespmem:v23+s23+$0x0], $0xffff  }
0x391: {  	v12 =	vor.u32 s30, v0;
	v0 =	vld [tilespmem:$0x1FDC0];
	_ =	sdelay $0x2  }
0x392: {  	v6 =	vor.u32 s26, v57;
	v5 =	vld.idx.msk [tilespmem:v5+s23+$0x0], $0xffff  }
0x393: {  	v10 =	vld.idx.msk [tilespmem:v13+s23+$0x0], $0xffff;
	[tilespmem:v25+s22+$0x0] =	vst.idx.msk $0xffff, v15  }
0x394: {  	v24 =	vor.u32 s28, v27;
	v27 =	vor.u32 s24, v0;
	v0 =	vld [tilespmem:$0x1F7A0];
	[tilespmem:v22+s22+$0x0] =	vst.idx.msk $0xffff, v23  }
0x395: {  	v23 =	vld.idx.msk [tilespmem:v26+s23+$0x0], $0xffff  }
0x396: {  	v25 =	vor.u32 v56, v18;
	v56 =	vld [tilespmem:$0x1FCC0]  }
0x397: {  	v57 =	vld [tilespmem:$0x1FCD0];
	[tilespmem:v6+s22+$0x0] =	vst.idx.msk $0xffff, v5  }
0x398: {  	v3 =	vsel vm0, v54, v53;
	v26 =	vld [tilespmem:$0x1FCA0]  }
0x399: {  	v14 =	vor.u32 v30, v20;
	v35 =	vcombine.low v3, v11;
	v22 =	vor.u32 s25, v55;
	v55 =	vld [tilespmem:$0x1FCB0]  }
0x39a: {  	v15 =	vor.u32 v0, v17;
	v0 =	vld [tilespmem:$0x1FF40]  }
0x39b: {  	v13 =	vor.u32 v35, v1  }
0x39c: {  	s29 =	simm.s32 $0x50;
	v16 =	vld.idx.msk [tilespmem:v16+s23+$0x0], $0xffff  }
0x39d: {  	v21 =	vmov s29  }
0x39e: {  	v14 =	vld.idx.msk [tilespmem:v14+s23+$0x0], $0xffff;
	v21 =	vshll.u32 v21, $0x7;
	[tilespmem:v12+s22+$0x0] =	vst.idx.msk $0xffff, v10  }
0x39f: {  	v38 =	vsel vm0, v57, v56;
	v10 =	vld [tilespmem:$0x1FF50];
	v21 =	vor.u32 v0, v21;
	v0 =	vsel vm0, v55, v26  }
0x3a0: {  	v12 =	vld.idx.msk [tilespmem:v13+s23+$0x0], $0xffff;
	v5 =	vor.u32 v31, v21;
	v31 =	vcombine.low v38, v0  }
0x3a1: {  	v13 =	vld [tilespmem:$0x1FE80];
	[tilespmem:v27+s22+$0x0] =	vst.idx.msk $0xffff, v16  }
0x3a2: {  	v9 =	vld.idx.msk [tilespmem:v9+s23+$0x0], $0xffff;
	[tilespmem:$0x1F4A0] =	vst v31  }
0x3a3: {  	[tilespmem:v22+s22+$0x0] =	vst.idx.msk $0xffff, v23  }
0x3a4: {  	v11 =	vld [tilespmem:$0x1F740];
	_ =	sdelay $0x1  }
0x3a5: {  	v6 =	vor.u32 s26, v29;
	v22 =	vld [tilespmem:$0x1FDD0];
	_ =	sdelay $0x1  }
0x3a6: {  	[tilespmem:v24+s22+$0x0] =	vst.idx.msk $0xffff, v14  }
0x3a7: {  	v23 =	vor.u32 v11, v18;
	v11 =	vld [tilespmem:$0x1FA80]  }
0x3a8: {  	v13 =	vor.u32 s30, v13  }
0x3a9: {  	v15 =	vld.idx.msk [tilespmem:v15+s23+$0x0], $0xffff;
	v22 =	vor.u32 s24, v22;
	[tilespmem:v6+s22+$0x0] =	vst.idx.msk $0xffff, v9  }
0x3aa: {  	v6 =	vld [tilespmem:$0x1FFA0];
	_ =	sdelay $0x1  }
0x3ab: {  	v10 =	vor.u32 v10, v19;
	v14 =	vld.idx.msk [tilespmem:v25+s23+$0x0], $0xffff;
	v24 =	vor.u32 s25, v11  }
0x3ac: {  	v16 =	vor.u32 v31, v1;
	v25 =	vld.idx.msk [tilespmem:v5+s23+$0x0], $0xffff;
	[tilespmem:v13+s22+$0x0] =	vst.idx.msk $0xffff, v12  }
0x3ad: {  	v9 =	vor.u32 s29, v44;
	v11 =	vld [tilespmem:$0x1FE90];
	[tilespmem:v22+s22+$0x0] =	vst.idx.msk $0xffff, v15  }
0x3ae: {  	v5 =	vsel vm0, v7, v28;
	v28 =	vor.u32 s26, v6;
	v6 =	vsel vm0, v45, v8;
	v7 =	vld [tilespmem:$0x1FFB0]  }
0x3af: {  	v30 =	vcombine.low v5, v6  }
0x3b0: {  	v10 =	vld.idx.msk [tilespmem:v10+s23+$0x0], $0xffff;
	[tilespmem:v24+s22+$0x0] =	vst.idx.msk $0xffff, v14  }
0x3b1: {  	v13 =	vld.idx.msk [tilespmem:v16+s23+$0x0], $0xffff;
	[tilespmem:$0x1F4B0] =	vst v30  }
0x3b2: {  	[tilespmem:v9+s22+$0x0] =	vst.idx.msk $0xffff, v25  }
0x3b3: {  	v15 =	vor.u32 v7, v19;
	v7 =	vld [tilespmem:$0x1F750];
	_ =	sdelay $0x3  }
0x3b4: {  	v27 =	vor.u32 v61, v17;
	[tilespmem:v28+s22+$0x0] =	vst.idx.msk $0xffff, v10  }
0x3b5: {  	v25 =	vor.u32 v7, v17;
	v7 =	vld [tilespmem:$0x1FA90];
	_ =	sdelay $0x3  }
0x3b6: {  	v16 =	vor.u32 s30, v11;
	v24 =	vld.idx.msk [tilespmem:v27+s23+$0x0], $0xffff  }
0x3b7: {  	v27 =	vor.u32 s25, v7;
	v7 =	vld [tilespmem:$0x1F4C0];
	_ =	sdelay $0x3  }
0x3b8: {  	[tilespmem:v16+s22+$0x0] =	vst.idx.msk $0xffff, v13  }
0x3b9: {  	v28 =	vor.u32 v7, v18;
	v7 =	vld [tilespmem:$0x1F960];
	_ =	sdelay $0x1  }
0x3ba: {  	v12 =	vor.u32 v58, v21;
	_ =	sdelay $0x1  }
0x3bb: {  	v22 =	vor.u32 s24, v41  }
0x3bc: {  	v16 =	vor.u32 s26, v7;
	v7 =	vld [tilespmem:$0x1F7D0]  }
0x3bd: {  	v23 =	vld.idx.msk [tilespmem:v23+s23+$0x0], $0xffff  }
0x3be: {  	v14 =	vor.u32 v30, v1;
	v12 =	vld.idx.msk [tilespmem:v12+s23+$0x0], $0xffff  }
0x3bf: {  	v15 =	vld.idx.msk [tilespmem:v15+s23+$0x0], $0xffff;
	v13 =	vor.u32 s29, v52  }
0x3c0: {  	v9 =	vsel vm0, v46, v49;
	v10 =	vsel vm0, v48, v47;
	v11 =	vld [tilespmem:$0x1FEA0];
	[tilespmem:v22+s22+$0x0] =	vst.idx.msk $0xffff, v24  }
0x3c1: {  	v48 =	vcombine.low v9, v10;
	v30 =	vor.u32 v7, v21;
	v7 =	vld [tilespmem:$0x1FF90]  }
0x3c2: {  	[tilespmem:v27+s22+$0x0] =	vst.idx.msk $0xffff, v23  }
0x3c3: {  	v14 =	vld.idx.msk [tilespmem:v14+s23+$0x0], $0xffff;
	[tilespmem:$0x1F4D0] =	vst v48  }
0x3c4: {  	[tilespmem:v13+s22+$0x0] =	vst.idx.msk $0xffff, v12  }
0x3c5: {  	v31 =	vor.u32 s30, v11;
	[tilespmem:v16+s22+$0x0] =	vst.idx.msk $0xffff, v15  }
0x3c6: {  	v22 =	vor.u32 v7, v19;
	v7 =	vld [tilespmem:$0x1FAA0];
	_ =	sdelay $0x3  }
0x3c7: {  	[tilespmem:v31+s22+$0x0] =	vst.idx.msk $0xffff, v14  }
0x3c8: {  	v16 =	vor.u32 s25, v7;
	v7 =	vld [tilespmem:$0x1F7E0];
	_ =	sdelay $0x4  }
0x3c9: {  	v27 =	vor.u32 s29, v7;
	v7 =	vld [tilespmem:$0x1F4F0];
	_ =	sdelay $0x1  }
0x3ca: {  	v24 =	vld.idx.msk [tilespmem:v25+s23+$0x0], $0xffff  }
0x3cb: {  	v14 =	vld.idx.msk [tilespmem:v30+s23+$0x0], $0xffff  }
0x3cc: {  	v23 =	vor.u32 v48, v1;
	v11 =	vld [tilespmem:$0x1FEB0]  }
0x3cd: {  	v25 =	vor.u32 s24, v63;
	v30 =	vor.u32 v7, v17;
	v7 =	vld [tilespmem:$0x1F970]  }
0x3ce: {  	v15 =	vld.idx.msk [tilespmem:v28+s23+$0x0], $0xffff;
	_ =	sdelay $0x1  }
0x3cf: {  	v45 =	vld [tilespmem:$0x1F4E0]  }
0x3d0: {  	v12 =	vsel vm0, v50, v54;
	v23 =	vld.idx.msk [tilespmem:v23+s23+$0x0], $0xffff;
	v49 =	vor.u32 s30, v11  }
0x3d1: {  	v13 =	vsel vm0, v53, v51;
	v22 =	vld.idx.msk [tilespmem:v22+s23+$0x0], $0xffff;
	[tilespmem:v25+s22+$0x0] =	vst.idx.msk $0xffff, v24;
	v31 =	vor.u32 s26, v7  }
0x3d2: {  	v11 =	vcombine.low v12, v13;
	v7 =	vld [tilespmem:$0x1F7F0];
	[tilespmem:v16+s22+$0x0] =	vst.idx.msk $0xffff, v15  }
0x3d3: {  	v15 =	vld [tilespmem:$0x1F500];
	[tilespmem:v27+s22+$0x0] =	vst.idx.msk $0xffff, v14  }
0x3d4: {  	[tilespmem:$0x1F510] =	vst v11  }
0x3d5: {  	[tilespmem:v49+s22+$0x0] =	vst.idx.msk $0xffff, v23  }
0x3d6: {  	[tilespmem:v31+s22+$0x0] =	vst.idx.msk $0xffff, v22  }
0x3d7: {  	v24 =	vor.u32 v7, v21;
	v7 =	vld [tilespmem:$0x1FAB0];
	_ =	sdelay $0x4  }
0x3d8: {  	v27 =	vor.u32 s25, v7;
	v7 =	vld [tilespmem:$0x1F530]  }
0x3d9: {  	v28 =	vor.u32 v45, v18  }
0x3da: {  	v14 =	vor.u32 v11, v1;
	v11 =	vld [tilespmem:$0x1F9C0]  }
0x3db: {  	v16 =	vld.idx.msk [tilespmem:v30+s23+$0x0], $0xffff  }
0x3dc: {  	v54 =	vld [tilespmem:$0x1F520]  }
0x3dd: {  	v30 =	vor.u32 v7, v18;
	v7 =	vld [tilespmem:$0x1F800]  }
0x3de: {  	v23 =	vld.idx.msk [tilespmem:v28+s23+$0x0], $0xffff;
	v15 =	vor.u32 v15, v19  }
0x3df: {  	v22 =	vor.u32 s24, v33;
	v63 =	vor.u32 s26, v11;
	v11 =	vld [tilespmem:$0x1FEC0]  }
0x3e0: {  	v47 =	vmov v4;
	v4 =	vld [tilespmem:$0x1F810]  }
0x3e1: {  	v14 =	vld.idx.msk [tilespmem:v14+s23+$0x0], $0xffff;
	v25 =	vor.u32 v54, v17  }
0x3e2: {  	v24 =	vld.idx.msk [tilespmem:v24+s23+$0x0], $0xffff;
	v31 =	vor.u32 s29, v7  }
0x3e3: {  	v28 =	vsel vm0, v26, v57;
	v57 =	vsel vm0, v56, v55;
	v15 =	vld.idx.msk [tilespmem:v15+s23+$0x0], $0xffff  }
0x3e4: {  	v26 =	vcombine.low v28, v57;
	v28 =	vor.u32 s30, v11;
	v11 =	vld [tilespmem:$0x1F540];
	[tilespmem:v22+s22+$0x0] =	vst.idx.msk $0xffff, v16  }
0x3e5: {  	v53 =	vld [tilespmem:$0x1F890];
	[tilespmem:v27+s22+$0x0] =	vst.idx.msk $0xffff, v23  }
0x3e6: {  	v22 =	vld.idx.msk [tilespmem:v25+s23+$0x0], $0xffff;
	[tilespmem:$0x1F550] =	vst v26  }
0x3e7: {  	[tilespmem:v31+s22+$0x0] =	vst.idx.msk $0xffff, v24  }
0x3e8: {  	v41 =	vor.u32 v4, v21;
	v4 =	vld [tilespmem:$0x1FAC0];
	_ =	sdelay $0x2  }
0x3e9: {  	v24 =	vld.idx.msk [tilespmem:v30+s23+$0x0], $0xffff  }
0x3ea: {  	v55 =	vld [tilespmem:$0x1F560];
	[tilespmem:v63+s22+$0x0] =	vst.idx.msk $0xffff, v15  }
0x3eb: {  	v30 =	vor.u32 s25, v4;
	v4 =	vld [tilespmem:$0x1F570];
	_ =	sdelay $0x3  }
0x3ec: {  	[tilespmem:v28+s22+$0x0] =	vst.idx.msk $0xffff, v14  }
0x3ed: {  	v31 =	vor.u32 v4, v18;
	v4 =	vld [tilespmem:$0x1FA10];
	_ =	sdelay $0x1  }
0x3ee: {  	v16 =	vor.u32 v53, v20  }
0x3ef: {  	v23 =	vor.u32 s24, v62  }
0x3f0: {  	v44 =	vor.u32 v11, v19;
	v11 =	vld [tilespmem:$0x1F580]  }
0x3f1: {  	v28 =	vor.u32 s26, v4;
	v4 =	vld [tilespmem:$0x1F830]  }
0x3f2: {  	v15 =	vld.idx.msk [tilespmem:v41+s23+$0x0], $0xffff  }
0x3f3: {  	v7 =	vld.idx.msk [tilespmem:v16+s23+$0x0], $0xffff  }
0x3f4: {  	v48 =	vld [tilespmem:$0x1F8A0];
	[tilespmem:v23+s22+$0x0] =	vst.idx.msk $0xffff, v22  }
0x3f5: {  	v46 =	vor.u32 s29, v40;
	v27 =	vor.u32 v55, v17;
	v16 =	vor.u32 v11, v19;
	v11 =	vld [tilespmem:$0x1FED0];
	[tilespmem:v30+s22+$0x0] =	vst.idx.msk $0xffff, v24  }
0x3f6: {  	v56 =	vor.u32 v4, v21;
	v4 =	vld [tilespmem:$0x1FE20];
	_ =	sdelay $0x2  }
0x3f7: {  	v14 =	vld.idx.msk [tilespmem:v44+s23+$0x0], $0xffff  }
0x3f8: {  	v24 =	vld.idx.msk [tilespmem:v27+s23+$0x0], $0xffff;
	[tilespmem:v46+s22+$0x0] =	vst.idx.msk $0xffff, v15  }
0x3f9: {  	v27 =	vor.u32 s24, v4;
	v4 =	vld [tilespmem:$0x1F5A0];
	_ =	sdelay $0x2  }
0x3fa: {  	v15 =	vld.idx.msk [tilespmem:v31+s23+$0x0], $0xffff  }
0x3fb: {  	v8 =	vor.u32 s28, v48;
	v40 =	vld [tilespmem:$0x1F590];
	[tilespmem:v28+s22+$0x0] =	vst.idx.msk $0xffff, v14  }
0x3fc: {  	v31 =	vor.u32 s25, v4;
	v4 =	vld [tilespmem:$0x1F840];
	_ =	sdelay $0x3  }
0x3fd: {  	v25 =	vor.u32 v26, v1;
	v41 =	vld [tilespmem:$0x1F8B0];
	[tilespmem:v8+s22+$0x0] =	vst.idx.msk $0xffff, v7  }
0x3fe: {  	v57 =	vor.u32 s29, v4;
	v4 =	vld [tilespmem:$0x1F5B0];
	_ =	sdelay $0x3  }
0x3ff: {  	v22 =	vld.idx.msk [tilespmem:v25+s23+$0x0], $0xffff;
	v23 =	vor.u32 s30, v11  }
0x400: {  	v8 =	vor.u32 v4, v18;
	v4 =	vld [tilespmem:$0x1FA20];
	_ =	sdelay $0x2  }
0x401: {  	v26 =	vcombine.low v36, v37;
	v14 =	vld.idx.msk [tilespmem:v56+s23+$0x0], $0xffff  }
0x402: {  	v7 =	vld.idx.msk [tilespmem:v16+s23+$0x0], $0xffff;
	[tilespmem:v23+s22+$0x0] =	vst.idx.msk $0xffff, v22  }
0x403: {  	v25 =	vor.u32 v26, v1;
	v16 =	vor.u32 s26, v4;
	v4 =	vld [tilespmem:$0x1F850];
	[tilespmem:v27+s22+$0x0] =	vst.idx.msk $0xffff, v24  }
0x404: {  	v11 =	vld [tilespmem:$0x1FEE0];
	_ =	sdelay $0x3  }
0x405: {  	v23 =	vld.idx.msk [tilespmem:v25+s23+$0x0], $0xffff;
	[tilespmem:v31+s22+$0x0] =	vst.idx.msk $0xffff, v15  }
0x406: {  	v24 =	vor.u32 s30, v11;
	v11 =	vld [tilespmem:$0x1F5C0];
	[tilespmem:v57+s22+$0x0] =	vst.idx.msk $0xffff, v14  }
0x407: {  	v25 =	vor.u32 s24, v59;
	v59 =	vld [tilespmem:$0x1F5D0]  }
0x408: {  	v46 =	vld [tilespmem:$0x1F8C0];
	[tilespmem:v16+s22+$0x0] =	vst.idx.msk $0xffff, v7  }
0x409: {  	v22 =	vor.u32 v4, v21;
	v4 =	vld [tilespmem:$0x1FF70];
	_ =	sdelay $0x3  }
0x40a: {  	v7 =	vld.idx.msk [tilespmem:v8+s23+$0x0], $0xffff  }
0x40b: {  	v8 =	vor.u32 s25, v4;
	v4 =	vld [tilespmem:$0x1FFD0]  }
0x40c: {  	v63 =	vcombine.low v39, v2;
	v2 =	vld [tilespmem:$0x1F5E0];
	_ =	sdelay $0x3  }
0x40d: {  	v30 =	vor.u32 v40, v17;
	v16 =	vor.u32 v4, v20;
	v4 =	vld.idx.msk [tilespmem:v22+s23+$0x0], $0xffff  }
0x40e: {  	v22 =	vor.u32 v2, v18;
	v2 =	vld [tilespmem:$0x1F860];
	_ =	sdelay $0x3  }
0x40f: {  	v28 =	vor.u32 v41, v20;
	v15 =	vld.idx.msk [tilespmem:v30+s23+$0x0], $0xffff;
	[tilespmem:v24+s22+$0x0] =	vst.idx.msk $0xffff, v23  }
0x410: {  	v31 =	vor.u32 s29, v2;
	v2 =	vld [tilespmem:$0x1FFF0];
	_ =	sdelay $0x3  }
0x411: {  	v14 =	vld.idx.msk [tilespmem:v28+s23+$0x0], $0xffff;
	v30 =	vor.u32 s28, v46;
	[tilespmem:v25+s22+$0x0] =	vst.idx.msk $0xffff, v15  }
0x412: {  	v23 =	vor.u32 v2, v21;
	v2 =	vld [tilespmem:$0x1FA30];
	_ =	sdelay $0x3  }
0x413: {  	v28 =	vor.u32 v59, v17;
	[tilespmem:v30+s22+$0x0] =	vst.idx.msk $0xffff, v14  }
0x414: {  	v25 =	vor.u32 s26, v2;
	v2 =	vld [tilespmem:$0x1F5F0];
	_ =	sdelay $0x3  }
0x415: {  	v14 =	vld.idx.msk [tilespmem:v28+s23+$0x0], $0xffff;
	[tilespmem:v8+s22+$0x0] =	vst.idx.msk $0xffff, v7  }
0x416: {  	v28 =	vor.u32 v2, v19;
	v2 =	vld [tilespmem:$0x1F600];
	_ =	sdelay $0x4  }
0x417: {  	v8 =	vor.u32 v2, v17;
	v2 =	vld [tilespmem:$0x1F8D0];
	_ =	sdelay $0x3  }
0x418: {  	v7 =	vld.idx.msk [tilespmem:v16+s23+$0x0], $0xffff;
	[tilespmem:v31+s22+$0x0] =	vst.idx.msk $0xffff, v4  }
0x419: {  	v16 =	vor.u32 s28, v2;
	v2 =	vld [tilespmem:$0x1FF80];
	_ =	sdelay $0x3  }
0x41a: {  	v4 =	vld.idx.msk [tilespmem:v22+s23+$0x0], $0xffff  }
0x41b: {  	v22 =	vor.u32 s25, v2;
	v2 =	vld [tilespmem:$0x1F8E0]  }
0x41c: {  	v27 =	vor.u32 v11, v19;
	_ =	sdelay $0x3  }
0x41d: {  	v30 =	vor.u32 v2, v20;
	v2 =	vld [tilespmem:$0x1F610]  }
0x41e: {  	v15 =	vld.idx.msk [tilespmem:v27+s23+$0x0], $0xffff  }
0x41f: {  	v11 =	vld [tilespmem:$0x1FFE0];
	_ =	sdelay $0x2  }
0x420: {  	v31 =	vcombine.low v2, v3;
	v2 =	vld.idx.msk [tilespmem:v23+s23+$0x0], $0xffff  }
0x421: {  	v24 =	vor.u32 v63, v1;
	v3 =	vld [tilespmem:$0x1F620];
	[tilespmem:v25+s22+$0x0] =	vst.idx.msk $0xffff, v15  }
0x422: {  	v23 =	vor.u32 s29, v11;
	v11 =	vld [tilespmem:$0x1FEF0];
	_ =	sdelay $0x3  }
0x423: {  	v27 =	vor.u32 s24, v42;
	v15 =	vld.idx.msk [tilespmem:v24+s23+$0x0], $0xffff  }
0x424: {  	v24 =	vor.u32 s30, v11;
	v11 =	vld [tilespmem:$0x1F870];
	_ =	sdelay $0x3  }
0x425: {  	[tilespmem:v27+s22+$0x0] =	vst.idx.msk $0xffff, v14;
	v14 =	vld.idx.msk [tilespmem:v28+s23+$0x0], $0xffff  }
0x426: {  	v25 =	vor.u32 v11, v21;
	v11 =	vld [tilespmem:$0x1FA40]  }
0x427: {  	v3 =	vor.u32 v3, v18;
	[tilespmem:v16+s22+$0x0] =	vst.idx.msk $0xffff, v7;
	v7 =	vld.idx.msk [tilespmem:v8+s23+$0x0], $0xffff  }
0x428: {  	v8 =	vld [tilespmem:$0x1F630]  }
0x429: {  	[tilespmem:v22+s22+$0x0] =	vst.idx.msk $0xffff, v4;
	v4 =	vld.idx.msk [tilespmem:v30+s23+$0x0], $0xffff  }
0x42a: {  	v22 =	vld [tilespmem:$0x1F8F0]  }
0x42b: {  	v28 =	vor.u32 s26, v11;
	v11 =	vld [tilespmem:$0x1F940]  }
0x42c: {  	v27 =	vor.u32 v31, v1;
	[tilespmem:v23+s22+$0x0] =	vst.idx.msk $0xffff, v2;
	v2 =	vld.idx.msk [tilespmem:v3+s23+$0x0], $0xffff  }
0x42d: {  	v3 =	vld [tilespmem:$0x1F640]  }
0x42e: {  	v23 =	vld [tilespmem:$0x1FFC0]  }
0x42f: {  	[tilespmem:v24+s22+$0x0] =	vst.idx.msk $0xffff, v15;
	v15 =	vld.idx.msk [tilespmem:v25+s23+$0x0], $0xffff  }
0x430: {  	v24 =	vld [tilespmem:$0x1F880]  }
0x431: {  	v16 =	vor.u32 s24, v43;
	[tilespmem:v28+s22+$0x0] =	vst.idx.msk $0xffff, v14;
	v14 =	vld.idx.msk [tilespmem:v27+s23+$0x0], $0xffff  }
0x432: {  	v22 =	vor.u32 s28, v22;
	v27 =	vcombine.low v0, v38;
	[tilespmem:$0x1F650] =	vst v0;
	v0 =	vld [tilespmem:$0x1FF00]  }
0x433: {  	v8 =	vor.u32 v8, v19  }
0x434: {  	v23 =	vor.u32 s25, v23  }
0x435: {  	v3 =	vor.u32 v3, v17;
	[tilespmem:$0x1F660] =	vst v38  }
0x436: {  	v24 =	vor.u32 s29, v24;
	[tilespmem:v16+s22+$0x0] =	vst.idx.msk $0xffff, v7  }
0x437: {  	v25 =	vor.u32 s30, v0;
	v0 =	vld [tilespmem:$0x1F670];
	[tilespmem:v22+s22+$0x0] =	vst.idx.msk $0xffff, v4  }
0x438: {  	v7 =	vld.idx.msk [tilespmem:v8+s23+$0x0], $0xffff;
	[tilespmem:$0x1F680] =	vst v27  }
0x439: {  	[tilespmem:v23+s22+$0x0] =	vst.idx.msk $0xffff, v2  }
0x43a: {  	v2 =	vld.idx.msk [tilespmem:v3+s23+$0x0], $0xffff;
	[tilespmem:$0x1F690] =	vst v60  }
0x43b: {  	[tilespmem:v24+s22+$0x0] =	vst.idx.msk $0xffff, v15  }
0x43c: {  	v8 =	vor.u32 v0, v18;
	v0 =	vld [tilespmem:$0x1F6A0];
	_ =	sdelay $0x3  }
0x43d: {  	v16 =	vor.u32 s26, v47;
	[tilespmem:v25+s22+$0x0] =	vst.idx.msk $0xffff, v14  }
0x43e: {  	v15 =	vor.u32 v0, v19;
	v0 =	vld [tilespmem:$0x1F900];
	_ =	sdelay $0x3  }
0x43f: {  	[tilespmem:v16+s22+$0x0] =	vst.idx.msk $0xffff, v7  }
0x440: {  	v14 =	vor.u32 v0, v20;
	v0 =	vld [tilespmem:$0x1FDA0];
	_ =	sdelay $0x1  }
0x441: {  	v4 =	vor.u32 v27, v1  }
0x442: {  	v22 =	vor.u32 s24, v60;
	_ =	sdelay $0x1  }
0x443: {  	v16 =	vcombine.low v6, v5;
	v6 =	vor.u32 s25, v0;
	v0 =	vld [tilespmem:$0x1FF10];
	_ =	sdelay $0x1  }
0x444: {  	v4 =	vld.idx.msk [tilespmem:v4+s23+$0x0], $0xffff  }
0x445: {  	v3 =	vcombine.low v10, v9;
	v44 =	vld [tilespmem:$0x1FB10];
	[tilespmem:v22+s22+$0x0] =	vst.idx.msk $0xffff, v2  }
0x446: {  	v7 =	vld.idx.msk [tilespmem:v8+s23+$0x0], $0xffff;
	[tilespmem:$0x1F6B0] =	vst v16  }
0x447: {  	[tilespmem:$0x1F6C0] =	vst v3;
	v8 =	vor.u32 s30, v0;
	v0 =	vcombine.low v13, v12  }
0x448: {  	v9 =	vld.idx.msk [tilespmem:v15+s23+$0x0], $0xffff  }
0x449: {  	[tilespmem:$0x1F6D0] =	vst v0;
	v25 =	vor.u32 v0, v1;
	v0 =	vld [tilespmem:$0x1FA60];
	_ =	sdelay $0x4  }
0x44a: {  	v13 =	vor.u32 v16, v1;
	v16 =	vor.u32 s26, v0;
	v0 =	vld [tilespmem:$0x1F910];
	_ =	sdelay $0x3  }
0x44b: {  	[tilespmem:v6+s22+$0x0] =	vst.idx.msk $0xffff, v7  }
0x44c: {  	v23 =	vor.u32 s28, v0;
	v0 =	vld [tilespmem:$0x1F6E0];
	_ =	sdelay $0x3  }
0x44d: {  	[tilespmem:v8+s22+$0x0] =	vst.idx.msk $0xffff, v4  }
0x44e: {  	v24 =	vor.u32 v0, v17;
	v0 =	vld [tilespmem:$0x1F6F0];
	_ =	sdelay $0x1  }
0x44f: {  	v14 =	vld.idx.msk [tilespmem:v14+s23+$0x0], $0xffff;
	_ =	sdelay $0x2  }
0x450: {  	[tilespmem:v16+s22+$0x0] =	vst.idx.msk $0xffff, v9;
	v28 =	vor.u32 v0, v18;
	v0 =	vor.u32 s26, v44  }
0x451: {  	[tilespmem:$0x1F700] =	vst v0  }
0x452: {  	[tilespmem:v23+s22+$0x0] =	vst.idx.msk $0xffff, v14  }
0x453: {  	v0 =	vld [tilespmem:$0x1FE60];
	_ =	sdelay $0x4  }
0x454: {  	v23 =	vor.u32 s24, v0;
	v0 =	vld [tilespmem:$0x1F740];
	_ =	sdelay $0x4  }
0x455: {  	v60 =	vor.u32 v0, v19;
	v0 =	vld [tilespmem:$0x1F750];
	_ =	sdelay $0x4  }
0x456: {  	v57 =	vor.u32 v0, v18;
	v0 =	vld [tilespmem:$0x1FDB0];
	_ =	sdelay $0x3  }
0x457: {  	v10 =	vor.u32 v31, v17;
	v6 =	vor.u32 v31, v18;
	v7 =	vor.u32 v31, v20;
	v14 =	vld.idx.msk [tilespmem:v24+s23+$0x0], $0xffff  }
0x458: {  	v8 =	vor.u32 v31, v21;
	v9 =	vor.u32 v31, v19;
	[tilespmem:$0x1F730] =	vst v31;
	v31 =	vor.u32 s25, v0;
	v0 =	vld [tilespmem:$0x1F760];
	_ =	sdelay $0x4  }
0x459: {  	v62 =	vor.u32 v0, v19;
	v0 =	vld [tilespmem:$0x1F920];
	_ =	sdelay $0x4  }
0x45a: {  	v37 =	vor.u32 v0, v20;
	v0 =	vld [tilespmem:$0x1F770];
	_ =	sdelay $0x1  }
0x45b: {  	[tilespmem:$0x1F710] =	vst v61  }
0x45c: {  	[tilespmem:$0x1F720] =	vst v35  }
0x45d: {  	v28 =	vld.idx.msk [tilespmem:v28+s23+$0x0], $0xffff;
	[tilespmem:v23+s22+$0x0] =	vst.idx.msk $0xffff, v14  }
0x45e: {  	v38 =	vor.u32 v0, v17;
	v0 =	vld [tilespmem:$0x1F790];
	_ =	sdelay $0x2  }
0x45f: {  	[tilespmem:$0x1F780] =	vst v26  }
0x460: {  	[tilespmem:v31+s22+$0x0] =	vst.idx.msk $0xffff, v28  }
0x461: {  	v56 =	vor.u32 v54, v18;
	v54 =	vor.u32 v40, v18;
	v40 =	vor.u32 v0, v18;
	v0 =	vld [tilespmem:$0x1F930];
	_ =	sdelay $0x3  }
0x462: {  	v34 =	vor.u32 v61, v18;
	v50 =	vor.u32 v61, v19  }
0x463: {  	v51 =	vor.u32 v61, v21;
	v49 =	vor.u32 v61, v20;
	v61 =	vor.u32 s28, v0;
	v0 =	vld [tilespmem:$0x1FF20];
	_ =	sdelay $0x2  }
0x464: {  	v27 =	vor.u32 v3, v1  }
0x465: {  	v5 =	vor.u32 s30, v44;
	v2 =	vor.u32 s25, v44;
	v1 =	vor.u32 s24, v44;
	v39 =	vld.idx.msk [tilespmem:v13+s23+$0x0], $0xffff  }
0x466: {  	v4 =	vor.u32 s28, v44;
	v13 =	vor.u32 s29, v44;
	v44 =	vor.u32 s30, v0;
	v0 =	vld [tilespmem:$0x1FA70];
	_ =	sdelay $0x4  }
0x467: {  	v32 =	vor.u32 v45, v19;
	v45 =	vor.u32 s29, v48;
	v48 =	vor.u32 s26, v0;
	v0 =	vld [tilespmem:$0x1F7B0];
	_ =	sdelay $0x4  }
0x468: {  	v43 =	vor.u32 s29, v46;
	v46 =	vor.u32 v0, v19;
	v0 =	vld [tilespmem:$0x1FE70];
	_ =	sdelay $0x3  }
0x469: {  	v3 =	vld [tilespmem:$0x1FDC0]  }
0x46a: {  	v31 =	vor.u32 s24, v0;
	v0 =	vld [tilespmem:$0x1FDD0];
	_ =	sdelay $0x1  }
0x46b: {  	v47 =	vld.idx.msk [tilespmem:v62+s23+$0x0], $0xffff  }
0x46c: {  	v22 =	vor.u32 v35, v19;
	v15 =	vor.u32 v35, v17;
	v12 =	vor.u32 v35, v18;
	v62 =	vld.idx.msk [tilespmem:v37+s23+$0x0], $0xffff  }
0x46d: {  	v16 =	vor.u32 v35, v20;
	v24 =	vor.u32 v35, v21;
	v35 =	vor.u32 s25, v3;
	v3 =	vld [tilespmem:$0x1F7A0]  }
0x46e: {  	v37 =	vor.u32 s25, v0;
	v0 =	vld [tilespmem:$0x1FF30];
	_ =	sdelay $0x1  }
0x46f: {  	v55 =	vor.u32 v55, v18  }
0x470: {  	v41 =	vor.u32 v41, v21;
	v42 =	vor.u32 v53, v21;
	v53 =	vor.u32 v59, v18  }
0x471: {  	v14 =	vor.u32 v26, v17;
	v23 =	vor.u32 v63, v17;
	v59 =	vld.idx.msk [tilespmem:v38+s23+$0x0], $0xffff;
	[tilespmem:$0x1F7C0] =	vst v63  }
0x472: {  	v63 =	vor.u32 v11, v20;
	v40 =	vld.idx.msk [tilespmem:v40+s23+$0x0], $0xffff;
	v36 =	vor.u32 v3, v18;
	v28 =	vor.u32 s30, v0  }
.LBB2_3:
0x473: {  	v0 =	vld [tilespmem:$0x1FF10];
	_ =	sdelay $0x4  }
0x474: {  	v38 =	vor.u32 s24, v0;
	v0 =	vld [tilespmem:$0x1FF40];
	_ =	sdelay $0x1  }
0x475: {  	[tilespmem:v44+s22+$0x0] =	vst.idx.msk $0xffff, v39;
	s30 =	smov.u32 s28;
	s28 =	smov.u32 s29;
	s29 =	sadd.s32 $0x10, s29  }
0x476: {  	v33 =	vmov s29;
	[tilespmem:v48+s22+$0x0] =	vst.idx.msk $0xffff, v47  }
0x477: {  	v39 =	vld.idx.msk [tilespmem:v27+s23+$0x0], $0xffff;
	v27 =	vshll.u32 v33, $0x7  }
0x478: {  	[tilespmem:v61+s22+$0x0] =	vst.idx.msk $0xffff, v62;
	v33 =	vor.u32 v0, v27;
	v0 =	vlaneseq.u32  }
0x479: {  	[tilespmem:v31+s22+$0x0] =	vst.idx.msk $0xffff, v59;
	v31 =	vor.u32 v0, v33;
	v0 =	vld [tilespmem:$0x1F710]  }
0x47a: {  	v3 =	vld [tilespmem:$0x1F650]  }
0x47b: {  	v11 =	vld [tilespmem:$0x1F660];
	_ =	sdelay $0x1  }
0x47c: {  	v48 =	vld.idx.msk [tilespmem:v63+s23+$0x0], $0xffff  }
0x47d: {  	[tilespmem:v35+s22+$0x0] =	vst.idx.msk $0xffff, v40;
	v47 =	vor.u32 v0, v33;
	v0 =	vld [tilespmem:$0x1FF50]  }
0x47e: {  	v40 =	vld.idx.msk [tilespmem:v15+s23+$0x0], $0xffff  }
0x47f: {  	v35 =	vcombine.low v11, v3;
	v27 =	vcombine.low v3, v11;
	v3 =	vld [tilespmem:$0x1FA80]  }
0x480: {  	v36 =	vld.idx.msk [tilespmem:v36+s23+$0x0], $0xffff  }
0x481: {  	v15 =	vmovc v12;
	v12 =	vmov v22;
	v22 =	vmov v16;
	v16 =	vmov v24;
	v24 =	vld [tilespmem:$0x1F730]  }
0x482: {  	v59 =	vor.u32 v0, v20;
	v0 =	vld [tilespmem:$0x1F720]  }
0x483: {  	v46 =	vld.idx.msk [tilespmem:v46+s23+$0x0], $0xffff  }
0x484: {  	[tilespmem:v5+s22+$0x0] =	vst.idx.msk $0xffff, v39;
	v5 =	vor.u32 s26, v3;
	v3 =	vld [tilespmem:$0x1FA90]  }
0x485: {  	v11 =	vld.idx.msk [tilespmem:v31+s23+$0x0], $0xffff  }
0x486: {  	v31 =	vor.u32 v24, v33;
	v24 =	vld [tilespmem:$0x1F4C0]  }
0x487: {  	v61 =	vor.u32 v0, v33;
	v0 =	vld [tilespmem:$0x1FDE0];
	_ =	sdelay $0x2  }
0x488: {  	v39 =	vor.u32 s26, v3;
	v3 =	vld [tilespmem:$0x1FF00]  }
0x489: {  	v44 =	vor.u32 s30, v29;
	v29 =	vor.u32 v24, v19;
	v24 =	vld [tilespmem:$0x1FF60]  }
0x48a: {  	v62 =	vor.u32 s25, v0;
	v0 =	vld [tilespmem:$0x1FE80];
	_ =	sdelay $0x3  }
0x48b: {  	v26 =	vor.u32 s29, v24;
	v24 =	vld [tilespmem:$0x1FFA0]  }
0x48c: {  	v63 =	vor.u32 s24, v0;
	v0 =	vor.u32 v35, v17;
	v35 =	vor.u32 s24, v3;
	v3 =	vld.idx.msk [tilespmem:v25+s23+$0x0], $0xffff  }
0x48d: {  	v25 =	vld [tilespmem:$0x1FFB0];
	_ =	sdelay $0x4  }
0x48e: {  	[tilespmem:v44+s22+$0x0] =	vst.idx.msk $0xffff, v48;
	v44 =	vor.u32 s30, v24;
	v24 =	vmov v61;
	v61 =	vor.u32 v25, v20;
	v25 =	vld [tilespmem:$0x1FDF0];
	_ =	sdelay $0x3  }
0x48f: {  	v59 =	vld.idx.msk [tilespmem:v59+s23+$0x0], $0xffff;
	[tilespmem:v63+s22+$0x0] =	vst.idx.msk $0xffff, v40  }
0x490: {  	[tilespmem:v37+s22+$0x0] =	vst.idx.msk $0xffff, v36;
	v37 =	vor.u32 s25, v25;
	v25 =	vld [tilespmem:$0x1FE90];
	_ =	sdelay $0x1  }
0x491: {  	v30 =	vld [tilespmem:$0x1F4F0];
	_ =	sdelay $0x1  }
0x492: {  	v48 =	vor.u32 v58, v33  }
0x493: {  	v0 =	vld.idx.msk [tilespmem:v0+s23+$0x0], $0xffff;
	[tilespmem:v5+s22+$0x0] =	vst.idx.msk $0xffff, v46;
	v40 =	vor.u32 s24, v25  }
0x494: {  	v5 =	vld.idx.msk [tilespmem:v34+s23+$0x0], $0xffff;
	[tilespmem:v28+s22+$0x0] =	vst.idx.msk $0xffff, v3  }
0x495: {  	v46 =	vor.u32 v30, v18;
	v30 =	vld [tilespmem:$0x1F4B0];
	[tilespmem:v26+s22+$0x0] =	vst.idx.msk $0xffff, v11  }
0x496: {  	v3 =	vld.idx.msk [tilespmem:v60+s23+$0x0], $0xffff  }
0x497: {  	v48 =	vld.idx.msk [tilespmem:v48+s23+$0x0], $0xffff;
	[tilespmem:v44+s22+$0x0] =	vst.idx.msk $0xffff, v59  }
0x498: {  	v61 =	vld.idx.msk [tilespmem:v61+s23+$0x0], $0xffff;
	[tilespmem:v40+s22+$0x0] =	vst.idx.msk $0xffff, v0  }
0x499: {  	[tilespmem:v62+s22+$0x0] =	vst.idx.msk $0xffff, v5;
	v5 =	vld [tilespmem:$0x1FE00];
	_ =	sdelay $0x1  }
0x49a: {  	v63 =	vor.u32 v30, v17;
	v30 =	vld [tilespmem:$0x1FED0];
	_ =	sdelay $0x1  }
0x49b: {  	v40 =	vld.idx.msk [tilespmem:v57+s23+$0x0], $0xffff  }
0x49c: {  	v57 =	vor.u32 s25, v5;
	v5 =	vld [tilespmem:$0x1FEA0];
	_ =	sdelay $0x1  }
0x49d: {  	v36 =	vor.u32 s24, v30;
	v30 =	vld [tilespmem:$0x1F960];
	_ =	sdelay $0x2  }
0x49e: {  	v62 =	vor.u32 s24, v5;
	v5 =	vmov v1;
	v1 =	vld [tilespmem:$0x1FAB0];
	_ =	sdelay $0x1  }
0x49f: {  	v44 =	vor.u32 s30, v30;
	v30 =	vld [tilespmem:$0x1F7D0];
	_ =	sdelay $0x1  }
0x4a0: {  	v0 =	vld.idx.msk [tilespmem:v63+s23+$0x0], $0xffff  }
0x4a1: {  	[tilespmem:v39+s22+$0x0] =	vst.idx.msk $0xffff, v3;
	v3 =	vor.u32 s26, v1;
	v1 =	vld [tilespmem:$0x1F530];
	_ =	sdelay $0x1  }
0x4a2: {  	v60 =	vor.u32 s29, v52;
	v59 =	vor.u32 v30, v33;
	v30 =	vmovc v52;
	v52 =	vmov v58;
	v58 =	vld [tilespmem:$0x1FF90];
	_ =	sdelay $0x2  }
0x4a3: {  	v39 =	vor.u32 v1, v19;
	v1 =	vld [tilespmem:$0x1F4D0];
	_ =	sdelay $0x1  }
0x4a4: {  	v58 =	vor.u32 v58, v20  }
0x4a5: {  	v11 =	vld [tilespmem:$0x1FAA0];
	[tilespmem:v60+s22+$0x0] =	vst.idx.msk $0xffff, v48  }
0x4a6: {  	v29 =	vld.idx.msk [tilespmem:v29+s23+$0x0], $0xffff  }
0x4a7: {  	v34 =	vmovc v50;
	v50 =	vmovc v49;
	v49 =	vmov v51;
	v51 =	vmov v47;
	v47 =	vor.u32 v1, v17;
	v1 =	vld [tilespmem:$0x1F7E0]  }
0x4a8: {  	v48 =	vld.idx.msk [tilespmem:v59+s23+$0x0], $0xffff;
	[tilespmem:v44+s22+$0x0] =	vst.idx.msk $0xffff, v61  }
0x4a9: {  	v58 =	vld.idx.msk [tilespmem:v58+s23+$0x0], $0xffff  }
0x4aa: {  	v11 =	vor.u32 s26, v11;
	[tilespmem:v62+s22+$0x0] =	vst.idx.msk $0xffff, v0;
	v62 =	vmov v4;
	v4 =	vld [tilespmem:$0x1FAC0];
	_ =	sdelay $0x1  }
0x4ab: {  	[tilespmem:v37+s22+$0x0] =	vst.idx.msk $0xffff, v40;
	v59 =	vor.u32 s29, v1;
	v1 =	vld [tilespmem:$0x1F970]  }
0x4ac: {  	v40 =	vld.idx.msk [tilespmem:v46+s23+$0x0], $0xffff  }
0x4ad: {  	v0 =	vld.idx.msk [tilespmem:v47+s23+$0x0], $0xffff  }
0x4ae: {  	[tilespmem:v11+s22+$0x0] =	vst.idx.msk $0xffff, v29;
	v11 =	vor.u32 s26, v4;
	v4 =	vld [tilespmem:$0x1F570];
	_ =	sdelay $0x1  }
0x4af: {  	v44 =	vor.u32 s30, v1;
	v1 =	vmov v2;
	v2 =	vld [tilespmem:$0x1F7F0];
	_ =	sdelay $0x2  }
0x4b0: {  	v29 =	vor.u32 v4, v19;
	v4 =	vld [tilespmem:$0x1F550]  }
0x4b1: {  	v28 =	vld [tilespmem:$0x1FEC0]  }
0x4b2: {  	v60 =	vor.u32 v2, v33;
	v2 =	vld [tilespmem:$0x1F500]  }
0x4b3: {  	v26 =	vld [tilespmem:$0x1FEB0]  }
0x4b4: {  	v25 =	vld [tilespmem:$0x1FEE0]  }
0x4b5: {  	[tilespmem:v59+s22+$0x0] =	vst.idx.msk $0xffff, v48;
	v48 =	vor.u32 v4, v17;
	v4 =	vld [tilespmem:$0x1F800]  }
0x4b6: {  	v63 =	vld [tilespmem:$0x1F700]  }
0x4b7: {  	v61 =	vor.u32 v2, v20;
	v2 =	vld [tilespmem:$0x1F510]  }
0x4b8: {  	v26 =	vor.u32 s24, v26;
	v32 =	vld.idx.msk [tilespmem:v32+s23+$0x0], $0xffff  }
0x4b9: {  	v47 =	vld.idx.msk [tilespmem:v60+s23+$0x0], $0xffff  }
0x4ba: {  	v59 =	vor.u32 s29, v4;
	v4 =	vld [tilespmem:$0x1F9C0]  }
0x4bb: {  	[tilespmem:v44+s22+$0x0] =	vst.idx.msk $0xffff, v58;
	v60 =	vld [tilespmem:$0x1F540]  }
0x4bc: {  	v37 =	vor.u32 v2, v17;
	v58 =	vld.idx.msk [tilespmem:v61+s23+$0x0], $0xffff  }
0x4bd: {  	[tilespmem:v26+s22+$0x0] =	vst.idx.msk $0xffff, v0;
	v26 =	vld [tilespmem:$0x1F740]  }
0x4be: {  	v2 =	vld [tilespmem:$0x1FE10]  }
0x4bf: {  	v44 =	vor.u32 s30, v4;
	v4 =	vmov v13;
	v13 =	vld [tilespmem:$0x1F810]  }
0x4c0: {  	[tilespmem:v57+s22+$0x0] =	vst.idx.msk $0xffff, v40;
	v40 =	vld [tilespmem:$0x1F750]  }
0x4c1: {  	v0 =	vld.idx.msk [tilespmem:v37+s23+$0x0], $0xffff  }
0x4c2: {  	v61 =	vor.u32 v60, v20;
	v60 =	vor.u32 v26, v20;
	v26 =	vld.idx.msk [tilespmem:v56+s23+$0x0], $0xffff  }
0x4c3: {  	v46 =	vor.u32 s25, v2;
	v2 =	vmov v63;
	v63 =	vld [tilespmem:$0x1FE20]  }
0x4c4: {  	[tilespmem:v3+s22+$0x0] =	vst.idx.msk $0xffff, v32;
	v3 =	vld [tilespmem:$0x1F5B0]  }
0x4c5: {  	v13 =	vor.u32 v13, v33;
	v56 =	vld [tilespmem:$0x1F820]  }
0x4c6: {  	[tilespmem:v59+s22+$0x0] =	vst.idx.msk $0xffff, v47;
	v47 =	vld [tilespmem:$0x1F5A0]  }
0x4c7: {  	v59 =	vld [tilespmem:$0x1F830]  }
0x4c8: {  	v32 =	vld.idx.msk [tilespmem:v39+s23+$0x0], $0xffff  }
0x4c9: {  	v28 =	vor.u32 s24, v28;
	v42 =	vld.idx.msk [tilespmem:v42+s23+$0x0], $0xffff  }
0x4ca: {  	v13 =	vld.idx.msk [tilespmem:v13+s23+$0x0], $0xffff  }
0x4cb: {  	[tilespmem:v44+s22+$0x0] =	vst.idx.msk $0xffff, v58;
	v58 =	vld [tilespmem:$0x1FA10]  }
0x4cc: {  	v37 =	vor.u32 s25, v63;
	v63 =	vld [tilespmem:$0x1F580]  }
0x4cd: {  	[tilespmem:$0x1F700] =	vst v62;
	v57 =	vor.u32 v40, v19;
	v40 =	vor.u32 s29, v56;
	v56 =	vld [tilespmem:$0x1F5C0]  }
0x4ce: {  	v62 =	vld.idx.msk [tilespmem:v61+s23+$0x0], $0xffff;
	[tilespmem:v28+s22+$0x0] =	vst.idx.msk $0xffff, v0  }
0x4cf: {  	v39 =	vor.u32 s26, v47;
	v47 =	vor.u32 v59, v33;
	v28 =	vld [tilespmem:$0x1FE30];
	[tilespmem:v46+s22+$0x0] =	vst.idx.msk $0xffff, v26  }
0x4d0: {  	v0 =	vld.idx.msk [tilespmem:v48+s23+$0x0], $0xffff  }
0x4d1: {  	v26 =	vld.idx.msk [tilespmem:v55+s23+$0x0], $0xffff;
	[tilespmem:v11+s22+$0x0] =	vst.idx.msk $0xffff, v32  }
0x4d2: {  	v46 =	vld [tilespmem:$0x1F5E0];
	[tilespmem:v40+s22+$0x0] =	vst.idx.msk $0xffff, v13  }
0x4d3: {  	v13 =	vld.idx.msk [tilespmem:v29+s23+$0x0], $0xffff  }
0x4d4: {  	v44 =	vor.u32 s30, v58;
	v29 =	vld.idx.msk [tilespmem:v47+s23+$0x0], $0xffff  }
0x4d5: {  	v58 =	vor.u32 v63, v20;
	v47 =	vld [tilespmem:$0x1F840]  }
0x4d6: {  	v48 =	vld [tilespmem:$0x1FA20]  }
0x4d7: {  	v55 =	vld [tilespmem:$0x1F850]  }
0x4d8: {  	v11 =	vld [tilespmem:$0x1FF70];
	[tilespmem:v45+s22+$0x0] =	vst.idx.msk $0xffff, v42  }
0x4d9: {  	v63 =	vld [tilespmem:$0x1F860];
	[tilespmem:v44+s22+$0x0] =	vst.idx.msk $0xffff, v62  }
0x4da: {  	v40 =	vor.u32 s29, v47;
	v45 =	vld.idx.msk [tilespmem:v58+s23+$0x0], $0xffff;
	[tilespmem:v36+s22+$0x0] =	vst.idx.msk $0xffff, v0  }
0x4db: {  	v3 =	vor.u32 v3, v19;
	v42 =	vor.u32 s30, v48;
	v48 =	vld [tilespmem:$0x1FFF0];
	[tilespmem:v37+s22+$0x0] =	vst.idx.msk $0xffff, v26  }
0x4dc: {  	v44 =	vor.u32 v55, v33;
	v0 =	vld.idx.msk [tilespmem:v14+s23+$0x0], $0xffff  }
0x4dd: {  	v32 =	vor.u32 v46, v19;
	v46 =	vor.u32 v56, v20;
	v14 =	vld.idx.msk [tilespmem:v54+s23+$0x0], $0xffff  }
0x4de: {  	v25 =	vor.u32 s24, v25;
	v37 =	vld.idx.msk [tilespmem:v41+s23+$0x0], $0xffff;
	[tilespmem:v39+s22+$0x0] =	vst.idx.msk $0xffff, v13  }
0x4df: {  	v28 =	vor.u32 s25, v28;
	v62 =	vld [tilespmem:$0x1FFD0];
	[tilespmem:v40+s22+$0x0] =	vst.idx.msk $0xffff, v29  }
0x4e0: {  	v3 =	vld.idx.msk [tilespmem:v3+s23+$0x0], $0xffff  }
0x4e1: {  	v29 =	vld.idx.msk [tilespmem:v44+s23+$0x0], $0xffff;
	[tilespmem:v42+s22+$0x0] =	vst.idx.msk $0xffff, v45  }
0x4e2: {  	v46 =	vld.idx.msk [tilespmem:v46+s23+$0x0], $0xffff  }
0x4e3: {  	[tilespmem:v25+s22+$0x0] =	vst.idx.msk $0xffff, v0;
	v0 =	vld [tilespmem:$0x1F520]  }
0x4e4: {  	v40 =	vor.u32 v62, v21;
	[tilespmem:v28+s22+$0x0] =	vst.idx.msk $0xffff, v14;
	v14 =	vld [tilespmem:$0x1F640]  }
0x4e5: {  	v11 =	vor.u32 s26, v11;
	v47 =	vld [tilespmem:$0x1FA30]  }
0x4e6: {  	v26 =	vld [tilespmem:$0x1FE40]  }
0x4e7: {  	v54 =	vld [tilespmem:$0x1F5F0];
	[tilespmem:v43+s22+$0x0] =	vst.idx.msk $0xffff, v37  }
0x4e8: {  	v56 =	vor.u32 v0, v19;
	v0 =	vld.idx.msk [tilespmem:v53+s23+$0x0], $0xffff  }
0x4e9: {  	v25 =	vor.u32 v14, v18;
	v14 =	vld.idx.msk [tilespmem:v40+s23+$0x0], $0xffff  }
0x4ea: {  	v44 =	vor.u32 s29, v63;
	[tilespmem:v11+s22+$0x0] =	vst.idx.msk $0xffff, v3;
	v11 =	vld [tilespmem:$0x1F8D0];
	_ =	sdelay $0x1  }
0x4eb: {  	v42 =	vor.u32 s30, v47;
	v45 =	vor.u32 v48, v33  }
0x4ec: {  	v58 =	vld [tilespmem:$0x1F600]  }
0x4ed: {  	v55 =	vld [tilespmem:$0x1F8E0];
	v26 =	vor.u32 s25, v26;
	v47 =	vor.u32 v54, v20  }
0x4ee: {  	v13 =	vld [tilespmem:$0x1FF80];
	[tilespmem:v44+s22+$0x0] =	vst.idx.msk $0xffff, v29;
	v11 =	vor.u32 s28, v11  }
0x4ef: {  	v28 =	vld.idx.msk [tilespmem:v32+s23+$0x0], $0xffff  }
0x4f0: {  	v37 =	vld.idx.msk [tilespmem:v45+s23+$0x0], $0xffff;
	[tilespmem:v42+s22+$0x0] =	vst.idx.msk $0xffff, v46  }
0x4f1: {  	v36 =	vor.u32 v58, v18;
	v23 =	vld.idx.msk [tilespmem:v23+s23+$0x0], $0xffff  }
0x4f2: {  	v40 =	vor.u32 v55, v21;
	v63 =	vld.idx.msk [tilespmem:v47+s23+$0x0], $0xffff;
	[tilespmem:v26+s22+$0x0] =	vst.idx.msk $0xffff, v0  }
0x4f3: {  	v13 =	vor.u32 s26, v13;
	[tilespmem:v11+s22+$0x0] =	vst.idx.msk $0xffff, v14;
	v14 =	vld [tilespmem:$0x1FDA0];
	_ =	sdelay $0x1  }
0x4f4: {  	v59 =	vld [tilespmem:$0x1F620]  }
0x4f5: {  	v11 =	vld.idx.msk [tilespmem:v36+s23+$0x0], $0xffff  }
0x4f6: {  	v26 =	vld.idx.msk [tilespmem:v40+s23+$0x0], $0xffff  }
0x4f7: {  	[tilespmem:v13+s22+$0x0] =	vst.idx.msk $0xffff, v28;
	v28 =	vor.u32 s26, v14;
	v14 =	vld [tilespmem:$0x1F6F0];
	_ =	sdelay $0x2  }
0x4f8: {  	v61 =	vld [tilespmem:$0x1FEF0]  }
0x4f9: {  	v39 =	vor.u32 v59, v19;
	v59 =	vld [tilespmem:$0x1F560]  }
0x4fa: {  	v36 =	vor.u32 v14, v19;
	v14 =	vld [tilespmem:$0x1F900];
	_ =	sdelay $0x1  }
0x4fb: {  	v43 =	vor.u32 v27, v17;
	v27 =	vld [tilespmem:$0x1FFE0]  }
0x4fc: {  	v41 =	vor.u32 s24, v61;
	v61 =	vld [tilespmem:$0x1F870]  }
0x4fd: {  	v58 =	vld [tilespmem:$0x1FA40]  }
0x4fe: {  	v55 =	vor.u32 v59, v19;
	v59 =	vor.u32 v14, v21;
	v14 =	vld [tilespmem:$0x1F6E0]  }
0x4ff: {  	v47 =	vld [tilespmem:$0x1F630]  }
0x500: {  	v27 =	vor.u32 s29, v27;
	v0 =	vld [tilespmem:$0x1FE50]  }
0x501: {  	v13 =	vld [tilespmem:$0x1F8F0]  }
0x502: {  	v62 =	vor.u32 v61, v33;
	v29 =	vld [tilespmem:$0x1FFC0]  }
0x503: {  	v42 =	vor.u32 s30, v58;
	v40 =	vor.u32 v14, v18;
	v14 =	vld [tilespmem:$0x1F880]  }
0x504: {  	v3 =	vld [tilespmem:$0x1F670]  }
0x505: {  	v48 =	vor.u32 v47, v20;
	v0 =	vor.u32 s25, v0;
	[tilespmem:v27+s22+$0x0] =	vst.idx.msk $0xffff, v37  }
0x506: {  	v27 =	vld.idx.msk [tilespmem:v39+s23+$0x0], $0xffff;
	v13 =	vor.u32 s28, v13  }
0x507: {  	v29 =	vor.u32 s26, v29;
	v37 =	vld.idx.msk [tilespmem:v62+s23+$0x0], $0xffff;
	[tilespmem:v41+s22+$0x0] =	vst.idx.msk $0xffff, v23  }
0x508: {  	[tilespmem:v42+s22+$0x0] =	vst.idx.msk $0xffff, v63;
	v23 =	vor.u32 s29, v14  }
0x509: {  	v3 =	vor.u32 v3, v19;
	v10 =	vld.idx.msk [tilespmem:v10+s23+$0x0], $0xffff  }
0x50a: {  	v62 =	vld.idx.msk [tilespmem:v48+s23+$0x0], $0xffff;
	[tilespmem:v0+s22+$0x0] =	vst.idx.msk $0xffff, v11  }
0x50b: {  	[tilespmem:v13+s22+$0x0] =	vst.idx.msk $0xffff, v26  }
0x50c: {  	v0 =	vld.idx.msk [tilespmem:v25+s23+$0x0], $0xffff;
	[tilespmem:v29+s22+$0x0] =	vst.idx.msk $0xffff, v27  }
0x50d: {  	v13 =	vld [tilespmem:$0x1F6B0];
	[tilespmem:v23+s22+$0x0] =	vst.idx.msk $0xffff, v37  }
0x50e: {  	v3 =	vld.idx.msk [tilespmem:v3+s23+$0x0], $0xffff  }
0x50f: {  	v37 =	vld.idx.msk [tilespmem:v59+s23+$0x0], $0xffff  }
0x510: {  	[tilespmem:v35+s22+$0x0] =	vst.idx.msk $0xffff, v10;
	v10 =	vld [tilespmem:$0x1F8A0];
	_ =	sdelay $0x3  }
0x511: {  	v25 =	vor.u32 v13, v17;
	v13 =	vld [tilespmem:$0x1F6C0]  }
0x512: {  	v45 =	vor.u32 s29, v10;
	v10 =	vld [tilespmem:$0x1FA60];
	_ =	sdelay $0x3  }
0x513: {  	v27 =	vor.u32 v13, v17;
	v13 =	vld [tilespmem:$0x1F910]  }
0x514: {  	v48 =	vor.u32 s30, v10;
	v10 =	vld [tilespmem:$0x1F5D0];
	_ =	sdelay $0x3  }
0x515: {  	v23 =	vor.u32 s28, v13;
	v13 =	vld [tilespmem:$0x1FDB0]  }
0x516: {  	v53 =	vor.u32 v10, v19;
	v10 =	vld [tilespmem:$0x1F8B0];
	_ =	sdelay $0x2  }
0x517: {  	v14 =	vld [tilespmem:$0x1FA50]  }
0x518: {  	v26 =	vor.u32 s26, v13;
	v13 =	vld [tilespmem:$0x1F790]  }
0x519: {  	v41 =	vor.u32 v10, v33;
	v10 =	vld [tilespmem:$0x1F760];
	_ =	sdelay $0x1  }
0x51a: {  	v58 =	vld [tilespmem:$0x1F4E0]  }
0x51b: {  	v61 =	vor.u32 s30, v14;
	v14 =	vld [tilespmem:$0x1F590]  }
0x51c: {  	v29 =	vor.u32 v13, v19;
	v13 =	vld [tilespmem:$0x1F920]  }
0x51d: {  	v59 =	vor.u32 v10, v20;
	v10 =	vld [tilespmem:$0x1FB10];
	_ =	sdelay $0x2  }
0x51e: {  	v54 =	vor.u32 v14, v19;
	v14 =	vld [tilespmem:$0x1F890];
	_ =	sdelay $0x1  }
0x51f: {  	v32 =	vor.u32 v58, v20;
	v58 =	vor.u32 v13, v21;
	v13 =	vor.u32 s29, v10;
	v10 =	vld [tilespmem:$0x1F930];
	_ =	sdelay $0x1  }
0x520: {  	v11 =	vld [tilespmem:$0x1F690]  }
0x521: {  	v42 =	vor.u32 v14, v33;
	v14 =	vld [tilespmem:$0x1F6A0];
	_ =	sdelay $0x1  }
0x522: {  	[tilespmem:v61+s22+$0x0] =	vst.idx.msk $0xffff, v62;
	v61 =	vor.u32 s28, v10;
	v10 =	vld [tilespmem:$0x1FDC0];
	_ =	sdelay $0x2  }
0x523: {  	v11 =	vor.u32 s25, v11;
	v63 =	vor.u32 v14, v20;
	_ =	sdelay $0x1  }
0x524: {  	v35 =	vor.u32 s26, v10;
	v10 =	vld [tilespmem:$0x1F770];
	_ =	sdelay $0x1  }
0x525: {  	v43 =	vld.idx.msk [tilespmem:v43+s23+$0x0], $0xffff  }
0x526: {  	v46 =	vld.idx.msk [tilespmem:v63+s23+$0x0], $0xffff;
	[tilespmem:v11+s22+$0x0] =	vst.idx.msk $0xffff, v0  }
0x527: {  	v0 =	vld.idx.msk [tilespmem:v40+s23+$0x0], $0xffff  }
0x528: {  	[tilespmem:v28+s22+$0x0] =	vst.idx.msk $0xffff, v3;
	v28 =	vor.u32 v10, v18;
	v10 =	vmov v6;
	v6 =	vmov v9;
	v9 =	vld [tilespmem:$0x1F7A0];
	_ =	sdelay $0x3  }
0x529: {  	v11 =	vld.idx.msk [tilespmem:v36+s23+$0x0], $0xffff  }
0x52a: {  	v36 =	vor.u32 v9, v19;
	v9 =	vld [tilespmem:$0x1FF20];
	_ =	sdelay $0x4  }
0x52b: {  	v44 =	vor.u32 s24, v9;
	v9 =	vld [tilespmem:$0x1F8C0];
	_ =	sdelay $0x4  }
0x52c: {  	[tilespmem:v38+s22+$0x0] =	vst.idx.msk $0xffff, v43;
	v43 =	vor.u32 s29, v9;
	v9 =	vld [tilespmem:$0x1FA70];
	_ =	sdelay $0x3  }
0x52d: {  	v3 =	vld [tilespmem:$0x1FE60]  }
0x52e: {  	[tilespmem:v48+s22+$0x0] =	vst.idx.msk $0xffff, v46;
	v48 =	vor.u32 s30, v9;
	v9 =	vld [tilespmem:$0x1F6D0];
	_ =	sdelay $0x3  }
0x52f: {  	v3 =	vor.u32 s25, v3;
	v39 =	vld.idx.msk [tilespmem:v25+s23+$0x0], $0xffff  }
0x530: {  	v25 =	vor.u32 v9, v17;
	v9 =	vld [tilespmem:$0x1F7B0]  }
0x531: {  	[tilespmem:v23+s22+$0x0] =	vst.idx.msk $0xffff, v37  }
0x532: {  	v62 =	vld.idx.msk [tilespmem:v58+s23+$0x0], $0xffff  }
0x533: {  	v47 =	vld.idx.msk [tilespmem:v59+s23+$0x0], $0xffff  }
0x534: {  	[tilespmem:v3+s22+$0x0] =	vst.idx.msk $0xffff, v0;
	v0 =	vld [tilespmem:$0x1FE70]  }
0x535: {  	v46 =	vor.u32 v9, v20;
	v9 =	vld [tilespmem:$0x1F7C0];
	_ =	sdelay $0x4  }
0x536: {  	v23 =	vor.u32 v9, v18;
	v9 =	vmovc v7;
	v7 =	vmovc v8;
	v8 =	vmov v31;
	v31 =	vor.u32 s25, v0;
	v0 =	vld [tilespmem:$0x1FDD0];
	_ =	sdelay $0x2  }
0x537: {  	v14 =	vld [tilespmem:$0x1F780]  }
0x538: {  	v58 =	vmov v52;
	v52 =	vmov v30;
	v30 =	vld [tilespmem:$0x1F940]  }
0x539: {  	p0 =	slt.u32 s29, $0x70;
	v37 =	vor.u32 s26, v0;
	v0 =	vld [tilespmem:$0x1FF30]  }
.Ltmp0:
0x53a: {  	_ = 	snop;
	(pc) =	sbr.rel @p0 .LBB2_3-.Ltmp0, $4  }
0x53b: {  	_ = 	snop  }
0x53c: {  	v59 =	vld.idx.msk [tilespmem:v28+s23+$0x0], $0xffff;
	[tilespmem:v26+s22+$0x0] =	vst.idx.msk $0xffff, v11  }
0x53d: {  	v14 =	vor.u32 v14, v18;
	v40 =	vld.idx.msk [tilespmem:v29+s23+$0x0], $0xffff;
	v17 =	vmovc v18;
	v18 =	vmovc v19;
	v19 =	vmov v20;
	v20 =	vmov v21  }
0x53e: {  	v29 =	vld [tilespmem:$0x1F950];
	v21 =	vmov v33;
	v63 =	vor.u32 v30, v20;
	v28 =	vor.u32 s24, v0;
	s24 =	smov.u32 s25;
	s25 =	smov.u32 s26;
	s26 =	smov.u32 s30  }
0x53f: {  	_ =	sdelay $0x3  }
0x540: {  	v0 =	vld.idx.msk [tilespmem:v42+s23+$0x0], $0xffff;
	_ =	sdelay $0x4  }
0x541: {  	[tilespmem:v45+s22+$0x0] =	vst.idx.msk $0xffff, v0  }
0x542: {  	v3 =	vld [tilespmem:$0x1FFD0];
	_ =	sdelay $0x3  }
0x543: {  	v0 =	vld.idx.msk [tilespmem:v41+s23+$0x0], $0xffff  }
0x544: {  	v3 =	vor.u32 v3, v21;
	_ =	sdelay $0x3  }
0x545: {  	[tilespmem:v43+s22+$0x0] =	vst.idx.msk $0xffff, v0  }
0x546: {  	v0 =	vld.idx.msk [tilespmem:v3+s23+$0x0], $0xffff  }
0x547: {  	v3 =	vld [tilespmem:$0x1F8D0];
	_ =	sdelay $0x4  }
0x548: {  	v3 =	vor.u32 s29, v3  }
0x549: {  	v11 =	vld [tilespmem:$0x1F8E0];
	_ =	sdelay $0x3  }
0x54a: {  	[tilespmem:v3+s22+$0x0] =	vst.idx.msk $0xffff, v0  }
0x54b: {  	v11 =	vor.u32 v11, v21;
	v3 =	vld [tilespmem:$0x1F8F0];
	_ =	sdelay $0x4  }
0x54c: {  	v0 =	vld.idx.msk [tilespmem:v11+s23+$0x0], $0xffff;
	v3 =	vor.u32 s29, v3  }
0x54d: {  	v42 =	vld [tilespmem:$0x1F900];
	_ =	sdelay $0x3  }
0x54e: {  	[tilespmem:v3+s22+$0x0] =	vst.idx.msk $0xffff, v0  }
0x54f: {  	v11 =	vor.u32 v42, v21;
	v3 =	vld [tilespmem:$0x1F910];
	_ =	sdelay $0x4  }
0x550: {  	v0 =	vld.idx.msk [tilespmem:v11+s23+$0x0], $0xffff;
	v3 =	vor.u32 s29, v3  }
0x551: {  	v43 =	vld [tilespmem:$0x1F920];
	_ =	sdelay $0x3  }
0x552: {  	[tilespmem:v3+s22+$0x0] =	vst.idx.msk $0xffff, v0  }
0x553: {  	v11 =	vor.u32 v43, v21;
	v3 =	vld [tilespmem:$0x1F930];
	_ =	sdelay $0x4  }
0x554: {  	v0 =	vld.idx.msk [tilespmem:v11+s23+$0x0], $0xffff;
	v3 =	vor.u32 s29, v3  }
0x555: {  	v45 =	vor.u32 v30, v21;
	_ =	sdelay $0x2  }
0x556: {  	[tilespmem:v61+s22+$0x0] =	vst.idx.msk $0xffff, v62  }
0x557: {  	[tilespmem:v3+s22+$0x0] =	vst.idx.msk $0xffff, v0;
	v0 =	vld.idx.msk [tilespmem:v63+s23+$0x0], $0xffff;
	v3 =	vor.u32 s28, v29  }
0x558: {  	v29 =	vor.u32 s29, v29;
	v11 =	vld.idx.msk [tilespmem:v45+s23+$0x0], $0xffff  }
0x559: {  	v30 =	vld [tilespmem:$0x1FF50];
	_ =	sdelay $0x2  }
0x55a: {  	[tilespmem:v3+s22+$0x0] =	vst.idx.msk $0xffff, v0  }
0x55b: {  	[tilespmem:v29+s22+$0x0] =	vst.idx.msk $0xffff, v11  }
0x55c: {  	v26 =	vor.u32 v30, v20;
	v29 =	vld [tilespmem:$0x1FFA0]  }
0x55d: {  	v33 =	vor.u32 v30, v21;
	_ =	sdelay $0x3  }
0x55e: {  	v0 =	vld.idx.msk [tilespmem:v26+s23+$0x0], $0xffff;
	v3 =	vor.u32 s28, v29  }
0x55f: {  	v11 =	vld.idx.msk [tilespmem:v33+s23+$0x0], $0xffff;
	v29 =	vor.u32 s29, v29  }
0x560: {  	v30 =	vld [tilespmem:$0x1FFB0];
	_ =	sdelay $0x2  }
0x561: {  	[tilespmem:v3+s22+$0x0] =	vst.idx.msk $0xffff, v0  }
0x562: {  	[tilespmem:v29+s22+$0x0] =	vst.idx.msk $0xffff, v11  }
0x563: {  	v63 =	vor.u32 v30, v20;
	v29 =	vld [tilespmem:$0x1F960]  }
0x564: {  	v38 =	vor.u32 v30, v21;
	_ =	sdelay $0x3  }
0x565: {  	v0 =	vld.idx.msk [tilespmem:v63+s23+$0x0], $0xffff;
	v3 =	vor.u32 s28, v29  }
0x566: {  	v11 =	vld.idx.msk [tilespmem:v38+s23+$0x0], $0xffff;
	v29 =	vor.u32 s29, v29  }
0x567: {  	v30 =	vld [tilespmem:$0x1FF90];
	_ =	sdelay $0x2  }
0x568: {  	[tilespmem:v3+s22+$0x0] =	vst.idx.msk $0xffff, v0  }
0x569: {  	[tilespmem:v29+s22+$0x0] =	vst.idx.msk $0xffff, v11  }
0x56a: {  	v41 =	vor.u32 v30, v20;
	v29 =	vld [tilespmem:$0x1F970]  }
0x56b: {  	v42 =	vor.u32 v30, v21;
	_ =	sdelay $0x3  }
0x56c: {  	v0 =	vld.idx.msk [tilespmem:v41+s23+$0x0], $0xffff;
	v3 =	vor.u32 s28, v29  }
0x56d: {  	v11 =	vld.idx.msk [tilespmem:v42+s23+$0x0], $0xffff;
	v29 =	vor.u32 s29, v29  }
0x56e: {  	v30 =	vld [tilespmem:$0x1F500];
	_ =	sdelay $0x2  }
0x56f: {  	[tilespmem:v3+s22+$0x0] =	vst.idx.msk $0xffff, v0  }
0x570: {  	[tilespmem:v29+s22+$0x0] =	vst.idx.msk $0xffff, v11  }
0x571: {  	v43 =	vor.u32 v30, v20;
	v29 =	vld [tilespmem:$0x1F9C0]  }
0x572: {  	v45 =	vor.u32 v30, v21;
	_ =	sdelay $0x3  }
0x573: {  	v0 =	vld.idx.msk [tilespmem:v43+s23+$0x0], $0xffff;
	v3 =	vor.u32 s28, v29  }
0x574: {  	v11 =	vld.idx.msk [tilespmem:v45+s23+$0x0], $0xffff;
	v29 =	vor.u32 s29, v29  }
0x575: {  	v30 =	vld [tilespmem:$0x1F540];
	_ =	sdelay $0x2  }
0x576: {  	[tilespmem:v3+s22+$0x0] =	vst.idx.msk $0xffff, v0  }
0x577: {  	[tilespmem:v29+s22+$0x0] =	vst.idx.msk $0xffff, v11  }
0x578: {  	v61 =	vor.u32 v30, v20;
	v29 =	vld [tilespmem:$0x1FA10]  }
0x579: {  	v62 =	vor.u32 v30, v21;
	_ =	sdelay $0x3  }
0x57a: {  	v0 =	vld.idx.msk [tilespmem:v61+s23+$0x0], $0xffff;
	v3 =	vor.u32 s28, v29  }
0x57b: {  	v11 =	vld.idx.msk [tilespmem:v62+s23+$0x0], $0xffff;
	v29 =	vor.u32 s29, v29  }
0x57c: {  	v30 =	vld [tilespmem:$0x1F580];
	_ =	sdelay $0x2  }
0x57d: {  	[tilespmem:v3+s22+$0x0] =	vst.idx.msk $0xffff, v0  }
0x57e: {  	[tilespmem:v29+s22+$0x0] =	vst.idx.msk $0xffff, v11  }
0x57f: {  	v63 =	vor.u32 v30, v20;
	v29 =	vld [tilespmem:$0x1FA20]  }
0x580: {  	v38 =	vor.u32 v30, v21;
	_ =	sdelay $0x3  }
0x581: {  	v0 =	vld.idx.msk [tilespmem:v63+s23+$0x0], $0xffff;
	v3 =	vor.u32 s28, v29  }
0x582: {  	v11 =	vld.idx.msk [tilespmem:v38+s23+$0x0], $0xffff;
	v29 =	vor.u32 s29, v29  }
0x583: {  	v30 =	vld [tilespmem:$0x1F5C0];
	_ =	sdelay $0x2  }
0x584: {  	[tilespmem:v3+s22+$0x0] =	vst.idx.msk $0xffff, v0  }
0x585: {  	[tilespmem:v29+s22+$0x0] =	vst.idx.msk $0xffff, v11  }
0x586: {  	v41 =	vor.u32 v30, v20;
	v29 =	vld [tilespmem:$0x1FA30]  }
0x587: {  	v42 =	vor.u32 v30, v21;
	_ =	sdelay $0x3  }
0x588: {  	v0 =	vld.idx.msk [tilespmem:v41+s23+$0x0], $0xffff;
	v3 =	vor.u32 s28, v29  }
0x589: {  	v11 =	vld.idx.msk [tilespmem:v42+s23+$0x0], $0xffff;
	v29 =	vor.u32 s29, v29  }
0x58a: {  	v30 =	vld [tilespmem:$0x1F5F0];
	_ =	sdelay $0x2  }
0x58b: {  	[tilespmem:v3+s22+$0x0] =	vst.idx.msk $0xffff, v0  }
0x58c: {  	[tilespmem:v29+s22+$0x0] =	vst.idx.msk $0xffff, v11  }
0x58d: {  	v43 =	vor.u32 v30, v20;
	v29 =	vld [tilespmem:$0x1FA40]  }
0x58e: {  	v45 =	vor.u32 v30, v21;
	_ =	sdelay $0x3  }
0x58f: {  	v0 =	vld.idx.msk [tilespmem:v43+s23+$0x0], $0xffff;
	v3 =	vor.u32 s28, v29  }
0x590: {  	v11 =	vld.idx.msk [tilespmem:v45+s23+$0x0], $0xffff;
	v29 =	vor.u32 s29, v29  }
0x591: {  	v30 =	vld [tilespmem:$0x1F630];
	_ =	sdelay $0x2  }
0x592: {  	[tilespmem:v3+s22+$0x0] =	vst.idx.msk $0xffff, v0  }
0x593: {  	[tilespmem:v29+s22+$0x0] =	vst.idx.msk $0xffff, v11  }
0x594: {  	v61 =	vor.u32 v30, v20;
	v29 =	vld [tilespmem:$0x1FA50]  }
0x595: {  	v62 =	vor.u32 v30, v21;
	_ =	sdelay $0x3  }
0x596: {  	v0 =	vld.idx.msk [tilespmem:v61+s23+$0x0], $0xffff;
	v3 =	vor.u32 s28, v29  }
0x597: {  	v11 =	vld.idx.msk [tilespmem:v62+s23+$0x0], $0xffff;
	v29 =	vor.u32 s29, v29  }
0x598: {  	v30 =	vld [tilespmem:$0x1F6A0];
	_ =	sdelay $0x2  }
0x599: {  	[tilespmem:v3+s22+$0x0] =	vst.idx.msk $0xffff, v0  }
0x59a: {  	[tilespmem:v29+s22+$0x0] =	vst.idx.msk $0xffff, v11  }
0x59b: {  	v63 =	vor.u32 v30, v20;
	v29 =	vld [tilespmem:$0x1FA60]  }
0x59c: {  	v38 =	vor.u32 v30, v21;
	_ =	sdelay $0x3  }
0x59d: {  	v0 =	vld.idx.msk [tilespmem:v63+s23+$0x0], $0xffff;
	v3 =	vor.u32 s28, v29  }
0x59e: {  	v11 =	vld.idx.msk [tilespmem:v38+s23+$0x0], $0xffff;
	v29 =	vor.u32 s29, v29  }
0x59f: {  	v30 =	vld [tilespmem:$0x1F760];
	_ =	sdelay $0x2  }
0x5a0: {  	[tilespmem:v3+s22+$0x0] =	vst.idx.msk $0xffff, v0  }
0x5a1: {  	[tilespmem:v29+s22+$0x0] =	vst.idx.msk $0xffff, v11  }
0x5a2: {  	v41 =	vor.u32 v30, v20;
	v29 =	vld [tilespmem:$0x1FA70];
	_ =	sdelay $0x4  }
0x5a3: {  	v0 =	vld.idx.msk [tilespmem:v41+s23+$0x0], $0xffff;
	v3 =	vor.u32 s28, v29;
	_ =	sdelay $0x1  }
0x5a4: {  	v42 =	vor.u32 v30, v21;
	v30 =	vld [tilespmem:$0x1F7B0];
	_ =	sdelay $0x1  }
0x5a5: {  	[tilespmem:v48+s22+$0x0] =	vst.idx.msk $0xffff, v47  }
0x5a6: {  	[tilespmem:v3+s22+$0x0] =	vst.idx.msk $0xffff, v0  }
0x5a7: {  	v38 =	vld [tilespmem:$0x1FA80]  }
0x5a8: {  	v43 =	vor.u32 v30, v20  }
0x5a9: {  	v11 =	vld.idx.msk [tilespmem:v42+s23+$0x0], $0xffff;
	v29 =	vor.u32 s29, v29;
	_ =	sdelay $0x2  }
0x5aa: {  	v0 =	vld.idx.msk [tilespmem:v46+s23+$0x0], $0xffff;
	v3 =	vor.u32 s26, v38  }
0x5ab: {  	v45 =	vor.u32 v30, v21;
	v48 =	vld.idx.msk [tilespmem:v43+s23+$0x0], $0xffff;
	v61 =	vor.u32 s28, v38  }
0x5ac: {  	[tilespmem:v29+s22+$0x0] =	vst.idx.msk $0xffff, v11  }
0x5ad: {  	v30 =	vld [tilespmem:$0x1F740];
	_ =	sdelay $0x1  }
0x5ae: {  	[tilespmem:v3+s22+$0x0] =	vst.idx.msk $0xffff, v0  }
0x5af: {  	v29 =	vld.idx.msk [tilespmem:v45+s23+$0x0], $0xffff;
	[tilespmem:v61+s22+$0x0] =	vst.idx.msk $0xffff, v48  }
0x5b0: {  	v45 =	vld [tilespmem:$0x1FA90]  }
0x5b1: {  	v38 =	vor.u32 s29, v38;
	v62 =	vor.u32 v30, v20;
	_ =	sdelay $0x3  }
0x5b2: {  	v0 =	vld.idx.msk [tilespmem:v60+s23+$0x0], $0xffff;
	v3 =	vor.u32 s26, v45  }
0x5b3: {  	[tilespmem:v38+s22+$0x0] =	vst.idx.msk $0xffff, v29;
	v11 =	vld.idx.msk [tilespmem:v62+s23+$0x0], $0xffff;
	v29 =	vor.u32 s28, v45  }
0x5b4: {  	v63 =	vor.u32 v30, v21;
	v30 =	vld [tilespmem:$0x1F4C0];
	_ =	sdelay $0x2  }
0x5b5: {  	[tilespmem:v3+s22+$0x0] =	vst.idx.msk $0xffff, v0  }
0x5b6: {  	[tilespmem:v29+s22+$0x0] =	vst.idx.msk $0xffff, v11  }
0x5b7: {  	v46 =	vor.u32 v30, v19;
	v43 =	vld [tilespmem:$0x1FAA0]  }
0x5b8: {  	v47 =	vld.idx.msk [tilespmem:v63+s23+$0x0], $0xffff;
	v60 =	vor.u32 s29, v45;
	v48 =	vor.u32 v30, v20;
	_ =	sdelay $0x3  }
0x5b9: {  	v0 =	vld.idx.msk [tilespmem:v46+s23+$0x0], $0xffff;
	v3 =	vor.u32 s26, v43  }
0x5ba: {  	v61 =	vor.u32 v30, v21;
	[tilespmem:v60+s22+$0x0] =	vst.idx.msk $0xffff, v47;
	v11 =	vld.idx.msk [tilespmem:v48+s23+$0x0], $0xffff;
	v62 =	vor.u32 s28, v43  }
0x5bb: {  	v30 =	vld [tilespmem:$0x1F4E0];
	_ =	sdelay $0x2  }
0x5bc: {  	[tilespmem:v3+s22+$0x0] =	vst.idx.msk $0xffff, v0  }
0x5bd: {  	v29 =	vld.idx.msk [tilespmem:v61+s23+$0x0], $0xffff;
	[tilespmem:v62+s22+$0x0] =	vst.idx.msk $0xffff, v11  }
0x5be: {  	v45 =	vor.u32 s29, v43;
	v63 =	vor.u32 v30, v20;
	v47 =	vld [tilespmem:$0x1FAB0];
	_ =	sdelay $0x3  }
0x5bf: {  	v0 =	vld.idx.msk [tilespmem:v32+s23+$0x0], $0xffff  }
0x5c0: {  	[tilespmem:v45+s22+$0x0] =	vst.idx.msk $0xffff, v29;
	v11 =	vld.idx.msk [tilespmem:v63+s23+$0x0], $0xffff;
	v3 =	vor.u32 s26, v47  }
0x5c1: {  	v46 =	vor.u32 v30, v21;
	v30 =	vld [tilespmem:$0x1F530];
	v29 =	vor.u32 s28, v47;
	_ =	sdelay $0x3  }
0x5c2: {  	[tilespmem:v3+s22+$0x0] =	vst.idx.msk $0xffff, v0  }
0x5c3: {  	v60 =	vld.idx.msk [tilespmem:v46+s23+$0x0], $0xffff;
	v48 =	vor.u32 v30, v19;
	[tilespmem:v29+s22+$0x0] =	vst.idx.msk $0xffff, v11  }
0x5c4: {  	v62 =	vor.u32 s29, v47;
	v61 =	vor.u32 v30, v20;
	v45 =	vld [tilespmem:$0x1FAC0];
	_ =	sdelay $0x3  }
0x5c5: {  	v0 =	vld.idx.msk [tilespmem:v48+s23+$0x0], $0xffff  }
0x5c6: {  	[tilespmem:v62+s22+$0x0] =	vst.idx.msk $0xffff, v60;
	v11 =	vld.idx.msk [tilespmem:v61+s23+$0x0], $0xffff;
	v3 =	vor.u32 s26, v45  }
0x5c7: {  	v63 =	vor.u32 v30, v21;
	v30 =	vld [tilespmem:$0x1F570];
	v29 =	vor.u32 s28, v45;
	_ =	sdelay $0x3  }
0x5c8: {  	[tilespmem:v3+s22+$0x0] =	vst.idx.msk $0xffff, v0  }
0x5c9: {  	v32 =	vld.idx.msk [tilespmem:v63+s23+$0x0], $0xffff;
	v46 =	vor.u32 v30, v19;
	[tilespmem:v29+s22+$0x0] =	vst.idx.msk $0xffff, v11  }
0x5ca: {  	v48 =	vor.u32 s29, v45;
	v47 =	vor.u32 v30, v20;
	v61 =	vld [tilespmem:$0x1F5A0];
	_ =	sdelay $0x3  }
0x5cb: {  	v0 =	vld.idx.msk [tilespmem:v46+s23+$0x0], $0xffff  }
0x5cc: {  	[tilespmem:v48+s22+$0x0] =	vst.idx.msk $0xffff, v32;
	v11 =	vld.idx.msk [tilespmem:v47+s23+$0x0], $0xffff;
	v3 =	vor.u32 s26, v61  }
0x5cd: {  	v60 =	vor.u32 v30, v21;
	v30 =	vld [tilespmem:$0x1F5B0];
	v29 =	vor.u32 s28, v61;
	_ =	sdelay $0x3  }
0x5ce: {  	[tilespmem:v3+s22+$0x0] =	vst.idx.msk $0xffff, v0  }
0x5cf: {  	v45 =	vld.idx.msk [tilespmem:v60+s23+$0x0], $0xffff;
	v62 =	vor.u32 v30, v19;
	[tilespmem:v29+s22+$0x0] =	vst.idx.msk $0xffff, v11  }
0x5d0: {  	v63 =	vor.u32 s29, v61;
	v46 =	vor.u32 v30, v20;
	v48 =	vld [tilespmem:$0x1FF70];
	_ =	sdelay $0x1  }
0x5d1: {  	v47 =	vor.u32 v30, v21;
	_ =	sdelay $0x1  }
0x5d2: {  	v0 =	vld.idx.msk [tilespmem:v62+s23+$0x0], $0xffff  }
0x5d3: {  	[tilespmem:v63+s22+$0x0] =	vst.idx.msk $0xffff, v45;
	v11 =	vld.idx.msk [tilespmem:v46+s23+$0x0], $0xffff;
	v3 =	vor.u32 s26, v48  }
0x5d4: {  	v30 =	vld [tilespmem:$0x1F5E0];
	v29 =	vor.u32 s28, v48  }
0x5d5: {  	v32 =	vld.idx.msk [tilespmem:v47+s23+$0x0], $0xffff;
	v62 =	vor.u32 s29, v48;
	_ =	sdelay $0x2  }
0x5d6: {  	[tilespmem:v3+s22+$0x0] =	vst.idx.msk $0xffff, v0  }
0x5d7: {  	[tilespmem:v29+s22+$0x0] =	vst.idx.msk $0xffff, v11  }
0x5d8: {  	v60 =	vor.u32 v30, v19;
	v45 =	vld [tilespmem:$0x1FF80];
	[tilespmem:v62+s22+$0x0] =	vst.idx.msk $0xffff, v32  }
0x5d9: {  	v61 =	vor.u32 v30, v20;
	v63 =	vor.u32 v30, v21;
	v30 =	vld [tilespmem:$0x1F620];
	_ =	sdelay $0x3  }
0x5da: {  	v0 =	vld.idx.msk [tilespmem:v60+s23+$0x0], $0xffff;
	v3 =	vor.u32 s26, v45  }
0x5db: {  	v11 =	vld.idx.msk [tilespmem:v61+s23+$0x0], $0xffff;
	v29 =	vor.u32 s28, v45;
	v46 =	vor.u32 v30, v19;
	_ =	sdelay $0x3  }
0x5dc: {  	v32 =	vld.idx.msk [tilespmem:v63+s23+$0x0], $0xffff;
	[tilespmem:v3+s22+$0x0] =	vst.idx.msk $0xffff, v0  }
0x5dd: {  	[tilespmem:v29+s22+$0x0] =	vst.idx.msk $0xffff, v11;
	v0 =	vld.idx.msk [tilespmem:v46+s23+$0x0], $0xffff  }
0x5de: {  	v48 =	vor.u32 s29, v45;
	v47 =	vor.u32 v30, v20;
	v46 =	vld [tilespmem:$0x1FFC0];
	_ =	sdelay $0x4  }
0x5df: {  	[tilespmem:v48+s22+$0x0] =	vst.idx.msk $0xffff, v32;
	v11 =	vld.idx.msk [tilespmem:v47+s23+$0x0], $0xffff;
	v3 =	vor.u32 s26, v46  }
0x5e0: {  	v45 =	vor.u32 v30, v21;
	v30 =	vld [tilespmem:$0x1F670];
	v29 =	vor.u32 s28, v46;
	_ =	sdelay $0x3  }
0x5e1: {  	[tilespmem:v3+s22+$0x0] =	vst.idx.msk $0xffff, v0  }
0x5e2: {  	v32 =	vld.idx.msk [tilespmem:v45+s23+$0x0], $0xffff;
	v47 =	vor.u32 v30, v19;
	[tilespmem:v29+s22+$0x0] =	vst.idx.msk $0xffff, v11  }
0x5e3: {  	v45 =	vor.u32 s29, v46;
	v48 =	vor.u32 v30, v20;
	v62 =	vld [tilespmem:$0x1FDA0];
	_ =	sdelay $0x1  }
0x5e4: {  	v46 =	vor.u32 v30, v21;
	_ =	sdelay $0x1  }
0x5e5: {  	v0 =	vld.idx.msk [tilespmem:v47+s23+$0x0], $0xffff  }
0x5e6: {  	[tilespmem:v45+s22+$0x0] =	vst.idx.msk $0xffff, v32;
	v11 =	vld.idx.msk [tilespmem:v48+s23+$0x0], $0xffff;
	v3 =	vor.u32 s26, v62  }
0x5e7: {  	v30 =	vld [tilespmem:$0x1F6F0];
	v29 =	vor.u32 s28, v62  }
0x5e8: {  	v32 =	vld.idx.msk [tilespmem:v46+s23+$0x0], $0xffff;
	v45 =	vor.u32 s29, v62;
	_ =	sdelay $0x2  }
0x5e9: {  	[tilespmem:v3+s22+$0x0] =	vst.idx.msk $0xffff, v0  }
0x5ea: {  	[tilespmem:v29+s22+$0x0] =	vst.idx.msk $0xffff, v11  }
0x5eb: {  	v47 =	vor.u32 v30, v19;
	v61 =	vld [tilespmem:$0x1FDB0];
	[tilespmem:v45+s22+$0x0] =	vst.idx.msk $0xffff, v32  }
0x5ec: {  	v48 =	vor.u32 v30, v20;
	v46 =	vor.u32 v30, v21;
	v30 =	vld [tilespmem:$0x1F790];
	_ =	sdelay $0x3  }
0x5ed: {  	v0 =	vld.idx.msk [tilespmem:v47+s23+$0x0], $0xffff;
	v3 =	vor.u32 s26, v61  }
0x5ee: {  	v11 =	vld.idx.msk [tilespmem:v48+s23+$0x0], $0xffff;
	v29 =	vor.u32 s28, v61;
	v47 =	vor.u32 v30, v19;
	_ =	sdelay $0x3  }
0x5ef: {  	[tilespmem:v3+s22+$0x0] =	vst.idx.msk $0xffff, v0  }
0x5f0: {  	[tilespmem:v29+s22+$0x0] =	vst.idx.msk $0xffff, v11;
	v0 =	vld.idx.msk [tilespmem:v47+s23+$0x0], $0xffff  }
0x5f1: {  	v47 =	vld [tilespmem:$0x1FDC0]  }
0x5f2: {  	v32 =	vld.idx.msk [tilespmem:v46+s23+$0x0], $0xffff;
	v45 =	vor.u32 s29, v61;
	v48 =	vor.u32 v30, v20;
	_ =	sdelay $0x3  }
0x5f3: {  	v3 =	vor.u32 s26, v47  }
0x5f4: {  	[tilespmem:v45+s22+$0x0] =	vst.idx.msk $0xffff, v32;
	v11 =	vld.idx.msk [tilespmem:v48+s23+$0x0], $0xffff;
	v29 =	vor.u32 s28, v47  }
0x5f5: {  	v46 =	vor.u32 v30, v21;
	v30 =	vld [tilespmem:$0x1F7A0];
	_ =	sdelay $0x1  }
0x5f6: {  	[tilespmem:v35+s22+$0x0] =	vst.idx.msk $0xffff, v40  }
0x5f7: {  	[tilespmem:v3+s22+$0x0] =	vst.idx.msk $0xffff, v0  }
0x5f8: {  	[tilespmem:v29+s22+$0x0] =	vst.idx.msk $0xffff, v11  }
0x5f9: {  	v62 =	vor.u32 s29, v47;
	v48 =	vor.u32 v30, v19;
	v47 =	vld [tilespmem:$0x1FDD0];
	_ =	sdelay $0x2  }
0x5fa: {  	v32 =	vld.idx.msk [tilespmem:v46+s23+$0x0], $0xffff  }
0x5fb: {  	v0 =	vld.idx.msk [tilespmem:v36+s23+$0x0], $0xffff  }
0x5fc: {  	v3 =	vld.idx.msk [tilespmem:v48+s23+$0x0], $0xffff;
	v45 =	vor.u32 s26, v47;
	_ =	sdelay $0x1  }
0x5fd: {  	v61 =	vor.u32 v30, v20  }
0x5fe: {  	v63 =	vor.u32 v30, v21;
	[tilespmem:v62+s22+$0x0] =	vst.idx.msk $0xffff, v32  }
0x5ff: {  	[tilespmem:v37+s22+$0x0] =	vst.idx.msk $0xffff, v0  }
0x600: {  	[tilespmem:v45+s22+$0x0] =	vst.idx.msk $0xffff, v3  }
0x601: {  	v48 =	vld [tilespmem:$0x1FDE0]  }
0x602: {  	v46 =	vld.idx.msk [tilespmem:v61+s23+$0x0], $0xffff;
	v29 =	vor.u32 s28, v47  }
0x603: {  	v32 =	vld.idx.msk [tilespmem:v63+s23+$0x0], $0xffff;
	v47 =	vor.u32 s29, v47;
	_ =	sdelay $0x2  }
0x604: {  	v0 =	vld.idx.msk [tilespmem:v34+s23+$0x0], $0xffff;
	v3 =	vor.u32 s25, v48  }
0x605: {  	[tilespmem:v29+s22+$0x0] =	vst.idx.msk $0xffff, v46;
	v11 =	vld.idx.msk [tilespmem:v50+s23+$0x0], $0xffff;
	v60 =	vor.u32 s26, v48  }
0x606: {  	[tilespmem:v47+s22+$0x0] =	vst.idx.msk $0xffff, v32  }
0x607: {  	v30 =	vld [tilespmem:$0x1F750];
	_ =	sdelay $0x1  }
0x608: {  	[tilespmem:v3+s22+$0x0] =	vst.idx.msk $0xffff, v0  }
0x609: {  	[tilespmem:v60+s22+$0x0] =	vst.idx.msk $0xffff, v11  }
0x60a: {  	v43 =	vld [tilespmem:$0x1FDF0]  }
0x60b: {  	v29 =	vld.idx.msk [tilespmem:v49+s23+$0x0], $0xffff;
	v62 =	vor.u32 s28, v48;
	v61 =	vor.u32 v30, v19;
	_ =	sdelay $0x2  }
0x60c: {  	v63 =	vld.idx.msk [tilespmem:v51+s23+$0x0], $0xffff;
	v41 =	vor.u32 s29, v48  }
0x60d: {  	v0 =	vld.idx.msk [tilespmem:v57+s23+$0x0], $0xffff;
	v3 =	vor.u32 s25, v43  }
0x60e: {  	[tilespmem:v62+s22+$0x0] =	vst.idx.msk $0xffff, v29;
	v26 =	vld.idx.msk [tilespmem:v61+s23+$0x0], $0xffff;
	v29 =	vor.u32 s26, v43  }
0x60f: {  	v40 =	vor.u32 v30, v20;
	v42 =	vor.u32 v30, v21;
	v30 =	vld [tilespmem:$0x1F4F0];
	_ =	sdelay $0x1  }
0x610: {  	[tilespmem:v41+s22+$0x0] =	vst.idx.msk $0xffff, v63  }
0x611: {  	[tilespmem:v3+s22+$0x0] =	vst.idx.msk $0xffff, v0  }
0x612: {  	[tilespmem:v29+s22+$0x0] =	vst.idx.msk $0xffff, v26  }
0x613: {  	v45 =	vor.u32 v30, v18;
	v60 =	vld [tilespmem:$0x1FE00]  }
0x614: {  	v46 =	vor.u32 v30, v19  }
0x615: {  	v33 =	vld.idx.msk [tilespmem:v40+s23+$0x0], $0xffff;
	v47 =	vor.u32 s28, v43;
	_ =	sdelay $0x1  }
0x616: {  	v48 =	vld.idx.msk [tilespmem:v42+s23+$0x0], $0xffff;
	v50 =	vor.u32 s29, v43  }
0x617: {  	v3 =	vld.idx.msk [tilespmem:v45+s23+$0x0], $0xffff;
	v0 =	vor.u32 s25, v60  }
0x618: {  	v26 =	vld.idx.msk [tilespmem:v46+s23+$0x0], $0xffff;
	v61 =	vor.u32 s26, v60  }
0x619: {  	[tilespmem:v47+s22+$0x0] =	vst.idx.msk $0xffff, v33  }
0x61a: {  	v49 =	vor.u32 v30, v20;
	v51 =	vor.u32 v30, v21;
	v30 =	vld [tilespmem:$0x1F520]  }
0x61b: {  	[tilespmem:v50+s22+$0x0] =	vst.idx.msk $0xffff, v48  }
0x61c: {  	[tilespmem:v0+s22+$0x0] =	vst.idx.msk $0xffff, v3  }
0x61d: {  	[tilespmem:v61+s22+$0x0] =	vst.idx.msk $0xffff, v26  }
0x61e: {  	v42 =	vld [tilespmem:$0x1FE10]  }
0x61f: {  	v29 =	vor.u32 v30, v19  }
0x620: {  	v33 =	vld.idx.msk [tilespmem:v49+s23+$0x0], $0xffff;
	v62 =	vor.u32 s28, v60;
	_ =	sdelay $0x1  }
0x621: {  	v35 =	vld.idx.msk [tilespmem:v51+s23+$0x0], $0xffff;
	v40 =	vor.u32 s29, v60  }
0x622: {  	v3 =	vld.idx.msk [tilespmem:v56+s23+$0x0], $0xffff;
	v0 =	vor.u32 s25, v42  }
0x623: {  	v26 =	vld.idx.msk [tilespmem:v29+s23+$0x0], $0xffff;
	v43 =	vor.u32 s26, v42  }
0x624: {  	[tilespmem:v62+s22+$0x0] =	vst.idx.msk $0xffff, v33  }
0x625: {  	v63 =	vor.u32 v30, v20;
	v41 =	vor.u32 v30, v21;
	v30 =	vld [tilespmem:$0x1F560]  }
0x626: {  	[tilespmem:v40+s22+$0x0] =	vst.idx.msk $0xffff, v35  }
0x627: {  	[tilespmem:v0+s22+$0x0] =	vst.idx.msk $0xffff, v3  }
0x628: {  	[tilespmem:v43+s22+$0x0] =	vst.idx.msk $0xffff, v26  }
0x629: {  	v49 =	vld [tilespmem:$0x1FE20]  }
0x62a: {  	v29 =	vor.u32 v30, v19;
	_ =	sdelay $0x1  }
0x62b: {  	v33 =	vld.idx.msk [tilespmem:v63+s23+$0x0], $0xffff;
	v45 =	vor.u32 s28, v42  }
0x62c: {  	v36 =	vld.idx.msk [tilespmem:v41+s23+$0x0], $0xffff;
	v47 =	vor.u32 s29, v42  }
0x62d: {  	v3 =	vld.idx.msk [tilespmem:v55+s23+$0x0], $0xffff;
	v0 =	vor.u32 s25, v49  }
0x62e: {  	v26 =	vld.idx.msk [tilespmem:v29+s23+$0x0], $0xffff;
	v50 =	vor.u32 s26, v49;
	_ =	sdelay $0x1  }
0x62f: {  	[tilespmem:v45+s22+$0x0] =	vst.idx.msk $0xffff, v33  }
0x630: {  	v46 =	vor.u32 v30, v20;
	v48 =	vor.u32 v30, v21;
	v30 =	vld [tilespmem:$0x1F590];
	[tilespmem:v47+s22+$0x0] =	vst.idx.msk $0xffff, v36  }
0x631: {  	[tilespmem:v0+s22+$0x0] =	vst.idx.msk $0xffff, v3  }
0x632: {  	[tilespmem:v50+s22+$0x0] =	vst.idx.msk $0xffff, v26  }
0x633: {  	v62 =	vld [tilespmem:$0x1FE30];
	_ =	sdelay $0x2  }
0x634: {  	v33 =	vld.idx.msk [tilespmem:v46+s23+$0x0], $0xffff;
	v51 =	vor.u32 s28, v49  }
0x635: {  	v36 =	vld.idx.msk [tilespmem:v48+s23+$0x0], $0xffff;
	v60 =	vor.u32 s29, v49  }
0x636: {  	v29 =	vor.u32 v30, v19;
	v3 =	vld.idx.msk [tilespmem:v54+s23+$0x0], $0xffff;
	v0 =	vor.u32 s25, v62;
	_ =	sdelay $0x2  }
0x637: {  	v57 =	vor.u32 v30, v20;
	[tilespmem:v51+s22+$0x0] =	vst.idx.msk $0xffff, v33  }
0x638: {  	v61 =	vor.u32 v30, v21;
	v30 =	vld [tilespmem:$0x1F5D0];
	[tilespmem:v60+s22+$0x0] =	vst.idx.msk $0xffff, v36  }
0x639: {  	v26 =	vld.idx.msk [tilespmem:v29+s23+$0x0], $0xffff;
	v63 =	vor.u32 s26, v62;
	[tilespmem:v0+s22+$0x0] =	vst.idx.msk $0xffff, v3  }
0x63a: {  	v45 =	vld [tilespmem:$0x1FE40];
	_ =	sdelay $0x1  }
0x63b: {  	v33 =	vld.idx.msk [tilespmem:v57+s23+$0x0], $0xffff  }
0x63c: {  	v36 =	vld.idx.msk [tilespmem:v61+s23+$0x0], $0xffff;
	v40 =	vor.u32 s28, v62  }
0x63d: {  	v42 =	vor.u32 s29, v62;
	v29 =	vor.u32 v30, v19;
	v3 =	vld.idx.msk [tilespmem:v53+s23+$0x0], $0xffff;
	[tilespmem:v63+s22+$0x0] =	vst.idx.msk $0xffff, v26  }
0x63e: {  	v41 =	vor.u32 v30, v20;
	v43 =	vor.u32 v30, v21;
	v30 =	vld [tilespmem:$0x1F600];
	v0 =	vor.u32 s25, v45;
	_ =	sdelay $0x2  }
0x63f: {  	[tilespmem:v40+s22+$0x0] =	vst.idx.msk $0xffff, v33  }
0x640: {  	[tilespmem:v42+s22+$0x0] =	vst.idx.msk $0xffff, v36  }
0x641: {  	v29 =	vld.idx.msk [tilespmem:v29+s23+$0x0], $0xffff;
	v47 =	vor.u32 s26, v45;
	v46 =	vor.u32 v30, v18;
	[tilespmem:v0+s22+$0x0] =	vst.idx.msk $0xffff, v3  }
0x642: {  	v54 =	vld [tilespmem:$0x1FE50]  }
0x643: {  	v48 =	vor.u32 v30, v19  }
0x644: {  	v34 =	vld.idx.msk [tilespmem:v41+s23+$0x0], $0xffff  }
0x645: {  	v37 =	vld.idx.msk [tilespmem:v43+s23+$0x0], $0xffff;
	v49 =	vor.u32 s28, v45  }
0x646: {  	v51 =	vor.u32 s29, v45;
	v3 =	vld.idx.msk [tilespmem:v46+s23+$0x0], $0xffff;
	[tilespmem:v47+s22+$0x0] =	vst.idx.msk $0xffff, v29  }
0x647: {  	v50 =	vor.u32 v30, v20;
	v53 =	vor.u32 v30, v21;
	v30 =	vld [tilespmem:$0x1F640];
	v0 =	vor.u32 s25, v54  }
0x648: {  	v29 =	vld.idx.msk [tilespmem:v48+s23+$0x0], $0xffff;
	v56 =	vor.u32 s26, v54;
	_ =	sdelay $0x1  }
0x649: {  	[tilespmem:v49+s22+$0x0] =	vst.idx.msk $0xffff, v34  }
0x64a: {  	[tilespmem:v51+s22+$0x0] =	vst.idx.msk $0xffff, v37  }
0x64b: {  	[tilespmem:v0+s22+$0x0] =	vst.idx.msk $0xffff, v3  }
0x64c: {  	v55 =	vor.u32 v30, v18;
	[tilespmem:v56+s22+$0x0] =	vst.idx.msk $0xffff, v29  }
0x64d: {  	v40 =	vld [tilespmem:$0x1F690];
	_ =	sdelay $0x1  }
0x64e: {  	v34 =	vld.idx.msk [tilespmem:v50+s23+$0x0], $0xffff  }
0x64f: {  	v37 =	vld.idx.msk [tilespmem:v53+s23+$0x0], $0xffff;
	v60 =	vor.u32 s28, v54  }
0x650: {  	v62 =	vor.u32 s29, v54;
	v57 =	vor.u32 v30, v19;
	v0 =	vld.idx.msk [tilespmem:v55+s23+$0x0], $0xffff  }
0x651: {  	v61 =	vor.u32 v30, v20;
	v63 =	vor.u32 v30, v21;
	v30 =	vld [tilespmem:$0x1F6E0];
	v3 =	vor.u32 s25, v40;
	_ =	sdelay $0x2  }
0x652: {  	[tilespmem:v60+s22+$0x0] =	vst.idx.msk $0xffff, v34  }
0x653: {  	[tilespmem:v62+s22+$0x0] =	vst.idx.msk $0xffff, v37  }
0x654: {  	v26 =	vld.idx.msk [tilespmem:v57+s23+$0x0], $0xffff;
	v45 =	vor.u32 v30, v18;
	v29 =	vor.u32 s26, v40;
	[tilespmem:v3+s22+$0x0] =	vst.idx.msk $0xffff, v0  }
0x655: {  	v51 =	vld [tilespmem:$0x1FE60]  }
0x656: {  	v46 =	vor.u32 v30, v19  }
0x657: {  	v33 =	vld.idx.msk [tilespmem:v61+s23+$0x0], $0xffff  }
0x658: {  	v36 =	vld.idx.msk [tilespmem:v63+s23+$0x0], $0xffff;
	v47 =	vor.u32 s28, v40  }
0x659: {  	v48 =	vor.u32 v30, v20;
	v49 =	vor.u32 s29, v40;
	v0 =	vld.idx.msk [tilespmem:v45+s23+$0x0], $0xffff;
	[tilespmem:v29+s22+$0x0] =	vst.idx.msk $0xffff, v26  }
0x65a: {  	v50 =	vor.u32 v30, v21;
	v30 =	vld [tilespmem:$0x1F770];
	v3 =	vor.u32 s25, v51  }
0x65b: {  	v26 =	vld.idx.msk [tilespmem:v46+s23+$0x0], $0xffff;
	v29 =	vor.u32 s26, v51;
	_ =	sdelay $0x1  }
0x65c: {  	[tilespmem:v47+s22+$0x0] =	vst.idx.msk $0xffff, v33  }
0x65d: {  	[tilespmem:v49+s22+$0x0] =	vst.idx.msk $0xffff, v36;
	v33 =	vld.idx.msk [tilespmem:v48+s23+$0x0], $0xffff;
	v55 =	vor.u32 s28, v51  }
0x65e: {  	v36 =	vld.idx.msk [tilespmem:v50+s23+$0x0], $0xffff;
	v57 =	vor.u32 s29, v51;
	v53 =	vor.u32 v30, v18;
	[tilespmem:v3+s22+$0x0] =	vst.idx.msk $0xffff, v0  }
0x65f: {  	v54 =	vor.u32 v30, v19;
	[tilespmem:v29+s22+$0x0] =	vst.idx.msk $0xffff, v26  }
0x660: {  	v61 =	vld [tilespmem:$0x1FE70];
	_ =	sdelay $0x1  }
0x661: {  	[tilespmem:v55+s22+$0x0] =	vst.idx.msk $0xffff, v33  }
0x662: {  	v56 =	vor.u32 v30, v20;
	v0 =	vld.idx.msk [tilespmem:v53+s23+$0x0], $0xffff;
	[tilespmem:v57+s22+$0x0] =	vst.idx.msk $0xffff, v36  }
0x663: {  	v60 =	vor.u32 v30, v21;
	v26 =	vld.idx.msk [tilespmem:v54+s23+$0x0], $0xffff;
	[tilespmem:v31+s22+$0x0] =	vst.idx.msk $0xffff, v59  }
0x664: {  	v59 =	vld [tilespmem:$0x1FE80];
	v3 =	vor.u32 s25, v61  }
0x665: {  	v43 =	vld [tilespmem:$0x1FCC0]  }
0x666: {  	v30 =	vld [tilespmem:$0x1FCD0];
	v29 =	vor.u32 s26, v61  }
0x667: {  	v62 =	vld.idx.msk [tilespmem:v56+s23+$0x0], $0xffff;
	v63 =	vor.u32 s28, v61  }
0x668: {  	v41 =	vld.idx.msk [tilespmem:v60+s23+$0x0], $0xffff;
	v42 =	vor.u32 s29, v61  }
0x669: {  	v15 =	vld.idx.msk [tilespmem:v15+s23+$0x0], $0xffff;
	v31 =	vor.u32 s24, v59;
	[tilespmem:v3+s22+$0x0] =	vst.idx.msk $0xffff, v0  }
0x66a: {  	v3 =	vld [tilespmem:$0x1F4A0]  }
0x66b: {  	v11 =	vsel vm0, v30, v43;
	v30 =	vld [tilespmem:$0x1F650];
	[tilespmem:v29+s22+$0x0] =	vst.idx.msk $0xffff, v26  }
0x66c: {  	[tilespmem:v63+s22+$0x0] =	vst.idx.msk $0xffff, v62  }
0x66d: {  	[tilespmem:v42+s22+$0x0] =	vst.idx.msk $0xffff, v41  }
0x66e: {  	v12 =	vld.idx.msk [tilespmem:v12+s23+$0x0], $0xffff;
	[tilespmem:v31+s22+$0x0] =	vst.idx.msk $0xffff, v15  }
0x66f: {  	v45 =	vor.u32 s25, v59;
	v37 =	vld [tilespmem:$0x1FE90];
	v3 =	vor.u32 v3, v17;
	_ =	sdelay $0x1  }
0x670: {  	v29 =	vor.u32 s26, v59;
	v22 =	vld.idx.msk [tilespmem:v22+s23+$0x0], $0xffff  }
0x671: {  	v48 =	vor.u32 s28, v59;
	v16 =	vld.idx.msk [tilespmem:v16+s23+$0x0], $0xffff;
	v0 =	vcombine.low v11, v30  }
0x672: {  	v50 =	vor.u32 s29, v59;
	v24 =	vld.idx.msk [tilespmem:v24+s23+$0x0], $0xffff  }
0x673: {  	[tilespmem:v45+s22+$0x0] =	vst.idx.msk $0xffff, v12;
	v51 =	vor.u32 s24, v37;
	v46 =	vor.u32 v0, v18;
	v3 =	vld.idx.msk [tilespmem:v3+s23+$0x0], $0xffff  }
0x674: {  	v36 =	vld [tilespmem:$0x1F4B0]  }
0x675: {  	[tilespmem:v29+s22+$0x0] =	vst.idx.msk $0xffff, v22  }
0x676: {  	[tilespmem:v48+s22+$0x0] =	vst.idx.msk $0xffff, v16;
	v47 =	vor.u32 v0, v19  }
0x677: {  	[tilespmem:v50+s22+$0x0] =	vst.idx.msk $0xffff, v24;
	v49 =	vor.u32 v0, v20  }
0x678: {  	v0 =	vor.u32 v0, v21;
	v26 =	vld.idx.msk [tilespmem:v46+s23+$0x0], $0xffff;
	[tilespmem:v51+s22+$0x0] =	vst.idx.msk $0xffff, v3  }
0x679: {  	v31 =	vor.u32 s25, v37;
	v53 =	vor.u32 v36, v17;
	v61 =	vld [tilespmem:$0x1FEA0];
	_ =	sdelay $0x1  }
0x67a: {  	v55 =	vor.u32 s26, v37;
	v29 =	vld.idx.msk [tilespmem:v47+s23+$0x0], $0xffff  }
0x67b: {  	v57 =	vor.u32 s28, v37;
	v33 =	vld.idx.msk [tilespmem:v49+s23+$0x0], $0xffff  }
0x67c: {  	v60 =	vor.u32 s29, v37;
	v0 =	vld.idx.msk [tilespmem:v0+s23+$0x0], $0xffff  }
0x67d: {  	v54 =	vor.u32 v36, v18;
	v12 =	vld.idx.msk [tilespmem:v53+s23+$0x0], $0xffff;
	[tilespmem:v31+s22+$0x0] =	vst.idx.msk $0xffff, v26;
	v62 =	vor.u32 s24, v61  }
0x67e: {  	v63 =	vld [tilespmem:$0x1F4D0]  }
0x67f: {  	[tilespmem:v55+s22+$0x0] =	vst.idx.msk $0xffff, v29  }
0x680: {  	v56 =	vor.u32 v36, v19;
	[tilespmem:v57+s22+$0x0] =	vst.idx.msk $0xffff, v33  }
0x681: {  	v59 =	vor.u32 v36, v20;
	[tilespmem:v60+s22+$0x0] =	vst.idx.msk $0xffff, v0  }
0x682: {  	v3 =	vor.u32 v36, v21;
	v22 =	vld.idx.msk [tilespmem:v54+s23+$0x0], $0xffff;
	[tilespmem:v62+s22+$0x0] =	vst.idx.msk $0xffff, v12  }
0x683: {  	v31 =	vor.u32 s25, v61;
	v37 =	vor.u32 v63, v17;
	v49 =	vld [tilespmem:$0x1FEB0];
	_ =	sdelay $0x1  }
0x684: {  	v16 =	vld.idx.msk [tilespmem:v56+s23+$0x0], $0xffff;
	v40 =	vor.u32 s26, v61  }
0x685: {  	v24 =	vld.idx.msk [tilespmem:v59+s23+$0x0], $0xffff;
	v42 =	vor.u32 s28, v61  }
0x686: {  	v3 =	vld.idx.msk [tilespmem:v3+s23+$0x0], $0xffff;
	v43 =	vor.u32 s29, v61  }
0x687: {  	v29 =	vor.u32 v63, v18;
	[tilespmem:v31+s22+$0x0] =	vst.idx.msk $0xffff, v22;
	v26 =	vld.idx.msk [tilespmem:v37+s23+$0x0], $0xffff;
	v50 =	vor.u32 s24, v49  }
0x688: {  	v51 =	vld [tilespmem:$0x1F510]  }
0x689: {  	[tilespmem:v40+s22+$0x0] =	vst.idx.msk $0xffff, v16  }
0x68a: {  	v41 =	vor.u32 v63, v19;
	[tilespmem:v42+s22+$0x0] =	vst.idx.msk $0xffff, v24  }
0x68b: {  	v0 =	vor.u32 v63, v20;
	[tilespmem:v43+s22+$0x0] =	vst.idx.msk $0xffff, v3  }
0x68c: {  	v48 =	vor.u32 v63, v21;
	v29 =	vld.idx.msk [tilespmem:v29+s23+$0x0], $0xffff;
	[tilespmem:v50+s22+$0x0] =	vst.idx.msk $0xffff, v26  }
0x68d: {  	v31 =	vor.u32 s25, v49;
	v53 =	vor.u32 v51, v17;
	v45 =	vld [tilespmem:$0x1FEC0]  }
0x68e: {  	v54 =	vor.u32 v51, v18  }
0x68f: {  	v33 =	vld.idx.msk [tilespmem:v41+s23+$0x0], $0xffff;
	v55 =	vor.u32 s26, v49  }
0x690: {  	v0 =	vld.idx.msk [tilespmem:v0+s23+$0x0], $0xffff;
	v57 =	vor.u32 s28, v49  }
0x691: {  	v12 =	vld.idx.msk [tilespmem:v48+s23+$0x0], $0xffff;
	v59 =	vor.u32 s29, v49  }
0x692: {  	v22 =	vld.idx.msk [tilespmem:v53+s23+$0x0], $0xffff;
	[tilespmem:v31+s22+$0x0] =	vst.idx.msk $0xffff, v29;
	v61 =	vor.u32 s24, v45  }
0x693: {  	v16 =	vld.idx.msk [tilespmem:v54+s23+$0x0], $0xffff;
	v31 =	vor.u32 s25, v45  }
0x694: {  	v62 =	vld [tilespmem:$0x1F550];
	[tilespmem:v55+s22+$0x0] =	vst.idx.msk $0xffff, v33  }
0x695: {  	[tilespmem:v57+s22+$0x0] =	vst.idx.msk $0xffff, v0  }
0x696: {  	v56 =	vor.u32 v51, v19;
	[tilespmem:v59+s22+$0x0] =	vst.idx.msk $0xffff, v12  }
0x697: {  	v3 =	vor.u32 v51, v20;
	[tilespmem:v61+s22+$0x0] =	vst.idx.msk $0xffff, v22  }
0x698: {  	v60 =	vor.u32 v51, v21;
	[tilespmem:v31+s22+$0x0] =	vst.idx.msk $0xffff, v16  }
0x699: {  	v29 =	vor.u32 v62, v17;
	v46 =	vld [tilespmem:$0x1FED0]  }
0x69a: {  	v63 =	vor.u32 v62, v18  }
0x69b: {  	v24 =	vld.idx.msk [tilespmem:v56+s23+$0x0], $0xffff;
	v40 =	vor.u32 s26, v45  }
0x69c: {  	v3 =	vld.idx.msk [tilespmem:v3+s23+$0x0], $0xffff;
	v41 =	vor.u32 s28, v45  }
0x69d: {  	v15 =	vld.idx.msk [tilespmem:v60+s23+$0x0], $0xffff;
	v43 =	vor.u32 s29, v45  }
0x69e: {  	v26 =	vld.idx.msk [tilespmem:v29+s23+$0x0], $0xffff;
	v47 =	vor.u32 s24, v46  }
0x69f: {  	v31 =	vld.idx.msk [tilespmem:v63+s23+$0x0], $0xffff;
	v29 =	vor.u32 s25, v46  }
0x6a0: {  	[tilespmem:v40+s22+$0x0] =	vst.idx.msk $0xffff, v24  }
0x6a1: {  	v53 =	vld [tilespmem:$0x1F780];
	[tilespmem:v41+s22+$0x0] =	vst.idx.msk $0xffff, v3  }
0x6a2: {  	v0 =	vor.u32 v62, v19;
	[tilespmem:v43+s22+$0x0] =	vst.idx.msk $0xffff, v15  }
0x6a3: {  	v42 =	vor.u32 v62, v20;
	[tilespmem:v47+s22+$0x0] =	vst.idx.msk $0xffff, v26  }
0x6a4: {  	v45 =	vor.u32 v62, v21;
	[tilespmem:v29+s22+$0x0] =	vst.idx.msk $0xffff, v31  }
0x6a5: {  	v35 =	vld [tilespmem:$0x1FEE0]  }
0x6a6: {  	v54 =	vor.u32 v53, v18  }
0x6a7: {  	v0 =	vld.idx.msk [tilespmem:v0+s23+$0x0], $0xffff;
	v55 =	vor.u32 s26, v46  }
0x6a8: {  	v12 =	vld.idx.msk [tilespmem:v42+s23+$0x0], $0xffff;
	v56 =	vor.u32 s28, v46  }
0x6a9: {  	v22 =	vld.idx.msk [tilespmem:v45+s23+$0x0], $0xffff;
	v59 =	vor.u32 s29, v46  }
0x6aa: {  	v14 =	vld.idx.msk [tilespmem:v14+s23+$0x0], $0xffff;
	v61 =	vor.u32 s24, v35  }
0x6ab: {  	v24 =	vld.idx.msk [tilespmem:v54+s23+$0x0], $0xffff;
	v29 =	vor.u32 s25, v35  }
0x6ac: {  	[tilespmem:v55+s22+$0x0] =	vst.idx.msk $0xffff, v0  }
0x6ad: {  	v3 =	vor.u32 v53, v19;
	v62 =	vld [tilespmem:$0x1F7C0];
	[tilespmem:v56+s22+$0x0] =	vst.idx.msk $0xffff, v12  }
0x6ae: {  	[tilespmem:v59+s22+$0x0] =	vst.idx.msk $0xffff, v22  }
0x6af: {  	v57 =	vor.u32 v53, v20;
	[tilespmem:v61+s22+$0x0] =	vst.idx.msk $0xffff, v14  }
0x6b0: {  	v60 =	vor.u32 v53, v21;
	[tilespmem:v29+s22+$0x0] =	vst.idx.msk $0xffff, v24  }
0x6b1: {  	v29 =	vld [tilespmem:$0x1FEF0]  }
0x6b2: {  	v3 =	vld.idx.msk [tilespmem:v3+s23+$0x0], $0xffff;
	v31 =	vor.u32 s26, v35;
	v0 =	vor.u32 v62, v18;
	_ =	sdelay $0x1  }
0x6b3: {  	v15 =	vld.idx.msk [tilespmem:v57+s23+$0x0], $0xffff;
	v36 =	vor.u32 s28, v35  }
0x6b4: {  	v16 =	vld.idx.msk [tilespmem:v60+s23+$0x0], $0xffff;
	v38 =	vor.u32 s29, v35  }
0x6b5: {  	v23 =	vld.idx.msk [tilespmem:v23+s23+$0x0], $0xffff;
	v41 =	vor.u32 s24, v29  }
0x6b6: {  	[tilespmem:v31+s22+$0x0] =	vst.idx.msk $0xffff, v3;
	v0 =	vld.idx.msk [tilespmem:v0+s23+$0x0], $0xffff;
	v3 =	vor.u32 s25, v29;
	_ =	sdelay $0x1  }
0x6b7: {  	v63 =	vor.u32 v62, v19;
	[tilespmem:v36+s22+$0x0] =	vst.idx.msk $0xffff, v15  }
0x6b8: {  	v37 =	vor.u32 v62, v20;
	[tilespmem:v38+s22+$0x0] =	vst.idx.msk $0xffff, v16  }
0x6b9: {  	v40 =	vor.u32 v62, v21;
	[tilespmem:v41+s22+$0x0] =	vst.idx.msk $0xffff, v23  }
0x6ba: {  	[tilespmem:v3+s22+$0x0] =	vst.idx.msk $0xffff, v0  }
0x6bb: {  	v31 =	vld [tilespmem:$0x1FF00]  }
0x6bc: {  	v12 =	vld.idx.msk [tilespmem:v63+s23+$0x0], $0xffff  }
0x6bd: {  	v22 =	vld.idx.msk [tilespmem:v37+s23+$0x0], $0xffff;
	v42 =	vor.u32 s26, v29  }
0x6be: {  	v14 =	vld.idx.msk [tilespmem:v40+s23+$0x0], $0xffff;
	v43 =	vor.u32 s28, v29  }
0x6bf: {  	v45 =	vor.u32 s29, v29;
	v3 =	vld.idx.msk [tilespmem:v10+s23+$0x0], $0xffff  }
0x6c0: {  	v47 =	vld [tilespmem:$0x1F680];
	v0 =	vor.u32 s24, v31;
	_ =	sdelay $0x1  }
0x6c1: {  	[tilespmem:v42+s22+$0x0] =	vst.idx.msk $0xffff, v12  }
0x6c2: {  	[tilespmem:v43+s22+$0x0] =	vst.idx.msk $0xffff, v22  }
0x6c3: {  	v46 =	vcombine.low v30, v11;
	[tilespmem:v45+s22+$0x0] =	vst.idx.msk $0xffff, v14  }
0x6c4: {  	v6 =	vld.idx.msk [tilespmem:v6+s23+$0x0], $0xffff;
	v11 =	vor.u32 v47, v17;
	v48 =	vor.u32 s25, v31;
	[tilespmem:v0+s22+$0x0] =	vst.idx.msk $0xffff, v3  }
0x6c5: {  	v26 =	vld [tilespmem:$0x1FF10]  }
0x6c6: {  	v49 =	vor.u32 v46, v18;
	v9 =	vld.idx.msk [tilespmem:v9+s23+$0x0], $0xffff;
	v50 =	vor.u32 s26, v31  }
0x6c7: {  	v51 =	vor.u32 v46, v19;
	v7 =	vld.idx.msk [tilespmem:v7+s23+$0x0], $0xffff  }
0x6c8: {  	v8 =	vld.idx.msk [tilespmem:v8+s23+$0x0], $0xffff;
	v53 =	vor.u32 s28, v31  }
0x6c9: {  	v55 =	vor.u32 s29, v31;
	v56 =	vld.idx.msk [tilespmem:v11+s23+$0x0], $0xffff;
	[tilespmem:v48+s22+$0x0] =	vst.idx.msk $0xffff, v6  }
0x6ca: {  	v30 =	vld [tilespmem:$0x1F6B0];
	v3 =	vor.u32 s24, v26  }
0x6cb: {  	v12 =	vld.idx.msk [tilespmem:v49+s23+$0x0], $0xffff;
	[tilespmem:v50+s22+$0x0] =	vst.idx.msk $0xffff, v9;
	v59 =	vor.u32 s25, v26  }
0x6cc: {  	v16 =	vld.idx.msk [tilespmem:v51+s23+$0x0], $0xffff;
	v61 =	vor.u32 s26, v26  }
0x6cd: {  	[tilespmem:v53+s22+$0x0] =	vst.idx.msk $0xffff, v7  }
0x6ce: {  	v54 =	vor.u32 v46, v20;
	[tilespmem:v55+s22+$0x0] =	vst.idx.msk $0xffff, v8  }
0x6cf: {  	v0 =	vor.u32 v46, v21;
	[tilespmem:v3+s22+$0x0] =	vst.idx.msk $0xffff, v56  }
0x6d0: {  	[tilespmem:v59+s22+$0x0] =	vst.idx.msk $0xffff, v12  }
0x6d1: {  	v57 =	vor.u32 v30, v17;
	v32 =	vld [tilespmem:$0x1FF20];
	[tilespmem:v61+s22+$0x0] =	vst.idx.msk $0xffff, v16  }
0x6d2: {  	v60 =	vor.u32 v30, v18;
	v24 =	vld [tilespmem:$0x1F6C0]  }
0x6d3: {  	v14 =	vld.idx.msk [tilespmem:v54+s23+$0x0], $0xffff;
	v63 =	vor.u32 s28, v26;
	v62 =	vor.u32 v30, v19  }
0x6d4: {  	v0 =	vld.idx.msk [tilespmem:v0+s23+$0x0], $0xffff;
	v37 =	vor.u32 s29, v26;
	v36 =	vor.u32 v30, v20  }
0x6d5: {  	v3 =	vor.u32 v30, v21  }
0x6d6: {  	v6 =	vld.idx.msk [tilespmem:v57+s23+$0x0], $0xffff;
	v38 =	vor.u32 s24, v32  }
0x6d7: {  	v9 =	vld.idx.msk [tilespmem:v60+s23+$0x0], $0xffff;
	v41 =	vor.u32 s25, v32;
	v40 =	vor.u32 v24, v17  }
0x6d8: {  	[tilespmem:v63+s22+$0x0] =	vst.idx.msk $0xffff, v14;
	v7 =	vld.idx.msk [tilespmem:v62+s23+$0x0], $0xffff;
	v43 =	vor.u32 s26, v32;
	v42 =	vor.u32 v24, v18  }
0x6d9: {  	[tilespmem:v37+s22+$0x0] =	vst.idx.msk $0xffff, v0;
	v8 =	vld.idx.msk [tilespmem:v36+s23+$0x0], $0xffff;
	v45 =	vor.u32 s28, v32  }
0x6da: {  	[tilespmem:v44+s22+$0x0] =	vst.idx.msk $0xffff, v39;
	v3 =	vld.idx.msk [tilespmem:v3+s23+$0x0], $0xffff;
	v47 =	vor.u32 s29, v32  }
0x6db: {  	v48 =	vld.idx.msk [tilespmem:v27+s23+$0x0], $0xffff;
	[tilespmem:v38+s22+$0x0] =	vst.idx.msk $0xffff, v6  }
0x6dc: {  	[tilespmem:v41+s22+$0x0] =	vst.idx.msk $0xffff, v9;
	v50 =	vld.idx.msk [tilespmem:v40+s23+$0x0], $0xffff  }
0x6dd: {  	v46 =	vor.u32 v24, v20;
	[tilespmem:v43+s22+$0x0] =	vst.idx.msk $0xffff, v7;
	v53 =	vld.idx.msk [tilespmem:v42+s23+$0x0], $0xffff  }
0x6de: {  	v15 =	vld [tilespmem:$0x1F6D0];
	[tilespmem:v45+s22+$0x0] =	vst.idx.msk $0xffff, v8  }
0x6df: {  	[tilespmem:v47+s22+$0x0] =	vst.idx.msk $0xffff, v3  }
0x6e0: {  	v49 =	vor.u32 v24, v21;
	[tilespmem:v5+s22+$0x0] =	vst.idx.msk $0xffff, v48  }
0x6e1: {  	[tilespmem:v1+s22+$0x0] =	vst.idx.msk $0xffff, v50  }
0x6e2: {  	v0 =	vor.u32 v24, v19;
	v55 =	vld.idx.msk [tilespmem:v46+s23+$0x0], $0xffff;
	[tilespmem:v2+s22+$0x0] =	vst.idx.msk $0xffff, v53  }
0x6e3: {  	v27 =	vld [tilespmem:$0x1FF30]  }
0x6e4: {  	v51 =	vor.u32 v15, v17;
	v60 =	vld [tilespmem:$0x1F700]  }
0x6e5: {  	v57 =	vld.idx.msk [tilespmem:v49+s23+$0x0], $0xffff;
	v56 =	vor.u32 v15, v20  }
0x6e6: {  	v1 =	vor.u32 v15, v21  }
0x6e7: {  	v0 =	vld.idx.msk [tilespmem:v0+s23+$0x0], $0xffff;
	v54 =	vor.u32 v15, v18  }
0x6e8: {  	v59 =	vld.idx.msk [tilespmem:v25+s23+$0x0], $0xffff;
	v3 =	vor.u32 v15, v19  }
0x6e9: {  	[tilespmem:v4+s22+$0x0] =	vst.idx.msk $0xffff, v55;
	v7 =	vld.idx.msk [tilespmem:v51+s23+$0x0], $0xffff;
	v2 =	vor.u32 s24, v27  }
0x6ea: {  	[tilespmem:v13+s22+$0x0] =	vst.idx.msk $0xffff, v57;
	v5 =	vld.idx.msk [tilespmem:v56+s23+$0x0], $0xffff;
	v62 =	vor.u32 s28, v27  }
0x6eb: {  	v1 =	vld.idx.msk [tilespmem:v1+s23+$0x0], $0xffff;
	v63 =	vor.u32 s29, v27  }
0x6ec: {  	v8 =	vld.idx.msk [tilespmem:v54+s23+$0x0], $0xffff;
	[tilespmem:v60+s22+$0x0] =	vst.idx.msk $0xffff, v0;
	v0 =	vor.u32 s25, v27  }
0x6ed: {  	[tilespmem:v28+s22+$0x0] =	vst.idx.msk $0xffff, v59;
	v61 =	vor.u32 s26, v27;
	v3 =	vld.idx.msk [tilespmem:v3+s23+$0x0], $0xffff  }
0x6ee: {  	[tilespmem:v2+s22+$0x0] =	vst.idx.msk $0xffff, v7  }
0x6ef: {  	[tilespmem:v62+s22+$0x0] =	vst.idx.msk $0xffff, v5  }
0x6f0: {  	[tilespmem:v63+s22+$0x0] =	vst.idx.msk $0xffff, v1  }
0x6f1: {  	[tilespmem:v0+s22+$0x0] =	vst.idx.msk $0xffff, v8  }
0x6f2: {  	[tilespmem:v61+s22+$0x0] =	vst.idx.msk $0xffff, v3  }
0x6f3: {  	v28 =	vld [tilespmem:$0x1FFF0]  }
0x6f4: {  	v39 =	vld [tilespmem:$0x1FFE0]  }
0x6f5: {  	s31 =	sshll.u32 s21, $0x12;
	s21 =	sadd.s32 $0x1, s21;
	v53 =	vld [tilespmem:$0x1FFD0]  }
0x6f6: {  	p0 =	sne.s32 s21, $0xC8;
	v1 =	vld [tilespmem:$0x1FF40]  }
.Ltmp1:
0x6f7: {  	v36 =	vld [tilespmem:$0x1FF60];
	(pc) =	sbr.rel @p0 .LBB2_2-.Ltmp1, $4  }
0x6f8: {  	s23 =	sor.u32 s4, s31;
	v43 =	vld [tilespmem:$0x1FF50]  }
0x6f9: {  	s23 =	sshrl.u32 s23, $0x3;
	v62 =	vld [tilespmem:$0x1FFA0]  }
0x6fa: {  	s23 =	sadd.s32 s1, s23;
	v40 =	vld [tilespmem:$0x1FFB0]  }
0x6fb: {  	v41 =	vlaneseq.u32;
	[hbm4b:s23+s8] =	stream.strided.scatter [tilespmem:s22], [sflag:$0x2], $0x2000, s9, s8, $0x38;
	v29 =	vld [tilespmem:$0x1FF90]  }
0x6fc: {  	s20 =	sadd.s32 $0x1, s20  }
0x6fd: {  	_ =	swait.ge [sflag:s19], $0x2000;
	p0 =	sne.s32 s20, s7  }
.Ltmp2:
0x6fe: {  	[sflag:s19] =	ssyncset.done $0x0;
	(pc) =	sbr.rel @p0 .LBB2_1-.Ltmp2, $4  }
0x6ff: {  	[sflag:s19] =	ssyncadd.s32 $0xFFFFE000  }
0x700: {  	_ =	swait.ge [sflag:s19], $0x2000  }
0x701: {  	[sflag:s19] =	ssyncset.done $0x0  }
0x702: {  	[sflag:s19] =	ssyncadd.s32 $0xFFFFE000  }
0x703: {  	_ =	sfence.sel $0x180000  }
0x704: {  	[bflag:$0x0] =	sbarrier.arrive $0xFFFF  }
0x705: {  	p0 =	sne.s32 s3, $0x0;
	_ =	strace $0x90000047  }
0x706: {  	s0 =	sadd.s32 @!p0 $0x100000, s0;
	[bflag:$0x2] =	sbarrier.arrive $0xFFFF  }
0x707: {  	[sflag:s0] =	ssyncadd.tile.s32 @!p0 $0x1;
	_ =	shalt  }
.Lfunc_end2:
_tile_overlayer_lowered:
.L_overlay_start_2:
0x708: {  	(tag) =	ssettag $0x2  }
0x709: {  	s0 =	rddreg [dreg:$0x0];
	s2 =	stileid.u32  }
0x70a: {  	s1 =	rddreg [dreg:$0x1];
	p0 =	sne.s32 s2, $0x0  }
0x70b: {  	s3 =	rddreg [dreg:$0x2];
	[bflag:$0x3] =	sbarrier.arrive $0xFFFF;
	s2 =	simm.s32 @!p0 $0x1C03  }
0x70c: {  	[timem:s3], [sflag:s2] =	dma.local @!p0 [hbm:s0], s1  }
0x70d: {  	s0 =	simm.s32 @!p0 $0x3  }
0x70e: {  	_ =	swait.ge @!p0 [sflag:s0], s1  }
0x70f: {  	s1 =	ssub.s32 @!p0 $0x0, s1;
	[sflag:s0] =	ssyncset.done @!p0 $0x0  }
0x710: {  	[sflag:s0] =	ssyncadd.s32 @!p0 s1  }
0x711: {  	[bflag:$0x3] =	sbarrier.arrive $0xFFFF  }
0x712: {  	_ =	shalt  }

</sc_bundles>
